<compile_context>
chip_gen: v7x
topology: tpu7x:2x2x1
jax: 0.10.2.dev20260603
libtpu: 0.0.44.dev20260713+nightly
codegen_flags: <defaults>
</compile_context>

<pallas_src>
import functools

import jax
import jax.numpy as jnp
from jax import lax
from jax.experimental import pallas as pl
from jax.experimental.pallas import tpu as pltpu
from jax.experimental.pallas import tpu_sc as plsc

NC = 2
NS = 16
NW = NC * NS
CHUNK = 128

_mesh = lambda: plsc.VectorSubcoreMesh(core_axis_name="c",
                                       subcore_axis_name="s",
                                       num_cores=NC, num_subcores=NS)


def _npad(n):
    return ((n + NS * 8 - 1) // (NS * 8)) * (NS * 8)


def _pad_edges(src, dst, n):
    e = src.shape[0]
    sink = _npad(n) - n
    if e % NW:
        head = NW - e % NW
        src = jnp.concatenate([src, jnp.zeros((head,), jnp.int32)])
        dst = jnp.concatenate(
            [dst, (jnp.arange(head, dtype=jnp.int32) % max(sink, 1)) + n])
        e += head
    ew = e // NW
    assert ew % 8 == 0
    steps = (ew // CHUNK) & ~1
    tail = ew - steps * CHUNK
    rem = min(tail, CHUNK)
    rem2 = tail - rem
    src_p = jnp.concatenate([src, jnp.zeros((CHUNK,), jnp.int32)])
    dst_p = jnp.concatenate([dst, jnp.zeros((CHUNK,), jnp.int32)])
    return src_p, dst_p, ew, steps, rem, rem2


def _zero_fill(zbuf, rows, width):
    def st(i, _):
        r = i // (width // 16)
        k = i % (width // 16)
        zbuf[r, pl.ds(k * 16, 16)] = jnp.zeros((16,), jnp.float32)
        return 0
    lax.fori_loop(0, rows * (width // 16), st, 0)


def _sc_apply(table, src, dst, ew, steps, rem, rem2, n, width):
    npad = _npad(n)
    rows_t = npad // NS
    zrows = 8
    assert steps % 2 == 0 and rows_t % zrows == 0
    r1 = max(rem, 8)
    r2 = max(rem2, 8)

    @functools.partial(
        pl.kernel,
        out_type=jax.ShapeDtypeStruct((NC, npad, width), jnp.float32),
        mesh=_mesh(),
        scratch_types=[
            pltpu.VMEM((CHUNK,), jnp.int32),
            pltpu.VMEM((CHUNK,), jnp.int32),
            pltpu.VMEM((CHUNK,), jnp.int32),
            pltpu.VMEM((CHUNK,), jnp.int32),
            pltpu.VMEM((CHUNK, width), jnp.float32),
            pltpu.VMEM((CHUNK, width), jnp.float32),
            pltpu.VMEM((r1,), jnp.int32),
            pltpu.VMEM((r1,), jnp.int32),
            pltpu.VMEM((r1, width), jnp.float32),
            pltpu.VMEM((r2,), jnp.int32),
            pltpu.VMEM((r2,), jnp.int32),
            pltpu.VMEM((r2, width), jnp.float32),
            pltpu.VMEM((zrows, width), jnp.float32),
            pltpu.VMEM_SHARED((npad, width), jnp.float32),
            pltpu.SemaphoreType.DMA,
            pltpu.SemaphoreType.DMA,
        ],
        compiler_params=pltpu.CompilerParams(
            use_tc_tiling_on_sc=(width % 128 == 0)),
    )
    def k(src_hbm, dst_hbm, table_hbm, out_hbm, srcA, srcB, dstA, dstB,
          rowsA, rowsB, srcR, dstR, rowsR, srcR2, dstR2, rowsR2, zbuf, acc,
          gsemA, gsemB):
        c = lax.axis_index("c")
        s = lax.axis_index("s")
        wid = s * NC + c

        _zero_fill(zbuf, zrows, width)

        def zc(i, _):
            pltpu.sync_copy(zbuf, acc.at[pl.ds(s * rows_t + i * zrows,
                                               zrows)])
            return 0
        lax.fori_loop(0, rows_t // zrows, zc, 0)

        base0 = pl.multiple_of(wid * ew, 8)
        pltpu.sync_copy(src_hbm.at[pl.ds(base0, CHUNK)], srcA)
        pltpu.sync_copy(dst_hbm.at[pl.ds(base0, CHUNK)], dstA)
        pltpu.async_copy(table_hbm.at[srcA], rowsA, gsemA)
        plsc.subcore_barrier()

        def body(i, _):
            j0 = 2 * i
            b1 = pl.multiple_of(wid * ew + (j0 + 1) * CHUNK, 8)
            pltpu.sync_copy(src_hbm.at[pl.ds(b1, CHUNK)], srcB)
            pltpu.sync_copy(dst_hbm.at[pl.ds(b1, CHUNK)], dstB)
            pltpu.async_copy(table_hbm.at[srcB], rowsB, gsemB)
            pltpu.make_async_copy(table_hbm.at[srcA], rowsA, gsemA).wait()
            pltpu.sync_copy(rowsA, acc.at[dstA], add=True)
            b2 = pl.multiple_of(wid * ew + (j0 + 2) * CHUNK, 8)
            pltpu.sync_copy(src_hbm.at[pl.ds(b2, CHUNK)], srcA)
            pltpu.sync_copy(dst_hbm.at[pl.ds(b2, CHUNK)], dstA)
            pltpu.async_copy(table_hbm.at[srcA], rowsA, gsemA)
            pltpu.make_async_copy(table_hbm.at[srcB], rowsB, gsemB).wait()
            pltpu.sync_copy(rowsB, acc.at[dstB], add=True)
            return 0
        lax.fori_loop(0, steps // 2, body, 0)
        pltpu.make_async_copy(table_hbm.at[srcA], rowsA, gsemA).wait()

        if rem:
            bR = pl.multiple_of(wid * ew + steps * CHUNK, 8)
            pltpu.sync_copy(src_hbm.at[pl.ds(bR, rem)], srcR)
            pltpu.sync_copy(dst_hbm.at[pl.ds(bR, rem)], dstR)
            pltpu.async_copy(table_hbm.at[srcR], rowsR, gsemA).wait()
            pltpu.sync_copy(rowsR, acc.at[dstR], add=True)
        if rem2:
            bR2 = pl.multiple_of(wid * ew + steps * CHUNK + rem, 8)
            pltpu.sync_copy(src_hbm.at[pl.ds(bR2, rem2)], srcR2)
            pltpu.sync_copy(dst_hbm.at[pl.ds(bR2, rem2)], dstR2)
            pltpu.async_copy(table_hbm.at[srcR2], rowsR2, gsemB).wait()
            pltpu.sync_copy(rowsR2, acc.at[dstR2], add=True)
        plsc.subcore_barrier()

        pltpu.sync_copy(acc.at[pl.ds(s * rows_t, rows_t)],
                        out_hbm.at[c, pl.ds(s * rows_t, rows_t)])

    return k(src, dst, table)[:, :n]


def _sc_degree(dst, ew, steps, rem, rem2, n):
    npad = _npad(n)
    rows_t = npad // NS
    zrows = 8
    width = 16
    r1 = max(rem, 8)
    r2 = max(rem2, 8)

    @functools.partial(
        pl.kernel,
        out_type=jax.ShapeDtypeStruct((NC, npad, width), jnp.float32),
        mesh=_mesh(),
        scratch_types=[
            pltpu.VMEM((CHUNK,), jnp.int32),
            pltpu.VMEM((CHUNK,), jnp.int32),
            pltpu.VMEM((r1,), jnp.int32),
            pltpu.VMEM((r2,), jnp.int32),
            pltpu.VMEM((CHUNK, width), jnp.float32),
            pltpu.VMEM((zrows, width), jnp.float32),
            pltpu.VMEM_SHARED((npad, width), jnp.float32),
            pltpu.SemaphoreType.DMA,
            pltpu.SemaphoreType.DMA,
        ],
        compiler_params=pltpu.CompilerParams(use_tc_tiling_on_sc=False),
    )
    def k(dst_hbm, out_hbm, dstA, dstB, dstR, dstR2, ones_v, zbuf, acc,
          isemA, isemB):
        c = lax.axis_index("c")
        s = lax.axis_index("s")
        wid = s * NC + c

        _zero_fill(zbuf, zrows, width)

        def of(i, _):
            ones_v[i, pl.ds(0, 16)] = jnp.ones((16,), jnp.float32)
            return 0
        lax.fori_loop(0, CHUNK, of, 0)

        def zc(i, _):
            pltpu.sync_copy(zbuf, acc.at[pl.ds(s * rows_t + i * zrows,
                                               zrows)])
            return 0
        lax.fori_loop(0, rows_t // zrows, zc, 0)

        base0 = pl.multiple_of(wid * ew, 8)
        pltpu.async_copy(dst_hbm.at[pl.ds(base0, CHUNK)], dstA, isemA)
        plsc.subcore_barrier()

        def body(i, _):
            j0 = 2 * i
            b1 = pl.multiple_of(wid * ew + (j0 + 1) * CHUNK, 8)
            pltpu.async_copy(dst_hbm.at[pl.ds(b1, CHUNK)], dstB, isemB)
            pltpu.make_async_copy(dst_hbm.at[pl.ds(b1, CHUNK)], dstA,
                                  isemA).wait()
            pltpu.sync_copy(ones_v, acc.at[dstA], add=True)
            b2 = pl.multiple_of(wid * ew + (j0 + 2) * CHUNK, 8)
            pltpu.async_copy(dst_hbm.at[pl.ds(b2, CHUNK)], dstA, isemA)
            pltpu.make_async_copy(dst_hbm.at[pl.ds(b2, CHUNK)], dstB,
                                  isemB).wait()
            pltpu.sync_copy(ones_v, acc.at[dstB], add=True)
            return 0
        lax.fori_loop(0, steps // 2, body, 0)
        pltpu.make_async_copy(dst_hbm.at[pl.ds(base0, CHUNK)], dstA,
                              isemA).wait()

        if rem:
            bR = pl.multiple_of(wid * ew + steps * CHUNK, 8)
            pltpu.sync_copy(dst_hbm.at[pl.ds(bR, rem)], dstR)
            pltpu.sync_copy(ones_v.at[pl.ds(0, rem)], acc.at[dstR], add=True)
        if rem2:
            bR2 = pl.multiple_of(wid * ew + steps * CHUNK + rem, 8)
            pltpu.sync_copy(dst_hbm.at[pl.ds(bR2, rem2)], dstR2)
            pltpu.sync_copy(ones_v.at[pl.ds(0, rem2)], acc.at[dstR2],
                            add=True)
        plsc.subcore_barrier()

        pltpu.sync_copy(acc.at[pl.ds(s * rows_t, rows_t)],
                        out_hbm.at[c, pl.ds(s * rows_t, rows_t)])

    return k(dst)[:, :n]



_RB = 2000


def _row_spec(width):
    return pl.BlockSpec((_RB, width), lambda i: (i, 0))


def _part_spec(width):
    return pl.BlockSpec((NC, _RB, width), lambda i: (0, i, 0))


def _full_spec(shape):
    return pl.BlockSpec(shape, lambda i: tuple(0 for _ in shape))


def _tc_prep(degp, x, Wv1):
    n, d = x.shape
    h = Wv1.shape[1]

    def body(degp_ref, x_ref, wv_ref, dinv_ref, xs_ref, hv1_ref):
        deg = degp_ref[0, :, 0:1] + degp_ref[1, :, 0:1] + 1.0
        dinv = lax.rsqrt(deg)
        dinv_ref[...] = dinv
        xs_ref[...] = x_ref[...] * dinv
        hv1_ref[...] = dinv * jnp.dot(x_ref[...], wv_ref[...],
                                      preferred_element_type=jnp.float32)

    return pl.pallas_call(
        body,
        grid=(n // _RB,),
        in_specs=[_part_spec(16), _row_spec(d), _full_spec((d, h))],
        out_specs=[_row_spec(1), _row_spec(d), _row_spec(h)],
        out_shape=[jax.ShapeDtypeStruct((n, 1), jnp.float32),
                   jax.ShapeDtypeStruct((n, d), jnp.float32),
                   jax.ShapeDtypeStruct((n, h), jnp.float32)],
    )(degp, x, Wv1)


def _tc_layer1(p, pv1, xs0, hv1s, dinv, Wp1, bp1, bv1, Wv2):
    n, d = xs0.shape
    h = Wp1.shape[1]

    def body(p_ref, pv1_ref, xs_ref, hv1_ref, dinv_ref, wp_ref, bp_ref,
             bv_ref, wv2_ref, xa_ref, hv2_ref):
        dv = dinv_ref[...]
        z = dv * (p_ref[0] + p_ref[1] + xs_ref[...])
        a1 = jnp.maximum(jnp.dot(z, wp_ref[...],
                                 preferred_element_type=jnp.float32)
                         + bp_ref[...], 0.0)
        xa_ref[...] = dv * a1
        v1 = jnp.maximum(dv * (pv1_ref[0] + pv1_ref[1] + hv1_ref[...])
                         + bv_ref[...], 0.0)
        hv2_ref[...] = dv * jnp.dot(v1, wv2_ref[...],
                                    preferred_element_type=jnp.float32)

    return pl.pallas_call(
        body,
        grid=(n // _RB,),
        in_specs=[_part_spec(d), _part_spec(h), _row_spec(d), _row_spec(h),
                  _row_spec(1),
                  _full_spec((d, h)), _full_spec((1, h)), _full_spec((1, h)),
                  _full_spec((h, h))],
        out_specs=[_row_spec(h), _row_spec(h)],
        out_shape=[jax.ShapeDtypeStruct((n, h), jnp.float32),
                   jax.ShapeDtypeStruct((n, h), jnp.float32)],
    )(p, pv1, xs0, hv1s, dinv, Wp1, bp1.reshape(1, -1), bv1.reshape(1, -1),
      Wv2)


def _tc_layer23(pa, pv2, xa1, hv2s, dinv, Wp2, bp2, Wp3, bv2, Wv3):
    n, h = xa1.shape
    out_p = Wp3.shape[1]

    def body(pa_ref, pv2_ref, xa_ref, hv2_ref, dinv_ref,
             wp2_ref, bp2_ref, wp3_ref, bv2_ref, wv3_ref, hcat_ref):
        dv = dinv_ref[...]
        za = dv * (pa_ref[0] + pa_ref[1] + xa_ref[...])
        a2 = jnp.maximum(jnp.dot(za, wp2_ref[...],
                                 preferred_element_type=jnp.float32)
                         + bp2_ref[...], 0.0)
        hp = jnp.dot(a2, wp3_ref[...], preferred_element_type=jnp.float32)
        v2 = jnp.maximum(dv * (pv2_ref[0] + pv2_ref[1] + hv2_ref[...])
                         + bv2_ref[...], 0.0)
        hv = jnp.dot(v2, wv3_ref[...], preferred_element_type=jnp.float32)
        pad = jnp.zeros((hp.shape[0], 32 - out_p - 1), jnp.float32)
        hcat_ref[...] = dv * jnp.concatenate([hp, hv, pad], axis=1)

    return pl.pallas_call(
        body,
        grid=(n // _RB,),
        in_specs=[_part_spec(h), _part_spec(h), _row_spec(h), _row_spec(h),
                  _row_spec(1),
                  _full_spec((h, h)), _full_spec((1, h)),
                  _full_spec((h, out_p)),
                  _full_spec((1, h)),
                  _full_spec((h, 1))],
        out_specs=[_row_spec(32)],
        out_shape=[jax.ShapeDtypeStruct((n, 32), jnp.float32)],
    )(pa, pv2, xa1, hv2s, dinv, Wp2, bp2.reshape(1, -1), Wp3,
      bv2.reshape(1, -1), Wv3)[0]


def _tc_final(pc, hcat, dinv, bp3, bv3, out_p):
    n = hcat.shape[0]

    def body(pc_ref, hcat_ref, dinv_ref, bp3_ref, bv3_ref, lg_ref, vl_ref):
        cfull = dinv_ref[...] * (pc_ref[0] + pc_ref[1] + hcat_ref[...])
        lg_ref[...] = cfull[:, :out_p] + bp3_ref[...]
        vl_ref[...] = cfull[:, out_p:out_p + 1] + bv3_ref[...]

    return pl.pallas_call(
        body,
        grid=(n // _RB,),
        in_specs=[_part_spec(32), _row_spec(32), _row_spec(1),
                  _full_spec((1, out_p)), _full_spec((1, 1))],
        out_specs=[_row_spec(out_p), _row_spec(1)],
        out_shape=[jax.ShapeDtypeStruct((n, out_p), jnp.float32),
                   jax.ShapeDtypeStruct((n, 1), jnp.float32)],
    )(pc, hcat, dinv, bp3.reshape(1, -1), bv3.reshape(1, -1))


def kernel(x, edge_index, Wp1, bp1, Wp2, bp2, Wp3, bp3, Wv1, bv1, Wv2, bv2,
           Wv3, bv3):
    n, d = x.shape
    out_p = Wp3.shape[1]
    src, dst, ew, steps, rem, rem2 = _pad_edges(edge_index[0], edge_index[1],
                                                n)

    degp = _sc_degree(dst, ew, steps, rem, rem2, n)
    dinv, xs0, hv1s = _tc_prep(degp, x, Wv1)

    p0 = _sc_apply(xs0, src, dst, ew, steps, rem, rem2, n, d)
    pv1 = _sc_apply(hv1s, src, dst, ew, steps, rem, rem2, n, d)
    xa1, hv2s = _tc_layer1(p0, pv1, xs0, hv1s, dinv, Wp1, bp1, bv1, Wv2)

    pa = _sc_apply(xa1, src, dst, ew, steps, rem, rem2, n, d)
    pv2 = _sc_apply(hv2s, src, dst, ew, steps, rem, rem2, n, d)
    hcat = _tc_layer23(pa, pv2, xa1, hv2s, dinv, Wp2, bp2, Wp3, bv2, Wv3)

    pc = _sc_apply(hcat, src, dst, ew, steps, rem, rem2, n, 32)
    logits, value = _tc_final(pc, hcat, dinv, bp3, bv3, out_p)
    return (logits, value)

# --- scband reference (transcript-rebuilt; emitter-appended) ---
"""Pipeline reference for scband-gcn-37658273251498 (READ-ONLY COPY).

The authoritative reference and input builder live on the scoring server;
editing this copy changes nothing except your own understanding.
"""

import jax, jax.numpy as jnp
import numpy as np

N = 10000
E = 320000
D = 128
H = 128
OUT = 16

def _glorot(key, fan_in, fan_out):
    s = float(np.sqrt(6.0 / (fan_in + fan_out)))
    return jax.random.uniform(key, (fan_in, fan_out), dtype=jnp.float32, minval=-s, maxval=s)

def setup_inputs(seed: int = 0) -> dict:
    key = jax.random.key(seed)
    ks = jax.random.split(key, 16)
    x = jax.random.normal(ks[0], (N, D), dtype=jnp.float32)
    edge_index = jax.random.randint(ks[1], (2, E), 0, N, dtype=jnp.int32)
    return {
        'x': x,
        'edge_index': edge_index,
        'Wp1': _glorot(ks[2], D, H), 'bp1': jnp.zeros((H,), jnp.float32),
        'Wp2': _glorot(ks[3], H, H), 'bp2': jnp.zeros((H,), jnp.float32),
        'Wp3': _glorot(ks[4], H, OUT), 'bp3': jnp.zeros((OUT,), jnp.float32),
        'Wv1': _glorot(ks[5], D, H), 'bv1': jnp.zeros((H,), jnp.float32),
        'Wv2': _glorot(ks[6], H, H), 'bv2': jnp.zeros((H,), jnp.float32),
        'Wv3': _glorot(ks[7], H, 1), 'bv3': jnp.zeros((1,), jnp.float32),
    }

def _gcn_conv(x, src, dst, W, b):
    # PyG GCNConv: add self-loops, symmetric normalization, linear transform, scatter-add
    n = x.shape[0]
    h = x @ W
    loop = jnp.arange(n, dtype=src.dtype)
    s = jnp.concatenate([src, loop])
    d = jnp.concatenate([dst, loop])
    deg = jnp.zeros((n,), x.dtype).at[d].add(1.0)
    dinv = jnp.where(deg > 0, 1.0 / jnp.sqrt(deg), 0.0)
    norm = dinv[s] * dinv[d]
    msg = h[s] * norm[:, None]
    out = jnp.zeros_like(h).at[d].add(msg)
    return out + b

def reference(x, edge_index, Wp1, bp1, Wp2, bp2, Wp3, bp3, Wv1, bv1, Wv2, bv2, Wv3, bv3):
    src, dst = edge_index[0], edge_index[1]
    a = jax.nn.relu(_gcn_conv(x, src, dst, Wp1, bp1))
    a = jax.nn.relu(_gcn_conv(a, src, dst, Wp2, bp2))
    action_logits = _gcn_conv(a, src, dst, Wp3, bp3)
    v = jax.nn.relu(_gcn_conv(x, src, dst, Wv1, bv1))
    v = jax.nn.relu(_gcn_conv(v, src, dst, Wv2, bv2))
    v = _gcn_conv(v, src, dst, Wv3, bv3)
    # discrete=True -> dist = Categorical(logits=action_logits); return logits + value
    return (action_logits, v)

if __name__ == "__main__":
    import jax
    _d = setup_inputs()
    print(jax.jit(kernel)(*tuple(_d.values())))

</pallas_src>

<mosaic_0001>
#map = affine_map<(d0, d1) -> (0)>
#map1 = affine_map<(d0, d1) -> (0, 0)>
#map2 = affine_map<(d0, d1) -> (0, 0, 0)>
module attributes {stable_mosaic.version = 14 : i64} {
  func.func @k(%arg0: i32, %arg1: i32, %arg2: memref<320128xi32, #tpu.memory_space<hbm>>, %arg3: memref<320128xi32, #tpu.memory_space<hbm>>, %arg4: memref<10000x128xf32, #tpu.memory_space<hbm>>, %arg5: memref<2x10112x128xf32, #tpu.memory_space<hbm>>, %arg6: memref<128xi32, #tpu.memory_space<vmem>>, %arg7: memref<128xi32, #tpu.memory_space<vmem>>, %arg8: memref<128xi32, #tpu.memory_space<vmem>>, %arg9: memref<128xi32, #tpu.memory_space<vmem>>, %arg10: memref<128x128xf32, #tpu.memory_space<vmem>>, %arg11: memref<128x128xf32, #tpu.memory_space<vmem>>, %arg12: memref<16xi32, #tpu.memory_space<vmem>>, %arg13: memref<16xi32, #tpu.memory_space<vmem>>, %arg14: memref<16x128xf32, #tpu.memory_space<vmem>>, %arg15: memref<8xi32, #tpu.memory_space<vmem>>, %arg16: memref<8xi32, #tpu.memory_space<vmem>>, %arg17: memref<8x128xf32, #tpu.memory_space<vmem>>, %arg18: memref<8x128xf32, #tpu.memory_space<vmem>>, %arg19: memref<10112x128xf32, #tpu.memory_space<vmem_shared>>, %arg20: memref<!tpu.dma_semaphore, #tpu.memory_space<semaphore_mem>>, %arg21: memref<!tpu.dma_semaphore, #tpu.memory_space<semaphore_mem>>) attributes {dimension_semantics = [#tpu.dimension_semantics<core_parallel>, #tpu.dimension_semantics<subcore_parallel>], iteration_bounds = array<i64: 2, 16>, scalar_prefetch = 0 : i64, scratch_operands = 16 : i64, tpu.core_type = #tpu.core_type<sc_vector_subcore>, window_params = [{transform_indices = #map}, {transform_indices = #map}, {transform_indices = #map1}, {transform_indices = #map2}]} {
    %mul3A = arith.constant 2 : i32
    %mul3A_0 = arith.muli %arg1, %mul3A : i32
    %add3A = arith.addi %mul3A_0, %arg0 : i32
    %scan3A = arith.constant 0 : i32
    %scan3A_1 = arith.constant 0 : i32
    %scan3A_2 = arith.constant 64 : i32
    %scan3A_3 = arith.addi %scan3A_1, %scan3A_2 : i32
    %scan3A_4 = arith.constant 1 : i32
    %scan3A_5 = scf.for %scan3A_43 = %scan3A_1 to %scan3A_3 step %scan3A_4 iter_args(%scan3A_44 = %scan3A) -> (i32)  : i32 {
      %jit3A = arith.constant 8 : i32
      %div3A = arith.divsi %scan3A_43, %jit3A : i32
      %sign3A = arith.constant 0 : i32
      %sign3A_45 = arith.cmpi sgt, %scan3A_43, %sign3A : i32
      %sign3A_46 = arith.extui %sign3A_45 : i1 to i32
      %sign3A_47 = arith.constant 0 : i32
      %sign3A_48 = arith.cmpi slt, %scan3A_43, %sign3A_47 : i32
      %sign3A_49 = arith.extui %sign3A_48 : i1 to i32
      %sign3A_50 = arith.subi %sign3A_46, %sign3A_49 : i32
      %sign3A_51 = arith.constant 0 : i32
      %sign3A_52 = arith.cmpi sgt, %jit3A, %sign3A_51 : i32
      %sign3A_53 = arith.extui %sign3A_52 : i1 to i32
      %sign3A_54 = arith.constant 0 : i32
      %sign3A_55 = arith.cmpi slt, %jit3A, %sign3A_54 : i32
      %sign3A_56 = arith.extui %sign3A_55 : i1 to i32
      %sign3A_57 = arith.subi %sign3A_53, %sign3A_56 : i32
      %ne3A = arith.cmpi ne, %sign3A_50, %sign3A_57 : i32
      %rem3A = arith.remsi %scan3A_43, %jit3A : i32
      %ne3A_58 = arith.constant 0 : i32
      %ne3A_59 = arith.cmpi ne, %rem3A, %ne3A_58 : i32
      %and3A = arith.andi %ne3A, %ne3A_59 : i1
      %sub3A = arith.constant 1 : i32
      %sub3A_60 = arith.subi %div3A, %sub3A : i32
      %select_n3A = arith.select %and3A, %sub3A_60, %div3A : i32
      %jit3A_61 = arith.constant 8 : i32
      %eq3A = arith.constant 0 : i32
      %eq3A_62 = arith.cmpi eq, %jit3A_61, %eq3A : i32
      %jit3A_63 = arith.constant 1 : i32
      %select_n3A_64 = arith.select %eq3A_62, %jit3A_63, %jit3A_61 : i32
      %rem3A_65 = arith.remsi %scan3A_43, %select_n3A_64 : i32
      %ne3A_66 = arith.constant 0 : i32
      %ne3A_67 = arith.cmpi ne, %rem3A_65, %ne3A_66 : i32
      %lt3A = arith.constant 0 : i32
      %lt3A_68 = arith.cmpi slt, %rem3A_65, %lt3A : i32
      %lt3A_69 = arith.constant 0 : i32
      %lt3A_70 = arith.cmpi slt, %select_n3A_64, %lt3A_69 : i32
      %ne3A_71 = arith.xori %lt3A_68, %lt3A_70 : i1
      %and3A_72 = arith.andi %ne3A_71, %ne3A_67 : i1
      %add3A_73 = arith.addi %rem3A_65, %select_n3A_64 : i32
      %select_n3A_74 = arith.select %and3A_72, %add3A_73, %rem3A_65 : i32
      %broadcast_in_dim3A = arith.constant 0.000000e+00 : f32
      %broadcast_in_dim3A_75 = vector.broadcast %broadcast_in_dim3A : f32 to vector<16xf32>
      %mul3A_76 = arith.constant 16 : i32
      %mul3A_77 = arith.muli %select_n3A_74, %mul3A_76 : i32
      %swap3A = arith.index_cast %select_n3A : i32 to index
      %swap3A_78 = arith.index_cast %mul3A_77 : i32 to index
      %swap3A_79 = tpu.vector_load %arg18[%swap3A, %swap3A_78] {strides = array<i32>} : memref<8x128xf32, #tpu.memory_space<vmem>>, vector<1x16xf32>,
      %swap3A_80 = vector.shape_cast %swap3A_79 : vector<1x16xf32> to vector<16xf32>
      %swap3A_81 = vector.shape_cast %broadcast_in_dim3A_75 : vector<16xf32> to vector<1x16xf32>
      tpu.vector_store %arg18[%swap3A, %swap3A_78], %swap3A_81 {strides = array<i32>} : memref<8x128xf32, #tpu.memory_space<vmem>>, vector<1x16xf32>,
      %scan3A_82 = arith.constant 0 : i32
      scf.yield %scan3A_82 : i32
    }
    %scan3A_6 = arith.constant 64 : i32
    %scan3A_7 = arith.constant 0 : i32
    %scan3A_8 = arith.constant 0 : i32
    %scan3A_9 = arith.constant 79 : i32
    %scan3A_10 = arith.addi %scan3A_8, %scan3A_9 : i32
    %scan3A_11 = arith.constant 1 : i32
    %scan3A_12 = scf.for %scan3A_43 = %scan3A_8 to %scan3A_10 step %scan3A_11 iter_args(%scan3A_44 = %scan3A_7) -> (i32)  : i32 {
      %mul3A_45 = arith.constant 632 : i32
      %mul3A_46 = arith.muli %arg1, %mul3A_45 : i32
      %mul3A_47 = arith.constant 8 : i32
      %mul3A_48 = arith.muli %scan3A_43, %mul3A_47 : i32
      %add3A_49 = arith.addi %mul3A_46, %mul3A_48 : i32
      "tpu.region"() ({
        %run_scoped3A = tpu.sem_alloc : memref<!tpu.dma_semaphore, #tpu.memory_space<semaphore_mem>>
        %dma_start3A_51 = arith.constant 0 : i32
        %dma_start3A_52 = tpu.memref_slice %arg19[%add3A_49, %dma_start3A_51] : memref<10112x128xf32, #tpu.memory_space<vmem_shared>> -> memref<8x128xf32, #tpu.memory_space<vmem_shared>>
        %dma_start3A_53 = arith.constant 0 : i32
        %dma_start3A_54 = tpu.memref_slice %arg19[%add3A_49, %dma_start3A_53] : memref<10112x128xf32, #tpu.memory_space<vmem_shared>> -> memref<8x128xf32, #tpu.memory_space<vmem_shared>>
        tpu.enqueue_dma source(%arg18 : memref<8x128xf32, #tpu.memory_space<vmem>>) target(%dma_start3A_54 : memref<8x128xf32, #tpu.memory_space<vmem_shared>>) target_semaphore(%run_scoped3A : memref<!tpu.dma_semaphore, #tpu.memory_space<semaphore_mem>>)
        %dma_wait3A_55 = arith.constant 0 : i32
        %dma_wait3A_56 = tpu.memref_slice %arg19[%add3A_49, %dma_wait3A_55] : memref<10112x128xf32, #tpu.memory_space<vmem_shared>> -> memref<8x128xf32, #tpu.memory_space<vmem_shared>>
        %dma_wait3A_57 = arith.constant 0 : i32
        %dma_wait3A_58 = tpu.memref_slice %arg19[%add3A_49, %dma_wait3A_57] : memref<10112x128xf32, #tpu.memory_space<vmem_shared>> -> memref<8x128xf32, #tpu.memory_space<vmem_shared>>
        tpu.wait_dma2 semaphore(%run_scoped3A : memref<!tpu.dma_semaphore, #tpu.memory_space<semaphore_mem>>) src(%arg18 : memref<8x128xf32, #tpu.memory_space<vmem>>) dst(%dma_wait3A_58 : memref<8x128xf32, #tpu.memory_space<vmem_shared>>)
        tpu.yield
      }) : () -> ()
      %scan3A_50 = arith.constant 0 : i32
      scf.yield %scan3A_50 : i32
    }
    %scan3A_13 = arith.constant 79 : i32
    %mul3A_14 = arith.constant 10000 : i32
    %mul3A_15 = arith.muli %add3A, %mul3A_14 : i32
    %multiple_of3A = tpu.assume_multiple %mul3A_15, 8 : i32
    "tpu.region"() ({
      %run_scoped3A = tpu.sem_alloc : memref<!tpu.dma_semaphore, #tpu.memory_space<semaphore_mem>>
      %dma_start3A_43 = tpu.memref_slice %arg2[%multiple_of3A] : memref<320128xi32, #tpu.memory_space<hbm>> -> memref<128xi32, #tpu.memory_space<hbm>>
      %dma_start3A_44 = tpu.memref_slice %arg2[%multiple_of3A] : memref<320128xi32, #tpu.memory_space<hbm>> -> memref<128xi32, #tpu.memory_space<hbm>>
      tpu.enqueue_dma source(%dma_start3A_44 : memref<128xi32, #tpu.memory_space<hbm>>) target(%arg6 : memref<128xi32, #tpu.memory_space<vmem>>) target_semaphore(%run_scoped3A : memref<!tpu.dma_semaphore, #tpu.memory_space<semaphore_mem>>)
      %dma_wait3A_45 = tpu.memref_slice %arg2[%multiple_of3A] : memref<320128xi32, #tpu.memory_space<hbm>> -> memref<128xi32, #tpu.memory_space<hbm>>
      %dma_wait3A_46 = tpu.memref_slice %arg2[%multiple_of3A] : memref<320128xi32, #tpu.memory_space<hbm>> -> memref<128xi32, #tpu.memory_space<hbm>>
      tpu.wait_dma2 semaphore(%run_scoped3A : memref<!tpu.dma_semaphore, #tpu.memory_space<semaphore_mem>>) src(%dma_wait3A_46 : memref<128xi32, #tpu.memory_space<hbm>>) dst(%arg6 : memref<128xi32, #tpu.memory_space<vmem>>)
      tpu.yield
    }) : () -> ()
    "tpu.region"() ({
      %run_scoped3A = tpu.sem_alloc : memref<!tpu.dma_semaphore, #tpu.memory_space<semaphore_mem>>
      %dma_start3A_43 = tpu.memref_slice %arg3[%multiple_of3A] : memref<320128xi32, #tpu.memory_space<hbm>> -> memref<128xi32, #tpu.memory_space<hbm>>
      %dma_start3A_44 = tpu.memref_slice %arg3[%multiple_of3A] : memref<320128xi32, #tpu.memory_space<hbm>> -> memref<128xi32, #tpu.memory_space<hbm>>
      tpu.enqueue_dma source(%dma_start3A_44 : memref<128xi32, #tpu.memory_space<hbm>>) target(%arg8 : memref<128xi32, #tpu.memory_space<vmem>>) target_semaphore(%run_scoped3A : memref<!tpu.dma_semaphore, #tpu.memory_space<semaphore_mem>>)
      %dma_wait3A_45 = tpu.memref_slice %arg3[%multiple_of3A] : memref<320128xi32, #tpu.memory_space<hbm>> -> memref<128xi32, #tpu.memory_space<hbm>>
      %dma_wait3A_46 = tpu.memref_slice %arg3[%multiple_of3A] : memref<320128xi32, #tpu.memory_space<hbm>> -> memref<128xi32, #tpu.memory_space<hbm>>
      tpu.wait_dma2 semaphore(%run_scoped3A : memref<!tpu.dma_semaphore, #tpu.memory_space<semaphore_mem>>) src(%dma_wait3A_46 : memref<128xi32, #tpu.memory_space<hbm>>) dst(%arg8 : memref<128xi32, #tpu.memory_space<vmem>>)
      tpu.yield
    }) : () -> ()
    %dma_start3A = arith.constant 0 : i32
    %dma_start3A_16 = arith.constant 0 : i32
    %dma_start3A_17 = tpu.memref_slice %arg4[%dma_start3A, %dma_start3A_16] : memref<10000x128xf32, #tpu.memory_space<hbm>> -> memref<10000x128xf32, #tpu.memory_space<hbm>>
    tpu.enqueue_indirect_dma source(%dma_start3A_17 : memref<10000x128xf32, #tpu.memory_space<hbm>>) target(%arg10 : memref<128x128xf32, #tpu.memory_space<vmem>>) offsets(%arg6 : memref<128xi32, #tpu.memory_space<vmem>>) semaphore(%arg20 : memref<!tpu.dma_semaphore, #tpu.memory_space<semaphore_mem>>)
    %barrier3A = arith.constant 0 : index
    tpu.barrier barrier_id(%barrier3A)
    %scan3A_18 = arith.constant 0 : i32
    %scan3A_19 = arith.constant 0 : i32
    %scan3A_20 = arith.constant 39 : i32
    %scan3A_21 = arith.addi %scan3A_19, %scan3A_20 : i32
    %scan3A_22 = arith.constant 1 : i32
    %scan3A_23 = scf.for %scan3A_43 = %scan3A_19 to %scan3A_21 step %scan3A_22 iter_args(%scan3A_44 = %scan3A_18) -> (i32)  : i32 {
      %mul3A_45 = arith.constant 2 : i32
      %mul3A_46 = arith.muli %mul3A_45, %scan3A_43 : i32
      %mul3A_47 = arith.constant 10000 : i32
      %mul3A_48 = arith.muli %add3A, %mul3A_47 : i32
      %add3A_49 = arith.constant 1 : i32
      %add3A_50 = arith.addi %mul3A_46, %add3A_49 : i32
      %mul3A_51 = arith.constant 128 : i32
      %mul3A_52 = arith.muli %add3A_50, %mul3A_51 : i32
      %add3A_53 = arith.addi %mul3A_48, %mul3A_52 : i32
      %multiple_of3A_54 = tpu.assume_multiple %add3A_53, 8 : i32
      "tpu.region"() ({
        %run_scoped3A = tpu.sem_alloc : memref<!tpu.dma_semaphore, #tpu.memory_space<semaphore_mem>>
        %dma_start3A_76 = tpu.memref_slice %arg2[%multiple_of3A_54] : memref<320128xi32, #tpu.memory_space<hbm>> -> memref<128xi32, #tpu.memory_space<hbm>>
        %dma_start3A_77 = tpu.memref_slice %arg2[%multiple_of3A_54] : memref<320128xi32, #tpu.memory_space<hbm>> -> memref<128xi32, #tpu.memory_space<hbm>>
        tpu.enqueue_dma source(%dma_start3A_77 : memref<128xi32, #tpu.memory_space<hbm>>) target(%arg7 : memref<128xi32, #tpu.memory_space<vmem>>) target_semaphore(%run_scoped3A : memref<!tpu.dma_semaphore, #tpu.memory_space<semaphore_mem>>)
        %dma_wait3A_78 = tpu.memref_slice %arg2[%multiple_of3A_54] : memref<320128xi32, #tpu.memory_space<hbm>> -> memref<128xi32, #tpu.memory_space<hbm>>
        %dma_wait3A_79 = tpu.memref_slice %arg2[%multiple_of3A_54] : memref<320128xi32, #tpu.memory_space<hbm>> -> memref<128xi32, #tpu.memory_space<hbm>>
        tpu.wait_dma2 semaphore(%run_scoped3A : memref<!tpu.dma_semaphore, #tpu.memory_space<semaphore_mem>>) src(%dma_wait3A_79 : memref<128xi32, #tpu.memory_space<hbm>>) dst(%arg7 : memref<128xi32, #tpu.memory_space<vmem>>)
        tpu.yield
      }) : () -> ()
      "tpu.region"() ({
        %run_scoped3A = tpu.sem_alloc : memref<!tpu.dma_semaphore, #tpu.memory_space<semaphore_mem>>
        %dma_start3A_76 = tpu.memref_slice %arg3[%multiple_of3A_54] : memref<320128xi32, #tpu.memory_space<hbm>> -> memref<128xi32, #tpu.memory_space<hbm>>
        %dma_start3A_77 = tpu.memref_slice %arg3[%multiple_of3A_54] : memref<320128xi32, #tpu.memory_space<hbm>> -> memref<128xi32, #tpu.memory_space<hbm>>
        tpu.enqueue_dma source(%dma_start3A_77 : memref<128xi32, #tpu.memory_space<hbm>>) target(%arg9 : memref<128xi32, #tpu.memory_space<vmem>>) target_semaphore(%run_scoped3A : memref<!tpu.dma_semaphore, #tpu.memory_space<semaphore_mem>>)
        %dma_wait3A_78 = tpu.memref_slice %arg3[%multiple_of3A_54] : memref<320128xi32, #tpu.memory_space<hbm>> -> memref<128xi32, #tpu.memory_space<hbm>>
        %dma_wait3A_79 = tpu.memref_slice %arg3[%multiple_of3A_54] : memref<320128xi32, #tpu.memory_space<hbm>> -> memref<128xi32, #tpu.memory_space<hbm>>
        tpu.wait_dma2 semaphore(%run_scoped3A : memref<!tpu.dma_semaphore, #tpu.memory_space<semaphore_mem>>) src(%dma_wait3A_79 : memref<128xi32, #tpu.memory_space<hbm>>) dst(%arg9 : memref<128xi32, #tpu.memory_space<vmem>>)
        tpu.yield
      }) : () -> ()
      %dma_start3A_55 = arith.constant 0 : i32
      %dma_start3A_56 = arith.constant 0 : i32
      %dma_start3A_57 = tpu.memref_slice %arg4[%dma_start3A_55, %dma_start3A_56] : memref<10000x128xf32, #tpu.memory_space<hbm>> -> memref<10000x128xf32, #tpu.memory_space<hbm>>
      tpu.enqueue_indirect_dma source(%dma_start3A_57 : memref<10000x128xf32, #tpu.memory_space<hbm>>) target(%arg11 : memref<128x128xf32, #tpu.memory_space<vmem>>) offsets(%arg7 : memref<128xi32, #tpu.memory_space<vmem>>) semaphore(%arg21 : memref<!tpu.dma_semaphore, #tpu.memory_space<semaphore_mem>>)
      %dma_wait3A_58 = arith.constant 0 : i32
      %dma_wait3A_59 = arith.constant 0 : i32
      %dma_wait3A_60 = tpu.memref_slice %arg4[%dma_wait3A_58, %dma_wait3A_59] : memref<10000x128xf32, #tpu.memory_space<hbm>> -> memref<10000x128xf32, #tpu.memory_space<hbm>>
      tpu.wait_indirect_dma semaphore(%arg20 : memref<!tpu.dma_semaphore, #tpu.memory_space<semaphore_mem>>) src(%dma_wait3A_60 : memref<10000x128xf32, #tpu.memory_space<hbm>>) dst(%arg10 : memref<128x128xf32, #tpu.memory_space<vmem>>)
      "tpu.region"() ({
        %run_scoped3A = tpu.sem_alloc : memref<!tpu.dma_semaphore, #tpu.memory_space<semaphore_mem>>
        %dma_start3A_76 = arith.constant 0 : i32
        %dma_start3A_77 = arith.constant 0 : i32
        %dma_start3A_78 = tpu.memref_slice %arg19[%dma_start3A_76, %dma_start3A_77] : memref<10112x128xf32, #tpu.memory_space<vmem_shared>> -> memref<10112x128xf32, #tpu.memory_space<vmem_shared>>
        tpu.enqueue_indirect_dma source(%arg10 : memref<128x128xf32, #tpu.memory_space<vmem>>) target(%dma_start3A_78 : memref<10112x128xf32, #tpu.memory_space<vmem_shared>>) offsets(%arg8 : memref<128xi32, #tpu.memory_space<vmem>>) semaphore(%run_scoped3A : memref<!tpu.dma_semaphore, #tpu.memory_space<semaphore_mem>>) {add = true}
        %dma_wait3A_79 = arith.constant 0 : i32
        %dma_wait3A_80 = arith.constant 0 : i32
        %dma_wait3A_81 = tpu.memref_slice %arg19[%dma_wait3A_79, %dma_wait3A_80] : memref<10112x128xf32, #tpu.memory_space<vmem_shared>> -> memref<10112x128xf32, #tpu.memory_space<vmem_shared>>
        tpu.wait_indirect_dma semaphore(%run_scoped3A : memref<!tpu.dma_semaphore, #tpu.memory_space<semaphore_mem>>) src(%arg10 : memref<128x128xf32, #tpu.memory_space<vmem>>) dst(%dma_wait3A_81 : memref<10112x128xf32, #tpu.memory_space<vmem_shared>>)
        tpu.yield
      }) : () -> ()
      %mul3A_61 = arith.constant 10000 : i32
      %mul3A_62 = arith.muli %add3A, %mul3A_61 : i32
      %add3A_63 = arith.constant 2 : i32
      %add3A_64 = arith.addi %mul3A_46, %add3A_63 : i32
      %mul3A_65 = arith.constant 128 : i32
      %mul3A_66 = arith.muli %add3A_64, %mul3A_65 : i32
      %add3A_67 = arith.addi %mul3A_62, %mul3A_66 : i32
      %multiple_of3A_68 = tpu.assume_multiple %add3A_67, 8 : i32
      "tpu.region"() ({
        %run_scoped3A = tpu.sem_alloc : memref<!tpu.dma_semaphore, #tpu.memory_space<semaphore_mem>>
        %dma_start3A_76 = tpu.memref_slice %arg2[%multiple_of3A_68] : memref<320128xi32, #tpu.memory_space<hbm>> -> memref<128xi32, #tpu.memory_space<hbm>>
        %dma_start3A_77 = tpu.memref_slice %arg2[%multiple_of3A_68] : memref<320128xi32, #tpu.memory_space<hbm>> -> memref<128xi32, #tpu.memory_space<hbm>>
        tpu.enqueue_dma source(%dma_start3A_77 : memref<128xi32, #tpu.memory_space<hbm>>) target(%arg6 : memref<128xi32, #tpu.memory_space<vmem>>) target_semaphore(%run_scoped3A : memref<!tpu.dma_semaphore, #tpu.memory_space<semaphore_mem>>)
        %dma_wait3A_78 = tpu.memref_slice %arg2[%multiple_of3A_68] : memref<320128xi32, #tpu.memory_space<hbm>> -> memref<128xi32, #tpu.memory_space<hbm>>
        %dma_wait3A_79 = tpu.memref_slice %arg2[%multiple_of3A_68] : memref<320128xi32, #tpu.memory_space<hbm>> -> memref<128xi32, #tpu.memory_space<hbm>>
        tpu.wait_dma2 semaphore(%run_scoped3A : memref<!tpu.dma_semaphore, #tpu.memory_space<semaphore_mem>>) src(%dma_wait3A_79 : memref<128xi32, #tpu.memory_space<hbm>>) dst(%arg6 : memref<128xi32, #tpu.memory_space<vmem>>)
        tpu.yield
      }) : () -> ()
      "tpu.region"() ({
        %run_scoped3A = tpu.sem_alloc : memref<!tpu.dma_semaphore, #tpu.memory_space<semaphore_mem>>
        %dma_start3A_76 = tpu.memref_slice %arg3[%multiple_of3A_68] : memref<320128xi32, #tpu.memory_space<hbm>> -> memref<128xi32, #tpu.memory_space<hbm>>
        %dma_start3A_77 = tpu.memref_slice %arg3[%multiple_of3A_68] : memref<320128xi32, #tpu.memory_space<hbm>> -> memref<128xi32, #tpu.memory_space<hbm>>
        tpu.enqueue_dma source(%dma_start3A_77 : memref<128xi32, #tpu.memory_space<hbm>>) target(%arg8 : memref<128xi32, #tpu.memory_space<vmem>>) target_semaphore(%run_scoped3A : memref<!tpu.dma_semaphore, #tpu.memory_space<semaphore_mem>>)
        %dma_wait3A_78 = tpu.memref_slice %arg3[%multiple_of3A_68] : memref<320128xi32, #tpu.memory_space<hbm>> -> memref<128xi32, #tpu.memory_space<hbm>>
        %dma_wait3A_79 = tpu.memref_slice %arg3[%multiple_of3A_68] : memref<320128xi32, #tpu.memory_space<hbm>> -> memref<128xi32, #tpu.memory_space<hbm>>
        tpu.wait_dma2 semaphore(%run_scoped3A : memref<!tpu.dma_semaphore, #tpu.memory_space<semaphore_mem>>) src(%dma_wait3A_79 : memref<128xi32, #tpu.memory_space<hbm>>) dst(%arg8 : memref<128xi32, #tpu.memory_space<vmem>>)
        tpu.yield
      }) : () -> ()
      %dma_start3A_69 = arith.constant 0 : i32
      %dma_start3A_70 = arith.constant 0 : i32
      %dma_start3A_71 = tpu.memref_slice %arg4[%dma_start3A_69, %dma_start3A_70] : memref<10000x128xf32, #tpu.memory_space<hbm>> -> memref<10000x128xf32, #tpu.memory_space<hbm>>
      tpu.enqueue_indirect_dma source(%dma_start3A_71 : memref<10000x128xf32, #tpu.memory_space<hbm>>) target(%arg10 : memref<128x128xf32, #tpu.memory_space<vmem>>) offsets(%arg6 : memref<128xi32, #tpu.memory_space<vmem>>) semaphore(%arg20 : memref<!tpu.dma_semaphore, #tpu.memory_space<semaphore_mem>>)
      %dma_wait3A_72 = arith.constant 0 : i32
      %dma_wait3A_73 = arith.constant 0 : i32
      %dma_wait3A_74 = tpu.memref_slice %arg4[%dma_wait3A_72, %dma_wait3A_73] : memref<10000x128xf32, #tpu.memory_space<hbm>> -> memref<10000x128xf32, #tpu.memory_space<hbm>>
      tpu.wait_indirect_dma semaphore(%arg21 : memref<!tpu.dma_semaphore, #tpu.memory_space<semaphore_mem>>) src(%dma_wait3A_74 : memref<10000x128xf32, #tpu.memory_space<hbm>>) dst(%arg11 : memref<128x128xf32, #tpu.memory_space<vmem>>)
      "tpu.region"() ({
        %run_scoped3A = tpu.sem_alloc : memref<!tpu.dma_semaphore, #tpu.memory_space<semaphore_mem>>
        %dma_start3A_76 = arith.constant 0 : i32
        %dma_start3A_77 = arith.constant 0 : i32
        %dma_start3A_78 = tpu.memref_slice %arg19[%dma_start3A_76, %dma_start3A_77] : memref<10112x128xf32, #tpu.memory_space<vmem_shared>> -> memref<10112x128xf32, #tpu.memory_space<vmem_shared>>
        tpu.enqueue_indirect_dma source(%arg11 : memref<128x128xf32, #tpu.memory_space<vmem>>) target(%dma_start3A_78 : memref<10112x128xf32, #tpu.memory_space<vmem_shared>>) offsets(%arg9 : memref<128xi32, #tpu.memory_space<vmem>>) semaphore(%run_scoped3A : memref<!tpu.dma_semaphore, #tpu.memory_space<semaphore_mem>>) {add = true}
        %dma_wait3A_79 = arith.constant 0 : i32
        %dma_wait3A_80 = arith.constant 0 : i32
        %dma_wait3A_81 = tpu.memref_slice %arg19[%dma_wait3A_79, %dma_wait3A_80] : memref<10112x128xf32, #tpu.memory_space<vmem_shared>> -> memref<10112x128xf32, #tpu.memory_space<vmem_shared>>
        tpu.wait_indirect_dma semaphore(%run_scoped3A : memref<!tpu.dma_semaphore, #tpu.memory_space<semaphore_mem>>) src(%arg11 : memref<128x128xf32, #tpu.memory_space<vmem>>) dst(%dma_wait3A_81 : memref<10112x128xf32, #tpu.memory_space<vmem_shared>>)
        tpu.yield
      }) : () -> ()
      %scan3A_75 = arith.constant 0 : i32
      scf.yield %scan3A_75 : i32
    }
    %scan3A_24 = arith.constant 39 : i32
    %dma_wait3A = arith.constant 0 : i32
    %dma_wait3A_25 = arith.constant 0 : i32
    %dma_wait3A_26 = tpu.memref_slice %arg4[%dma_wait3A, %dma_wait3A_25] : memref<10000x128xf32, #tpu.memory_space<hbm>> -> memref<10000x128xf32, #tpu.memory_space<hbm>>
    tpu.wait_indirect_dma semaphore(%arg20 : memref<!tpu.dma_semaphore, #tpu.memory_space<semaphore_mem>>) src(%dma_wait3A_26 : memref<10000x128xf32, #tpu.memory_space<hbm>>) dst(%arg10 : memref<128x128xf32, #tpu.memory_space<vmem>>)
    %mul3A_27 = arith.constant 10000 : i32
    %mul3A_28 = arith.muli %add3A, %mul3A_27 : i32
    %add3A_29 = arith.constant 9984 : i32
    %add3A_30 = arith.addi %mul3A_28, %add3A_29 : i32
    %multiple_of3A_31 = tpu.assume_multiple %add3A_30, 8 : i32
    "tpu.region"() ({
      %run_scoped3A = tpu.sem_alloc : memref<!tpu.dma_semaphore, #tpu.memory_space<semaphore_mem>>
      %dma_start3A_43 = tpu.memref_slice %arg2[%multiple_of3A_31] : memref<320128xi32, #tpu.memory_space<hbm>> -> memref<16xi32, #tpu.memory_space<hbm>>
      %dma_start3A_44 = tpu.memref_slice %arg2[%multiple_of3A_31] : memref<320128xi32, #tpu.memory_space<hbm>> -> memref<16xi32, #tpu.memory_space<hbm>>
      tpu.enqueue_dma source(%dma_start3A_44 : memref<16xi32, #tpu.memory_space<hbm>>) target(%arg12 : memref<16xi32, #tpu.memory_space<vmem>>) target_semaphore(%run_scoped3A : memref<!tpu.dma_semaphore, #tpu.memory_space<semaphore_mem>>)
      %dma_wait3A_45 = tpu.memref_slice %arg2[%multiple_of3A_31] : memref<320128xi32, #tpu.memory_space<hbm>> -> memref<16xi32, #tpu.memory_space<hbm>>
      %dma_wait3A_46 = tpu.memref_slice %arg2[%multiple_of3A_31] : memref<320128xi32, #tpu.memory_space<hbm>> -> memref<16xi32, #tpu.memory_space<hbm>>
      tpu.wait_dma2 semaphore(%run_scoped3A : memref<!tpu.dma_semaphore, #tpu.memory_space<semaphore_mem>>) src(%dma_wait3A_46 : memref<16xi32, #tpu.memory_space<hbm>>) dst(%arg12 : memref<16xi32, #tpu.memory_space<vmem>>)
      tpu.yield
    }) : () -> ()
    "tpu.region"() ({
      %run_scoped3A = tpu.sem_alloc : memref<!tpu.dma_semaphore, #tpu.memory_space<semaphore_mem>>
      %dma_start3A_43 = tpu.memref_slice %arg3[%multiple_of3A_31] : memref<320128xi32, #tpu.memory_space<hbm>> -> memref<16xi32, #tpu.memory_space<hbm>>
      %dma_start3A_44 = tpu.memref_slice %arg3[%multiple_of3A_31] : memref<320128xi32, #tpu.memory_space<hbm>> -> memref<16xi32, #tpu.memory_space<hbm>>
      tpu.enqueue_dma source(%dma_start3A_44 : memref<16xi32, #tpu.memory_space<hbm>>) target(%arg13 : memref<16xi32, #tpu.memory_space<vmem>>) target_semaphore(%run_scoped3A : memref<!tpu.dma_semaphore, #tpu.memory_space<semaphore_mem>>)
      %dma_wait3A_45 = tpu.memref_slice %arg3[%multiple_of3A_31] : memref<320128xi32, #tpu.memory_space<hbm>> -> memref<16xi32, #tpu.memory_space<hbm>>
      %dma_wait3A_46 = tpu.memref_slice %arg3[%multiple_of3A_31] : memref<320128xi32, #tpu.memory_space<hbm>> -> memref<16xi32, #tpu.memory_space<hbm>>
      tpu.wait_dma2 semaphore(%run_scoped3A : memref<!tpu.dma_semaphore, #tpu.memory_space<semaphore_mem>>) src(%dma_wait3A_46 : memref<16xi32, #tpu.memory_space<hbm>>) dst(%arg13 : memref<16xi32, #tpu.memory_space<vmem>>)
      tpu.yield
    }) : () -> ()
    %dma_start3A_32 = arith.constant 0 : i32
    %dma_start3A_33 = arith.constant 0 : i32
    %dma_start3A_34 = tpu.memref_slice %arg4[%dma_start3A_32, %dma_start3A_33] : memref<10000x128xf32, #tpu.memory_space<hbm>> -> memref<10000x128xf32, #tpu.memory_space<hbm>>
    tpu.enqueue_indirect_dma source(%dma_start3A_34 : memref<10000x128xf32, #tpu.memory_space<hbm>>) target(%arg14 : memref<16x128xf32, #tpu.memory_space<vmem>>) offsets(%arg12 : memref<16xi32, #tpu.memory_space<vmem>>) semaphore(%arg20 : memref<!tpu.dma_semaphore, #tpu.memory_space<semaphore_mem>>)
    %dma_wait3A_35 = arith.constant 0 : i32
    %dma_wait3A_36 = arith.constant 0 : i32
    %dma_wait3A_37 = tpu.memref_slice %arg4[%dma_wait3A_35, %dma_wait3A_36] : memref<10000x128xf32, #tpu.memory_space<hbm>> -> memref<10000x128xf32, #tpu.memory_space<hbm>>
    tpu.wait_indirect_dma semaphore(%arg20 : memref<!tpu.dma_semaphore, #tpu.memory_space<semaphore_mem>>) src(%dma_wait3A_37 : memref<10000x128xf32, #tpu.memory_space<hbm>>) dst(%arg14 : memref<16x128xf32, #tpu.memory_space<vmem>>)
    "tpu.region"() ({
      %run_scoped3A = tpu.sem_alloc : memref<!tpu.dma_semaphore, #tpu.memory_space<semaphore_mem>>
      %dma_start3A_43 = arith.constant 0 : i32
      %dma_start3A_44 = arith.constant 0 : i32
      %dma_start3A_45 = tpu.memref_slice %arg19[%dma_start3A_43, %dma_start3A_44] : memref<10112x128xf32, #tpu.memory_space<vmem_shared>> -> memref<10112x128xf32, #tpu.memory_space<vmem_shared>>
      tpu.enqueue_indirect_dma source(%arg14 : memref<16x128xf32, #tpu.memory_space<vmem>>) target(%dma_start3A_45 : memref<10112x128xf32, #tpu.memory_space<vmem_shared>>) offsets(%arg13 : memref<16xi32, #tpu.memory_space<vmem>>) semaphore(%run_scoped3A : memref<!tpu.dma_semaphore, #tpu.memory_space<semaphore_mem>>) {add = true}
      %dma_wait3A_46 = arith.constant 0 : i32
      %dma_wait3A_47 = arith.constant 0 : i32
      %dma_wait3A_48 = tpu.memref_slice %arg19[%dma_wait3A_46, %dma_wait3A_47] : memref<10112x128xf32, #tpu.memory_space<vmem_shared>> -> memref<10112x128xf32, #tpu.memory_space<vmem_shared>>
      tpu.wait_indirect_dma semaphore(%run_scoped3A : memref<!tpu.dma_semaphore, #tpu.memory_space<semaphore_mem>>) src(%arg14 : memref<16x128xf32, #tpu.memory_space<vmem>>) dst(%dma_wait3A_48 : memref<10112x128xf32, #tpu.memory_space<vmem_shared>>)
      tpu.yield
    }) : () -> ()
    %barrier3A_38 = arith.constant 0 : index
    tpu.barrier barrier_id(%barrier3A_38)
    %mul3A_39 = arith.constant 632 : i32
    %mul3A_40 = arith.muli %arg1, %mul3A_39 : i32
    %mul3A_41 = arith.constant 632 : i32
    %mul3A_42 = arith.muli %arg1, %mul3A_41 : i32
    "tpu.region"() ({
      %run_scoped3A = tpu.sem_alloc : memref<!tpu.dma_semaphore, #tpu.memory_space<semaphore_mem>>
      %dma_start3A_43 = arith.constant 0 : i32
      %dma_start3A_44 = tpu.memref_slice %arg5[%arg0, %mul3A_42, %dma_start3A_43] : memref<2x10112x128xf32, #tpu.memory_space<hbm>> -> memref<1x632x128xf32, #tpu.memory_space<hbm>>
      %dma_start3A_45 = tpu.memref_squeeze %dma_start3A_44 : memref<1x632x128xf32, #tpu.memory_space<hbm>> -> memref<632x128xf32, #tpu.memory_space<hbm>>
      %dma_start3A_46 = arith.constant 0 : i32
      %dma_start3A_47 = tpu.memref_slice %arg19[%mul3A_40, %dma_start3A_46] : memref<10112x128xf32, #tpu.memory_space<vmem_shared>> -> memref<632x128xf32, #tpu.memory_space<vmem_shared>>
      tpu.enqueue_dma source(%dma_start3A_47 : memref<632x128xf32, #tpu.memory_space<vmem_shared>>) target(%dma_start3A_45 : memref<632x128xf32, #tpu.memory_space<hbm>>) target_semaphore(%run_scoped3A : memref<!tpu.dma_semaphore, #tpu.memory_space<semaphore_mem>>)
      %dma_wait3A_48 = arith.constant 0 : i32
      %dma_wait3A_49 = tpu.memref_slice %arg5[%arg0, %mul3A_42, %dma_wait3A_48] : memref<2x10112x128xf32, #tpu.memory_space<hbm>> -> memref<1x632x128xf32, #tpu.memory_space<hbm>>
      %dma_wait3A_50 = tpu.memref_squeeze %dma_wait3A_49 : memref<1x632x128xf32, #tpu.memory_space<hbm>> -> memref<632x128xf32, #tpu.memory_space<hbm>>
      %dma_wait3A_51 = arith.constant 0 : i32
      %dma_wait3A_52 = tpu.memref_slice %arg19[%mul3A_40, %dma_wait3A_51] : memref<10112x128xf32, #tpu.memory_space<vmem_shared>> -> memref<632x128xf32, #tpu.memory_space<vmem_shared>>
      tpu.wait_dma2 semaphore(%run_scoped3A : memref<!tpu.dma_semaphore, #tpu.memory_space<semaphore_mem>>) src(%dma_wait3A_52 : memref<632x128xf32, #tpu.memory_space<vmem_shared>>) dst(%dma_wait3A_50 : memref<632x128xf32, #tpu.memory_space<hbm>>)
      tpu.yield
    }) : () -> ()
    return
  }
}

#map = affine_map<(d0, d1) -> (0)>
#map1 = affine_map<(d0, d1) -> (0, 0, 0)>
module attributes {stable_mosaic.version = 14 : i64} {
  func.func @k(%arg0: i32, %arg1: i32, %arg2: memref<320128xi32, #tpu.memory_space<hbm>>, %arg3: memref<2x10112x16xf32, #tpu.memory_space<hbm>>, %arg4: memref<128xi32, #tpu.memory_space<vmem>>, %arg5: memref<128xi32, #tpu.memory_space<vmem>>, %arg6: memref<16xi32, #tpu.memory_space<vmem>>, %arg7: memref<8xi32, #tpu.memory_space<vmem>>, %arg8: memref<128x16xf32, #tpu.memory_space<vmem>>, %arg9: memref<8x16xf32, #tpu.memory_space<vmem>>, %arg10: memref<10112x16xf32, #tpu.memory_space<vmem_shared>>, %arg11: memref<!tpu.dma_semaphore, #tpu.memory_space<semaphore_mem>>, %arg12: memref<!tpu.dma_semaphore, #tpu.memory_space<semaphore_mem>>) attributes {dimension_semantics = [#tpu.dimension_semantics<core_parallel>, #tpu.dimension_semantics<subcore_parallel>], iteration_bounds = array<i64: 2, 16>, scalar_prefetch = 0 : i64, scratch_operands = 9 : i64, tpu.core_type = #tpu.core_type<sc_vector_subcore>, window_params = [{transform_indices = #map}, {transform_indices = #map1}]} {
    %mul3A = arith.constant 2 : i32
    %mul3A_0 = arith.muli %arg1, %mul3A : i32
    %add3A = arith.addi %mul3A_0, %arg0 : i32
    %scan3A = arith.constant 0 : i32
    %scan3A_1 = arith.constant 0 : i32
    %scan3A_2 = arith.constant 8 : i32
    %scan3A_3 = arith.addi %scan3A_1, %scan3A_2 : i32
    %scan3A_4 = arith.constant 1 : i32
    %scan3A_5 = scf.for %scan3A_42 = %scan3A_1 to %scan3A_3 step %scan3A_4 iter_args(%scan3A_43 = %scan3A) -> (i32)  : i32 {
      %jit3A = arith.constant 1 : i32
      %div3A = arith.divsi %scan3A_42, %jit3A : i32
      %sign3A = arith.constant 0 : i32
      %sign3A_44 = arith.cmpi sgt, %scan3A_42, %sign3A : i32
      %sign3A_45 = arith.extui %sign3A_44 : i1 to i32
      %sign3A_46 = arith.constant 0 : i32
      %sign3A_47 = arith.cmpi slt, %scan3A_42, %sign3A_46 : i32
      %sign3A_48 = arith.extui %sign3A_47 : i1 to i32
      %sign3A_49 = arith.subi %sign3A_45, %sign3A_48 : i32
      %sign3A_50 = arith.constant 0 : i32
      %sign3A_51 = arith.cmpi sgt, %jit3A, %sign3A_50 : i32
      %sign3A_52 = arith.extui %sign3A_51 : i1 to i32
      %sign3A_53 = arith.constant 0 : i32
      %sign3A_54 = arith.cmpi slt, %jit3A, %sign3A_53 : i32
      %sign3A_55 = arith.extui %sign3A_54 : i1 to i32
      %sign3A_56 = arith.subi %sign3A_52, %sign3A_55 : i32
      %ne3A = arith.cmpi ne, %sign3A_49, %sign3A_56 : i32
      %rem3A = arith.remsi %scan3A_42, %jit3A : i32
      %ne3A_57 = arith.constant 0 : i32
      %ne3A_58 = arith.cmpi ne, %rem3A, %ne3A_57 : i32
      %and3A = arith.andi %ne3A, %ne3A_58 : i1
      %sub3A = arith.constant 1 : i32
      %sub3A_59 = arith.subi %div3A, %sub3A : i32
      %select_n3A = arith.select %and3A, %sub3A_59, %div3A : i32
      %jit3A_60 = arith.constant 1 : i32
      %eq3A = arith.constant 0 : i32
      %eq3A_61 = arith.cmpi eq, %jit3A_60, %eq3A : i32
      %jit3A_62 = arith.constant 1 : i32
      %select_n3A_63 = arith.select %eq3A_61, %jit3A_62, %jit3A_60 : i32
      %rem3A_64 = arith.remsi %scan3A_42, %select_n3A_63 : i32
      %ne3A_65 = arith.constant 0 : i32
      %ne3A_66 = arith.cmpi ne, %rem3A_64, %ne3A_65 : i32
      %lt3A = arith.constant 0 : i32
      %lt3A_67 = arith.cmpi slt, %rem3A_64, %lt3A : i32
      %lt3A_68 = arith.constant 0 : i32
      %lt3A_69 = arith.cmpi slt, %select_n3A_63, %lt3A_68 : i32
      %ne3A_70 = arith.xori %lt3A_67, %lt3A_69 : i1
      %and3A_71 = arith.andi %ne3A_70, %ne3A_66 : i1
      %add3A_72 = arith.addi %rem3A_64, %select_n3A_63 : i32
      %select_n3A_73 = arith.select %and3A_71, %add3A_72, %rem3A_64 : i32
      %broadcast_in_dim3A = arith.constant 0.000000e+00 : f32
      %broadcast_in_dim3A_74 = vector.broadcast %broadcast_in_dim3A : f32 to vector<16xf32>
      %mul3A_75 = arith.constant 16 : i32
      %mul3A_76 = arith.muli %select_n3A_73, %mul3A_75 : i32
      %swap3A = arith.index_cast %select_n3A : i32 to index
      %swap3A_77 = arith.index_cast %mul3A_76 : i32 to index
      %swap3A_78 = tpu.vector_load %arg9[%swap3A, %swap3A_77] {strides = array<i32>} : memref<8x16xf32, #tpu.memory_space<vmem>>, vector<1x16xf32>,
      %swap3A_79 = vector.shape_cast %swap3A_78 : vector<1x16xf32> to vector<16xf32>
      %swap3A_80 = vector.shape_cast %broadcast_in_dim3A_74 : vector<16xf32> to vector<1x16xf32>
      tpu.vector_store %arg9[%swap3A, %swap3A_77], %swap3A_80 {strides = array<i32>} : memref<8x16xf32, #tpu.memory_space<vmem>>, vector<1x16xf32>,
      %scan3A_81 = arith.constant 0 : i32
      scf.yield %scan3A_81 : i32
    }
    %scan3A_6 = arith.constant 8 : i32
    %scan3A_7 = arith.constant 0 : i32
    %scan3A_8 = arith.constant 0 : i32
    %scan3A_9 = arith.constant 128 : i32
    %scan3A_10 = arith.addi %scan3A_8, %scan3A_9 : i32
    %scan3A_11 = arith.constant 1 : i32
    %scan3A_12 = scf.for %scan3A_42 = %scan3A_8 to %scan3A_10 step %scan3A_11 iter_args(%scan3A_43 = %scan3A_7) -> (i32)  : i32 {
      %broadcast_in_dim3A = arith.constant 1.000000e+00 : f32
      %broadcast_in_dim3A_44 = vector.broadcast %broadcast_in_dim3A : f32 to vector<16xf32>
      %swap3A = arith.index_cast %scan3A_42 : i32 to index
      %swap3A_45 = arith.constant 0 : index
      %swap3A_46 = tpu.vector_load %arg8[%swap3A, %swap3A_45] {strides = array<i32>} : memref<128x16xf32, #tpu.memory_space<vmem>>, vector<1x16xf32>,
      %swap3A_47 = vector.shape_cast %swap3A_46 : vector<1x16xf32> to vector<16xf32>
      %swap3A_48 = vector.shape_cast %broadcast_in_dim3A_44 : vector<16xf32> to vector<1x16xf32>
      tpu.vector_store %arg8[%swap3A, %swap3A_45], %swap3A_48 {strides = array<i32>} : memref<128x16xf32, #tpu.memory_space<vmem>>, vector<1x16xf32>,
      %scan3A_49 = arith.constant 0 : i32
      scf.yield %scan3A_49 : i32
    }
    %scan3A_13 = arith.constant 128 : i32
    %scan3A_14 = arith.constant 0 : i32
    %scan3A_15 = arith.constant 0 : i32
    %scan3A_16 = arith.constant 79 : i32
    %scan3A_17 = arith.addi %scan3A_15, %scan3A_16 : i32
    %scan3A_18 = arith.constant 1 : i32
    %scan3A_19 = scf.for %scan3A_42 = %scan3A_15 to %scan3A_17 step %scan3A_18 iter_args(%scan3A_43 = %scan3A_14) -> (i32)  : i32 {
      %mul3A_44 = arith.constant 632 : i32
      %mul3A_45 = arith.muli %arg1, %mul3A_44 : i32
      %mul3A_46 = arith.constant 8 : i32
      %mul3A_47 = arith.muli %scan3A_42, %mul3A_46 : i32
      %add3A_48 = arith.addi %mul3A_45, %mul3A_47 : i32
      "tpu.region"() ({
        %run_scoped3A = tpu.sem_alloc : memref<!tpu.dma_semaphore, #tpu.memory_space<semaphore_mem>>
        %dma_start3A_50 = arith.constant 0 : i32
        %dma_start3A_51 = tpu.memref_slice %arg10[%add3A_48, %dma_start3A_50] : memref<10112x16xf32, #tpu.memory_space<vmem_shared>> -> memref<8x16xf32, #tpu.memory_space<vmem_shared>>
        %dma_start3A_52 = arith.constant 0 : i32
        %dma_start3A_53 = tpu.memref_slice %arg10[%add3A_48, %dma_start3A_52] : memref<10112x16xf32, #tpu.memory_space<vmem_shared>> -> memref<8x16xf32, #tpu.memory_space<vmem_shared>>
        tpu.enqueue_dma source(%arg9 : memref<8x16xf32, #tpu.memory_space<vmem>>) target(%dma_start3A_53 : memref<8x16xf32, #tpu.memory_space<vmem_shared>>) target_semaphore(%run_scoped3A : memref<!tpu.dma_semaphore, #tpu.memory_space<semaphore_mem>>)
        %dma_wait3A_54 = arith.constant 0 : i32
        %dma_wait3A_55 = tpu.memref_slice %arg10[%add3A_48, %dma_wait3A_54] : memref<10112x16xf32, #tpu.memory_space<vmem_shared>> -> memref<8x16xf32, #tpu.memory_space<vmem_shared>>
        %dma_wait3A_56 = arith.constant 0 : i32
        %dma_wait3A_57 = tpu.memref_slice %arg10[%add3A_48, %dma_wait3A_56] : memref<10112x16xf32, #tpu.memory_space<vmem_shared>> -> memref<8x16xf32, #tpu.memory_space<vmem_shared>>
        tpu.wait_dma2 semaphore(%run_scoped3A : memref<!tpu.dma_semaphore, #tpu.memory_space<semaphore_mem>>) src(%arg9 : memref<8x16xf32, #tpu.memory_space<vmem>>) dst(%dma_wait3A_57 : memref<8x16xf32, #tpu.memory_space<vmem_shared>>)
        tpu.yield
      }) : () -> ()
      %scan3A_49 = arith.constant 0 : i32
      scf.yield %scan3A_49 : i32
    }
    %scan3A_20 = arith.constant 79 : i32
    %mul3A_21 = arith.constant 10000 : i32
    %mul3A_22 = arith.muli %add3A, %mul3A_21 : i32
    %multiple_of3A = tpu.assume_multiple %mul3A_22, 8 : i32
    %dma_start3A = tpu.memref_slice %arg2[%multiple_of3A] : memref<320128xi32, #tpu.memory_space<hbm>> -> memref<128xi32, #tpu.memory_space<hbm>>
    %dma_start3A_23 = tpu.memref_slice %arg2[%multiple_of3A] : memref<320128xi32, #tpu.memory_space<hbm>> -> memref<128xi32, #tpu.memory_space<hbm>>
    tpu.enqueue_dma source(%dma_start3A_23 : memref<128xi32, #tpu.memory_space<hbm>>) target(%arg4 : memref<128xi32, #tpu.memory_space<vmem>>) target_semaphore(%arg11 : memref<!tpu.dma_semaphore, #tpu.memory_space<semaphore_mem>>)
    %barrier3A = arith.constant 0 : index
    tpu.barrier barrier_id(%barrier3A)
    %scan3A_24 = arith.constant 0 : i32
    %scan3A_25 = arith.constant 0 : i32
    %scan3A_26 = arith.constant 39 : i32
    %scan3A_27 = arith.addi %scan3A_25, %scan3A_26 : i32
    %scan3A_28 = arith.constant 1 : i32
    %scan3A_29 = scf.for %scan3A_42 = %scan3A_25 to %scan3A_27 step %scan3A_28 iter_args(%scan3A_43 = %scan3A_24) -> (i32)  : i32 {
      %mul3A_44 = arith.constant 2 : i32
      %mul3A_45 = arith.muli %mul3A_44, %scan3A_42 : i32
      %mul3A_46 = arith.constant 10000 : i32
      %mul3A_47 = arith.muli %add3A, %mul3A_46 : i32
      %add3A_48 = arith.constant 1 : i32
      %add3A_49 = arith.addi %mul3A_45, %add3A_48 : i32
      %mul3A_50 = arith.constant 128 : i32
      %mul3A_51 = arith.muli %add3A_49, %mul3A_50 : i32
      %add3A_52 = arith.addi %mul3A_47, %mul3A_51 : i32
      %multiple_of3A_53 = tpu.assume_multiple %add3A_52, 8 : i32
      %dma_start3A_54 = tpu.memref_slice %arg2[%multiple_of3A_53] : memref<320128xi32, #tpu.memory_space<hbm>> -> memref<128xi32, #tpu.memory_space<hbm>>
      %dma_start3A_55 = tpu.memref_slice %arg2[%multiple_of3A_53] : memref<320128xi32, #tpu.memory_space<hbm>> -> memref<128xi32, #tpu.memory_space<hbm>>
      tpu.enqueue_dma source(%dma_start3A_55 : memref<128xi32, #tpu.memory_space<hbm>>) target(%arg5 : memref<128xi32, #tpu.memory_space<vmem>>) target_semaphore(%arg12 : memref<!tpu.dma_semaphore, #tpu.memory_space<semaphore_mem>>)
      %dma_wait3A_56 = tpu.memref_slice %arg2[%multiple_of3A_53] : memref<320128xi32, #tpu.memory_space<hbm>> -> memref<128xi32, #tpu.memory_space<hbm>>
      %dma_wait3A_57 = tpu.memref_slice %arg2[%multiple_of3A_53] : memref<320128xi32, #tpu.memory_space<hbm>> -> memref<128xi32, #tpu.memory_space<hbm>>
      tpu.wait_dma2 semaphore(%arg11 : memref<!tpu.dma_semaphore, #tpu.memory_space<semaphore_mem>>) src(%dma_wait3A_57 : memref<128xi32, #tpu.memory_space<hbm>>) dst(%arg4 : memref<128xi32, #tpu.memory_space<vmem>>)
      "tpu.region"() ({
        %run_scoped3A = tpu.sem_alloc : memref<!tpu.dma_semaphore, #tpu.memory_space<semaphore_mem>>
        %dma_start3A_71 = arith.constant 0 : i32
        %dma_start3A_72 = arith.constant 0 : i32
        %dma_start3A_73 = tpu.memref_slice %arg10[%dma_start3A_71, %dma_start3A_72] : memref<10112x16xf32, #tpu.memory_space<vmem_shared>> -> memref<10112x16xf32, #tpu.memory_space<vmem_shared>>
        tpu.enqueue_indirect_dma source(%arg8 : memref<128x16xf32, #tpu.memory_space<vmem>>) target(%dma_start3A_73 : memref<10112x16xf32, #tpu.memory_space<vmem_shared>>) offsets(%arg4 : memref<128xi32, #tpu.memory_space<vmem>>) semaphore(%run_scoped3A : memref<!tpu.dma_semaphore, #tpu.memory_space<semaphore_mem>>) {add = true}
        %dma_wait3A_74 = arith.constant 0 : i32
        %dma_wait3A_75 = arith.constant 0 : i32
        %dma_wait3A_76 = tpu.memref_slice %arg10[%dma_wait3A_74, %dma_wait3A_75] : memref<10112x16xf32, #tpu.memory_space<vmem_shared>> -> memref<10112x16xf32, #tpu.memory_space<vmem_shared>>
        tpu.wait_indirect_dma semaphore(%run_scoped3A : memref<!tpu.dma_semaphore, #tpu.memory_space<semaphore_mem>>) src(%arg8 : memref<128x16xf32, #tpu.memory_space<vmem>>) dst(%dma_wait3A_76 : memref<10112x16xf32, #tpu.memory_space<vmem_shared>>)
        tpu.yield
      }) : () -> ()
      %mul3A_58 = arith.constant 10000 : i32
      %mul3A_59 = arith.muli %add3A, %mul3A_58 : i32
      %add3A_60 = arith.constant 2 : i32
      %add3A_61 = arith.addi %mul3A_45, %add3A_60 : i32
      %mul3A_62 = arith.constant 128 : i32
      %mul3A_63 = arith.muli %add3A_61, %mul3A_62 : i32
      %add3A_64 = arith.addi %mul3A_59, %mul3A_63 : i32
      %multiple_of3A_65 = tpu.assume_multiple %add3A_64, 8 : i32
      %dma_start3A_66 = tpu.memref_slice %arg2[%multiple_of3A_65] : memref<320128xi32, #tpu.memory_space<hbm>> -> memref<128xi32, #tpu.memory_space<hbm>>
      %dma_start3A_67 = tpu.memref_slice %arg2[%multiple_of3A_65] : memref<320128xi32, #tpu.memory_space<hbm>> -> memref<128xi32, #tpu.memory_space<hbm>>
      tpu.enqueue_dma source(%dma_start3A_67 : memref<128xi32, #tpu.memory_space<hbm>>) target(%arg4 : memref<128xi32, #tpu.memory_space<vmem>>) target_semaphore(%arg11 : memref<!tpu.dma_semaphore, #tpu.memory_space<semaphore_mem>>)
      %dma_wait3A_68 = tpu.memref_slice %arg2[%multiple_of3A_65] : memref<320128xi32, #tpu.memory_space<hbm>> -> memref<128xi32, #tpu.memory_space<hbm>>
      %dma_wait3A_69 = tpu.memref_slice %arg2[%multiple_of3A_65] : memref<320128xi32, #tpu.memory_space<hbm>> -> memref<128xi32, #tpu.memory_space<hbm>>
      tpu.wait_dma2 semaphore(%arg12 : memref<!tpu.dma_semaphore, #tpu.memory_space<semaphore_mem>>) src(%dma_wait3A_69 : memref<128xi32, #tpu.memory_space<hbm>>) dst(%arg5 : memref<128xi32, #tpu.memory_space<vmem>>)
      "tpu.region"() ({
        %run_scoped3A = tpu.sem_alloc : memref<!tpu.dma_semaphore, #tpu.memory_space<semaphore_mem>>
        %dma_start3A_71 = arith.constant 0 : i32
        %dma_start3A_72 = arith.constant 0 : i32
        %dma_start3A_73 = tpu.memref_slice %arg10[%dma_start3A_71, %dma_start3A_72] : memref<10112x16xf32, #tpu.memory_space<vmem_shared>> -> memref<10112x16xf32, #tpu.memory_space<vmem_shared>>
        tpu.enqueue_indirect_dma source(%arg8 : memref<128x16xf32, #tpu.memory_space<vmem>>) target(%dma_start3A_73 : memref<10112x16xf32, #tpu.memory_space<vmem_shared>>) offsets(%arg5 : memref<128xi32, #tpu.memory_space<vmem>>) semaphore(%run_scoped3A : memref<!tpu.dma_semaphore, #tpu.memory_space<semaphore_mem>>) {add = true}
        %dma_wait3A_74 = arith.constant 0 : i32
        %dma_wait3A_75 = arith.constant 0 : i32
        %dma_wait3A_76 = tpu.memref_slice %arg10[%dma_wait3A_74, %dma_wait3A_75] : memref<10112x16xf32, #tpu.memory_space<vmem_shared>> -> memref<10112x16xf32, #tpu.memory_space<vmem_shared>>
        tpu.wait_indirect_dma semaphore(%run_scoped3A : memref<!tpu.dma_semaphore, #tpu.memory_space<semaphore_mem>>) src(%arg8 : memref<128x16xf32, #tpu.memory_space<vmem>>) dst(%dma_wait3A_76 : memref<10112x16xf32, #tpu.memory_space<vmem_shared>>)
        tpu.yield
      }) : () -> ()
      %scan3A_70 = arith.constant 0 : i32
      scf.yield %scan3A_70 : i32
    }
    %scan3A_30 = arith.constant 39 : i32
    %dma_wait3A = tpu.memref_slice %arg2[%multiple_of3A] : memref<320128xi32, #tpu.memory_space<hbm>> -> memref<128xi32, #tpu.memory_space<hbm>>
    %dma_wait3A_31 = tpu.memref_slice %arg2[%multiple_of3A] : memref<320128xi32, #tpu.memory_space<hbm>> -> memref<128xi32, #tpu.memory_space<hbm>>
    tpu.wait_dma2 semaphore(%arg11 : memref<!tpu.dma_semaphore, #tpu.memory_space<semaphore_mem>>) src(%dma_wait3A_31 : memref<128xi32, #tpu.memory_space<hbm>>) dst(%arg4 : memref<128xi32, #tpu.memory_space<vmem>>)
    %mul3A_32 = arith.constant 10000 : i32
    %mul3A_33 = arith.muli %add3A, %mul3A_32 : i32
    %add3A_34 = arith.constant 9984 : i32
    %add3A_35 = arith.addi %mul3A_33, %add3A_34 : i32
    %multiple_of3A_36 = tpu.assume_multiple %add3A_35, 8 : i32
    "tpu.region"() ({
      %run_scoped3A = tpu.sem_alloc : memref<!tpu.dma_semaphore, #tpu.memory_space<semaphore_mem>>
      %dma_start3A_42 = tpu.memref_slice %arg2[%multiple_of3A_36] : memref<320128xi32, #tpu.memory_space<hbm>> -> memref<16xi32, #tpu.memory_space<hbm>>
      %dma_start3A_43 = tpu.memref_slice %arg2[%multiple_of3A_36] : memref<320128xi32, #tpu.memory_space<hbm>> -> memref<16xi32, #tpu.memory_space<hbm>>
      tpu.enqueue_dma source(%dma_start3A_43 : memref<16xi32, #tpu.memory_space<hbm>>) target(%arg6 : memref<16xi32, #tpu.memory_space<vmem>>) target_semaphore(%run_scoped3A : memref<!tpu.dma_semaphore, #tpu.memory_space<semaphore_mem>>)
      %dma_wait3A_44 = tpu.memref_slice %arg2[%multiple_of3A_36] : memref<320128xi32, #tpu.memory_space<hbm>> -> memref<16xi32, #tpu.memory_space<hbm>>
      %dma_wait3A_45 = tpu.memref_slice %arg2[%multiple_of3A_36] : memref<320128xi32, #tpu.memory_space<hbm>> -> memref<16xi32, #tpu.memory_space<hbm>>
      tpu.wait_dma2 semaphore(%run_scoped3A : memref<!tpu.dma_semaphore, #tpu.memory_space<semaphore_mem>>) src(%dma_wait3A_45 : memref<16xi32, #tpu.memory_space<hbm>>) dst(%arg6 : memref<16xi32, #tpu.memory_space<vmem>>)
      tpu.yield
    }) : () -> ()
    "tpu.region"() ({
      %run_scoped3A = tpu.sem_alloc : memref<!tpu.dma_semaphore, #tpu.memory_space<semaphore_mem>>
      %dma_start3A_42 = arith.constant 0 : i32
      %dma_start3A_43 = arith.constant 0 : i32
      %dma_start3A_44 = tpu.memref_slice %arg8[%dma_start3A_42, %dma_start3A_43] : memref<128x16xf32, #tpu.memory_space<vmem>> -> memref<16x16xf32, #tpu.memory_space<vmem>>
      %dma_start3A_45 = arith.constant 0 : i32
      %dma_start3A_46 = arith.constant 0 : i32
      %dma_start3A_47 = tpu.memref_slice %arg10[%dma_start3A_45, %dma_start3A_46] : memref<10112x16xf32, #tpu.memory_space<vmem_shared>> -> memref<10112x16xf32, #tpu.memory_space<vmem_shared>>
      tpu.enqueue_indirect_dma source(%dma_start3A_44 : memref<16x16xf32, #tpu.memory_space<vmem>>) target(%dma_start3A_47 : memref<10112x16xf32, #tpu.memory_space<vmem_shared>>) offsets(%arg6 : memref<16xi32, #tpu.memory_space<vmem>>) semaphore(%run_scoped3A : memref<!tpu.dma_semaphore, #tpu.memory_space<semaphore_mem>>) {add = true}
      %dma_wait3A_48 = arith.constant 0 : i32
      %dma_wait3A_49 = arith.constant 0 : i32
      %dma_wait3A_50 = tpu.memref_slice %arg8[%dma_wait3A_48, %dma_wait3A_49] : memref<128x16xf32, #tpu.memory_space<vmem>> -> memref<16x16xf32, #tpu.memory_space<vmem>>
      %dma_wait3A_51 = arith.constant 0 : i32
      %dma_wait3A_52 = arith.constant 0 : i32
      %dma_wait3A_53 = tpu.memref_slice %arg10[%dma_wait3A_51, %dma_wait3A_52] : memref<10112x16xf32, #tpu.memory_space<vmem_shared>> -> memref<10112x16xf32, #tpu.memory_space<vmem_shared>>
      tpu.wait_indirect_dma semaphore(%run_scoped3A : memref<!tpu.dma_semaphore, #tpu.memory_space<semaphore_mem>>) src(%dma_wait3A_50 : memref<16x16xf32, #tpu.memory_space<vmem>>) dst(%dma_wait3A_53 : memref<10112x16xf32, #tpu.memory_space<vmem_shared>>)
      tpu.yield
    }) : () -> ()
    %barrier3A_37 = arith.constant 0 : index
    tpu.barrier barrier_id(%barrier3A_37)
    %mul3A_38 = arith.constant 632 : i32
    %mul3A_39 = arith.muli %arg1, %mul3A_38 : i32
    %mul3A_40 = arith.constant 632 : i32
    %mul3A_41 = arith.muli %arg1, %mul3A_40 : i32
    "tpu.region"() ({
      %run_scoped3A = tpu.sem_alloc : memref<!tpu.dma_semaphore, #tpu.memory_space<semaphore_mem>>
      %dma_start3A_42 = arith.constant 0 : i32
      %dma_start3A_43 = tpu.memref_slice %arg3[%arg0, %mul3A_41, %dma_start3A_42] : memref<2x10112x16xf32, #tpu.memory_space<hbm>> -> memref<1x632x16xf32, #tpu.memory_space<hbm>>
      %dma_start3A_44 = tpu.memref_squeeze %dma_start3A_43 : memref<1x632x16xf32, #tpu.memory_space<hbm>> -> memref<632x16xf32, #tpu.memory_space<hbm>>
      %dma_start3A_45 = arith.constant 0 : i32
      %dma_start3A_46 = tpu.memref_slice %arg10[%mul3A_39, %dma_start3A_45] : memref<10112x16xf32, #tpu.memory_space<vmem_shared>> -> memref<632x16xf32, #tpu.memory_space<vmem_shared>>
      tpu.enqueue_dma source(%dma_start3A_46 : memref<632x16xf32, #tpu.memory_space<vmem_shared>>) target(%dma_start3A_44 : memref<632x16xf32, #tpu.memory_space<hbm>>) target_semaphore(%run_scoped3A : memref<!tpu.dma_semaphore, #tpu.memory_space<semaphore_mem>>)
      %dma_wait3A_47 = arith.constant 0 : i32
      %dma_wait3A_48 = tpu.memref_slice %arg3[%arg0, %mul3A_41, %dma_wait3A_47] : memref<2x10112x16xf32, #tpu.memory_space<hbm>> -> memref<1x632x16xf32, #tpu.memory_space<hbm>>
      %dma_wait3A_49 = tpu.memref_squeeze %dma_wait3A_48 : memref<1x632x16xf32, #tpu.memory_space<hbm>> -> memref<632x16xf32, #tpu.memory_space<hbm>>
      %dma_wait3A_50 = arith.constant 0 : i32
      %dma_wait3A_51 = tpu.memref_slice %arg10[%mul3A_39, %dma_wait3A_50] : memref<10112x16xf32, #tpu.memory_space<vmem_shared>> -> memref<632x16xf32, #tpu.memory_space<vmem_shared>>
      tpu.wait_dma2 semaphore(%run_scoped3A : memref<!tpu.dma_semaphore, #tpu.memory_space<semaphore_mem>>) src(%dma_wait3A_51 : memref<632x16xf32, #tpu.memory_space<vmem_shared>>) dst(%dma_wait3A_49 : memref<632x16xf32, #tpu.memory_space<hbm>>)
      tpu.yield
    }) : () -> ()
    return
  }
}

#map = affine_map<(d0, d1) -> (0)>
#map1 = affine_map<(d0, d1) -> (0, 0)>
#map2 = affine_map<(d0, d1) -> (0, 0, 0)>
module attributes {stable_mosaic.version = 14 : i64} {
  func.func @k(%arg0: i32, %arg1: i32, %arg2: memref<320128xi32, #tpu.memory_space<hbm>>, %arg3: memref<320128xi32, #tpu.memory_space<hbm>>, %arg4: memref<10000x128xf32, #tpu.memory_space<hbm>>, %arg5: memref<2x10112x128xf32, #tpu.memory_space<hbm>>, %arg6: memref<128xi32, #tpu.memory_space<vmem>>, %arg7: memref<128xi32, #tpu.memory_space<vmem>>, %arg8: memref<128xi32, #tpu.memory_space<vmem>>, %arg9: memref<128xi32, #tpu.memory_space<vmem>>, %arg10: memref<128x128xf32, #tpu.memory_space<vmem>>, %arg11: memref<128x128xf32, #tpu.memory_space<vmem>>, %arg12: memref<16xi32, #tpu.memory_space<vmem>>, %arg13: memref<16xi32, #tpu.memory_space<vmem>>, %arg14: memref<16x128xf32, #tpu.memory_space<vmem>>, %arg15: memref<8xi32, #tpu.memory_space<vmem>>, %arg16: memref<8xi32, #tpu.memory_space<vmem>>, %arg17: memref<8x128xf32, #tpu.memory_space<vmem>>, %arg18: memref<8x128xf32, #tpu.memory_space<vmem>>, %arg19: memref<10112x128xf32, #tpu.memory_space<vmem_shared>>, %arg20: memref<!tpu.dma_semaphore, #tpu.memory_space<semaphore_mem>>, %arg21: memref<!tpu.dma_semaphore, #tpu.memory_space<semaphore_mem>>) attributes {dimension_semantics = [#tpu.dimension_semantics<core_parallel>, #tpu.dimension_semantics<subcore_parallel>], iteration_bounds = array<i64: 2, 16>, scalar_prefetch = 0 : i64, scratch_operands = 16 : i64, tpu.core_type = #tpu.core_type<sc_vector_subcore>, window_params = [{transform_indices = #map}, {transform_indices = #map}, {transform_indices = #map1}, {transform_indices = #map2}]} {
    %mul3A = arith.constant 2 : i32
    %mul3A_0 = arith.muli %arg1, %mul3A : i32
    %add3A = arith.addi %mul3A_0, %arg0 : i32
    %scan3A = arith.constant 0 : i32
    %scan3A_1 = arith.constant 0 : i32
    %scan3A_2 = arith.constant 64 : i32
    %scan3A_3 = arith.addi %scan3A_1, %scan3A_2 : i32
    %scan3A_4 = arith.constant 1 : i32
    %scan3A_5 = scf.for %scan3A_43 = %scan3A_1 to %scan3A_3 step %scan3A_4 iter_args(%scan3A_44 = %scan3A) -> (i32)  : i32 {
      %jit3A = arith.constant 8 : i32
      %div3A = arith.divsi %scan3A_43, %jit3A : i32
      %sign3A = arith.constant 0 : i32
      %sign3A_45 = arith.cmpi sgt, %scan3A_43, %sign3A : i32
      %sign3A_46 = arith.extui %sign3A_45 : i1 to i32
      %sign3A_47 = arith.constant 0 : i32
      %sign3A_48 = arith.cmpi slt, %scan3A_43, %sign3A_47 : i32
      %sign3A_49 = arith.extui %sign3A_48 : i1 to i32
      %sign3A_50 = arith.subi %sign3A_46, %sign3A_49 : i32
      %sign3A_51 = arith.constant 0 : i32
      %sign3A_52 = arith.cmpi sgt, %jit3A, %sign3A_51 : i32
      %sign3A_53 = arith.extui %sign3A_52 : i1 to i32
      %sign3A_54 = arith.constant 0 : i32
      %sign3A_55 = arith.cmpi slt, %jit3A, %sign3A_54 : i32
      %sign3A_56 = arith.extui %sign3A_55 : i1 to i32
      %sign3A_57 = arith.subi %sign3A_53, %sign3A_56 : i32
      %ne3A = arith.cmpi ne, %sign3A_50, %sign3A_57 : i32
      %rem3A = arith.remsi %scan3A_43, %jit3A : i32
      %ne3A_58 = arith.constant 0 : i32
      %ne3A_59 = arith.cmpi ne, %rem3A, %ne3A_58 : i32
      %and3A = arith.andi %ne3A, %ne3A_59 : i1
      %sub3A = arith.constant 1 : i32
      %sub3A_60 = arith.subi %div3A, %sub3A : i32
      %select_n3A = arith.select %and3A, %sub3A_60, %div3A : i32
      %jit3A_61 = arith.constant 8 : i32
      %eq3A = arith.constant 0 : i32
      %eq3A_62 = arith.cmpi eq, %jit3A_61, %eq3A : i32
      %jit3A_63 = arith.constant 1 : i32
      %select_n3A_64 = arith.select %eq3A_62, %jit3A_63, %jit3A_61 : i32
      %rem3A_65 = arith.remsi %scan3A_43, %select_n3A_64 : i32
      %ne3A_66 = arith.constant 0 : i32
      %ne3A_67 = arith.cmpi ne, %rem3A_65, %ne3A_66 : i32
      %lt3A = arith.constant 0 : i32
      %lt3A_68 = arith.cmpi slt, %rem3A_65, %lt3A : i32
      %lt3A_69 = arith.constant 0 : i32
      %lt3A_70 = arith.cmpi slt, %select_n3A_64, %lt3A_69 : i32
      %ne3A_71 = arith.xori %lt3A_68, %lt3A_70 : i1
      %and3A_72 = arith.andi %ne3A_71, %ne3A_67 : i1
      %add3A_73 = arith.addi %rem3A_65, %select_n3A_64 : i32
      %select_n3A_74 = arith.select %and3A_72, %add3A_73, %rem3A_65 : i32
      %broadcast_in_dim3A = arith.constant 0.000000e+00 : f32
      %broadcast_in_dim3A_75 = vector.broadcast %broadcast_in_dim3A : f32 to vector<16xf32>
      %mul3A_76 = arith.constant 16 : i32
      %mul3A_77 = arith.muli %select_n3A_74, %mul3A_76 : i32
      %swap3A = arith.index_cast %select_n3A : i32 to index
      %swap3A_78 = arith.index_cast %mul3A_77 : i32 to index
      %swap3A_79 = tpu.vector_load %arg18[%swap3A, %swap3A_78] {strides = array<i32>} : memref<8x128xf32, #tpu.memory_space<vmem>>, vector<1x16xf32>,
      %swap3A_80 = vector.shape_cast %swap3A_79 : vector<1x16xf32> to vector<16xf32>
      %swap3A_81 = vector.shape_cast %broadcast_in_dim3A_75 : vector<16xf32> to vector<1x16xf32>
      tpu.vector_store %arg18[%swap3A, %swap3A_78], %swap3A_81 {strides = array<i32>} : memref<8x128xf32, #tpu.memory_space<vmem>>, vector<1x16xf32>,
      %scan3A_82 = arith.constant 0 : i32
      scf.yield %scan3A_82 : i32
    }
    %scan3A_6 = arith.constant 64 : i32
    %scan3A_7 = arith.constant 0 : i32
    %scan3A_8 = arith.constant 0 : i32
    %scan3A_9 = arith.constant 79 : i32
    %scan3A_10 = arith.addi %scan3A_8, %scan3A_9 : i32
    %scan3A_11 = arith.constant 1 : i32
    %scan3A_12 = scf.for %scan3A_43 = %scan3A_8 to %scan3A_10 step %scan3A_11 iter_args(%scan3A_44 = %scan3A_7) -> (i32)  : i32 {
      %mul3A_45 = arith.constant 632 : i32
      %mul3A_46 = arith.muli %arg1, %mul3A_45 : i32
      %mul3A_47 = arith.constant 8 : i32
      %mul3A_48 = arith.muli %scan3A_43, %mul3A_47 : i32
      %add3A_49 = arith.addi %mul3A_46, %mul3A_48 : i32
      "tpu.region"() ({
        %run_scoped3A = tpu.sem_alloc : memref<!tpu.dma_semaphore, #tpu.memory_space<semaphore_mem>>
        %dma_start3A_51 = arith.constant 0 : i32
        %dma_start3A_52 = tpu.memref_slice %arg19[%add3A_49, %dma_start3A_51] : memref<10112x128xf32, #tpu.memory_space<vmem_shared>> -> memref<8x128xf32, #tpu.memory_space<vmem_shared>>
        %dma_start3A_53 = arith.constant 0 : i32
        %dma_start3A_54 = tpu.memref_slice %arg19[%add3A_49, %dma_start3A_53] : memref<10112x128xf32, #tpu.memory_space<vmem_shared>> -> memref<8x128xf32, #tpu.memory_space<vmem_shared>>
        tpu.enqueue_dma source(%arg18 : memref<8x128xf32, #tpu.memory_space<vmem>>) target(%dma_start3A_54 : memref<8x128xf32, #tpu.memory_space<vmem_shared>>) target_semaphore(%run_scoped3A : memref<!tpu.dma_semaphore, #tpu.memory_space<semaphore_mem>>)
        %dma_wait3A_55 = arith.constant 0 : i32
        %dma_wait3A_56 = tpu.memref_slice %arg19[%add3A_49, %dma_wait3A_55] : memref<10112x128xf32, #tpu.memory_space<vmem_shared>> -> memref<8x128xf32, #tpu.memory_space<vmem_shared>>
        %dma_wait3A_57 = arith.constant 0 : i32
        %dma_wait3A_58 = tpu.memref_slice %arg19[%add3A_49, %dma_wait3A_57] : memref<10112x128xf32, #tpu.memory_space<vmem_shared>> -> memref<8x128xf32, #tpu.memory_space<vmem_shared>>
        tpu.wait_dma2 semaphore(%run_scoped3A : memref<!tpu.dma_semaphore, #tpu.memory_space<semaphore_mem>>) src(%arg18 : memref<8x128xf32, #tpu.memory_space<vmem>>) dst(%dma_wait3A_58 : memref<8x128xf32, #tpu.memory_space<vmem_shared>>)
        tpu.yield
      }) : () -> ()
      %scan3A_50 = arith.constant 0 : i32
      scf.yield %scan3A_50 : i32
    }
    %scan3A_13 = arith.constant 79 : i32
    %mul3A_14 = arith.constant 10000 : i32
    %mul3A_15 = arith.muli %add3A, %mul3A_14 : i32
    %multiple_of3A = tpu.assume_multiple %mul3A_15, 8 : i32
    "tpu.region"() ({
      %run_scoped3A = tpu.sem_alloc : memref<!tpu.dma_semaphore, #tpu.memory_space<semaphore_mem>>
      %dma_start3A_43 = tpu.memref_slice %arg2[%multiple_of3A] : memref<320128xi32, #tpu.memory_space<hbm>> -> memref<128xi32, #tpu.memory_space<hbm>>
      %dma_start3A_44 = tpu.memref_slice %arg2[%multiple_of3A] : memref<320128xi32, #tpu.memory_space<hbm>> -> memref<128xi32, #tpu.memory_space<hbm>>
      tpu.enqueue_dma source(%dma_start3A_44 : memref<128xi32, #tpu.memory_space<hbm>>) target(%arg6 : memref<128xi32, #tpu.memory_space<vmem>>) target_semaphore(%run_scoped3A : memref<!tpu.dma_semaphore, #tpu.memory_space<semaphore_mem>>)
      %dma_wait3A_45 = tpu.memref_slice %arg2[%multiple_of3A] : memref<320128xi32, #tpu.memory_space<hbm>> -> memref<128xi32, #tpu.memory_space<hbm>>
      %dma_wait3A_46 = tpu.memref_slice %arg2[%multiple_of3A] : memref<320128xi32, #tpu.memory_space<hbm>> -> memref<128xi32, #tpu.memory_space<hbm>>
      tpu.wait_dma2 semaphore(%run_scoped3A : memref<!tpu.dma_semaphore, #tpu.memory_space<semaphore_mem>>) src(%dma_wait3A_46 : memref<128xi32, #tpu.memory_space<hbm>>) dst(%arg6 : memref<128xi32, #tpu.memory_space<vmem>>)
      tpu.yield
    }) : () -> ()
    "tpu.region"() ({
      %run_scoped3A = tpu.sem_alloc : memref<!tpu.dma_semaphore, #tpu.memory_space<semaphore_mem>>
      %dma_start3A_43 = tpu.memref_slice %arg3[%multiple_of3A] : memref<320128xi32, #tpu.memory_space<hbm>> -> memref<128xi32, #tpu.memory_space<hbm>>
      %dma_start3A_44 = tpu.memref_slice %arg3[%multiple_of3A] : memref<320128xi32, #tpu.memory_space<hbm>> -> memref<128xi32, #tpu.memory_space<hbm>>
      tpu.enqueue_dma source(%dma_start3A_44 : memref<128xi32, #tpu.memory_space<hbm>>) target(%arg8 : memref<128xi32, #tpu.memory_space<vmem>>) target_semaphore(%run_scoped3A : memref<!tpu.dma_semaphore, #tpu.memory_space<semaphore_mem>>)
      %dma_wait3A_45 = tpu.memref_slice %arg3[%multiple_of3A] : memref<320128xi32, #tpu.memory_space<hbm>> -> memref<128xi32, #tpu.memory_space<hbm>>
      %dma_wait3A_46 = tpu.memref_slice %arg3[%multiple_of3A] : memref<320128xi32, #tpu.memory_space<hbm>> -> memref<128xi32, #tpu.memory_space<hbm>>
      tpu.wait_dma2 semaphore(%run_scoped3A : memref<!tpu.dma_semaphore, #tpu.memory_space<semaphore_mem>>) src(%dma_wait3A_46 : memref<128xi32, #tpu.memory_space<hbm>>) dst(%arg8 : memref<128xi32, #tpu.memory_space<vmem>>)
      tpu.yield
    }) : () -> ()
    %dma_start3A = arith.constant 0 : i32
    %dma_start3A_16 = arith.constant 0 : i32
    %dma_start3A_17 = tpu.memref_slice %arg4[%dma_start3A, %dma_start3A_16] : memref<10000x128xf32, #tpu.memory_space<hbm>> -> memref<10000x128xf32, #tpu.memory_space<hbm>>
    tpu.enqueue_indirect_dma source(%dma_start3A_17 : memref<10000x128xf32, #tpu.memory_space<hbm>>) target(%arg10 : memref<128x128xf32, #tpu.memory_space<vmem>>) offsets(%arg6 : memref<128xi32, #tpu.memory_space<vmem>>) semaphore(%arg20 : memref<!tpu.dma_semaphore, #tpu.memory_space<semaphore_mem>>)
    %barrier3A = arith.constant 0 : index
    tpu.barrier barrier_id(%barrier3A)
    %scan3A_18 = arith.constant 0 : i32
    %scan3A_19 = arith.constant 0 : i32
    %scan3A_20 = arith.constant 39 : i32
    %scan3A_21 = arith.addi %scan3A_19, %scan3A_20 : i32
    %scan3A_22 = arith.constant 1 : i32
    %scan3A_23 = scf.for %scan3A_43 = %scan3A_19 to %scan3A_21 step %scan3A_22 iter_args(%scan3A_44 = %scan3A_18) -> (i32)  : i32 {
      %mul3A_45 = arith.constant 2 : i32
      %mul3A_46 = arith.muli %mul3A_45, %scan3A_43 : i32
      %mul3A_47 = arith.constant 10000 : i32
      %mul3A_48 = arith.muli %add3A, %mul3A_47 : i32
      %add3A_49 = arith.constant 1 : i32
      %add3A_50 = arith.addi %mul3A_46, %add3A_49 : i32
      %mul3A_51 = arith.constant 128 : i32
      %mul3A_52 = arith.muli %add3A_50, %mul3A_51 : i32
      %add3A_53 = arith.addi %mul3A_48, %mul3A_52 : i32
      %multiple_of3A_54 = tpu.assume_multiple %add3A_53, 8 : i32
      "tpu.region"() ({
        %run_scoped3A = tpu.sem_alloc : memref<!tpu.dma_semaphore, #tpu.memory_space<semaphore_mem>>
        %dma_start3A_76 = tpu.memref_slice %arg2[%multiple_of3A_54] : memref<320128xi32, #tpu.memory_space<hbm>> -> memref<128xi32, #tpu.memory_space<hbm>>
        %dma_start3A_77 = tpu.memref_slice %arg2[%multiple_of3A_54] : memref<320128xi32, #tpu.memory_space<hbm>> -> memref<128xi32, #tpu.memory_space<hbm>>
        tpu.enqueue_dma source(%dma_start3A_77 : memref<128xi32, #tpu.memory_space<hbm>>) target(%arg7 : memref<128xi32, #tpu.memory_space<vmem>>) target_semaphore(%run_scoped3A : memref<!tpu.dma_semaphore, #tpu.memory_space<semaphore_mem>>)
        %dma_wait3A_78 = tpu.memref_slice %arg2[%multiple_of3A_54] : memref<320128xi32, #tpu.memory_space<hbm>> -> memref<128xi32, #tpu.memory_space<hbm>>
        %dma_wait3A_79 = tpu.memref_slice %arg2[%multiple_of3A_54] : memref<320128xi32, #tpu.memory_space<hbm>> -> memref<128xi32, #tpu.memory_space<hbm>>
        tpu.wait_dma2 semaphore(%run_scoped3A : memref<!tpu.dma_semaphore, #tpu.memory_space<semaphore_mem>>) src(%dma_wait3A_79 : memref<128xi32, #tpu.memory_space<hbm>>) dst(%arg7 : memref<128xi32, #tpu.memory_space<vmem>>)
        tpu.yield
      }) : () -> ()
      "tpu.region"() ({
        %run_scoped3A = tpu.sem_alloc : memref<!tpu.dma_semaphore, #tpu.memory_space<semaphore_mem>>
        %dma_start3A_76 = tpu.memref_slice %arg3[%multiple_of3A_54] : memref<320128xi32, #tpu.memory_space<hbm>> -> memref<128xi32, #tpu.memory_space<hbm>>
        %dma_start3A_77 = tpu.memref_slice %arg3[%multiple_of3A_54] : memref<320128xi32, #tpu.memory_space<hbm>> -> memref<128xi32, #tpu.memory_space<hbm>>
        tpu.enqueue_dma source(%dma_start3A_77 : memref<128xi32, #tpu.memory_space<hbm>>) target(%arg9 : memref<128xi32, #tpu.memory_space<vmem>>) target_semaphore(%run_scoped3A : memref<!tpu.dma_semaphore, #tpu.memory_space<semaphore_mem>>)
        %dma_wait3A_78 = tpu.memref_slice %arg3[%multiple_of3A_54] : memref<320128xi32, #tpu.memory_space<hbm>> -> memref<128xi32, #tpu.memory_space<hbm>>
        %dma_wait3A_79 = tpu.memref_slice %arg3[%multiple_of3A_54] : memref<320128xi32, #tpu.memory_space<hbm>> -> memref<128xi32, #tpu.memory_space<hbm>>
        tpu.wait_dma2 semaphore(%run_scoped3A : memref<!tpu.dma_semaphore, #tpu.memory_space<semaphore_mem>>) src(%dma_wait3A_79 : memref<128xi32, #tpu.memory_space<hbm>>) dst(%arg9 : memref<128xi32, #tpu.memory_space<vmem>>)
        tpu.yield
      }) : () -> ()
      %dma_start3A_55 = arith.constant 0 : i32
      %dma_start3A_56 = arith.constant 0 : i32
      %dma_start3A_57 = tpu.memref_slice %arg4[%dma_start3A_55, %dma_start3A_56] : memref<10000x128xf32, #tpu.memory_space<hbm>> -> memref<10000x128xf32, #tpu.memory_space<hbm>>
      tpu.enqueue_indirect_dma source(%dma_start3A_57 : memref<10000x128xf32, #tpu.memory_space<hbm>>) target(%arg11 : memref<128x128xf32, #tpu.memory_space<vmem>>) offsets(%arg7 : memref<128xi32, #tpu.memory_space<vmem>>) semaphore(%arg21 : memref<!tpu.dma_semaphore, #tpu.memory_space<semaphore_mem>>)
      %dma_wait3A_58 = arith.constant 0 : i32
      %dma_wait3A_59 = arith.constant 0 : i32
      %dma_wait3A_60 = tpu.memref_slice %arg4[%dma_wait3A_58, %dma_wait3A_59] : memref<10000x128xf32, #tpu.memory_space<hbm>> -> memref<10000x128xf32, #tpu.memory_space<hbm>>
      tpu.wait_indirect_dma semaphore(%arg20 : memref<!tpu.dma_semaphore, #tpu.memory_space<semaphore_mem>>) src(%dma_wait3A_60 : memref<10000x128xf32, #tpu.memory_space<hbm>>) dst(%arg10 : memref<128x128xf32, #tpu.memory_space<vmem>>)
      "tpu.region"() ({
        %run_scoped3A = tpu.sem_alloc : memref<!tpu.dma_semaphore, #tpu.memory_space<semaphore_mem>>
        %dma_start3A_76 = arith.constant 0 : i32
        %dma_start3A_77 = arith.constant 0 : i32
        %dma_start3A_78 = tpu.memref_slice %arg19[%dma_start3A_76, %dma_start3A_77] : memref<10112x128xf32, #tpu.memory_space<vmem_shared>> -> memref<10112x128xf32, #tpu.memory_space<vmem_shared>>
        tpu.enqueue_indirect_dma source(%arg10 : memref<128x128xf32, #tpu.memory_space<vmem>>) target(%dma_start3A_78 : memref<10112x128xf32, #tpu.memory_space<vmem_shared>>) offsets(%arg8 : memref<128xi32, #tpu.memory_space<vmem>>) semaphore(%run_scoped3A : memref<!tpu.dma_semaphore, #tpu.memory_space<semaphore_mem>>) {add = true}
        %dma_wait3A_79 = arith.constant 0 : i32
        %dma_wait3A_80 = arith.constant 0 : i32
        %dma_wait3A_81 = tpu.memref_slice %arg19[%dma_wait3A_79, %dma_wait3A_80] : memref<10112x128xf32, #tpu.memory_space<vmem_shared>> -> memref<10112x128xf32, #tpu.memory_space<vmem_shared>>
        tpu.wait_indirect_dma semaphore(%run_scoped3A : memref<!tpu.dma_semaphore, #tpu.memory_space<semaphore_mem>>) src(%arg10 : memref<128x128xf32, #tpu.memory_space<vmem>>) dst(%dma_wait3A_81 : memref<10112x128xf32, #tpu.memory_space<vmem_shared>>)
        tpu.yield
      }) : () -> ()
      %mul3A_61 = arith.constant 10000 : i32
      %mul3A_62 = arith.muli %add3A, %mul3A_61 : i32
      %add3A_63 = arith.constant 2 : i32
      %add3A_64 = arith.addi %mul3A_46, %add3A_63 : i32
      %mul3A_65 = arith.constant 128 : i32
      %mul3A_66 = arith.muli %add3A_64, %mul3A_65 : i32
      %add3A_67 = arith.addi %mul3A_62, %mul3A_66 : i32
      %multiple_of3A_68 = tpu.assume_multiple %add3A_67, 8 : i32
      "tpu.region"() ({
        %run_scoped3A = tpu.sem_alloc : memref<!tpu.dma_semaphore, #tpu.memory_space<semaphore_mem>>
        %dma_start3A_76 = tpu.memref_slice %arg2[%multiple_of3A_68] : memref<320128xi32, #tpu.memory_space<hbm>> -> memref<128xi32, #tpu.memory_space<hbm>>
        %dma_start3A_77 = tpu.memref_slice %arg2[%multiple_of3A_68] : memref<320128xi32, #tpu.memory_space<hbm>> -> memref<128xi32, #tpu.memory_space<hbm>>
        tpu.enqueue_dma source(%dma_start3A_77 : memref<128xi32, #tpu.memory_space<hbm>>) target(%arg6 : memref<128xi32, #tpu.memory_space<vmem>>) target_semaphore(%run_scoped3A : memref<!tpu.dma_semaphore, #tpu.memory_space<semaphore_mem>>)
        %dma_wait3A_78 = tpu.memref_slice %arg2[%multiple_of3A_68] : memref<320128xi32, #tpu.memory_space<hbm>> -> memref<128xi32, #tpu.memory_space<hbm>>
        %dma_wait3A_79 = tpu.memref_slice %arg2[%multiple_of3A_68] : memref<320128xi32, #tpu.memory_space<hbm>> -> memref<128xi32, #tpu.memory_space<hbm>>
        tpu.wait_dma2 semaphore(%run_scoped3A : memref<!tpu.dma_semaphore, #tpu.memory_space<semaphore_mem>>) src(%dma_wait3A_79 : memref<128xi32, #tpu.memory_space<hbm>>) dst(%arg6 : memref<128xi32, #tpu.memory_space<vmem>>)
        tpu.yield
      }) : () -> ()
      "tpu.region"() ({
        %run_scoped3A = tpu.sem_alloc : memref<!tpu.dma_semaphore, #tpu.memory_space<semaphore_mem>>
        %dma_start3A_76 = tpu.memref_slice %arg3[%multiple_of3A_68] : memref<320128xi32, #tpu.memory_space<hbm>> -> memref<128xi32, #tpu.memory_space<hbm>>
        %dma_start3A_77 = tpu.memref_slice %arg3[%multiple_of3A_68] : memref<320128xi32, #tpu.memory_space<hbm>> -> memref<128xi32, #tpu.memory_space<hbm>>
        tpu.enqueue_dma source(%dma_start3A_77 : memref<128xi32, #tpu.memory_space<hbm>>) target(%arg8 : memref<128xi32, #tpu.memory_space<vmem>>) target_semaphore(%run_scoped3A : memref<!tpu.dma_semaphore, #tpu.memory_space<semaphore_mem>>)
        %dma_wait3A_78 = tpu.memref_slice %arg3[%multiple_of3A_68] : memref<320128xi32, #tpu.memory_space<hbm>> -> memref<128xi32, #tpu.memory_space<hbm>>
        %dma_wait3A_79 = tpu.memref_slice %arg3[%multiple_of3A_68] : memref<320128xi32, #tpu.memory_space<hbm>> -> memref<128xi32, #tpu.memory_space<hbm>>
        tpu.wait_dma2 semaphore(%run_scoped3A : memref<!tpu.dma_semaphore, #tpu.memory_space<semaphore_mem>>) src(%dma_wait3A_79 : memref<128xi32, #tpu.memory_space<hbm>>) dst(%arg8 : memref<128xi32, #tpu.memory_space<vmem>>)
        tpu.yield
      }) : () -> ()
      %dma_start3A_69 = arith.constant 0 : i32
      %dma_start3A_70 = arith.constant 0 : i32
      %dma_start3A_71 = tpu.memref_slice %arg4[%dma_start3A_69, %dma_start3A_70] : memref<10000x128xf32, #tpu.memory_space<hbm>> -> memref<10000x128xf32, #tpu.memory_space<hbm>>
      tpu.enqueue_indirect_dma source(%dma_start3A_71 : memref<10000x128xf32, #tpu.memory_space<hbm>>) target(%arg10 : memref<128x128xf32, #tpu.memory_space<vmem>>) offsets(%arg6 : memref<128xi32, #tpu.memory_space<vmem>>) semaphore(%arg20 : memref<!tpu.dma_semaphore, #tpu.memory_space<semaphore_mem>>)
      %dma_wait3A_72 = arith.constant 0 : i32
      %dma_wait3A_73 = arith.constant 0 : i32
      %dma_wait3A_74 = tpu.memref_slice %arg4[%dma_wait3A_72, %dma_wait3A_73] : memref<10000x128xf32, #tpu.memory_space<hbm>> -> memref<10000x128xf32, #tpu.memory_space<hbm>>
      tpu.wait_indirect_dma semaphore(%arg21 : memref<!tpu.dma_semaphore, #tpu.memory_space<semaphore_mem>>) src(%dma_wait3A_74 : memref<10000x128xf32, #tpu.memory_space<hbm>>) dst(%arg11 : memref<128x128xf32, #tpu.memory_space<vmem>>)
      "tpu.region"() ({
        %run_scoped3A = tpu.sem_alloc : memref<!tpu.dma_semaphore, #tpu.memory_space<semaphore_mem>>
        %dma_start3A_76 = arith.constant 0 : i32
        %dma_start3A_77 = arith.constant 0 : i32
        %dma_start3A_78 = tpu.memref_slice %arg19[%dma_start3A_76, %dma_start3A_77] : memref<10112x128xf32, #tpu.memory_space<vmem_shared>> -> memref<10112x128xf32, #tpu.memory_space<vmem_shared>>
        tpu.enqueue_indirect_dma source(%arg11 : memref<128x128xf32, #tpu.memory_space<vmem>>) target(%dma_start3A_78 : memref<10112x128xf32, #tpu.memory_space<vmem_shared>>) offsets(%arg9 : memref<128xi32, #tpu.memory_space<vmem>>) semaphore(%run_scoped3A : memref<!tpu.dma_semaphore, #tpu.memory_space<semaphore_mem>>) {add = true}
        %dma_wait3A_79 = arith.constant 0 : i32
        %dma_wait3A_80 = arith.constant 0 : i32
        %dma_wait3A_81 = tpu.memref_slice %arg19[%dma_wait3A_79, %dma_wait3A_80] : memref<10112x128xf32, #tpu.memory_space<vmem_shared>> -> memref<10112x128xf32, #tpu.memory_space<vmem_shared>>
        tpu.wait_indirect_dma semaphore(%run_scoped3A : memref<!tpu.dma_semaphore, #tpu.memory_space<semaphore_mem>>) src(%arg11 : memref<128x128xf32, #tpu.memory_space<vmem>>) dst(%dma_wait3A_81 : memref<10112x128xf32, #tpu.memory_space<vmem_shared>>)
        tpu.yield
      }) : () -> ()
      %scan3A_75 = arith.constant 0 : i32
      scf.yield %scan3A_75 : i32
    }
    %scan3A_24 = arith.constant 39 : i32
    %dma_wait3A = arith.constant 0 : i32
    %dma_wait3A_25 = arith.constant 0 : i32
    %dma_wait3A_26 = tpu.memref_slice %arg4[%dma_wait3A, %dma_wait3A_25] : memref<10000x128xf32, #tpu.memory_space<hbm>> -> memref<10000x128xf32, #tpu.memory_space<hbm>>
    tpu.wait_indirect_dma semaphore(%arg20 : memref<!tpu.dma_semaphore, #tpu.memory_space<semaphore_mem>>) src(%dma_wait3A_26 : memref<10000x128xf32, #tpu.memory_space<hbm>>) dst(%arg10 : memref<128x128xf32, #tpu.memory_space<vmem>>)
    %mul3A_27 = arith.constant 10000 : i32
    %mul3A_28 = arith.muli %add3A, %mul3A_27 : i32
    %add3A_29 = arith.constant 9984 : i32
    %add3A_30 = arith.addi %mul3A_28, %add3A_29 : i32
    %multiple_of3A_31 = tpu.assume_multiple %add3A_30, 8 : i32
    "tpu.region"() ({
      %run_scoped3A = tpu.sem_alloc : memref<!tpu.dma_semaphore, #tpu.memory_space<semaphore_mem>>
      %dma_start3A_43 = tpu.memref_slice %arg2[%multiple_of3A_31] : memref<320128xi32, #tpu.memory_space<hbm>> -> memref<16xi32, #tpu.memory_space<hbm>>
      %dma_start3A_44 = tpu.memref_slice %arg2[%multiple_of3A_31] : memref<320128xi32, #tpu.memory_space<hbm>> -> memref<16xi32, #tpu.memory_space<hbm>>
      tpu.enqueue_dma source(%dma_start3A_44 : memref<16xi32, #tpu.memory_space<hbm>>) target(%arg12 : memref<16xi32, #tpu.memory_space<vmem>>) target_semaphore(%run_scoped3A : memref<!tpu.dma_semaphore, #tpu.memory_space<semaphore_mem>>)
      %dma_wait3A_45 = tpu.memref_slice %arg2[%multiple_of3A_31] : memref<320128xi32, #tpu.memory_space<hbm>> -> memref<16xi32, #tpu.memory_space<hbm>>
      %dma_wait3A_46 = tpu.memref_slice %arg2[%multiple_of3A_31] : memref<320128xi32, #tpu.memory_space<hbm>> -> memref<16xi32, #tpu.memory_space<hbm>>
      tpu.wait_dma2 semaphore(%run_scoped3A : memref<!tpu.dma_semaphore, #tpu.memory_space<semaphore_mem>>) src(%dma_wait3A_46 : memref<16xi32, #tpu.memory_space<hbm>>) dst(%arg12 : memref<16xi32, #tpu.memory_space<vmem>>)
      tpu.yield
    }) : () -> ()
    "tpu.region"() ({
      %run_scoped3A = tpu.sem_alloc : memref<!tpu.dma_semaphore, #tpu.memory_space<semaphore_mem>>
      %dma_start3A_43 = tpu.memref_slice %arg3[%multiple_of3A_31] : memref<320128xi32, #tpu.memory_space<hbm>> -> memref<16xi32, #tpu.memory_space<hbm>>
      %dma_start3A_44 = tpu.memref_slice %arg3[%multiple_of3A_31] : memref<320128xi32, #tpu.memory_space<hbm>> -> memref<16xi32, #tpu.memory_space<hbm>>
      tpu.enqueue_dma source(%dma_start3A_44 : memref<16xi32, #tpu.memory_space<hbm>>) target(%arg13 : memref<16xi32, #tpu.memory_space<vmem>>) target_semaphore(%run_scoped3A : memref<!tpu.dma_semaphore, #tpu.memory_space<semaphore_mem>>)
      %dma_wait3A_45 = tpu.memref_slice %arg3[%multiple_of3A_31] : memref<320128xi32, #tpu.memory_space<hbm>> -> memref<16xi32, #tpu.memory_space<hbm>>
      %dma_wait3A_46 = tpu.memref_slice %arg3[%multiple_of3A_31] : memref<320128xi32, #tpu.memory_space<hbm>> -> memref<16xi32, #tpu.memory_space<hbm>>
      tpu.wait_dma2 semaphore(%run_scoped3A : memref<!tpu.dma_semaphore, #tpu.memory_space<semaphore_mem>>) src(%dma_wait3A_46 : memref<16xi32, #tpu.memory_space<hbm>>) dst(%arg13 : memref<16xi32, #tpu.memory_space<vmem>>)
      tpu.yield
    }) : () -> ()
    %dma_start3A_32 = arith.constant 0 : i32
    %dma_start3A_33 = arith.constant 0 : i32
    %dma_start3A_34 = tpu.memref_slice %arg4[%dma_start3A_32, %dma_start3A_33] : memref<10000x128xf32, #tpu.memory_space<hbm>> -> memref<10000x128xf32, #tpu.memory_space<hbm>>
    tpu.enqueue_indirect_dma source(%dma_start3A_34 : memref<10000x128xf32, #tpu.memory_space<hbm>>) target(%arg14 : memref<16x128xf32, #tpu.memory_space<vmem>>) offsets(%arg12 : memref<16xi32, #tpu.memory_space<vmem>>) semaphore(%arg20 : memref<!tpu.dma_semaphore, #tpu.memory_space<semaphore_mem>>)
    %dma_wait3A_35 = arith.constant 0 : i32
    %dma_wait3A_36 = arith.constant 0 : i32
    %dma_wait3A_37 = tpu.memref_slice %arg4[%dma_wait3A_35, %dma_wait3A_36] : memref<10000x128xf32, #tpu.memory_space<hbm>> -> memref<10000x128xf32, #tpu.memory_space<hbm>>
    tpu.wait_indirect_dma semaphore(%arg20 : memref<!tpu.dma_semaphore, #tpu.memory_space<semaphore_mem>>) src(%dma_wait3A_37 : memref<10000x128xf32, #tpu.memory_space<hbm>>) dst(%arg14 : memref<16x128xf32, #tpu.memory_space<vmem>>)
    "tpu.region"() ({
      %run_scoped3A = tpu.sem_alloc : memref<!tpu.dma_semaphore, #tpu.memory_space<semaphore_mem>>
      %dma_start3A_43 = arith.constant 0 : i32
      %dma_start3A_44 = arith.constant 0 : i32
      %dma_start3A_45 = tpu.memref_slice %arg19[%dma_start3A_43, %dma_start3A_44] : memref<10112x128xf32, #tpu.memory_space<vmem_shared>> -> memref<10112x128xf32, #tpu.memory_space<vmem_shared>>
      tpu.enqueue_indirect_dma source(%arg14 : memref<16x128xf32, #tpu.memory_space<vmem>>) target(%dma_start3A_45 : memref<10112x128xf32, #tpu.memory_space<vmem_shared>>) offsets(%arg13 : memref<16xi32, #tpu.memory_space<vmem>>) semaphore(%run_scoped3A : memref<!tpu.dma_semaphore, #tpu.memory_space<semaphore_mem>>) {add = true}
      %dma_wait3A_46 = arith.constant 0 : i32
      %dma_wait3A_47 = arith.constant 0 : i32
      %dma_wait3A_48 = tpu.memref_slice %arg19[%dma_wait3A_46, %dma_wait3A_47] : memref<10112x128xf32, #tpu.memory_space<vmem_shared>> -> memref<10112x128xf32, #tpu.memory_space<vmem_shared>>
      tpu.wait_indirect_dma semaphore(%run_scoped3A : memref<!tpu.dma_semaphore, #tpu.memory_space<semaphore_mem>>) src(%arg14 : memref<16x128xf32, #tpu.memory_space<vmem>>) dst(%dma_wait3A_48 : memref<10112x128xf32, #tpu.memory_space<vmem_shared>>)
      tpu.yield
    }) : () -> ()
    %barrier3A_38 = arith.constant 0 : index
    tpu.barrier barrier_id(%barrier3A_38)
    %mul3A_39 = arith.constant 632 : i32
    %mul3A_40 = arith.muli %arg1, %mul3A_39 : i32
    %mul3A_41 = arith.constant 632 : i32
    %mul3A_42 = arith.muli %arg1, %mul3A_41 : i32
    "tpu.region"() ({
      %run_scoped3A = tpu.sem_alloc : memref<!tpu.dma_semaphore, #tpu.memory_space<semaphore_mem>>
      %dma_start3A_43 = arith.constant 0 : i32
      %dma_start3A_44 = tpu.memref_slice %arg5[%arg0, %mul3A_42, %dma_start3A_43] : memref<2x10112x128xf32, #tpu.memory_space<hbm>> -> memref<1x632x128xf32, #tpu.memory_space<hbm>>
      %dma_start3A_45 = tpu.memref_squeeze %dma_start3A_44 : memref<1x632x128xf32, #tpu.memory_space<hbm>> -> memref<632x128xf32, #tpu.memory_space<hbm>>
      %dma_start3A_46 = arith.constant 0 : i32
      %dma_start3A_47 = tpu.memref_slice %arg19[%mul3A_40, %dma_start3A_46] : memref<10112x128xf32, #tpu.memory_space<vmem_shared>> -> memref<632x128xf32, #tpu.memory_space<vmem_shared>>
      tpu.enqueue_dma source(%dma_start3A_47 : memref<632x128xf32, #tpu.memory_space<vmem_shared>>) target(%dma_start3A_45 : memref<632x128xf32, #tpu.memory_space<hbm>>) target_semaphore(%run_scoped3A : memref<!tpu.dma_semaphore, #tpu.memory_space<semaphore_mem>>)
      %dma_wait3A_48 = arith.constant 0 : i32
      %dma_wait3A_49 = tpu.memref_slice %arg5[%arg0, %mul3A_42, %dma_wait3A_48] : memref<2x10112x128xf32, #tpu.memory_space<hbm>> -> memref<1x632x128xf32, #tpu.memory_space<hbm>>
      %dma_wait3A_50 = tpu.memref_squeeze %dma_wait3A_49 : memref<1x632x128xf32, #tpu.memory_space<hbm>> -> memref<632x128xf32, #tpu.memory_space<hbm>>
      %dma_wait3A_51 = arith.constant 0 : i32
      %dma_wait3A_52 = tpu.memref_slice %arg19[%mul3A_40, %dma_wait3A_51] : memref<10112x128xf32, #tpu.memory_space<vmem_shared>> -> memref<632x128xf32, #tpu.memory_space<vmem_shared>>
      tpu.wait_dma2 semaphore(%run_scoped3A : memref<!tpu.dma_semaphore, #tpu.memory_space<semaphore_mem>>) src(%dma_wait3A_52 : memref<632x128xf32, #tpu.memory_space<vmem_shared>>) dst(%dma_wait3A_50 : memref<632x128xf32, #tpu.memory_space<hbm>>)
      tpu.yield
    }) : () -> ()
    return
  }
}

#map = affine_map<(d0, d1) -> (0)>
#map1 = affine_map<(d0, d1) -> (0, 0)>
#map2 = affine_map<(d0, d1) -> (0, 0, 0)>
module attributes {stable_mosaic.version = 14 : i64} {
  func.func @k(%arg0: i32, %arg1: i32, %arg2: memref<320128xi32, #tpu.memory_space<hbm>>, %arg3: memref<320128xi32, #tpu.memory_space<hbm>>, %arg4: memref<10000x128xf32, #tpu.memory_space<hbm>>, %arg5: memref<2x10112x128xf32, #tpu.memory_space<hbm>>, %arg6: memref<128xi32, #tpu.memory_space<vmem>>, %arg7: memref<128xi32, #tpu.memory_space<vmem>>, %arg8: memref<128xi32, #tpu.memory_space<vmem>>, %arg9: memref<128xi32, #tpu.memory_space<vmem>>, %arg10: memref<128x128xf32, #tpu.memory_space<vmem>>, %arg11: memref<128x128xf32, #tpu.memory_space<vmem>>, %arg12: memref<16xi32, #tpu.memory_space<vmem>>, %arg13: memref<16xi32, #tpu.memory_space<vmem>>, %arg14: memref<16x128xf32, #tpu.memory_space<vmem>>, %arg15: memref<8xi32, #tpu.memory_space<vmem>>, %arg16: memref<8xi32, #tpu.memory_space<vmem>>, %arg17: memref<8x128xf32, #tpu.memory_space<vmem>>, %arg18: memref<8x128xf32, #tpu.memory_space<vmem>>, %arg19: memref<10112x128xf32, #tpu.memory_space<vmem_shared>>, %arg20: memref<!tpu.dma_semaphore, #tpu.memory_space<semaphore_mem>>, %arg21: memref<!tpu.dma_semaphore, #tpu.memory_space<semaphore_mem>>) attributes {dimension_semantics = [#tpu.dimension_semantics<core_parallel>, #tpu.dimension_semantics<subcore_parallel>], iteration_bounds = array<i64: 2, 16>, scalar_prefetch = 0 : i64, scratch_operands = 16 : i64, tpu.core_type = #tpu.core_type<sc_vector_subcore>, window_params = [{transform_indices = #map}, {transform_indices = #map}, {transform_indices = #map1}, {transform_indices = #map2}]} {
    %mul3A = arith.constant 2 : i32
    %mul3A_0 = arith.muli %arg1, %mul3A : i32
    %add3A = arith.addi %mul3A_0, %arg0 : i32
    %scan3A = arith.constant 0 : i32
    %scan3A_1 = arith.constant 0 : i32
    %scan3A_2 = arith.constant 64 : i32
    %scan3A_3 = arith.addi %scan3A_1, %scan3A_2 : i32
    %scan3A_4 = arith.constant 1 : i32
    %scan3A_5 = scf.for %scan3A_43 = %scan3A_1 to %scan3A_3 step %scan3A_4 iter_args(%scan3A_44 = %scan3A) -> (i32)  : i32 {
      %jit3A = arith.constant 8 : i32
      %div3A = arith.divsi %scan3A_43, %jit3A : i32
      %sign3A = arith.constant 0 : i32
      %sign3A_45 = arith.cmpi sgt, %scan3A_43, %sign3A : i32
      %sign3A_46 = arith.extui %sign3A_45 : i1 to i32
      %sign3A_47 = arith.constant 0 : i32
      %sign3A_48 = arith.cmpi slt, %scan3A_43, %sign3A_47 : i32
      %sign3A_49 = arith.extui %sign3A_48 : i1 to i32
      %sign3A_50 = arith.subi %sign3A_46, %sign3A_49 : i32
      %sign3A_51 = arith.constant 0 : i32
      %sign3A_52 = arith.cmpi sgt, %jit3A, %sign3A_51 : i32
      %sign3A_53 = arith.extui %sign3A_52 : i1 to i32
      %sign3A_54 = arith.constant 0 : i32
      %sign3A_55 = arith.cmpi slt, %jit3A, %sign3A_54 : i32
      %sign3A_56 = arith.extui %sign3A_55 : i1 to i32
      %sign3A_57 = arith.subi %sign3A_53, %sign3A_56 : i32
      %ne3A = arith.cmpi ne, %sign3A_50, %sign3A_57 : i32
      %rem3A = arith.remsi %scan3A_43, %jit3A : i32
      %ne3A_58 = arith.constant 0 : i32
      %ne3A_59 = arith.cmpi ne, %rem3A, %ne3A_58 : i32
      %and3A = arith.andi %ne3A, %ne3A_59 : i1
      %sub3A = arith.constant 1 : i32
      %sub3A_60 = arith.subi %div3A, %sub3A : i32
      %select_n3A = arith.select %and3A, %sub3A_60, %div3A : i32
      %jit3A_61 = arith.constant 8 : i32
      %eq3A = arith.constant 0 : i32
      %eq3A_62 = arith.cmpi eq, %jit3A_61, %eq3A : i32
      %jit3A_63 = arith.constant 1 : i32
      %select_n3A_64 = arith.select %eq3A_62, %jit3A_63, %jit3A_61 : i32
      %rem3A_65 = arith.remsi %scan3A_43, %select_n3A_64 : i32
      %ne3A_66 = arith.constant 0 : i32
      %ne3A_67 = arith.cmpi ne, %rem3A_65, %ne3A_66 : i32
      %lt3A = arith.constant 0 : i32
      %lt3A_68 = arith.cmpi slt, %rem3A_65, %lt3A : i32
      %lt3A_69 = arith.constant 0 : i32
      %lt3A_70 = arith.cmpi slt, %select_n3A_64, %lt3A_69 : i32
      %ne3A_71 = arith.xori %lt3A_68, %lt3A_70 : i1
      %and3A_72 = arith.andi %ne3A_71, %ne3A_67 : i1
      %add3A_73 = arith.addi %rem3A_65, %select_n3A_64 : i32
      %select_n3A_74 = arith.select %and3A_72, %add3A_73, %rem3A_65 : i32
      %broadcast_in_dim3A = arith.constant 0.000000e+00 : f32
      %broadcast_in_dim3A_75 = vector.broadcast %broadcast_in_dim3A : f32 to vector<16xf32>
      %mul3A_76 = arith.constant 16 : i32
      %mul3A_77 = arith.muli %select_n3A_74, %mul3A_76 : i32
      %swap3A = arith.index_cast %select_n3A : i32 to index
      %swap3A_78 = arith.index_cast %mul3A_77 : i32 to index
      %swap3A_79 = tpu.vector_load %arg18[%swap3A, %swap3A_78] {strides = array<i32>} : memref<8x128xf32, #tpu.memory_space<vmem>>, vector<1x16xf32>,
      %swap3A_80 = vector.shape_cast %swap3A_79 : vector<1x16xf32> to vector<16xf32>
      %swap3A_81 = vector.shape_cast %broadcast_in_dim3A_75 : vector<16xf32> to vector<1x16xf32>
      tpu.vector_store %arg18[%swap3A, %swap3A_78], %swap3A_81 {strides = array<i32>} : memref<8x128xf32, #tpu.memory_space<vmem>>, vector<1x16xf32>,
      %scan3A_82 = arith.constant 0 : i32
      scf.yield %scan3A_82 : i32
    }
    %scan3A_6 = arith.constant 64 : i32
    %scan3A_7 = arith.constant 0 : i32
    %scan3A_8 = arith.constant 0 : i32
    %scan3A_9 = arith.constant 79 : i32
    %scan3A_10 = arith.addi %scan3A_8, %scan3A_9 : i32
    %scan3A_11 = arith.constant 1 : i32
    %scan3A_12 = scf.for %scan3A_43 = %scan3A_8 to %scan3A_10 step %scan3A_11 iter_args(%scan3A_44 = %scan3A_7) -> (i32)  : i32 {
      %mul3A_45 = arith.constant 632 : i32
      %mul3A_46 = arith.muli %arg1, %mul3A_45 : i32
      %mul3A_47 = arith.constant 8 : i32
      %mul3A_48 = arith.muli %scan3A_43, %mul3A_47 : i32
      %add3A_49 = arith.addi %mul3A_46, %mul3A_48 : i32
      "tpu.region"() ({
        %run_scoped3A = tpu.sem_alloc : memref<!tpu.dma_semaphore, #tpu.memory_space<semaphore_mem>>
        %dma_start3A_51 = arith.constant 0 : i32
        %dma_start3A_52 = tpu.memref_slice %arg19[%add3A_49, %dma_start3A_51] : memref<10112x128xf32, #tpu.memory_space<vmem_shared>> -> memref<8x128xf32, #tpu.memory_space<vmem_shared>>
        %dma_start3A_53 = arith.constant 0 : i32
        %dma_start3A_54 = tpu.memref_slice %arg19[%add3A_49, %dma_start3A_53] : memref<10112x128xf32, #tpu.memory_space<vmem_shared>> -> memref<8x128xf32, #tpu.memory_space<vmem_shared>>
        tpu.enqueue_dma source(%arg18 : memref<8x128xf32, #tpu.memory_space<vmem>>) target(%dma_start3A_54 : memref<8x128xf32, #tpu.memory_space<vmem_shared>>) target_semaphore(%run_scoped3A : memref<!tpu.dma_semaphore, #tpu.memory_space<semaphore_mem>>)
        %dma_wait3A_55 = arith.constant 0 : i32
        %dma_wait3A_56 = tpu.memref_slice %arg19[%add3A_49, %dma_wait3A_55] : memref<10112x128xf32, #tpu.memory_space<vmem_shared>> -> memref<8x128xf32, #tpu.memory_space<vmem_shared>>
        %dma_wait3A_57 = arith.constant 0 : i32
        %dma_wait3A_58 = tpu.memref_slice %arg19[%add3A_49, %dma_wait3A_57] : memref<10112x128xf32, #tpu.memory_space<vmem_shared>> -> memref<8x128xf32, #tpu.memory_space<vmem_shared>>
        tpu.wait_dma2 semaphore(%run_scoped3A : memref<!tpu.dma_semaphore, #tpu.memory_space<semaphore_mem>>) src(%arg18 : memref<8x128xf32, #tpu.memory_space<vmem>>) dst(%dma_wait3A_58 : memref<8x128xf32, #tpu.memory_space<vmem_shared>>)
        tpu.yield
      }) : () -> ()
      %scan3A_50 = arith.constant 0 : i32
      scf.yield %scan3A_50 : i32
    }
    %scan3A_13 = arith.constant 79 : i32
    %mul3A_14 = arith.constant 10000 : i32
    %mul3A_15 = arith.muli %add3A, %mul3A_14 : i32
    %multiple_of3A = tpu.assume_multiple %mul3A_15, 8 : i32
    "tpu.region"() ({
      %run_scoped3A = tpu.sem_alloc : memref<!tpu.dma_semaphore, #tpu.memory_space<semaphore_mem>>
      %dma_start3A_43 = tpu.memref_slice %arg2[%multiple_of3A] : memref<320128xi32, #tpu.memory_space<hbm>> -> memref<128xi32, #tpu.memory_space<hbm>>
      %dma_start3A_44 = tpu.memref_slice %arg2[%multiple_of3A] : memref<320128xi32, #tpu.memory_space<hbm>> -> memref<128xi32, #tpu.memory_space<hbm>>
      tpu.enqueue_dma source(%dma_start3A_44 : memref<128xi32, #tpu.memory_space<hbm>>) target(%arg6 : memref<128xi32, #tpu.memory_space<vmem>>) target_semaphore(%run_scoped3A : memref<!tpu.dma_semaphore, #tpu.memory_space<semaphore_mem>>)
      %dma_wait3A_45 = tpu.memref_slice %arg2[%multiple_of3A] : memref<320128xi32, #tpu.memory_space<hbm>> -> memref<128xi32, #tpu.memory_space<hbm>>
      %dma_wait3A_46 = tpu.memref_slice %arg2[%multiple_of3A] : memref<320128xi32, #tpu.memory_space<hbm>> -> memref<128xi32, #tpu.memory_space<hbm>>
      tpu.wait_dma2 semaphore(%run_scoped3A : memref<!tpu.dma_semaphore, #tpu.memory_space<semaphore_mem>>) src(%dma_wait3A_46 : memref<128xi32, #tpu.memory_space<hbm>>) dst(%arg6 : memref<128xi32, #tpu.memory_space<vmem>>)
      tpu.yield
    }) : () -> ()
    "tpu.region"() ({
      %run_scoped3A = tpu.sem_alloc : memref<!tpu.dma_semaphore, #tpu.memory_space<semaphore_mem>>
      %dma_start3A_43 = tpu.memref_slice %arg3[%multiple_of3A] : memref<320128xi32, #tpu.memory_space<hbm>> -> memref<128xi32, #tpu.memory_space<hbm>>
      %dma_start3A_44 = tpu.memref_slice %arg3[%multiple_of3A] : memref<320128xi32, #tpu.memory_space<hbm>> -> memref<128xi32, #tpu.memory_space<hbm>>
      tpu.enqueue_dma source(%dma_start3A_44 : memref<128xi32, #tpu.memory_space<hbm>>) target(%arg8 : memref<128xi32, #tpu.memory_space<vmem>>) target_semaphore(%run_scoped3A : memref<!tpu.dma_semaphore, #tpu.memory_space<semaphore_mem>>)
      %dma_wait3A_45 = tpu.memref_slice %arg3[%multiple_of3A] : memref<320128xi32, #tpu.memory_space<hbm>> -> memref<128xi32, #tpu.memory_space<hbm>>
      %dma_wait3A_46 = tpu.memref_slice %arg3[%multiple_of3A] : memref<320128xi32, #tpu.memory_space<hbm>> -> memref<128xi32, #tpu.memory_space<hbm>>
      tpu.wait_dma2 semaphore(%run_scoped3A : memref<!tpu.dma_semaphore, #tpu.memory_space<semaphore_mem>>) src(%dma_wait3A_46 : memref<128xi32, #tpu.memory_space<hbm>>) dst(%arg8 : memref<128xi32, #tpu.memory_space<vmem>>)
      tpu.yield
    }) : () -> ()
    %dma_start3A = arith.constant 0 : i32
    %dma_start3A_16 = arith.constant 0 : i32
    %dma_start3A_17 = tpu.memref_slice %arg4[%dma_start3A, %dma_start3A_16] : memref<10000x128xf32, #tpu.memory_space<hbm>> -> memref<10000x128xf32, #tpu.memory_space<hbm>>
    tpu.enqueue_indirect_dma source(%dma_start3A_17 : memref<10000x128xf32, #tpu.memory_space<hbm>>) target(%arg10 : memref<128x128xf32, #tpu.memory_space<vmem>>) offsets(%arg6 : memref<128xi32, #tpu.memory_space<vmem>>) semaphore(%arg20 : memref<!tpu.dma_semaphore, #tpu.memory_space<semaphore_mem>>)
    %barrier3A = arith.constant 0 : index
    tpu.barrier barrier_id(%barrier3A)
    %scan3A_18 = arith.constant 0 : i32
    %scan3A_19 = arith.constant 0 : i32
    %scan3A_20 = arith.constant 39 : i32
    %scan3A_21 = arith.addi %scan3A_19, %scan3A_20 : i32
    %scan3A_22 = arith.constant 1 : i32
    %scan3A_23 = scf.for %scan3A_43 = %scan3A_19 to %scan3A_21 step %scan3A_22 iter_args(%scan3A_44 = %scan3A_18) -> (i32)  : i32 {
      %mul3A_45 = arith.constant 2 : i32
      %mul3A_46 = arith.muli %mul3A_45, %scan3A_43 : i32
      %mul3A_47 = arith.constant 10000 : i32
      %mul3A_48 = arith.muli %add3A, %mul3A_47 : i32
      %add3A_49 = arith.constant 1 : i32
      %add3A_50 = arith.addi %mul3A_46, %add3A_49 : i32
      %mul3A_51 = arith.constant 128 : i32
      %mul3A_52 = arith.muli %add3A_50, %mul3A_51 : i32
      %add3A_53 = arith.addi %mul3A_48, %mul3A_52 : i32
      %multiple_of3A_54 = tpu.assume_multiple %add3A_53, 8 : i32
      "tpu.region"() ({
        %run_scoped3A = tpu.sem_alloc : memref<!tpu.dma_semaphore, #tpu.memory_space<semaphore_mem>>
        %dma_start3A_76 = tpu.memref_slice %arg2[%multiple_of3A_54] : memref<320128xi32, #tpu.memory_space<hbm>> -> memref<128xi32, #tpu.memory_space<hbm>>
        %dma_start3A_77 = tpu.memref_slice %arg2[%multiple_of3A_54] : memref<320128xi32, #tpu.memory_space<hbm>> -> memref<128xi32, #tpu.memory_space<hbm>>
        tpu.enqueue_dma source(%dma_start3A_77 : memref<128xi32, #tpu.memory_space<hbm>>) target(%arg7 : memref<128xi32, #tpu.memory_space<vmem>>) target_semaphore(%run_scoped3A : memref<!tpu.dma_semaphore, #tpu.memory_space<semaphore_mem>>)
        %dma_wait3A_78 = tpu.memref_slice %arg2[%multiple_of3A_54] : memref<320128xi32, #tpu.memory_space<hbm>> -> memref<128xi32, #tpu.memory_space<hbm>>
        %dma_wait3A_79 = tpu.memref_slice %arg2[%multiple_of3A_54] : memref<320128xi32, #tpu.memory_space<hbm>> -> memref<128xi32, #tpu.memory_space<hbm>>
        tpu.wait_dma2 semaphore(%run_scoped3A : memref<!tpu.dma_semaphore, #tpu.memory_space<semaphore_mem>>) src(%dma_wait3A_79 : memref<128xi32, #tpu.memory_space<hbm>>) dst(%arg7 : memref<128xi32, #tpu.memory_space<vmem>>)
        tpu.yield
      }) : () -> ()
      "tpu.region"() ({
        %run_scoped3A = tpu.sem_alloc : memref<!tpu.dma_semaphore, #tpu.memory_space<semaphore_mem>>
        %dma_start3A_76 = tpu.memref_slice %arg3[%multiple_of3A_54] : memref<320128xi32, #tpu.memory_space<hbm>> -> memref<128xi32, #tpu.memory_space<hbm>>
        %dma_start3A_77 = tpu.memref_slice %arg3[%multiple_of3A_54] : memref<320128xi32, #tpu.memory_space<hbm>> -> memref<128xi32, #tpu.memory_space<hbm>>
        tpu.enqueue_dma source(%dma_start3A_77 : memref<128xi32, #tpu.memory_space<hbm>>) target(%arg9 : memref<128xi32, #tpu.memory_space<vmem>>) target_semaphore(%run_scoped3A : memref<!tpu.dma_semaphore, #tpu.memory_space<semaphore_mem>>)
        %dma_wait3A_78 = tpu.memref_slice %arg3[%multiple_of3A_54] : memref<320128xi32, #tpu.memory_space<hbm>> -> memref<128xi32, #tpu.memory_space<hbm>>
        %dma_wait3A_79 = tpu.memref_slice %arg3[%multiple_of3A_54] : memref<320128xi32, #tpu.memory_space<hbm>> -> memref<128xi32, #tpu.memory_space<hbm>>
        tpu.wait_dma2 semaphore(%run_scoped3A : memref<!tpu.dma_semaphore, #tpu.memory_space<semaphore_mem>>) src(%dma_wait3A_79 : memref<128xi32, #tpu.memory_space<hbm>>) dst(%arg9 : memref<128xi32, #tpu.memory_space<vmem>>)
        tpu.yield
      }) : () -> ()
      %dma_start3A_55 = arith.constant 0 : i32
      %dma_start3A_56 = arith.constant 0 : i32
      %dma_start3A_57 = tpu.memref_slice %arg4[%dma_start3A_55, %dma_start3A_56] : memref<10000x128xf32, #tpu.memory_space<hbm>> -> memref<10000x128xf32, #tpu.memory_space<hbm>>
      tpu.enqueue_indirect_dma source(%dma_start3A_57 : memref<10000x128xf32, #tpu.memory_space<hbm>>) target(%arg11 : memref<128x128xf32, #tpu.memory_space<vmem>>) offsets(%arg7 : memref<128xi32, #tpu.memory_space<vmem>>) semaphore(%arg21 : memref<!tpu.dma_semaphore, #tpu.memory_space<semaphore_mem>>)
      %dma_wait3A_58 = arith.constant 0 : i32
      %dma_wait3A_59 = arith.constant 0 : i32
      %dma_wait3A_60 = tpu.memref_slice %arg4[%dma_wait3A_58, %dma_wait3A_59] : memref<10000x128xf32, #tpu.memory_space<hbm>> -> memref<10000x128xf32, #tpu.memory_space<hbm>>
      tpu.wait_indirect_dma semaphore(%arg20 : memref<!tpu.dma_semaphore, #tpu.memory_space<semaphore_mem>>) src(%dma_wait3A_60 : memref<10000x128xf32, #tpu.memory_space<hbm>>) dst(%arg10 : memref<128x128xf32, #tpu.memory_space<vmem>>)
      "tpu.region"() ({
        %run_scoped3A = tpu.sem_alloc : memref<!tpu.dma_semaphore, #tpu.memory_space<semaphore_mem>>
        %dma_start3A_76 = arith.constant 0 : i32
        %dma_start3A_77 = arith.constant 0 : i32
        %dma_start3A_78 = tpu.memref_slice %arg19[%dma_start3A_76, %dma_start3A_77] : memref<10112x128xf32, #tpu.memory_space<vmem_shared>> -> memref<10112x128xf32, #tpu.memory_space<vmem_shared>>
        tpu.enqueue_indirect_dma source(%arg10 : memref<128x128xf32, #tpu.memory_space<vmem>>) target(%dma_start3A_78 : memref<10112x128xf32, #tpu.memory_space<vmem_shared>>) offsets(%arg8 : memref<128xi32, #tpu.memory_space<vmem>>) semaphore(%run_scoped3A : memref<!tpu.dma_semaphore, #tpu.memory_space<semaphore_mem>>) {add = true}
        %dma_wait3A_79 = arith.constant 0 : i32
        %dma_wait3A_80 = arith.constant 0 : i32
        %dma_wait3A_81 = tpu.memref_slice %arg19[%dma_wait3A_79, %dma_wait3A_80] : memref<10112x128xf32, #tpu.memory_space<vmem_shared>> -> memref<10112x128xf32, #tpu.memory_space<vmem_shared>>
        tpu.wait_indirect_dma semaphore(%run_scoped3A : memref<!tpu.dma_semaphore, #tpu.memory_space<semaphore_mem>>) src(%arg10 : memref<128x128xf32, #tpu.memory_space<vmem>>) dst(%dma_wait3A_81 : memref<10112x128xf32, #tpu.memory_space<vmem_shared>>)
        tpu.yield
      }) : () -> ()
      %mul3A_61 = arith.constant 10000 : i32
      %mul3A_62 = arith.muli %add3A, %mul3A_61 : i32
      %add3A_63 = arith.constant 2 : i32
      %add3A_64 = arith.addi %mul3A_46, %add3A_63 : i32
      %mul3A_65 = arith.constant 128 : i32
      %mul3A_66 = arith.muli %add3A_64, %mul3A_65 : i32
      %add3A_67 = arith.addi %mul3A_62, %mul3A_66 : i32
      %multiple_of3A_68 = tpu.assume_multiple %add3A_67, 8 : i32
      "tpu.region"() ({
        %run_scoped3A = tpu.sem_alloc : memref<!tpu.dma_semaphore, #tpu.memory_space<semaphore_mem>>
        %dma_start3A_76 = tpu.memref_slice %arg2[%multiple_of3A_68] : memref<320128xi32, #tpu.memory_space<hbm>> -> memref<128xi32, #tpu.memory_space<hbm>>
        %dma_start3A_77 = tpu.memref_slice %arg2[%multiple_of3A_68] : memref<320128xi32, #tpu.memory_space<hbm>> -> memref<128xi32, #tpu.memory_space<hbm>>
        tpu.enqueue_dma source(%dma_start3A_77 : memref<128xi32, #tpu.memory_space<hbm>>) target(%arg6 : memref<128xi32, #tpu.memory_space<vmem>>) target_semaphore(%run_scoped3A : memref<!tpu.dma_semaphore, #tpu.memory_space<semaphore_mem>>)
        %dma_wait3A_78 = tpu.memref_slice %arg2[%multiple_of3A_68] : memref<320128xi32, #tpu.memory_space<hbm>> -> memref<128xi32, #tpu.memory_space<hbm>>
        %dma_wait3A_79 = tpu.memref_slice %arg2[%multiple_of3A_68] : memref<320128xi32, #tpu.memory_space<hbm>> -> memref<128xi32, #tpu.memory_space<hbm>>
        tpu.wait_dma2 semaphore(%run_scoped3A : memref<!tpu.dma_semaphore, #tpu.memory_space<semaphore_mem>>) src(%dma_wait3A_79 : memref<128xi32, #tpu.memory_space<hbm>>) dst(%arg6 : memref<128xi32, #tpu.memory_space<vmem>>)
        tpu.yield
      }) : () -> ()
      "tpu.region"() ({
        %run_scoped3A = tpu.sem_alloc : memref<!tpu.dma_semaphore, #tpu.memory_space<semaphore_mem>>
        %dma_start3A_76 = tpu.memref_slice %arg3[%multiple_of3A_68] : memref<320128xi32, #tpu.memory_space<hbm>> -> memref<128xi32, #tpu.memory_space<hbm>>
        %dma_start3A_77 = tpu.memref_slice %arg3[%multiple_of3A_68] : memref<320128xi32, #tpu.memory_space<hbm>> -> memref<128xi32, #tpu.memory_space<hbm>>
        tpu.enqueue_dma source(%dma_start3A_77 : memref<128xi32, #tpu.memory_space<hbm>>) target(%arg8 : memref<128xi32, #tpu.memory_space<vmem>>) target_semaphore(%run_scoped3A : memref<!tpu.dma_semaphore, #tpu.memory_space<semaphore_mem>>)
        %dma_wait3A_78 = tpu.memref_slice %arg3[%multiple_of3A_68] : memref<320128xi32, #tpu.memory_space<hbm>> -> memref<128xi32, #tpu.memory_space<hbm>>
        %dma_wait3A_79 = tpu.memref_slice %arg3[%multiple_of3A_68] : memref<320128xi32, #tpu.memory_space<hbm>> -> memref<128xi32, #tpu.memory_space<hbm>>
        tpu.wait_dma2 semaphore(%run_scoped3A : memref<!tpu.dma_semaphore, #tpu.memory_space<semaphore_mem>>) src(%dma_wait3A_79 : memref<128xi32, #tpu.memory_space<hbm>>) dst(%arg8 : memref<128xi32, #tpu.memory_space<vmem>>)
        tpu.yield
      }) : () -> ()
      %dma_start3A_69 = arith.constant 0 : i32
      %dma_start3A_70 = arith.constant 0 : i32
      %dma_start3A_71 = tpu.memref_slice %arg4[%dma_start3A_69, %dma_start3A_70] : memref<10000x128xf32, #tpu.memory_space<hbm>> -> memref<10000x128xf32, #tpu.memory_space<hbm>>
      tpu.enqueue_indirect_dma source(%dma_start3A_71 : memref<10000x128xf32, #tpu.memory_space<hbm>>) target(%arg10 : memref<128x128xf32, #tpu.memory_space<vmem>>) offsets(%arg6 : memref<128xi32, #tpu.memory_space<vmem>>) semaphore(%arg20 : memref<!tpu.dma_semaphore, #tpu.memory_space<semaphore_mem>>)
      %dma_wait3A_72 = arith.constant 0 : i32
      %dma_wait3A_73 = arith.constant 0 : i32
      %dma_wait3A_74 = tpu.memref_slice %arg4[%dma_wait3A_72, %dma_wait3A_73] : memref<10000x128xf32, #tpu.memory_space<hbm>> -> memref<10000x128xf32, #tpu.memory_space<hbm>>
      tpu.wait_indirect_dma semaphore(%arg21 : memref<!tpu.dma_semaphore, #tpu.memory_space<semaphore_mem>>) src(%dma_wait3A_74 : memref<10000x128xf32, #tpu.memory_space<hbm>>) dst(%arg11 : memref<128x128xf32, #tpu.memory_space<vmem>>)
      "tpu.region"() ({
        %run_scoped3A = tpu.sem_alloc : memref<!tpu.dma_semaphore, #tpu.memory_space<semaphore_mem>>
        %dma_start3A_76 = arith.constant 0 : i32
        %dma_start3A_77 = arith.constant 0 : i32
        %dma_start3A_78 = tpu.memref_slice %arg19[%dma_start3A_76, %dma_start3A_77] : memref<10112x128xf32, #tpu.memory_space<vmem_shared>> -> memref<10112x128xf32, #tpu.memory_space<vmem_shared>>
        tpu.enqueue_indirect_dma source(%arg11 : memref<128x128xf32, #tpu.memory_space<vmem>>) target(%dma_start3A_78 : memref<10112x128xf32, #tpu.memory_space<vmem_shared>>) offsets(%arg9 : memref<128xi32, #tpu.memory_space<vmem>>) semaphore(%run_scoped3A : memref<!tpu.dma_semaphore, #tpu.memory_space<semaphore_mem>>) {add = true}
        %dma_wait3A_79 = arith.constant 0 : i32
        %dma_wait3A_80 = arith.constant 0 : i32
        %dma_wait3A_81 = tpu.memref_slice %arg19[%dma_wait3A_79, %dma_wait3A_80] : memref<10112x128xf32, #tpu.memory_space<vmem_shared>> -> memref<10112x128xf32, #tpu.memory_space<vmem_shared>>
        tpu.wait_indirect_dma semaphore(%run_scoped3A : memref<!tpu.dma_semaphore, #tpu.memory_space<semaphore_mem>>) src(%arg11 : memref<128x128xf32, #tpu.memory_space<vmem>>) dst(%dma_wait3A_81 : memref<10112x128xf32, #tpu.memory_space<vmem_shared>>)
        tpu.yield
      }) : () -> ()
      %scan3A_75 = arith.constant 0 : i32
      scf.yield %scan3A_75 : i32
    }
    %scan3A_24 = arith.constant 39 : i32
    %dma_wait3A = arith.constant 0 : i32
    %dma_wait3A_25 = arith.constant 0 : i32
    %dma_wait3A_26 = tpu.memref_slice %arg4[%dma_wait3A, %dma_wait3A_25] : memref<10000x128xf32, #tpu.memory_space<hbm>> -> memref<10000x128xf32, #tpu.memory_space<hbm>>
    tpu.wait_indirect_dma semaphore(%arg20 : memref<!tpu.dma_semaphore, #tpu.memory_space<semaphore_mem>>) src(%dma_wait3A_26 : memref<10000x128xf32, #tpu.memory_space<hbm>>) dst(%arg10 : memref<128x128xf32, #tpu.memory_space<vmem>>)
    %mul3A_27 = arith.constant 10000 : i32
    %mul3A_28 = arith.muli %add3A, %mul3A_27 : i32
    %add3A_29 = arith.constant 9984 : i32
    %add3A_30 = arith.addi %mul3A_28, %add3A_29 : i32
    %multiple_of3A_31 = tpu.assume_multiple %add3A_30, 8 : i32
    "tpu.region"() ({
      %run_scoped3A = tpu.sem_alloc : memref<!tpu.dma_semaphore, #tpu.memory_space<semaphore_mem>>
      %dma_start3A_43 = tpu.memref_slice %arg2[%multiple_of3A_31] : memref<320128xi32, #tpu.memory_space<hbm>> -> memref<16xi32, #tpu.memory_space<hbm>>
      %dma_start3A_44 = tpu.memref_slice %arg2[%multiple_of3A_31] : memref<320128xi32, #tpu.memory_space<hbm>> -> memref<16xi32, #tpu.memory_space<hbm>>
      tpu.enqueue_dma source(%dma_start3A_44 : memref<16xi32, #tpu.memory_space<hbm>>) target(%arg12 : memref<16xi32, #tpu.memory_space<vmem>>) target_semaphore(%run_scoped3A : memref<!tpu.dma_semaphore, #tpu.memory_space<semaphore_mem>>)
      %dma_wait3A_45 = tpu.memref_slice %arg2[%multiple_of3A_31] : memref<320128xi32, #tpu.memory_space<hbm>> -> memref<16xi32, #tpu.memory_space<hbm>>
      %dma_wait3A_46 = tpu.memref_slice %arg2[%multiple_of3A_31] : memref<320128xi32, #tpu.memory_space<hbm>> -> memref<16xi32, #tpu.memory_space<hbm>>
      tpu.wait_dma2 semaphore(%run_scoped3A : memref<!tpu.dma_semaphore, #tpu.memory_space<semaphore_mem>>) src(%dma_wait3A_46 : memref<16xi32, #tpu.memory_space<hbm>>) dst(%arg12 : memref<16xi32, #tpu.memory_space<vmem>>)
      tpu.yield
    }) : () -> ()
    "tpu.region"() ({
      %run_scoped3A = tpu.sem_alloc : memref<!tpu.dma_semaphore, #tpu.memory_space<semaphore_mem>>
      %dma_start3A_43 = tpu.memref_slice %arg3[%multiple_of3A_31] : memref<320128xi32, #tpu.memory_space<hbm>> -> memref<16xi32, #tpu.memory_space<hbm>>
      %dma_start3A_44 = tpu.memref_slice %arg3[%multiple_of3A_31] : memref<320128xi32, #tpu.memory_space<hbm>> -> memref<16xi32, #tpu.memory_space<hbm>>
      tpu.enqueue_dma source(%dma_start3A_44 : memref<16xi32, #tpu.memory_space<hbm>>) target(%arg13 : memref<16xi32, #tpu.memory_space<vmem>>) target_semaphore(%run_scoped3A : memref<!tpu.dma_semaphore, #tpu.memory_space<semaphore_mem>>)
      %dma_wait3A_45 = tpu.memref_slice %arg3[%multiple_of3A_31] : memref<320128xi32, #tpu.memory_space<hbm>> -> memref<16xi32, #tpu.memory_space<hbm>>
      %dma_wait3A_46 = tpu.memref_slice %arg3[%multiple_of3A_31] : memref<320128xi32, #tpu.memory_space<hbm>> -> memref<16xi32, #tpu.memory_space<hbm>>
      tpu.wait_dma2 semaphore(%run_scoped3A : memref<!tpu.dma_semaphore, #tpu.memory_space<semaphore_mem>>) src(%dma_wait3A_46 : memref<16xi32, #tpu.memory_space<hbm>>) dst(%arg13 : memref<16xi32, #tpu.memory_space<vmem>>)
      tpu.yield
    }) : () -> ()
    %dma_start3A_32 = arith.constant 0 : i32
    %dma_start3A_33 = arith.constant 0 : i32
    %dma_start3A_34 = tpu.memref_slice %arg4[%dma_start3A_32, %dma_start3A_33] : memref<10000x128xf32, #tpu.memory_space<hbm>> -> memref<10000x128xf32, #tpu.memory_space<hbm>>
    tpu.enqueue_indirect_dma source(%dma_start3A_34 : memref<10000x128xf32, #tpu.memory_space<hbm>>) target(%arg14 : memref<16x128xf32, #tpu.memory_space<vmem>>) offsets(%arg12 : memref<16xi32, #tpu.memory_space<vmem>>) semaphore(%arg20 : memref<!tpu.dma_semaphore, #tpu.memory_space<semaphore_mem>>)
    %dma_wait3A_35 = arith.constant 0 : i32
    %dma_wait3A_36 = arith.constant 0 : i32
    %dma_wait3A_37 = tpu.memref_slice %arg4[%dma_wait3A_35, %dma_wait3A_36] : memref<10000x128xf32, #tpu.memory_space<hbm>> -> memref<10000x128xf32, #tpu.memory_space<hbm>>
    tpu.wait_indirect_dma semaphore(%arg20 : memref<!tpu.dma_semaphore, #tpu.memory_space<semaphore_mem>>) src(%dma_wait3A_37 : memref<10000x128xf32, #tpu.memory_space<hbm>>) dst(%arg14 : memref<16x128xf32, #tpu.memory_space<vmem>>)
    "tpu.region"() ({
      %run_scoped3A = tpu.sem_alloc : memref<!tpu.dma_semaphore, #tpu.memory_space<semaphore_mem>>
      %dma_start3A_43 = arith.constant 0 : i32
      %dma_start3A_44 = arith.constant 0 : i32
      %dma_start3A_45 = tpu.memref_slice %arg19[%dma_start3A_43, %dma_start3A_44] : memref<10112x128xf32, #tpu.memory_space<vmem_shared>> -> memref<10112x128xf32, #tpu.memory_space<vmem_shared>>
      tpu.enqueue_indirect_dma source(%arg14 : memref<16x128xf32, #tpu.memory_space<vmem>>) target(%dma_start3A_45 : memref<10112x128xf32, #tpu.memory_space<vmem_shared>>) offsets(%arg13 : memref<16xi32, #tpu.memory_space<vmem>>) semaphore(%run_scoped3A : memref<!tpu.dma_semaphore, #tpu.memory_space<semaphore_mem>>) {add = true}
      %dma_wait3A_46 = arith.constant 0 : i32
      %dma_wait3A_47 = arith.constant 0 : i32
      %dma_wait3A_48 = tpu.memref_slice %arg19[%dma_wait3A_46, %dma_wait3A_47] : memref<10112x128xf32, #tpu.memory_space<vmem_shared>> -> memref<10112x128xf32, #tpu.memory_space<vmem_shared>>
      tpu.wait_indirect_dma semaphore(%run_scoped3A : memref<!tpu.dma_semaphore, #tpu.memory_space<semaphore_mem>>) src(%arg14 : memref<16x128xf32, #tpu.memory_space<vmem>>) dst(%dma_wait3A_48 : memref<10112x128xf32, #tpu.memory_space<vmem_shared>>)
      tpu.yield
    }) : () -> ()
    %barrier3A_38 = arith.constant 0 : index
    tpu.barrier barrier_id(%barrier3A_38)
    %mul3A_39 = arith.constant 632 : i32
    %mul3A_40 = arith.muli %arg1, %mul3A_39 : i32
    %mul3A_41 = arith.constant 632 : i32
    %mul3A_42 = arith.muli %arg1, %mul3A_41 : i32
    "tpu.region"() ({
      %run_scoped3A = tpu.sem_alloc : memref<!tpu.dma_semaphore, #tpu.memory_space<semaphore_mem>>
      %dma_start3A_43 = arith.constant 0 : i32
      %dma_start3A_44 = tpu.memref_slice %arg5[%arg0, %mul3A_42, %dma_start3A_43] : memref<2x10112x128xf32, #tpu.memory_space<hbm>> -> memref<1x632x128xf32, #tpu.memory_space<hbm>>
      %dma_start3A_45 = tpu.memref_squeeze %dma_start3A_44 : memref<1x632x128xf32, #tpu.memory_space<hbm>> -> memref<632x128xf32, #tpu.memory_space<hbm>>
      %dma_start3A_46 = arith.constant 0 : i32
      %dma_start3A_47 = tpu.memref_slice %arg19[%mul3A_40, %dma_start3A_46] : memref<10112x128xf32, #tpu.memory_space<vmem_shared>> -> memref<632x128xf32, #tpu.memory_space<vmem_shared>>
      tpu.enqueue_dma source(%dma_start3A_47 : memref<632x128xf32, #tpu.memory_space<vmem_shared>>) target(%dma_start3A_45 : memref<632x128xf32, #tpu.memory_space<hbm>>) target_semaphore(%run_scoped3A : memref<!tpu.dma_semaphore, #tpu.memory_space<semaphore_mem>>)
      %dma_wait3A_48 = arith.constant 0 : i32
      %dma_wait3A_49 = tpu.memref_slice %arg5[%arg0, %mul3A_42, %dma_wait3A_48] : memref<2x10112x128xf32, #tpu.memory_space<hbm>> -> memref<1x632x128xf32, #tpu.memory_space<hbm>>
      %dma_wait3A_50 = tpu.memref_squeeze %dma_wait3A_49 : memref<1x632x128xf32, #tpu.memory_space<hbm>> -> memref<632x128xf32, #tpu.memory_space<hbm>>
      %dma_wait3A_51 = arith.constant 0 : i32
      %dma_wait3A_52 = tpu.memref_slice %arg19[%mul3A_40, %dma_wait3A_51] : memref<10112x128xf32, #tpu.memory_space<vmem_shared>> -> memref<632x128xf32, #tpu.memory_space<vmem_shared>>
      tpu.wait_dma2 semaphore(%run_scoped3A : memref<!tpu.dma_semaphore, #tpu.memory_space<semaphore_mem>>) src(%dma_wait3A_52 : memref<632x128xf32, #tpu.memory_space<vmem_shared>>) dst(%dma_wait3A_50 : memref<632x128xf32, #tpu.memory_space<hbm>>)
      tpu.yield
    }) : () -> ()
    return
  }
}

#map = affine_map<(d0, d1) -> (0)>
#map1 = affine_map<(d0, d1) -> (0, 0)>
#map2 = affine_map<(d0, d1) -> (0, 0, 0)>
module attributes {stable_mosaic.version = 14 : i64} {
  func.func @k(%arg0: i32, %arg1: i32, %arg2: memref<320128xi32, #tpu.memory_space<hbm>>, %arg3: memref<320128xi32, #tpu.memory_space<hbm>>, %arg4: memref<10000x128xf32, #tpu.memory_space<hbm>>, %arg5: memref<2x10112x128xf32, #tpu.memory_space<hbm>>, %arg6: memref<128xi32, #tpu.memory_space<vmem>>, %arg7: memref<128xi32, #tpu.memory_space<vmem>>, %arg8: memref<128xi32, #tpu.memory_space<vmem>>, %arg9: memref<128xi32, #tpu.memory_space<vmem>>, %arg10: memref<128x128xf32, #tpu.memory_space<vmem>>, %arg11: memref<128x128xf32, #tpu.memory_space<vmem>>, %arg12: memref<16xi32, #tpu.memory_space<vmem>>, %arg13: memref<16xi32, #tpu.memory_space<vmem>>, %arg14: memref<16x128xf32, #tpu.memory_space<vmem>>, %arg15: memref<8xi32, #tpu.memory_space<vmem>>, %arg16: memref<8xi32, #tpu.memory_space<vmem>>, %arg17: memref<8x128xf32, #tpu.memory_space<vmem>>, %arg18: memref<8x128xf32, #tpu.memory_space<vmem>>, %arg19: memref<10112x128xf32, #tpu.memory_space<vmem_shared>>, %arg20: memref<!tpu.dma_semaphore, #tpu.memory_space<semaphore_mem>>, %arg21: memref<!tpu.dma_semaphore, #tpu.memory_space<semaphore_mem>>) attributes {dimension_semantics = [#tpu.dimension_semantics<core_parallel>, #tpu.dimension_semantics<subcore_parallel>], iteration_bounds = array<i64: 2, 16>, scalar_prefetch = 0 : i64, scratch_operands = 16 : i64, tpu.core_type = #tpu.core_type<sc_vector_subcore>, window_params = [{transform_indices = #map}, {transform_indices = #map}, {transform_indices = #map1}, {transform_indices = #map2}]} {
    %mul3A = arith.constant 2 : i32
    %mul3A_0 = arith.muli %arg1, %mul3A : i32
    %add3A = arith.addi %mul3A_0, %arg0 : i32
    %scan3A = arith.constant 0 : i32
    %scan3A_1 = arith.constant 0 : i32
    %scan3A_2 = arith.constant 64 : i32
    %scan3A_3 = arith.addi %scan3A_1, %scan3A_2 : i32
    %scan3A_4 = arith.constant 1 : i32
    %scan3A_5 = scf.for %scan3A_43 = %scan3A_1 to %scan3A_3 step %scan3A_4 iter_args(%scan3A_44 = %scan3A) -> (i32)  : i32 {
      %jit3A = arith.constant 8 : i32
      %div3A = arith.divsi %scan3A_43, %jit3A : i32
      %sign3A = arith.constant 0 : i32
      %sign3A_45 = arith.cmpi sgt, %scan3A_43, %sign3A : i32
      %sign3A_46 = arith.extui %sign3A_45 : i1 to i32
      %sign3A_47 = arith.constant 0 : i32
      %sign3A_48 = arith.cmpi slt, %scan3A_43, %sign3A_47 : i32
      %sign3A_49 = arith.extui %sign3A_48 : i1 to i32
      %sign3A_50 = arith.subi %sign3A_46, %sign3A_49 : i32
      %sign3A_51 = arith.constant 0 : i32
      %sign3A_52 = arith.cmpi sgt, %jit3A, %sign3A_51 : i32
      %sign3A_53 = arith.extui %sign3A_52 : i1 to i32
      %sign3A_54 = arith.constant 0 : i32
      %sign3A_55 = arith.cmpi slt, %jit3A, %sign3A_54 : i32
      %sign3A_56 = arith.extui %sign3A_55 : i1 to i32
      %sign3A_57 = arith.subi %sign3A_53, %sign3A_56 : i32
      %ne3A = arith.cmpi ne, %sign3A_50, %sign3A_57 : i32
      %rem3A = arith.remsi %scan3A_43, %jit3A : i32
      %ne3A_58 = arith.constant 0 : i32
      %ne3A_59 = arith.cmpi ne, %rem3A, %ne3A_58 : i32
      %and3A = arith.andi %ne3A, %ne3A_59 : i1
      %sub3A = arith.constant 1 : i32
      %sub3A_60 = arith.subi %div3A, %sub3A : i32
      %select_n3A = arith.select %and3A, %sub3A_60, %div3A : i32
      %jit3A_61 = arith.constant 8 : i32
      %eq3A = arith.constant 0 : i32
      %eq3A_62 = arith.cmpi eq, %jit3A_61, %eq3A : i32
      %jit3A_63 = arith.constant 1 : i32
      %select_n3A_64 = arith.select %eq3A_62, %jit3A_63, %jit3A_61 : i32
      %rem3A_65 = arith.remsi %scan3A_43, %select_n3A_64 : i32
      %ne3A_66 = arith.constant 0 : i32
      %ne3A_67 = arith.cmpi ne, %rem3A_65, %ne3A_66 : i32
      %lt3A = arith.constant 0 : i32
      %lt3A_68 = arith.cmpi slt, %rem3A_65, %lt3A : i32
      %lt3A_69 = arith.constant 0 : i32
      %lt3A_70 = arith.cmpi slt, %select_n3A_64, %lt3A_69 : i32
      %ne3A_71 = arith.xori %lt3A_68, %lt3A_70 : i1
      %and3A_72 = arith.andi %ne3A_71, %ne3A_67 : i1
      %add3A_73 = arith.addi %rem3A_65, %select_n3A_64 : i32
      %select_n3A_74 = arith.select %and3A_72, %add3A_73, %rem3A_65 : i32
      %broadcast_in_dim3A = arith.constant 0.000000e+00 : f32
      %broadcast_in_dim3A_75 = vector.broadcast %broadcast_in_dim3A : f32 to vector<16xf32>
      %mul3A_76 = arith.constant 16 : i32
      %mul3A_77 = arith.muli %select_n3A_74, %mul3A_76 : i32
      %swap3A = arith.index_cast %select_n3A : i32 to index
      %swap3A_78 = arith.index_cast %mul3A_77 : i32 to index
      %swap3A_79 = tpu.vector_load %arg18[%swap3A, %swap3A_78] {strides = array<i32>} : memref<8x128xf32, #tpu.memory_space<vmem>>, vector<1x16xf32>,
      %swap3A_80 = vector.shape_cast %swap3A_79 : vector<1x16xf32> to vector<16xf32>
      %swap3A_81 = vector.shape_cast %broadcast_in_dim3A_75 : vector<16xf32> to vector<1x16xf32>
      tpu.vector_store %arg18[%swap3A, %swap3A_78], %swap3A_81 {strides = array<i32>} : memref<8x128xf32, #tpu.memory_space<vmem>>, vector<1x16xf32>,
      %scan3A_82 = arith.constant 0 : i32
      scf.yield %scan3A_82 : i32
    }
    %scan3A_6 = arith.constant 64 : i32
    %scan3A_7 = arith.constant 0 : i32
    %scan3A_8 = arith.constant 0 : i32
    %scan3A_9 = arith.constant 79 : i32
    %scan3A_10 = arith.addi %scan3A_8, %scan3A_9 : i32
    %scan3A_11 = arith.constant 1 : i32
    %scan3A_12 = scf.for %scan3A_43 = %scan3A_8 to %scan3A_10 step %scan3A_11 iter_args(%scan3A_44 = %scan3A_7) -> (i32)  : i32 {
      %mul3A_45 = arith.constant 632 : i32
      %mul3A_46 = arith.muli %arg1, %mul3A_45 : i32
      %mul3A_47 = arith.constant 8 : i32
      %mul3A_48 = arith.muli %scan3A_43, %mul3A_47 : i32
      %add3A_49 = arith.addi %mul3A_46, %mul3A_48 : i32
      "tpu.region"() ({
        %run_scoped3A = tpu.sem_alloc : memref<!tpu.dma_semaphore, #tpu.memory_space<semaphore_mem>>
        %dma_start3A_51 = arith.constant 0 : i32
        %dma_start3A_52 = tpu.memref_slice %arg19[%add3A_49, %dma_start3A_51] : memref<10112x128xf32, #tpu.memory_space<vmem_shared>> -> memref<8x128xf32, #tpu.memory_space<vmem_shared>>
        %dma_start3A_53 = arith.constant 0 : i32
        %dma_start3A_54 = tpu.memref_slice %arg19[%add3A_49, %dma_start3A_53] : memref<10112x128xf32, #tpu.memory_space<vmem_shared>> -> memref<8x128xf32, #tpu.memory_space<vmem_shared>>
        tpu.enqueue_dma source(%arg18 : memref<8x128xf32, #tpu.memory_space<vmem>>) target(%dma_start3A_54 : memref<8x128xf32, #tpu.memory_space<vmem_shared>>) target_semaphore(%run_scoped3A : memref<!tpu.dma_semaphore, #tpu.memory_space<semaphore_mem>>)
        %dma_wait3A_55 = arith.constant 0 : i32
        %dma_wait3A_56 = tpu.memref_slice %arg19[%add3A_49, %dma_wait3A_55] : memref<10112x128xf32, #tpu.memory_space<vmem_shared>> -> memref<8x128xf32, #tpu.memory_space<vmem_shared>>
        %dma_wait3A_57 = arith.constant 0 : i32
        %dma_wait3A_58 = tpu.memref_slice %arg19[%add3A_49, %dma_wait3A_57] : memref<10112x128xf32, #tpu.memory_space<vmem_shared>> -> memref<8x128xf32, #tpu.memory_space<vmem_shared>>
        tpu.wait_dma2 semaphore(%run_scoped3A : memref<!tpu.dma_semaphore, #tpu.memory_space<semaphore_mem>>) src(%arg18 : memref<8x128xf32, #tpu.memory_space<vmem>>) dst(%dma_wait3A_58 : memref<8x128xf32, #tpu.memory_space<vmem_shared>>)
        tpu.yield
      }) : () -> ()
      %scan3A_50 = arith.constant 0 : i32
      scf.yield %scan3A_50 : i32
    }
    %scan3A_13 = arith.constant 79 : i32
    %mul3A_14 = arith.constant 10000 : i32
    %mul3A_15 = arith.muli %add3A, %mul3A_14 : i32
    %multiple_of3A = tpu.assume_multiple %mul3A_15, 8 : i32
    "tpu.region"() ({
      %run_scoped3A = tpu.sem_alloc : memref<!tpu.dma_semaphore, #tpu.memory_space<semaphore_mem>>
      %dma_start3A_43 = tpu.memref_slice %arg2[%multiple_of3A] : memref<320128xi32, #tpu.memory_space<hbm>> -> memref<128xi32, #tpu.memory_space<hbm>>
      %dma_start3A_44 = tpu.memref_slice %arg2[%multiple_of3A] : memref<320128xi32, #tpu.memory_space<hbm>> -> memref<128xi32, #tpu.memory_space<hbm>>
      tpu.enqueue_dma source(%dma_start3A_44 : memref<128xi32, #tpu.memory_space<hbm>>) target(%arg6 : memref<128xi32, #tpu.memory_space<vmem>>) target_semaphore(%run_scoped3A : memref<!tpu.dma_semaphore, #tpu.memory_space<semaphore_mem>>)
      %dma_wait3A_45 = tpu.memref_slice %arg2[%multiple_of3A] : memref<320128xi32, #tpu.memory_space<hbm>> -> memref<128xi32, #tpu.memory_space<hbm>>
      %dma_wait3A_46 = tpu.memref_slice %arg2[%multiple_of3A] : memref<320128xi32, #tpu.memory_space<hbm>> -> memref<128xi32, #tpu.memory_space<hbm>>
      tpu.wait_dma2 semaphore(%run_scoped3A : memref<!tpu.dma_semaphore, #tpu.memory_space<semaphore_mem>>) src(%dma_wait3A_46 : memref<128xi32, #tpu.memory_space<hbm>>) dst(%arg6 : memref<128xi32, #tpu.memory_space<vmem>>)
      tpu.yield
    }) : () -> ()
    "tpu.region"() ({
      %run_scoped3A = tpu.sem_alloc : memref<!tpu.dma_semaphore, #tpu.memory_space<semaphore_mem>>
      %dma_start3A_43 = tpu.memref_slice %arg3[%multiple_of3A] : memref<320128xi32, #tpu.memory_space<hbm>> -> memref<128xi32, #tpu.memory_space<hbm>>
      %dma_start3A_44 = tpu.memref_slice %arg3[%multiple_of3A] : memref<320128xi32, #tpu.memory_space<hbm>> -> memref<128xi32, #tpu.memory_space<hbm>>
      tpu.enqueue_dma source(%dma_start3A_44 : memref<128xi32, #tpu.memory_space<hbm>>) target(%arg8 : memref<128xi32, #tpu.memory_space<vmem>>) target_semaphore(%run_scoped3A : memref<!tpu.dma_semaphore, #tpu.memory_space<semaphore_mem>>)
      %dma_wait3A_45 = tpu.memref_slice %arg3[%multiple_of3A] : memref<320128xi32, #tpu.memory_space<hbm>> -> memref<128xi32, #tpu.memory_space<hbm>>
      %dma_wait3A_46 = tpu.memref_slice %arg3[%multiple_of3A] : memref<320128xi32, #tpu.memory_space<hbm>> -> memref<128xi32, #tpu.memory_space<hbm>>
      tpu.wait_dma2 semaphore(%run_scoped3A : memref<!tpu.dma_semaphore, #tpu.memory_space<semaphore_mem>>) src(%dma_wait3A_46 : memref<128xi32, #tpu.memory_space<hbm>>) dst(%arg8 : memref<128xi32, #tpu.memory_space<vmem>>)
      tpu.yield
    }) : () -> ()
    %dma_start3A = arith.constant 0 : i32
    %dma_start3A_16 = arith.constant 0 : i32
    %dma_start3A_17 = tpu.memref_slice %arg4[%dma_start3A, %dma_start3A_16] : memref<10000x128xf32, #tpu.memory_space<hbm>> -> memref<10000x128xf32, #tpu.memory_space<hbm>>
    tpu.enqueue_indirect_dma source(%dma_start3A_17 : memref<10000x128xf32, #tpu.memory_space<hbm>>) target(%arg10 : memref<128x128xf32, #tpu.memory_space<vmem>>) offsets(%arg6 : memref<128xi32, #tpu.memory_space<vmem>>) semaphore(%arg20 : memref<!tpu.dma_semaphore, #tpu.memory_space<semaphore_mem>>)
    %barrier3A = arith.constant 0 : index
    tpu.barrier barrier_id(%barrier3A)
    %scan3A_18 = arith.constant 0 : i32
    %scan3A_19 = arith.constant 0 : i32
    %scan3A_20 = arith.constant 39 : i32
    %scan3A_21 = arith.addi %scan3A_19, %scan3A_20 : i32
    %scan3A_22 = arith.constant 1 : i32
    %scan3A_23 = scf.for %scan3A_43 = %scan3A_19 to %scan3A_21 step %scan3A_22 iter_args(%scan3A_44 = %scan3A_18) -> (i32)  : i32 {
      %mul3A_45 = arith.constant 2 : i32
      %mul3A_46 = arith.muli %mul3A_45, %scan3A_43 : i32
      %mul3A_47 = arith.constant 10000 : i32
      %mul3A_48 = arith.muli %add3A, %mul3A_47 : i32
      %add3A_49 = arith.constant 1 : i32
      %add3A_50 = arith.addi %mul3A_46, %add3A_49 : i32
      %mul3A_51 = arith.constant 128 : i32
      %mul3A_52 = arith.muli %add3A_50, %mul3A_51 : i32
      %add3A_53 = arith.addi %mul3A_48, %mul3A_52 : i32
      %multiple_of3A_54 = tpu.assume_multiple %add3A_53, 8 : i32
      "tpu.region"() ({
        %run_scoped3A = tpu.sem_alloc : memref<!tpu.dma_semaphore, #tpu.memory_space<semaphore_mem>>
        %dma_start3A_76 = tpu.memref_slice %arg2[%multiple_of3A_54] : memref<320128xi32, #tpu.memory_space<hbm>> -> memref<128xi32, #tpu.memory_space<hbm>>
        %dma_start3A_77 = tpu.memref_slice %arg2[%multiple_of3A_54] : memref<320128xi32, #tpu.memory_space<hbm>> -> memref<128xi32, #tpu.memory_space<hbm>>
        tpu.enqueue_dma source(%dma_start3A_77 : memref<128xi32, #tpu.memory_space<hbm>>) target(%arg7 : memref<128xi32, #tpu.memory_space<vmem>>) target_semaphore(%run_scoped3A : memref<!tpu.dma_semaphore, #tpu.memory_space<semaphore_mem>>)
        %dma_wait3A_78 = tpu.memref_slice %arg2[%multiple_of3A_54] : memref<320128xi32, #tpu.memory_space<hbm>> -> memref<128xi32, #tpu.memory_space<hbm>>
        %dma_wait3A_79 = tpu.memref_slice %arg2[%multiple_of3A_54] : memref<320128xi32, #tpu.memory_space<hbm>> -> memref<128xi32, #tpu.memory_space<hbm>>
        tpu.wait_dma2 semaphore(%run_scoped3A : memref<!tpu.dma_semaphore, #tpu.memory_space<semaphore_mem>>) src(%dma_wait3A_79 : memref<128xi32, #tpu.memory_space<hbm>>) dst(%arg7 : memref<128xi32, #tpu.memory_space<vmem>>)
        tpu.yield
      }) : () -> ()
      "tpu.region"() ({
        %run_scoped3A = tpu.sem_alloc : memref<!tpu.dma_semaphore, #tpu.memory_space<semaphore_mem>>
        %dma_start3A_76 = tpu.memref_slice %arg3[%multiple_of3A_54] : memref<320128xi32, #tpu.memory_space<hbm>> -> memref<128xi32, #tpu.memory_space<hbm>>
        %dma_start3A_77 = tpu.memref_slice %arg3[%multiple_of3A_54] : memref<320128xi32, #tpu.memory_space<hbm>> -> memref<128xi32, #tpu.memory_space<hbm>>
        tpu.enqueue_dma source(%dma_start3A_77 : memref<128xi32, #tpu.memory_space<hbm>>) target(%arg9 : memref<128xi32, #tpu.memory_space<vmem>>) target_semaphore(%run_scoped3A : memref<!tpu.dma_semaphore, #tpu.memory_space<semaphore_mem>>)
        %dma_wait3A_78 = tpu.memref_slice %arg3[%multiple_of3A_54] : memref<320128xi32, #tpu.memory_space<hbm>> -> memref<128xi32, #tpu.memory_space<hbm>>
        %dma_wait3A_79 = tpu.memref_slice %arg3[%multiple_of3A_54] : memref<320128xi32, #tpu.memory_space<hbm>> -> memref<128xi32, #tpu.memory_space<hbm>>
        tpu.wait_dma2 semaphore(%run_scoped3A : memref<!tpu.dma_semaphore, #tpu.memory_space<semaphore_mem>>) src(%dma_wait3A_79 : memref<128xi32, #tpu.memory_space<hbm>>) dst(%arg9 : memref<128xi32, #tpu.memory_space<vmem>>)
        tpu.yield
      }) : () -> ()
      %dma_start3A_55 = arith.constant 0 : i32
      %dma_start3A_56 = arith.constant 0 : i32
      %dma_start3A_57 = tpu.memref_slice %arg4[%dma_start3A_55, %dma_start3A_56] : memref<10000x128xf32, #tpu.memory_space<hbm>> -> memref<10000x128xf32, #tpu.memory_space<hbm>>
      tpu.enqueue_indirect_dma source(%dma_start3A_57 : memref<10000x128xf32, #tpu.memory_space<hbm>>) target(%arg11 : memref<128x128xf32, #tpu.memory_space<vmem>>) offsets(%arg7 : memref<128xi32, #tpu.memory_space<vmem>>) semaphore(%arg21 : memref<!tpu.dma_semaphore, #tpu.memory_space<semaphore_mem>>)
      %dma_wait3A_58 = arith.constant 0 : i32
      %dma_wait3A_59 = arith.constant 0 : i32
      %dma_wait3A_60 = tpu.memref_slice %arg4[%dma_wait3A_58, %dma_wait3A_59] : memref<10000x128xf32, #tpu.memory_space<hbm>> -> memref<10000x128xf32, #tpu.memory_space<hbm>>
      tpu.wait_indirect_dma semaphore(%arg20 : memref<!tpu.dma_semaphore, #tpu.memory_space<semaphore_mem>>) src(%dma_wait3A_60 : memref<10000x128xf32, #tpu.memory_space<hbm>>) dst(%arg10 : memref<128x128xf32, #tpu.memory_space<vmem>>)
      "tpu.region"() ({
        %run_scoped3A = tpu.sem_alloc : memref<!tpu.dma_semaphore, #tpu.memory_space<semaphore_mem>>
        %dma_start3A_76 = arith.constant 0 : i32
        %dma_start3A_77 = arith.constant 0 : i32
        %dma_start3A_78 = tpu.memref_slice %arg19[%dma_start3A_76, %dma_start3A_77] : memref<10112x128xf32, #tpu.memory_space<vmem_shared>> -> memref<10112x128xf32, #tpu.memory_space<vmem_shared>>
        tpu.enqueue_indirect_dma source(%arg10 : memref<128x128xf32, #tpu.memory_space<vmem>>) target(%dma_start3A_78 : memref<10112x128xf32, #tpu.memory_space<vmem_shared>>) offsets(%arg8 : memref<128xi32, #tpu.memory_space<vmem>>) semaphore(%run_scoped3A : memref<!tpu.dma_semaphore, #tpu.memory_space<semaphore_mem>>) {add = true}
        %dma_wait3A_79 = arith.constant 0 : i32
        %dma_wait3A_80 = arith.constant 0 : i32
        %dma_wait3A_81 = tpu.memref_slice %arg19[%dma_wait3A_79, %dma_wait3A_80] : memref<10112x128xf32, #tpu.memory_space<vmem_shared>> -> memref<10112x128xf32, #tpu.memory_space<vmem_shared>>
        tpu.wait_indirect_dma semaphore(%run_scoped3A : memref<!tpu.dma_semaphore, #tpu.memory_space<semaphore_mem>>) src(%arg10 : memref<128x128xf32, #tpu.memory_space<vmem>>) dst(%dma_wait3A_81 : memref<10112x128xf32, #tpu.memory_space<vmem_shared>>)
        tpu.yield
      }) : () -> ()
      %mul3A_61 = arith.constant 10000 : i32
      %mul3A_62 = arith.muli %add3A, %mul3A_61 : i32
      %add3A_63 = arith.constant 2 : i32
      %add3A_64 = arith.addi %mul3A_46, %add3A_63 : i32
      %mul3A_65 = arith.constant 128 : i32
      %mul3A_66 = arith.muli %add3A_64, %mul3A_65 : i32
      %add3A_67 = arith.addi %mul3A_62, %mul3A_66 : i32
      %multiple_of3A_68 = tpu.assume_multiple %add3A_67, 8 : i32
      "tpu.region"() ({
        %run_scoped3A = tpu.sem_alloc : memref<!tpu.dma_semaphore, #tpu.memory_space<semaphore_mem>>
        %dma_start3A_76 = tpu.memref_slice %arg2[%multiple_of3A_68] : memref<320128xi32, #tpu.memory_space<hbm>> -> memref<128xi32, #tpu.memory_space<hbm>>
        %dma_start3A_77 = tpu.memref_slice %arg2[%multiple_of3A_68] : memref<320128xi32, #tpu.memory_space<hbm>> -> memref<128xi32, #tpu.memory_space<hbm>>
        tpu.enqueue_dma source(%dma_start3A_77 : memref<128xi32, #tpu.memory_space<hbm>>) target(%arg6 : memref<128xi32, #tpu.memory_space<vmem>>) target_semaphore(%run_scoped3A : memref<!tpu.dma_semaphore, #tpu.memory_space<semaphore_mem>>)
        %dma_wait3A_78 = tpu.memref_slice %arg2[%multiple_of3A_68] : memref<320128xi32, #tpu.memory_space<hbm>> -> memref<128xi32, #tpu.memory_space<hbm>>
        %dma_wait3A_79 = tpu.memref_slice %arg2[%multiple_of3A_68] : memref<320128xi32, #tpu.memory_space<hbm>> -> memref<128xi32, #tpu.memory_space<hbm>>
        tpu.wait_dma2 semaphore(%run_scoped3A : memref<!tpu.dma_semaphore, #tpu.memory_space<semaphore_mem>>) src(%dma_wait3A_79 : memref<128xi32, #tpu.memory_space<hbm>>) dst(%arg6 : memref<128xi32, #tpu.memory_space<vmem>>)
        tpu.yield
      }) : () -> ()
      "tpu.region"() ({
        %run_scoped3A = tpu.sem_alloc : memref<!tpu.dma_semaphore, #tpu.memory_space<semaphore_mem>>
        %dma_start3A_76 = tpu.memref_slice %arg3[%multiple_of3A_68] : memref<320128xi32, #tpu.memory_space<hbm>> -> memref<128xi32, #tpu.memory_space<hbm>>
        %dma_start3A_77 = tpu.memref_slice %arg3[%multiple_of3A_68] : memref<320128xi32, #tpu.memory_space<hbm>> -> memref<128xi32, #tpu.memory_space<hbm>>
        tpu.enqueue_dma source(%dma_start3A_77 : memref<128xi32, #tpu.memory_space<hbm>>) target(%arg8 : memref<128xi32, #tpu.memory_space<vmem>>) target_semaphore(%run_scoped3A : memref<!tpu.dma_semaphore, #tpu.memory_space<semaphore_mem>>)
        %dma_wait3A_78 = tpu.memref_slice %arg3[%multiple_of3A_68] : memref<320128xi32, #tpu.memory_space<hbm>> -> memref<128xi32, #tpu.memory_space<hbm>>
        %dma_wait3A_79 = tpu.memref_slice %arg3[%multiple_of3A_68] : memref<320128xi32, #tpu.memory_space<hbm>> -> memref<128xi32, #tpu.memory_space<hbm>>
        tpu.wait_dma2 semaphore(%run_scoped3A : memref<!tpu.dma_semaphore, #tpu.memory_space<semaphore_mem>>) src(%dma_wait3A_79 : memref<128xi32, #tpu.memory_space<hbm>>) dst(%arg8 : memref<128xi32, #tpu.memory_space<vmem>>)
        tpu.yield
      }) : () -> ()
      %dma_start3A_69 = arith.constant 0 : i32
      %dma_start3A_70 = arith.constant 0 : i32
      %dma_start3A_71 = tpu.memref_slice %arg4[%dma_start3A_69, %dma_start3A_70] : memref<10000x128xf32, #tpu.memory_space<hbm>> -> memref<10000x128xf32, #tpu.memory_space<hbm>>
      tpu.enqueue_indirect_dma source(%dma_start3A_71 : memref<10000x128xf32, #tpu.memory_space<hbm>>) target(%arg10 : memref<128x128xf32, #tpu.memory_space<vmem>>) offsets(%arg6 : memref<128xi32, #tpu.memory_space<vmem>>) semaphore(%arg20 : memref<!tpu.dma_semaphore, #tpu.memory_space<semaphore_mem>>)
      %dma_wait3A_72 = arith.constant 0 : i32
      %dma_wait3A_73 = arith.constant 0 : i32
      %dma_wait3A_74 = tpu.memref_slice %arg4[%dma_wait3A_72, %dma_wait3A_73] : memref<10000x128xf32, #tpu.memory_space<hbm>> -> memref<10000x128xf32, #tpu.memory_space<hbm>>
      tpu.wait_indirect_dma semaphore(%arg21 : memref<!tpu.dma_semaphore, #tpu.memory_space<semaphore_mem>>) src(%dma_wait3A_74 : memref<10000x128xf32, #tpu.memory_space<hbm>>) dst(%arg11 : memref<128x128xf32, #tpu.memory_space<vmem>>)
      "tpu.region"() ({
        %run_scoped3A = tpu.sem_alloc : memref<!tpu.dma_semaphore, #tpu.memory_space<semaphore_mem>>
        %dma_start3A_76 = arith.constant 0 : i32
        %dma_start3A_77 = arith.constant 0 : i32
        %dma_start3A_78 = tpu.memref_slice %arg19[%dma_start3A_76, %dma_start3A_77] : memref<10112x128xf32, #tpu.memory_space<vmem_shared>> -> memref<10112x128xf32, #tpu.memory_space<vmem_shared>>
        tpu.enqueue_indirect_dma source(%arg11 : memref<128x128xf32, #tpu.memory_space<vmem>>) target(%dma_start3A_78 : memref<10112x128xf32, #tpu.memory_space<vmem_shared>>) offsets(%arg9 : memref<128xi32, #tpu.memory_space<vmem>>) semaphore(%run_scoped3A : memref<!tpu.dma_semaphore, #tpu.memory_space<semaphore_mem>>) {add = true}
        %dma_wait3A_79 = arith.constant 0 : i32
        %dma_wait3A_80 = arith.constant 0 : i32
        %dma_wait3A_81 = tpu.memref_slice %arg19[%dma_wait3A_79, %dma_wait3A_80] : memref<10112x128xf32, #tpu.memory_space<vmem_shared>> -> memref<10112x128xf32, #tpu.memory_space<vmem_shared>>
        tpu.wait_indirect_dma semaphore(%run_scoped3A : memref<!tpu.dma_semaphore, #tpu.memory_space<semaphore_mem>>) src(%arg11 : memref<128x128xf32, #tpu.memory_space<vmem>>) dst(%dma_wait3A_81 : memref<10112x128xf32, #tpu.memory_space<vmem_shared>>)
        tpu.yield
      }) : () -> ()
      %scan3A_75 = arith.constant 0 : i32
      scf.yield %scan3A_75 : i32
    }
    %scan3A_24 = arith.constant 39 : i32
    %dma_wait3A = arith.constant 0 : i32
    %dma_wait3A_25 = arith.constant 0 : i32
    %dma_wait3A_26 = tpu.memref_slice %arg4[%dma_wait3A, %dma_wait3A_25] : memref<10000x128xf32, #tpu.memory_space<hbm>> -> memref<10000x128xf32, #tpu.memory_space<hbm>>
    tpu.wait_indirect_dma semaphore(%arg20 : memref<!tpu.dma_semaphore, #tpu.memory_space<semaphore_mem>>) src(%dma_wait3A_26 : memref<10000x128xf32, #tpu.memory_space<hbm>>) dst(%arg10 : memref<128x128xf32, #tpu.memory_space<vmem>>)
    %mul3A_27 = arith.constant 10000 : i32
    %mul3A_28 = arith.muli %add3A, %mul3A_27 : i32
    %add3A_29 = arith.constant 9984 : i32
    %add3A_30 = arith.addi %mul3A_28, %add3A_29 : i32
    %multiple_of3A_31 = tpu.assume_multiple %add3A_30, 8 : i32
    "tpu.region"() ({
      %run_scoped3A = tpu.sem_alloc : memref<!tpu.dma_semaphore, #tpu.memory_space<semaphore_mem>>
      %dma_start3A_43 = tpu.memref_slice %arg2[%multiple_of3A_31] : memref<320128xi32, #tpu.memory_space<hbm>> -> memref<16xi32, #tpu.memory_space<hbm>>
      %dma_start3A_44 = tpu.memref_slice %arg2[%multiple_of3A_31] : memref<320128xi32, #tpu.memory_space<hbm>> -> memref<16xi32, #tpu.memory_space<hbm>>
      tpu.enqueue_dma source(%dma_start3A_44 : memref<16xi32, #tpu.memory_space<hbm>>) target(%arg12 : memref<16xi32, #tpu.memory_space<vmem>>) target_semaphore(%run_scoped3A : memref<!tpu.dma_semaphore, #tpu.memory_space<semaphore_mem>>)
      %dma_wait3A_45 = tpu.memref_slice %arg2[%multiple_of3A_31] : memref<320128xi32, #tpu.memory_space<hbm>> -> memref<16xi32, #tpu.memory_space<hbm>>
      %dma_wait3A_46 = tpu.memref_slice %arg2[%multiple_of3A_31] : memref<320128xi32, #tpu.memory_space<hbm>> -> memref<16xi32, #tpu.memory_space<hbm>>
      tpu.wait_dma2 semaphore(%run_scoped3A : memref<!tpu.dma_semaphore, #tpu.memory_space<semaphore_mem>>) src(%dma_wait3A_46 : memref<16xi32, #tpu.memory_space<hbm>>) dst(%arg12 : memref<16xi32, #tpu.memory_space<vmem>>)
      tpu.yield
    }) : () -> ()
    "tpu.region"() ({
      %run_scoped3A = tpu.sem_alloc : memref<!tpu.dma_semaphore, #tpu.memory_space<semaphore_mem>>
      %dma_start3A_43 = tpu.memref_slice %arg3[%multiple_of3A_31] : memref<320128xi32, #tpu.memory_space<hbm>> -> memref<16xi32, #tpu.memory_space<hbm>>
      %dma_start3A_44 = tpu.memref_slice %arg3[%multiple_of3A_31] : memref<320128xi32, #tpu.memory_space<hbm>> -> memref<16xi32, #tpu.memory_space<hbm>>
      tpu.enqueue_dma source(%dma_start3A_44 : memref<16xi32, #tpu.memory_space<hbm>>) target(%arg13 : memref<16xi32, #tpu.memory_space<vmem>>) target_semaphore(%run_scoped3A : memref<!tpu.dma_semaphore, #tpu.memory_space<semaphore_mem>>)
      %dma_wait3A_45 = tpu.memref_slice %arg3[%multiple_of3A_31] : memref<320128xi32, #tpu.memory_space<hbm>> -> memref<16xi32, #tpu.memory_space<hbm>>
      %dma_wait3A_46 = tpu.memref_slice %arg3[%multiple_of3A_31] : memref<320128xi32, #tpu.memory_space<hbm>> -> memref<16xi32, #tpu.memory_space<hbm>>
      tpu.wait_dma2 semaphore(%run_scoped3A : memref<!tpu.dma_semaphore, #tpu.memory_space<semaphore_mem>>) src(%dma_wait3A_46 : memref<16xi32, #tpu.memory_space<hbm>>) dst(%arg13 : memref<16xi32, #tpu.memory_space<vmem>>)
      tpu.yield
    }) : () -> ()
    %dma_start3A_32 = arith.constant 0 : i32
    %dma_start3A_33 = arith.constant 0 : i32
    %dma_start3A_34 = tpu.memref_slice %arg4[%dma_start3A_32, %dma_start3A_33] : memref<10000x128xf32, #tpu.memory_space<hbm>> -> memref<10000x128xf32, #tpu.memory_space<hbm>>
    tpu.enqueue_indirect_dma source(%dma_start3A_34 : memref<10000x128xf32, #tpu.memory_space<hbm>>) target(%arg14 : memref<16x128xf32, #tpu.memory_space<vmem>>) offsets(%arg12 : memref<16xi32, #tpu.memory_space<vmem>>) semaphore(%arg20 : memref<!tpu.dma_semaphore, #tpu.memory_space<semaphore_mem>>)
    %dma_wait3A_35 = arith.constant 0 : i32
    %dma_wait3A_36 = arith.constant 0 : i32
    %dma_wait3A_37 = tpu.memref_slice %arg4[%dma_wait3A_35, %dma_wait3A_36] : memref<10000x128xf32, #tpu.memory_space<hbm>> -> memref<10000x128xf32, #tpu.memory_space<hbm>>
    tpu.wait_indirect_dma semaphore(%arg20 : memref<!tpu.dma_semaphore, #tpu.memory_space<semaphore_mem>>) src(%dma_wait3A_37 : memref<10000x128xf32, #tpu.memory_space<hbm>>) dst(%arg14 : memref<16x128xf32, #tpu.memory_space<vmem>>)
    "tpu.region"() ({
      %run_scoped3A = tpu.sem_alloc : memref<!tpu.dma_semaphore, #tpu.memory_space<semaphore_mem>>
      %dma_start3A_43 = arith.constant 0 : i32
      %dma_start3A_44 = arith.constant 0 : i32
      %dma_start3A_45 = tpu.memref_slice %arg19[%dma_start3A_43, %dma_start3A_44] : memref<10112x128xf32, #tpu.memory_space<vmem_shared>> -> memref<10112x128xf32, #tpu.memory_space<vmem_shared>>
      tpu.enqueue_indirect_dma source(%arg14 : memref<16x128xf32, #tpu.memory_space<vmem>>) target(%dma_start3A_45 : memref<10112x128xf32, #tpu.memory_space<vmem_shared>>) offsets(%arg13 : memref<16xi32, #tpu.memory_space<vmem>>) semaphore(%run_scoped3A : memref<!tpu.dma_semaphore, #tpu.memory_space<semaphore_mem>>) {add = true}
      %dma_wait3A_46 = arith.constant 0 : i32
      %dma_wait3A_47 = arith.constant 0 : i32
      %dma_wait3A_48 = tpu.memref_slice %arg19[%dma_wait3A_46, %dma_wait3A_47] : memref<10112x128xf32, #tpu.memory_space<vmem_shared>> -> memref<10112x128xf32, #tpu.memory_space<vmem_shared>>
      tpu.wait_indirect_dma semaphore(%run_scoped3A : memref<!tpu.dma_semaphore, #tpu.memory_space<semaphore_mem>>) src(%arg14 : memref<16x128xf32, #tpu.memory_space<vmem>>) dst(%dma_wait3A_48 : memref<10112x128xf32, #tpu.memory_space<vmem_shared>>)
      tpu.yield
    }) : () -> ()
    %barrier3A_38 = arith.constant 0 : index
    tpu.barrier barrier_id(%barrier3A_38)
    %mul3A_39 = arith.constant 632 : i32
    %mul3A_40 = arith.muli %arg1, %mul3A_39 : i32
    %mul3A_41 = arith.constant 632 : i32
    %mul3A_42 = arith.muli %arg1, %mul3A_41 : i32
    "tpu.region"() ({
      %run_scoped3A = tpu.sem_alloc : memref<!tpu.dma_semaphore, #tpu.memory_space<semaphore_mem>>
      %dma_start3A_43 = arith.constant 0 : i32
      %dma_start3A_44 = tpu.memref_slice %arg5[%arg0, %mul3A_42, %dma_start3A_43] : memref<2x10112x128xf32, #tpu.memory_space<hbm>> -> memref<1x632x128xf32, #tpu.memory_space<hbm>>
      %dma_start3A_45 = tpu.memref_squeeze %dma_start3A_44 : memref<1x632x128xf32, #tpu.memory_space<hbm>> -> memref<632x128xf32, #tpu.memory_space<hbm>>
      %dma_start3A_46 = arith.constant 0 : i32
      %dma_start3A_47 = tpu.memref_slice %arg19[%mul3A_40, %dma_start3A_46] : memref<10112x128xf32, #tpu.memory_space<vmem_shared>> -> memref<632x128xf32, #tpu.memory_space<vmem_shared>>
      tpu.enqueue_dma source(%dma_start3A_47 : memref<632x128xf32, #tpu.memory_space<vmem_shared>>) target(%dma_start3A_45 : memref<632x128xf32, #tpu.memory_space<hbm>>) target_semaphore(%run_scoped3A : memref<!tpu.dma_semaphore, #tpu.memory_space<semaphore_mem>>)
      %dma_wait3A_48 = arith.constant 0 : i32
      %dma_wait3A_49 = tpu.memref_slice %arg5[%arg0, %mul3A_42, %dma_wait3A_48] : memref<2x10112x128xf32, #tpu.memory_space<hbm>> -> memref<1x632x128xf32, #tpu.memory_space<hbm>>
      %dma_wait3A_50 = tpu.memref_squeeze %dma_wait3A_49 : memref<1x632x128xf32, #tpu.memory_space<hbm>> -> memref<632x128xf32, #tpu.memory_space<hbm>>
      %dma_wait3A_51 = arith.constant 0 : i32
      %dma_wait3A_52 = tpu.memref_slice %arg19[%mul3A_40, %dma_wait3A_51] : memref<10112x128xf32, #tpu.memory_space<vmem_shared>> -> memref<632x128xf32, #tpu.memory_space<vmem_shared>>
      tpu.wait_dma2 semaphore(%run_scoped3A : memref<!tpu.dma_semaphore, #tpu.memory_space<semaphore_mem>>) src(%dma_wait3A_52 : memref<632x128xf32, #tpu.memory_space<vmem_shared>>) dst(%dma_wait3A_50 : memref<632x128xf32, #tpu.memory_space<hbm>>)
      tpu.yield
    }) : () -> ()
    return
  }
}

#map = affine_map<(d0, d1) -> (0)>
#map1 = affine_map<(d0, d1) -> (0, 0)>
#map2 = affine_map<(d0, d1) -> (0, 0, 0)>
module attributes {stable_mosaic.version = 14 : i64} {
  func.func @k(%arg0: i32, %arg1: i32, %arg2: memref<320128xi32, #tpu.memory_space<hbm>>, %arg3: memref<320128xi32, #tpu.memory_space<hbm>>, %arg4: memref<10000x32xf32, #tpu.memory_space<hbm>>, %arg5: memref<2x10112x32xf32, #tpu.memory_space<hbm>>, %arg6: memref<128xi32, #tpu.memory_space<vmem>>, %arg7: memref<128xi32, #tpu.memory_space<vmem>>, %arg8: memref<128xi32, #tpu.memory_space<vmem>>, %arg9: memref<128xi32, #tpu.memory_space<vmem>>, %arg10: memref<128x32xf32, #tpu.memory_space<vmem>>, %arg11: memref<128x32xf32, #tpu.memory_space<vmem>>, %arg12: memref<16xi32, #tpu.memory_space<vmem>>, %arg13: memref<16xi32, #tpu.memory_space<vmem>>, %arg14: memref<16x32xf32, #tpu.memory_space<vmem>>, %arg15: memref<8xi32, #tpu.memory_space<vmem>>, %arg16: memref<8xi32, #tpu.memory_space<vmem>>, %arg17: memref<8x32xf32, #tpu.memory_space<vmem>>, %arg18: memref<8x32xf32, #tpu.memory_space<vmem>>, %arg19: memref<10112x32xf32, #tpu.memory_space<vmem_shared>>, %arg20: memref<!tpu.dma_semaphore, #tpu.memory_space<semaphore_mem>>, %arg21: memref<!tpu.dma_semaphore, #tpu.memory_space<semaphore_mem>>) attributes {dimension_semantics = [#tpu.dimension_semantics<core_parallel>, #tpu.dimension_semantics<subcore_parallel>], iteration_bounds = array<i64: 2, 16>, scalar_prefetch = 0 : i64, scratch_operands = 16 : i64, tpu.core_type = #tpu.core_type<sc_vector_subcore>, window_params = [{transform_indices = #map}, {transform_indices = #map}, {transform_indices = #map1}, {transform_indices = #map2}]} {
    %mul3A = arith.constant 2 : i32
    %mul3A_0 = arith.muli %arg1, %mul3A : i32
    %add3A = arith.addi %mul3A_0, %arg0 : i32
    %scan3A = arith.constant 0 : i32
    %scan3A_1 = arith.constant 0 : i32
    %scan3A_2 = arith.constant 16 : i32
    %scan3A_3 = arith.addi %scan3A_1, %scan3A_2 : i32
    %scan3A_4 = arith.constant 1 : i32
    %scan3A_5 = scf.for %scan3A_43 = %scan3A_1 to %scan3A_3 step %scan3A_4 iter_args(%scan3A_44 = %scan3A) -> (i32)  : i32 {
      %jit3A = arith.constant 2 : i32
      %div3A = arith.divsi %scan3A_43, %jit3A : i32
      %sign3A = arith.constant 0 : i32
      %sign3A_45 = arith.cmpi sgt, %scan3A_43, %sign3A : i32
      %sign3A_46 = arith.extui %sign3A_45 : i1 to i32
      %sign3A_47 = arith.constant 0 : i32
      %sign3A_48 = arith.cmpi slt, %scan3A_43, %sign3A_47 : i32
      %sign3A_49 = arith.extui %sign3A_48 : i1 to i32
      %sign3A_50 = arith.subi %sign3A_46, %sign3A_49 : i32
      %sign3A_51 = arith.constant 0 : i32
      %sign3A_52 = arith.cmpi sgt, %jit3A, %sign3A_51 : i32
      %sign3A_53 = arith.extui %sign3A_52 : i1 to i32
      %sign3A_54 = arith.constant 0 : i32
      %sign3A_55 = arith.cmpi slt, %jit3A, %sign3A_54 : i32
      %sign3A_56 = arith.extui %sign3A_55 : i1 to i32
      %sign3A_57 = arith.subi %sign3A_53, %sign3A_56 : i32
      %ne3A = arith.cmpi ne, %sign3A_50, %sign3A_57 : i32
      %rem3A = arith.remsi %scan3A_43, %jit3A : i32
      %ne3A_58 = arith.constant 0 : i32
      %ne3A_59 = arith.cmpi ne, %rem3A, %ne3A_58 : i32
      %and3A = arith.andi %ne3A, %ne3A_59 : i1
      %sub3A = arith.constant 1 : i32
      %sub3A_60 = arith.subi %div3A, %sub3A : i32
      %select_n3A = arith.select %and3A, %sub3A_60, %div3A : i32
      %jit3A_61 = arith.constant 2 : i32
      %eq3A = arith.constant 0 : i32
      %eq3A_62 = arith.cmpi eq, %jit3A_61, %eq3A : i32
      %jit3A_63 = arith.constant 1 : i32
      %select_n3A_64 = arith.select %eq3A_62, %jit3A_63, %jit3A_61 : i32
      %rem3A_65 = arith.remsi %scan3A_43, %select_n3A_64 : i32
      %ne3A_66 = arith.constant 0 : i32
      %ne3A_67 = arith.cmpi ne, %rem3A_65, %ne3A_66 : i32
      %lt3A = arith.constant 0 : i32
      %lt3A_68 = arith.cmpi slt, %rem3A_65, %lt3A : i32
      %lt3A_69 = arith.constant 0 : i32
      %lt3A_70 = arith.cmpi slt, %select_n3A_64, %lt3A_69 : i32
      %ne3A_71 = arith.xori %lt3A_68, %lt3A_70 : i1
      %and3A_72 = arith.andi %ne3A_71, %ne3A_67 : i1
      %add3A_73 = arith.addi %rem3A_65, %select_n3A_64 : i32
      %select_n3A_74 = arith.select %and3A_72, %add3A_73, %rem3A_65 : i32
      %broadcast_in_dim3A = arith.constant 0.000000e+00 : f32
      %broadcast_in_dim3A_75 = vector.broadcast %broadcast_in_dim3A : f32 to vector<16xf32>
      %mul3A_76 = arith.constant 16 : i32
      %mul3A_77 = arith.muli %select_n3A_74, %mul3A_76 : i32
      %swap3A = arith.index_cast %select_n3A : i32 to index
      %swap3A_78 = arith.index_cast %mul3A_77 : i32 to index
      %swap3A_79 = tpu.vector_load %arg18[%swap3A, %swap3A_78] {strides = array<i32>} : memref<8x32xf32, #tpu.memory_space<vmem>>, vector<1x16xf32>,
      %swap3A_80 = vector.shape_cast %swap3A_79 : vector<1x16xf32> to vector<16xf32>
      %swap3A_81 = vector.shape_cast %broadcast_in_dim3A_75 : vector<16xf32> to vector<1x16xf32>
      tpu.vector_store %arg18[%swap3A, %swap3A_78], %swap3A_81 {strides = array<i32>} : memref<8x32xf32, #tpu.memory_space<vmem>>, vector<1x16xf32>,
      %scan3A_82 = arith.constant 0 : i32
      scf.yield %scan3A_82 : i32
    }
    %scan3A_6 = arith.constant 16 : i32
    %scan3A_7 = arith.constant 0 : i32
    %scan3A_8 = arith.constant 0 : i32
    %scan3A_9 = arith.constant 79 : i32
    %scan3A_10 = arith.addi %scan3A_8, %scan3A_9 : i32
    %scan3A_11 = arith.constant 1 : i32
    %scan3A_12 = scf.for %scan3A_43 = %scan3A_8 to %scan3A_10 step %scan3A_11 iter_args(%scan3A_44 = %scan3A_7) -> (i32)  : i32 {
      %mul3A_45 = arith.constant 632 : i32
      %mul3A_46 = arith.muli %arg1, %mul3A_45 : i32
      %mul3A_47 = arith.constant 8 : i32
      %mul3A_48 = arith.muli %scan3A_43, %mul3A_47 : i32
      %add3A_49 = arith.addi %mul3A_46, %mul3A_48 : i32
      "tpu.region"() ({
        %run_scoped3A = tpu.sem_alloc : memref<!tpu.dma_semaphore, #tpu.memory_space<semaphore_mem>>
        %dma_start3A_51 = arith.constant 0 : i32
        %dma_start3A_52 = tpu.memref_slice %arg19[%add3A_49, %dma_start3A_51] : memref<10112x32xf32, #tpu.memory_space<vmem_shared>> -> memref<8x32xf32, #tpu.memory_space<vmem_shared>>
        %dma_start3A_53 = arith.constant 0 : i32
        %dma_start3A_54 = tpu.memref_slice %arg19[%add3A_49, %dma_start3A_53] : memref<10112x32xf32, #tpu.memory_space<vmem_shared>> -> memref<8x32xf32, #tpu.memory_space<vmem_shared>>
        tpu.enqueue_dma source(%arg18 : memref<8x32xf32, #tpu.memory_space<vmem>>) target(%dma_start3A_54 : memref<8x32xf32, #tpu.memory_space<vmem_shared>>) target_semaphore(%run_scoped3A : memref<!tpu.dma_semaphore, #tpu.memory_space<semaphore_mem>>)
        %dma_wait3A_55 = arith.constant 0 : i32
        %dma_wait3A_56 = tpu.memref_slice %arg19[%add3A_49, %dma_wait3A_55] : memref<10112x32xf32, #tpu.memory_space<vmem_shared>> -> memref<8x32xf32, #tpu.memory_space<vmem_shared>>
        %dma_wait3A_57 = arith.constant 0 : i32
        %dma_wait3A_58 = tpu.memref_slice %arg19[%add3A_49, %dma_wait3A_57] : memref<10112x32xf32, #tpu.memory_space<vmem_shared>> -> memref<8x32xf32, #tpu.memory_space<vmem_shared>>
        tpu.wait_dma2 semaphore(%run_scoped3A : memref<!tpu.dma_semaphore, #tpu.memory_space<semaphore_mem>>) src(%arg18 : memref<8x32xf32, #tpu.memory_space<vmem>>) dst(%dma_wait3A_58 : memref<8x32xf32, #tpu.memory_space<vmem_shared>>)
        tpu.yield
      }) : () -> ()
      %scan3A_50 = arith.constant 0 : i32
      scf.yield %scan3A_50 : i32
    }
    %scan3A_13 = arith.constant 79 : i32
    %mul3A_14 = arith.constant 10000 : i32
    %mul3A_15 = arith.muli %add3A, %mul3A_14 : i32
    %multiple_of3A = tpu.assume_multiple %mul3A_15, 8 : i32
    "tpu.region"() ({
      %run_scoped3A = tpu.sem_alloc : memref<!tpu.dma_semaphore, #tpu.memory_space<semaphore_mem>>
      %dma_start3A_43 = tpu.memref_slice %arg2[%multiple_of3A] : memref<320128xi32, #tpu.memory_space<hbm>> -> memref<128xi32, #tpu.memory_space<hbm>>
      %dma_start3A_44 = tpu.memref_slice %arg2[%multiple_of3A] : memref<320128xi32, #tpu.memory_space<hbm>> -> memref<128xi32, #tpu.memory_space<hbm>>
      tpu.enqueue_dma source(%dma_start3A_44 : memref<128xi32, #tpu.memory_space<hbm>>) target(%arg6 : memref<128xi32, #tpu.memory_space<vmem>>) target_semaphore(%run_scoped3A : memref<!tpu.dma_semaphore, #tpu.memory_space<semaphore_mem>>)
      %dma_wait3A_45 = tpu.memref_slice %arg2[%multiple_of3A] : memref<320128xi32, #tpu.memory_space<hbm>> -> memref<128xi32, #tpu.memory_space<hbm>>
      %dma_wait3A_46 = tpu.memref_slice %arg2[%multiple_of3A] : memref<320128xi32, #tpu.memory_space<hbm>> -> memref<128xi32, #tpu.memory_space<hbm>>
      tpu.wait_dma2 semaphore(%run_scoped3A : memref<!tpu.dma_semaphore, #tpu.memory_space<semaphore_mem>>) src(%dma_wait3A_46 : memref<128xi32, #tpu.memory_space<hbm>>) dst(%arg6 : memref<128xi32, #tpu.memory_space<vmem>>)
      tpu.yield
    }) : () -> ()
    "tpu.region"() ({
      %run_scoped3A = tpu.sem_alloc : memref<!tpu.dma_semaphore, #tpu.memory_space<semaphore_mem>>
      %dma_start3A_43 = tpu.memref_slice %arg3[%multiple_of3A] : memref<320128xi32, #tpu.memory_space<hbm>> -> memref<128xi32, #tpu.memory_space<hbm>>
      %dma_start3A_44 = tpu.memref_slice %arg3[%multiple_of3A] : memref<320128xi32, #tpu.memory_space<hbm>> -> memref<128xi32, #tpu.memory_space<hbm>>
      tpu.enqueue_dma source(%dma_start3A_44 : memref<128xi32, #tpu.memory_space<hbm>>) target(%arg8 : memref<128xi32, #tpu.memory_space<vmem>>) target_semaphore(%run_scoped3A : memref<!tpu.dma_semaphore, #tpu.memory_space<semaphore_mem>>)
      %dma_wait3A_45 = tpu.memref_slice %arg3[%multiple_of3A] : memref<320128xi32, #tpu.memory_space<hbm>> -> memref<128xi32, #tpu.memory_space<hbm>>
      %dma_wait3A_46 = tpu.memref_slice %arg3[%multiple_of3A] : memref<320128xi32, #tpu.memory_space<hbm>> -> memref<128xi32, #tpu.memory_space<hbm>>
      tpu.wait_dma2 semaphore(%run_scoped3A : memref<!tpu.dma_semaphore, #tpu.memory_space<semaphore_mem>>) src(%dma_wait3A_46 : memref<128xi32, #tpu.memory_space<hbm>>) dst(%arg8 : memref<128xi32, #tpu.memory_space<vmem>>)
      tpu.yield
    }) : () -> ()
    %dma_start3A = arith.constant 0 : i32
    %dma_start3A_16 = arith.constant 0 : i32
    %dma_start3A_17 = tpu.memref_slice %arg4[%dma_start3A, %dma_start3A_16] : memref<10000x32xf32, #tpu.memory_space<hbm>> -> memref<10000x32xf32, #tpu.memory_space<hbm>>
    tpu.enqueue_indirect_dma source(%dma_start3A_17 : memref<10000x32xf32, #tpu.memory_space<hbm>>) target(%arg10 : memref<128x32xf32, #tpu.memory_space<vmem>>) offsets(%arg6 : memref<128xi32, #tpu.memory_space<vmem>>) semaphore(%arg20 : memref<!tpu.dma_semaphore, #tpu.memory_space<semaphore_mem>>)
    %barrier3A = arith.constant 0 : index
    tpu.barrier barrier_id(%barrier3A)
    %scan3A_18 = arith.constant 0 : i32
    %scan3A_19 = arith.constant 0 : i32
    %scan3A_20 = arith.constant 39 : i32
    %scan3A_21 = arith.addi %scan3A_19, %scan3A_20 : i32
    %scan3A_22 = arith.constant 1 : i32
    %scan3A_23 = scf.for %scan3A_43 = %scan3A_19 to %scan3A_21 step %scan3A_22 iter_args(%scan3A_44 = %scan3A_18) -> (i32)  : i32 {
      %mul3A_45 = arith.constant 2 : i32
      %mul3A_46 = arith.muli %mul3A_45, %scan3A_43 : i32
      %mul3A_47 = arith.constant 10000 : i32
      %mul3A_48 = arith.muli %add3A, %mul3A_47 : i32
      %add3A_49 = arith.constant 1 : i32
      %add3A_50 = arith.addi %mul3A_46, %add3A_49 : i32
      %mul3A_51 = arith.constant 128 : i32
      %mul3A_52 = arith.muli %add3A_50, %mul3A_51 : i32
      %add3A_53 = arith.addi %mul3A_48, %mul3A_52 : i32
      %multiple_of3A_54 = tpu.assume_multiple %add3A_53, 8 : i32
      "tpu.region"() ({
        %run_scoped3A = tpu.sem_alloc : memref<!tpu.dma_semaphore, #tpu.memory_space<semaphore_mem>>
        %dma_start3A_76 = tpu.memref_slice %arg2[%multiple_of3A_54] : memref<320128xi32, #tpu.memory_space<hbm>> -> memref<128xi32, #tpu.memory_space<hbm>>
        %dma_start3A_77 = tpu.memref_slice %arg2[%multiple_of3A_54] : memref<320128xi32, #tpu.memory_space<hbm>> -> memref<128xi32, #tpu.memory_space<hbm>>
        tpu.enqueue_dma source(%dma_start3A_77 : memref<128xi32, #tpu.memory_space<hbm>>) target(%arg7 : memref<128xi32, #tpu.memory_space<vmem>>) target_semaphore(%run_scoped3A : memref<!tpu.dma_semaphore, #tpu.memory_space<semaphore_mem>>)
        %dma_wait3A_78 = tpu.memref_slice %arg2[%multiple_of3A_54] : memref<320128xi32, #tpu.memory_space<hbm>> -> memref<128xi32, #tpu.memory_space<hbm>>
        %dma_wait3A_79 = tpu.memref_slice %arg2[%multiple_of3A_54] : memref<320128xi32, #tpu.memory_space<hbm>> -> memref<128xi32, #tpu.memory_space<hbm>>
        tpu.wait_dma2 semaphore(%run_scoped3A : memref<!tpu.dma_semaphore, #tpu.memory_space<semaphore_mem>>) src(%dma_wait3A_79 : memref<128xi32, #tpu.memory_space<hbm>>) dst(%arg7 : memref<128xi32, #tpu.memory_space<vmem>>)
        tpu.yield
      }) : () -> ()
      "tpu.region"() ({
        %run_scoped3A = tpu.sem_alloc : memref<!tpu.dma_semaphore, #tpu.memory_space<semaphore_mem>>
        %dma_start3A_76 = tpu.memref_slice %arg3[%multiple_of3A_54] : memref<320128xi32, #tpu.memory_space<hbm>> -> memref<128xi32, #tpu.memory_space<hbm>>
        %dma_start3A_77 = tpu.memref_slice %arg3[%multiple_of3A_54] : memref<320128xi32, #tpu.memory_space<hbm>> -> memref<128xi32, #tpu.memory_space<hbm>>
        tpu.enqueue_dma source(%dma_start3A_77 : memref<128xi32, #tpu.memory_space<hbm>>) target(%arg9 : memref<128xi32, #tpu.memory_space<vmem>>) target_semaphore(%run_scoped3A : memref<!tpu.dma_semaphore, #tpu.memory_space<semaphore_mem>>)
        %dma_wait3A_78 = tpu.memref_slice %arg3[%multiple_of3A_54] : memref<320128xi32, #tpu.memory_space<hbm>> -> memref<128xi32, #tpu.memory_space<hbm>>
        %dma_wait3A_79 = tpu.memref_slice %arg3[%multiple_of3A_54] : memref<320128xi32, #tpu.memory_space<hbm>> -> memref<128xi32, #tpu.memory_space<hbm>>
        tpu.wait_dma2 semaphore(%run_scoped3A : memref<!tpu.dma_semaphore, #tpu.memory_space<semaphore_mem>>) src(%dma_wait3A_79 : memref<128xi32, #tpu.memory_space<hbm>>) dst(%arg9 : memref<128xi32, #tpu.memory_space<vmem>>)
        tpu.yield
      }) : () -> ()
      %dma_start3A_55 = arith.constant 0 : i32
      %dma_start3A_56 = arith.constant 0 : i32
      %dma_start3A_57 = tpu.memref_slice %arg4[%dma_start3A_55, %dma_start3A_56] : memref<10000x32xf32, #tpu.memory_space<hbm>> -> memref<10000x32xf32, #tpu.memory_space<hbm>>
      tpu.enqueue_indirect_dma source(%dma_start3A_57 : memref<10000x32xf32, #tpu.memory_space<hbm>>) target(%arg11 : memref<128x32xf32, #tpu.memory_space<vmem>>) offsets(%arg7 : memref<128xi32, #tpu.memory_space<vmem>>) semaphore(%arg21 : memref<!tpu.dma_semaphore, #tpu.memory_space<semaphore_mem>>)
      %dma_wait3A_58 = arith.constant 0 : i32
      %dma_wait3A_59 = arith.constant 0 : i32
      %dma_wait3A_60 = tpu.memref_slice %arg4[%dma_wait3A_58, %dma_wait3A_59] : memref<10000x32xf32, #tpu.memory_space<hbm>> -> memref<10000x32xf32, #tpu.memory_space<hbm>>
      tpu.wait_indirect_dma semaphore(%arg20 : memref<!tpu.dma_semaphore, #tpu.memory_space<semaphore_mem>>) src(%dma_wait3A_60 : memref<10000x32xf32, #tpu.memory_space<hbm>>) dst(%arg10 : memref<128x32xf32, #tpu.memory_space<vmem>>)
      "tpu.region"() ({
        %run_scoped3A = tpu.sem_alloc : memref<!tpu.dma_semaphore, #tpu.memory_space<semaphore_mem>>
        %dma_start3A_76 = arith.constant 0 : i32
        %dma_start3A_77 = arith.constant 0 : i32
        %dma_start3A_78 = tpu.memref_slice %arg19[%dma_start3A_76, %dma_start3A_77] : memref<10112x32xf32, #tpu.memory_space<vmem_shared>> -> memref<10112x32xf32, #tpu.memory_space<vmem_shared>>
        tpu.enqueue_indirect_dma source(%arg10 : memref<128x32xf32, #tpu.memory_space<vmem>>) target(%dma_start3A_78 : memref<10112x32xf32, #tpu.memory_space<vmem_shared>>) offsets(%arg8 : memref<128xi32, #tpu.memory_space<vmem>>) semaphore(%run_scoped3A : memref<!tpu.dma_semaphore, #tpu.memory_space<semaphore_mem>>) {add = true}
        %dma_wait3A_79 = arith.constant 0 : i32
        %dma_wait3A_80 = arith.constant 0 : i32
        %dma_wait3A_81 = tpu.memref_slice %arg19[%dma_wait3A_79, %dma_wait3A_80] : memref<10112x32xf32, #tpu.memory_space<vmem_shared>> -> memref<10112x32xf32, #tpu.memory_space<vmem_shared>>
        tpu.wait_indirect_dma semaphore(%run_scoped3A : memref<!tpu.dma_semaphore, #tpu.memory_space<semaphore_mem>>) src(%arg10 : memref<128x32xf32, #tpu.memory_space<vmem>>) dst(%dma_wait3A_81 : memref<10112x32xf32, #tpu.memory_space<vmem_shared>>)
        tpu.yield
      }) : () -> ()
      %mul3A_61 = arith.constant 10000 : i32
      %mul3A_62 = arith.muli %add3A, %mul3A_61 : i32
      %add3A_63 = arith.constant 2 : i32
      %add3A_64 = arith.addi %mul3A_46, %add3A_63 : i32
      %mul3A_65 = arith.constant 128 : i32
      %mul3A_66 = arith.muli %add3A_64, %mul3A_65 : i32
      %add3A_67 = arith.addi %mul3A_62, %mul3A_66 : i32
      %multiple_of3A_68 = tpu.assume_multiple %add3A_67, 8 : i32
      "tpu.region"() ({
        %run_scoped3A = tpu.sem_alloc : memref<!tpu.dma_semaphore, #tpu.memory_space<semaphore_mem>>
        %dma_start3A_76 = tpu.memref_slice %arg2[%multiple_of3A_68] : memref<320128xi32, #tpu.memory_space<hbm>> -> memref<128xi32, #tpu.memory_space<hbm>>
        %dma_start3A_77 = tpu.memref_slice %arg2[%multiple_of3A_68] : memref<320128xi32, #tpu.memory_space<hbm>> -> memref<128xi32, #tpu.memory_space<hbm>>
        tpu.enqueue_dma source(%dma_start3A_77 : memref<128xi32, #tpu.memory_space<hbm>>) target(%arg6 : memref<128xi32, #tpu.memory_space<vmem>>) target_semaphore(%run_scoped3A : memref<!tpu.dma_semaphore, #tpu.memory_space<semaphore_mem>>)
        %dma_wait3A_78 = tpu.memref_slice %arg2[%multiple_of3A_68] : memref<320128xi32, #tpu.memory_space<hbm>> -> memref<128xi32, #tpu.memory_space<hbm>>
        %dma_wait3A_79 = tpu.memref_slice %arg2[%multiple_of3A_68] : memref<320128xi32, #tpu.memory_space<hbm>> -> memref<128xi32, #tpu.memory_space<hbm>>
        tpu.wait_dma2 semaphore(%run_scoped3A : memref<!tpu.dma_semaphore, #tpu.memory_space<semaphore_mem>>) src(%dma_wait3A_79 : memref<128xi32, #tpu.memory_space<hbm>>) dst(%arg6 : memref<128xi32, #tpu.memory_space<vmem>>)
        tpu.yield
      }) : () -> ()
      "tpu.region"() ({
        %run_scoped3A = tpu.sem_alloc : memref<!tpu.dma_semaphore, #tpu.memory_space<semaphore_mem>>
        %dma_start3A_76 = tpu.memref_slice %arg3[%multiple_of3A_68] : memref<320128xi32, #tpu.memory_space<hbm>> -> memref<128xi32, #tpu.memory_space<hbm>>
        %dma_start3A_77 = tpu.memref_slice %arg3[%multiple_of3A_68] : memref<320128xi32, #tpu.memory_space<hbm>> -> memref<128xi32, #tpu.memory_space<hbm>>
        tpu.enqueue_dma source(%dma_start3A_77 : memref<128xi32, #tpu.memory_space<hbm>>) target(%arg8 : memref<128xi32, #tpu.memory_space<vmem>>) target_semaphore(%run_scoped3A : memref<!tpu.dma_semaphore, #tpu.memory_space<semaphore_mem>>)
        %dma_wait3A_78 = tpu.memref_slice %arg3[%multiple_of3A_68] : memref<320128xi32, #tpu.memory_space<hbm>> -> memref<128xi32, #tpu.memory_space<hbm>>
        %dma_wait3A_79 = tpu.memref_slice %arg3[%multiple_of3A_68] : memref<320128xi32, #tpu.memory_space<hbm>> -> memref<128xi32, #tpu.memory_space<hbm>>
        tpu.wait_dma2 semaphore(%run_scoped3A : memref<!tpu.dma_semaphore, #tpu.memory_space<semaphore_mem>>) src(%dma_wait3A_79 : memref<128xi32, #tpu.memory_space<hbm>>) dst(%arg8 : memref<128xi32, #tpu.memory_space<vmem>>)
        tpu.yield
      }) : () -> ()
      %dma_start3A_69 = arith.constant 0 : i32
      %dma_start3A_70 = arith.constant 0 : i32
      %dma_start3A_71 = tpu.memref_slice %arg4[%dma_start3A_69, %dma_start3A_70] : memref<10000x32xf32, #tpu.memory_space<hbm>> -> memref<10000x32xf32, #tpu.memory_space<hbm>>
      tpu.enqueue_indirect_dma source(%dma_start3A_71 : memref<10000x32xf32, #tpu.memory_space<hbm>>) target(%arg10 : memref<128x32xf32, #tpu.memory_space<vmem>>) offsets(%arg6 : memref<128xi32, #tpu.memory_space<vmem>>) semaphore(%arg20 : memref<!tpu.dma_semaphore, #tpu.memory_space<semaphore_mem>>)
      %dma_wait3A_72 = arith.constant 0 : i32
      %dma_wait3A_73 = arith.constant 0 : i32
      %dma_wait3A_74 = tpu.memref_slice %arg4[%dma_wait3A_72, %dma_wait3A_73] : memref<10000x32xf32, #tpu.memory_space<hbm>> -> memref<10000x32xf32, #tpu.memory_space<hbm>>
      tpu.wait_indirect_dma semaphore(%arg21 : memref<!tpu.dma_semaphore, #tpu.memory_space<semaphore_mem>>) src(%dma_wait3A_74 : memref<10000x32xf32, #tpu.memory_space<hbm>>) dst(%arg11 : memref<128x32xf32, #tpu.memory_space<vmem>>)
      "tpu.region"() ({
        %run_scoped3A = tpu.sem_alloc : memref<!tpu.dma_semaphore, #tpu.memory_space<semaphore_mem>>
        %dma_start3A_76 = arith.constant 0 : i32
        %dma_start3A_77 = arith.constant 0 : i32
        %dma_start3A_78 = tpu.memref_slice %arg19[%dma_start3A_76, %dma_start3A_77] : memref<10112x32xf32, #tpu.memory_space<vmem_shared>> -> memref<10112x32xf32, #tpu.memory_space<vmem_shared>>
        tpu.enqueue_indirect_dma source(%arg11 : memref<128x32xf32, #tpu.memory_space<vmem>>) target(%dma_start3A_78 : memref<10112x32xf32, #tpu.memory_space<vmem_shared>>) offsets(%arg9 : memref<128xi32, #tpu.memory_space<vmem>>) semaphore(%run_scoped3A : memref<!tpu.dma_semaphore, #tpu.memory_space<semaphore_mem>>) {add = true}
        %dma_wait3A_79 = arith.constant 0 : i32
        %dma_wait3A_80 = arith.constant 0 : i32
        %dma_wait3A_81 = tpu.memref_slice %arg19[%dma_wait3A_79, %dma_wait3A_80] : memref<10112x32xf32, #tpu.memory_space<vmem_shared>> -> memref<10112x32xf32, #tpu.memory_space<vmem_shared>>
        tpu.wait_indirect_dma semaphore(%run_scoped3A : memref<!tpu.dma_semaphore, #tpu.memory_space<semaphore_mem>>) src(%arg11 : memref<128x32xf32, #tpu.memory_space<vmem>>) dst(%dma_wait3A_81 : memref<10112x32xf32, #tpu.memory_space<vmem_shared>>)
        tpu.yield
      }) : () -> ()
      %scan3A_75 = arith.constant 0 : i32
      scf.yield %scan3A_75 : i32
    }
    %scan3A_24 = arith.constant 39 : i32
    %dma_wait3A = arith.constant 0 : i32
    %dma_wait3A_25 = arith.constant 0 : i32
    %dma_wait3A_26 = tpu.memref_slice %arg4[%dma_wait3A, %dma_wait3A_25] : memref<10000x32xf32, #tpu.memory_space<hbm>> -> memref<10000x32xf32, #tpu.memory_space<hbm>>
    tpu.wait_indirect_dma semaphore(%arg20 : memref<!tpu.dma_semaphore, #tpu.memory_space<semaphore_mem>>) src(%dma_wait3A_26 : memref<10000x32xf32, #tpu.memory_space<hbm>>) dst(%arg10 : memref<128x32xf32, #tpu.memory_space<vmem>>)
    %mul3A_27 = arith.constant 10000 : i32
    %mul3A_28 = arith.muli %add3A, %mul3A_27 : i32
    %add3A_29 = arith.constant 9984 : i32
    %add3A_30 = arith.addi %mul3A_28, %add3A_29 : i32
    %multiple_of3A_31 = tpu.assume_multiple %add3A_30, 8 : i32
    "tpu.region"() ({
      %run_scoped3A = tpu.sem_alloc : memref<!tpu.dma_semaphore, #tpu.memory_space<semaphore_mem>>
      %dma_start3A_43 = tpu.memref_slice %arg2[%multiple_of3A_31] : memref<320128xi32, #tpu.memory_space<hbm>> -> memref<16xi32, #tpu.memory_space<hbm>>
      %dma_start3A_44 = tpu.memref_slice %arg2[%multiple_of3A_31] : memref<320128xi32, #tpu.memory_space<hbm>> -> memref<16xi32, #tpu.memory_space<hbm>>
      tpu.enqueue_dma source(%dma_start3A_44 : memref<16xi32, #tpu.memory_space<hbm>>) target(%arg12 : memref<16xi32, #tpu.memory_space<vmem>>) target_semaphore(%run_scoped3A : memref<!tpu.dma_semaphore, #tpu.memory_space<semaphore_mem>>)
      %dma_wait3A_45 = tpu.memref_slice %arg2[%multiple_of3A_31] : memref<320128xi32, #tpu.memory_space<hbm>> -> memref<16xi32, #tpu.memory_space<hbm>>
      %dma_wait3A_46 = tpu.memref_slice %arg2[%multiple_of3A_31] : memref<320128xi32, #tpu.memory_space<hbm>> -> memref<16xi32, #tpu.memory_space<hbm>>
      tpu.wait_dma2 semaphore(%run_scoped3A : memref<!tpu.dma_semaphore, #tpu.memory_space<semaphore_mem>>) src(%dma_wait3A_46 : memref<16xi32, #tpu.memory_space<hbm>>) dst(%arg12 : memref<16xi32, #tpu.memory_space<vmem>>)
      tpu.yield
    }) : () -> ()
    "tpu.region"() ({
      %run_scoped3A = tpu.sem_alloc : memref<!tpu.dma_semaphore, #tpu.memory_space<semaphore_mem>>
      %dma_start3A_43 = tpu.memref_slice %arg3[%multiple_of3A_31] : memref<320128xi32, #tpu.memory_space<hbm>> -> memref<16xi32, #tpu.memory_space<hbm>>
      %dma_start3A_44 = tpu.memref_slice %arg3[%multiple_of3A_31] : memref<320128xi32, #tpu.memory_space<hbm>> -> memref<16xi32, #tpu.memory_space<hbm>>
      tpu.enqueue_dma source(%dma_start3A_44 : memref<16xi32, #tpu.memory_space<hbm>>) target(%arg13 : memref<16xi32, #tpu.memory_space<vmem>>) target_semaphore(%run_scoped3A : memref<!tpu.dma_semaphore, #tpu.memory_space<semaphore_mem>>)
      %dma_wait3A_45 = tpu.memref_slice %arg3[%multiple_of3A_31] : memref<320128xi32, #tpu.memory_space<hbm>> -> memref<16xi32, #tpu.memory_space<hbm>>
      %dma_wait3A_46 = tpu.memref_slice %arg3[%multiple_of3A_31] : memref<320128xi32, #tpu.memory_space<hbm>> -> memref<16xi32, #tpu.memory_space<hbm>>
      tpu.wait_dma2 semaphore(%run_scoped3A : memref<!tpu.dma_semaphore, #tpu.memory_space<semaphore_mem>>) src(%dma_wait3A_46 : memref<16xi32, #tpu.memory_space<hbm>>) dst(%arg13 : memref<16xi32, #tpu.memory_space<vmem>>)
      tpu.yield
    }) : () -> ()
    %dma_start3A_32 = arith.constant 0 : i32
    %dma_start3A_33 = arith.constant 0 : i32
    %dma_start3A_34 = tpu.memref_slice %arg4[%dma_start3A_32, %dma_start3A_33] : memref<10000x32xf32, #tpu.memory_space<hbm>> -> memref<10000x32xf32, #tpu.memory_space<hbm>>
    tpu.enqueue_indirect_dma source(%dma_start3A_34 : memref<10000x32xf32, #tpu.memory_space<hbm>>) target(%arg14 : memref<16x32xf32, #tpu.memory_space<vmem>>) offsets(%arg12 : memref<16xi32, #tpu.memory_space<vmem>>) semaphore(%arg20 : memref<!tpu.dma_semaphore, #tpu.memory_space<semaphore_mem>>)
    %dma_wait3A_35 = arith.constant 0 : i32
    %dma_wait3A_36 = arith.constant 0 : i32
    %dma_wait3A_37 = tpu.memref_slice %arg4[%dma_wait3A_35, %dma_wait3A_36] : memref<10000x32xf32, #tpu.memory_space<hbm>> -> memref<10000x32xf32, #tpu.memory_space<hbm>>
    tpu.wait_indirect_dma semaphore(%arg20 : memref<!tpu.dma_semaphore, #tpu.memory_space<semaphore_mem>>) src(%dma_wait3A_37 : memref<10000x32xf32, #tpu.memory_space<hbm>>) dst(%arg14 : memref<16x32xf32, #tpu.memory_space<vmem>>)
    "tpu.region"() ({
      %run_scoped3A = tpu.sem_alloc : memref<!tpu.dma_semaphore, #tpu.memory_space<semaphore_mem>>
      %dma_start3A_43 = arith.constant 0 : i32
      %dma_start3A_44 = arith.constant 0 : i32
      %dma_start3A_45 = tpu.memref_slice %arg19[%dma_start3A_43, %dma_start3A_44] : memref<10112x32xf32, #tpu.memory_space<vmem_shared>> -> memref<10112x32xf32, #tpu.memory_space<vmem_shared>>
      tpu.enqueue_indirect_dma source(%arg14 : memref<16x32xf32, #tpu.memory_space<vmem>>) target(%dma_start3A_45 : memref<10112x32xf32, #tpu.memory_space<vmem_shared>>) offsets(%arg13 : memref<16xi32, #tpu.memory_space<vmem>>) semaphore(%run_scoped3A : memref<!tpu.dma_semaphore, #tpu.memory_space<semaphore_mem>>) {add = true}
      %dma_wait3A_46 = arith.constant 0 : i32
      %dma_wait3A_47 = arith.constant 0 : i32
      %dma_wait3A_48 = tpu.memref_slice %arg19[%dma_wait3A_46, %dma_wait3A_47] : memref<10112x32xf32, #tpu.memory_space<vmem_shared>> -> memref<10112x32xf32, #tpu.memory_space<vmem_shared>>
      tpu.wait_indirect_dma semaphore(%run_scoped3A : memref<!tpu.dma_semaphore, #tpu.memory_space<semaphore_mem>>) src(%arg14 : memref<16x32xf32, #tpu.memory_space<vmem>>) dst(%dma_wait3A_48 : memref<10112x32xf32, #tpu.memory_space<vmem_shared>>)
      tpu.yield
    }) : () -> ()
    %barrier3A_38 = arith.constant 0 : index
    tpu.barrier barrier_id(%barrier3A_38)
    %mul3A_39 = arith.constant 632 : i32
    %mul3A_40 = arith.muli %arg1, %mul3A_39 : i32
    %mul3A_41 = arith.constant 632 : i32
    %mul3A_42 = arith.muli %arg1, %mul3A_41 : i32
    "tpu.region"() ({
      %run_scoped3A = tpu.sem_alloc : memref<!tpu.dma_semaphore, #tpu.memory_space<semaphore_mem>>
      %dma_start3A_43 = arith.constant 0 : i32
      %dma_start3A_44 = tpu.memref_slice %arg5[%arg0, %mul3A_42, %dma_start3A_43] : memref<2x10112x32xf32, #tpu.memory_space<hbm>> -> memref<1x632x32xf32, #tpu.memory_space<hbm>>
      %dma_start3A_45 = tpu.memref_squeeze %dma_start3A_44 : memref<1x632x32xf32, #tpu.memory_space<hbm>> -> memref<632x32xf32, #tpu.memory_space<hbm>>
      %dma_start3A_46 = arith.constant 0 : i32
      %dma_start3A_47 = tpu.memref_slice %arg19[%mul3A_40, %dma_start3A_46] : memref<10112x32xf32, #tpu.memory_space<vmem_shared>> -> memref<632x32xf32, #tpu.memory_space<vmem_shared>>
      tpu.enqueue_dma source(%dma_start3A_47 : memref<632x32xf32, #tpu.memory_space<vmem_shared>>) target(%dma_start3A_45 : memref<632x32xf32, #tpu.memory_space<hbm>>) target_semaphore(%run_scoped3A : memref<!tpu.dma_semaphore, #tpu.memory_space<semaphore_mem>>)
      %dma_wait3A_48 = arith.constant 0 : i32
      %dma_wait3A_49 = tpu.memref_slice %arg5[%arg0, %mul3A_42, %dma_wait3A_48] : memref<2x10112x32xf32, #tpu.memory_space<hbm>> -> memref<1x632x32xf32, #tpu.memory_space<hbm>>
      %dma_wait3A_50 = tpu.memref_squeeze %dma_wait3A_49 : memref<1x632x32xf32, #tpu.memory_space<hbm>> -> memref<632x32xf32, #tpu.memory_space<hbm>>
      %dma_wait3A_51 = arith.constant 0 : i32
      %dma_wait3A_52 = tpu.memref_slice %arg19[%mul3A_40, %dma_wait3A_51] : memref<10112x32xf32, #tpu.memory_space<vmem_shared>> -> memref<632x32xf32, #tpu.memory_space<vmem_shared>>
      tpu.wait_dma2 semaphore(%run_scoped3A : memref<!tpu.dma_semaphore, #tpu.memory_space<semaphore_mem>>) src(%dma_wait3A_52 : memref<632x32xf32, #tpu.memory_space<vmem_shared>>) dst(%dma_wait3A_50 : memref<632x32xf32, #tpu.memory_space<hbm>>)
      tpu.yield
    }) : () -> ()
    return
  }
}

module attributes {stable_mosaic.version = 14 : i64} {
  func.func @body(%arg0: i32, %arg1: memref<2x2000x16xf32, #tpu.memory_space<vmem>>, %arg2: memref<2000x128xf32, #tpu.memory_space<vmem>>, %arg3: memref<128x128xf32, #tpu.memory_space<vmem>>, %arg4: memref<2000x1xf32, #tpu.memory_space<vmem>>, %arg5: memref<2000x128xf32, #tpu.memory_space<vmem>>, %arg6: memref<2000x128xf32, #tpu.memory_space<vmem>>) attributes {dimension_semantics = [#tpu.dimension_semantics<arbitrary>], iteration_bounds = array<i64: 5>, scalar_prefetch = 0 : i64, scratch_operands = 0 : i64, tpu.core_type = #tpu.core_type<tc>, window_params = [{transform_indices = @transform_0, window_bounds = array<i64: 2, 2000, 16>}, {transform_indices = @transform_1, window_bounds = array<i64: 2000, 128>}, {pipeline_mode = #tpu.pipeline_mode<synchronous>, transform_indices = @transform_2, window_bounds = array<i64: 128, 128>}, {transform_indices = @transform_3, window_bounds = array<i64: 2000, 1>}, {transform_indices = @transform_4, window_bounds = array<i64: 2000, 128>}, {transform_indices = @transform_5, window_bounds = array<i64: 2000, 128>}]} {
    %get3A = arith.constant 0 : index
    %get3A_0 = arith.constant 0 : index
    %get3A_1 = arith.constant 0 : index
    %get3A_2 = vector.load %arg1[%get3A, %get3A_0, %get3A_1] : memref<2x2000x16xf32, #tpu.memory_space<vmem>>, vector<1x2000x1xf32>
    %get3A_3 = vector.shape_cast %get3A_2 : vector<1x2000x1xf32> to vector<2000x1xf32>
    %get3A_4 = arith.constant 1 : index
    %get3A_5 = arith.constant 0 : index
    %get3A_6 = arith.constant 0 : index
    %get3A_7 = vector.load %arg1[%get3A_4, %get3A_5, %get3A_6] : memref<2x2000x16xf32, #tpu.memory_space<vmem>>, vector<1x2000x1xf32>
    %get3A_8 = vector.shape_cast %get3A_7 : vector<1x2000x1xf32> to vector<2000x1xf32>
    %add3A = arith.addf %get3A_3, %get3A_8 : vector<2000x1xf32>
    %add3A_9 = arith.constant 1.000000e+00 : f32
    %add3A_10 = vector.broadcast %add3A_9 : f32 to vector<2000x1xf32>
    %add3A_11 = arith.addf %add3A, %add3A_10 : vector<2000x1xf32>
    %rsqrt3A = math.rsqrt %add3A_11 : vector<2000x1xf32>
    %swap3A = arith.constant 0 : index
    %swap3A_12 = arith.constant 0 : index
    %swap3A_13 = vector.load %arg4[%swap3A, %swap3A_12] : memref<2000x1xf32, #tpu.memory_space<vmem>>, vector<2000x1xf32>
    tpu.vector_store %arg4[%swap3A, %swap3A_12], %rsqrt3A {strides = array<i32>} : memref<2000x1xf32, #tpu.memory_space<vmem>>, vector<2000x1xf32>,
    %get3A_14 = arith.constant 0 : index
    %get3A_15 = arith.constant 0 : index
    %get3A_16 = vector.load %arg2[%get3A_14, %get3A_15] : memref<2000x128xf32, #tpu.memory_space<vmem>>, vector<2000x128xf32>
    %mul3A = vector.broadcast %rsqrt3A : vector<2000x1xf32> to vector<2000x128xf32>
    %mul3A_17 = arith.mulf %get3A_16, %mul3A : vector<2000x128xf32>
    %swap3A_18 = arith.constant 0 : index
    %swap3A_19 = arith.constant 0 : index
    %swap3A_20 = vector.load %arg5[%swap3A_18, %swap3A_19] : memref<2000x128xf32, #tpu.memory_space<vmem>>, vector<2000x128xf32>
    tpu.vector_store %arg5[%swap3A_18, %swap3A_19], %mul3A_17 {strides = array<i32>} : memref<2000x128xf32, #tpu.memory_space<vmem>>, vector<2000x128xf32>,
    %get3A_21 = arith.constant 0 : index
    %get3A_22 = arith.constant 0 : index
    %get3A_23 = vector.load %arg2[%get3A_21, %get3A_22] : memref<2000x128xf32, #tpu.memory_space<vmem>>, vector<2000x128xf32>
    %get3A_24 = arith.constant 0 : index
    %get3A_25 = arith.constant 0 : index
    %get3A_26 = vector.load %arg3[%get3A_24, %get3A_25] : memref<128x128xf32, #tpu.memory_space<vmem>>, vector<128x128xf32>
    %dot_general3A = arith.constant dense<0.000000e+00> : vector<2000x128xf32>
    %dot_general3A_27 = tpu.matmul %get3A_23, %get3A_26, %dot_general3A {dimension_numbers = #tpu.dot_dimension_numbers<[1], [0], [0], [1], [0, 0, 1, 1], [], []>, transpose_lhs_hint = false} : vector<2000x128xf32>, vector<128x128xf32>, vector<2000x128xf32> -> vector<2000x128xf32>
    %mul3A_28 = vector.broadcast %rsqrt3A : vector<2000x1xf32> to vector<2000x128xf32>
    %mul3A_29 = arith.mulf %mul3A_28, %dot_general3A_27 : vector<2000x128xf32>
    %swap3A_30 = arith.constant 0 : index
    %swap3A_31 = arith.constant 0 : index
    %swap3A_32 = vector.load %arg6[%swap3A_30, %swap3A_31] : memref<2000x128xf32, #tpu.memory_space<vmem>>, vector<2000x128xf32>
    tpu.vector_store %arg6[%swap3A_30, %swap3A_31], %mul3A_29 {strides = array<i32>} : memref<2000x128xf32, #tpu.memory_space<vmem>>, vector<2000x128xf32>,
    return
  }
  func.func @transform_0(%arg0: i32) -> (i32, i32, i32) {
    %c0_i32 = arith.constant 0 : i32
    %c0_i32_0 = arith.constant 0 : i32
    %c0_i32_1 = arith.constant 0 : i32
    return %c0_i32, %arg0, %c0_i32_0 : i32, i32, i32
  }
  func.func @transform_1(%arg0: i32) -> (i32, i32) {
    %c0_i32 = arith.constant 0 : i32
    %c0_i32_0 = arith.constant 0 : i32
    return %arg0, %c0_i32 : i32, i32
  }
  func.func @transform_2(%arg0: i32) -> (i32, i32) {
    %c0_i32 = arith.constant 0 : i32
    %c0_i32_0 = arith.constant 0 : i32
    %c0_i32_1 = arith.constant 0 : i32
    return %c0_i32, %c0_i32_0 : i32, i32
  }
  func.func @transform_3(%arg0: i32) -> (i32, i32) {
    %c0_i32 = arith.constant 0 : i32
    %c0_i32_0 = arith.constant 0 : i32
    return %arg0, %c0_i32 : i32, i32
  }
  func.func @transform_4(%arg0: i32) -> (i32, i32) {
    %c0_i32 = arith.constant 0 : i32
    %c0_i32_0 = arith.constant 0 : i32
    return %arg0, %c0_i32 : i32, i32
  }
  func.func @transform_5(%arg0: i32) -> (i32, i32) {
    %c0_i32 = arith.constant 0 : i32
    %c0_i32_0 = arith.constant 0 : i32
    return %arg0, %c0_i32 : i32, i32
  }
}

module attributes {stable_mosaic.version = 14 : i64} {
  func.func @body(%arg0: i32, %arg1: memref<2x2000x128xf32, #tpu.memory_space<vmem>>, %arg2: memref<2x2000x128xf32, #tpu.memory_space<vmem>>, %arg3: memref<2000x128xf32, #tpu.memory_space<vmem>>, %arg4: memref<2000x128xf32, #tpu.memory_space<vmem>>, %arg5: memref<2000x1xf32, #tpu.memory_space<vmem>>, %arg6: memref<128x128xf32, #tpu.memory_space<vmem>>, %arg7: memref<1x128xf32, #tpu.memory_space<vmem>>, %arg8: memref<1x128xf32, #tpu.memory_space<vmem>>, %arg9: memref<128x128xf32, #tpu.memory_space<vmem>>, %arg10: memref<2000x128xf32, #tpu.memory_space<vmem>>, %arg11: memref<2000x128xf32, #tpu.memory_space<vmem>>) attributes {dimension_semantics = [#tpu.dimension_semantics<arbitrary>], iteration_bounds = array<i64: 5>, scalar_prefetch = 0 : i64, scratch_operands = 0 : i64, tpu.core_type = #tpu.core_type<tc>, window_params = [{transform_indices = @transform_0, window_bounds = array<i64: 2, 2000, 128>}, {transform_indices = @transform_1, window_bounds = array<i64: 2, 2000, 128>}, {transform_indices = @transform_2, window_bounds = array<i64: 2000, 128>}, {transform_indices = @transform_3, window_bounds = array<i64: 2000, 128>}, {transform_indices = @transform_4, window_bounds = array<i64: 2000, 1>}, {pipeline_mode = #tpu.pipeline_mode<synchronous>, transform_indices = @transform_5, window_bounds = array<i64: 128, 128>}, {pipeline_mode = #tpu.pipeline_mode<synchronous>, transform_indices = @transform_6, window_bounds = array<i64: 1, 128>}, {pipeline_mode = #tpu.pipeline_mode<synchronous>, transform_indices = @transform_7, window_bounds = array<i64: 1, 128>}, {pipeline_mode = #tpu.pipeline_mode<synchronous>, transform_indices = @transform_8, window_bounds = array<i64: 128, 128>}, {transform_indices = @transform_9, window_bounds = array<i64: 2000, 128>}, {transform_indices = @transform_10, window_bounds = array<i64: 2000, 128>}]} {
    %get3A = arith.constant 0 : index
    %get3A_0 = arith.constant 0 : index
    %get3A_1 = vector.load %arg5[%get3A, %get3A_0] : memref<2000x1xf32, #tpu.memory_space<vmem>>, vector<2000x1xf32>
    %get3A_2 = arith.constant 0 : index
    %get3A_3 = arith.constant 0 : index
    %get3A_4 = arith.constant 0 : index
    %get3A_5 = vector.load %arg1[%get3A_2, %get3A_3, %get3A_4] : memref<2x2000x128xf32, #tpu.memory_space<vmem>>, vector<1x2000x128xf32>
    %get3A_6 = vector.shape_cast %get3A_5 : vector<1x2000x128xf32> to vector<2000x128xf32>
    %get3A_7 = arith.constant 1 : index
    %get3A_8 = arith.constant 0 : index
    %get3A_9 = arith.constant 0 : index
    %get3A_10 = vector.load %arg1[%get3A_7, %get3A_8, %get3A_9] : memref<2x2000x128xf32, #tpu.memory_space<vmem>>, vector<1x2000x128xf32>
    %get3A_11 = vector.shape_cast %get3A_10 : vector<1x2000x128xf32> to vector<2000x128xf32>
    %add3A = arith.addf %get3A_6, %get3A_11 : vector<2000x128xf32>
    %get3A_12 = arith.constant 0 : index
    %get3A_13 = arith.constant 0 : index
    %get3A_14 = vector.load %arg3[%get3A_12, %get3A_13] : memref<2000x128xf32, #tpu.memory_space<vmem>>, vector<2000x128xf32>
    %add3A_15 = arith.addf %add3A, %get3A_14 : vector<2000x128xf32>
    %mul3A = vector.broadcast %get3A_1 : vector<2000x1xf32> to vector<2000x128xf32>
    %mul3A_16 = arith.mulf %mul3A, %add3A_15 : vector<2000x128xf32>
    %get3A_17 = arith.constant 0 : index
    %get3A_18 = arith.constant 0 : index
    %get3A_19 = vector.load %arg6[%get3A_17, %get3A_18] : memref<128x128xf32, #tpu.memory_space<vmem>>, vector<128x128xf32>
    %dot_general3A = arith.constant dense<0.000000e+00> : vector<2000x128xf32>
    %dot_general3A_20 = tpu.matmul %mul3A_16, %get3A_19, %dot_general3A {dimension_numbers = #tpu.dot_dimension_numbers<[1], [0], [0], [1], [0, 0, 1, 1], [], []>, transpose_lhs_hint = false} : vector<2000x128xf32>, vector<128x128xf32>, vector<2000x128xf32> -> vector<2000x128xf32>
    %get3A_21 = arith.constant 0 : index
    %get3A_22 = arith.constant 0 : index
    %get3A_23 = vector.load %arg7[%get3A_21, %get3A_22] : memref<1x128xf32, #tpu.memory_space<vmem>>, vector<1x128xf32>
    %add3A_24 = vector.broadcast %get3A_23 : vector<1x128xf32> to vector<2000x128xf32>
    %add3A_25 = arith.addf %dot_general3A_20, %add3A_24 : vector<2000x128xf32>
    %max3A = arith.constant 0.000000e+00 : f32
    %max3A_26 = vector.broadcast %max3A : f32 to vector<2000x128xf32>
    %max3A_27 = arith.maximumf %add3A_25, %max3A_26 : vector<2000x128xf32>
    %mul3A_28 = vector.broadcast %get3A_1 : vector<2000x1xf32> to vector<2000x128xf32>
    %mul3A_29 = arith.mulf %mul3A_28, %max3A_27 : vector<2000x128xf32>
    %swap3A = arith.constant 0 : index
    %swap3A_30 = arith.constant 0 : index
    %swap3A_31 = vector.load %arg10[%swap3A, %swap3A_30] : memref<2000x128xf32, #tpu.memory_space<vmem>>, vector<2000x128xf32>
    tpu.vector_store %arg10[%swap3A, %swap3A_30], %mul3A_29 {strides = array<i32>} : memref<2000x128xf32, #tpu.memory_space<vmem>>, vector<2000x128xf32>,
    %get3A_32 = arith.constant 0 : index
    %get3A_33 = arith.constant 0 : index
    %get3A_34 = arith.constant 0 : index
    %get3A_35 = vector.load %arg2[%get3A_32, %get3A_33, %get3A_34] : memref<2x2000x128xf32, #tpu.memory_space<vmem>>, vector<1x2000x128xf32>
    %get3A_36 = vector.shape_cast %get3A_35 : vector<1x2000x128xf32> to vector<2000x128xf32>
    %get3A_37 = arith.constant 1 : index
    %get3A_38 = arith.constant 0 : index
    %get3A_39 = arith.constant 0 : index
    %get3A_40 = vector.load %arg2[%get3A_37, %get3A_38, %get3A_39] : memref<2x2000x128xf32, #tpu.memory_space<vmem>>, vector<1x2000x128xf32>
    %get3A_41 = vector.shape_cast %get3A_40 : vector<1x2000x128xf32> to vector<2000x128xf32>
    %add3A_42 = arith.addf %get3A_36, %get3A_41 : vector<2000x128xf32>
    %get3A_43 = arith.constant 0 : index
    %get3A_44 = arith.constant 0 : index
    %get3A_45 = vector.load %arg4[%get3A_43, %get3A_44] : memref<2000x128xf32, #tpu.memory_space<vmem>>, vector<2000x128xf32>
    %add3A_46 = arith.addf %add3A_42, %get3A_45 : vector<2000x128xf32>
    %mul3A_47 = vector.broadcast %get3A_1 : vector<2000x1xf32> to vector<2000x128xf32>
    %mul3A_48 = arith.mulf %mul3A_47, %add3A_46 : vector<2000x128xf32>
    %get3A_49 = arith.constant 0 : index
    %get3A_50 = arith.constant 0 : index
    %get3A_51 = vector.load %arg8[%get3A_49, %get3A_50] : memref<1x128xf32, #tpu.memory_space<vmem>>, vector<1x128xf32>
    %add3A_52 = vector.broadcast %get3A_51 : vector<1x128xf32> to vector<2000x128xf32>
    %add3A_53 = arith.addf %mul3A_48, %add3A_52 : vector<2000x128xf32>
    %max3A_54 = arith.constant 0.000000e+00 : f32
    %max3A_55 = vector.broadcast %max3A_54 : f32 to vector<2000x128xf32>
    %max3A_56 = arith.maximumf %add3A_53, %max3A_55 : vector<2000x128xf32>
    %get3A_57 = arith.constant 0 : index
    %get3A_58 = arith.constant 0 : index
    %get3A_59 = vector.load %arg9[%get3A_57, %get3A_58] : memref<128x128xf32, #tpu.memory_space<vmem>>, vector<128x128xf32>
    %dot_general3A_60 = arith.constant dense<0.000000e+00> : vector<2000x128xf32>
    %dot_general3A_61 = tpu.matmul %max3A_56, %get3A_59, %dot_general3A_60 {dimension_numbers = #tpu.dot_dimension_numbers<[1], [0], [0], [1], [0, 0, 1, 1], [], []>, transpose_lhs_hint = false} : vector<2000x128xf32>, vector<128x128xf32>, vector<2000x128xf32> -> vector<2000x128xf32>
    %mul3A_62 = vector.broadcast %get3A_1 : vector<2000x1xf32> to vector<2000x128xf32>
    %mul3A_63 = arith.mulf %mul3A_62, %dot_general3A_61 : vector<2000x128xf32>
    %swap3A_64 = arith.constant 0 : index
    %swap3A_65 = arith.constant 0 : index
    %swap3A_66 = vector.load %arg11[%swap3A_64, %swap3A_65] : memref<2000x128xf32, #tpu.memory_space<vmem>>, vector<2000x128xf32>
    tpu.vector_store %arg11[%swap3A_64, %swap3A_65], %mul3A_63 {strides = array<i32>} : memref<2000x128xf32, #tpu.memory_space<vmem>>, vector<2000x128xf32>,
    return
  }
  func.func @transform_0(%arg0: i32) -> (i32, i32, i32) {
    %c0_i32 = arith.constant 0 : i32
    %c0_i32_0 = arith.constant 0 : i32
    %c0_i32_1 = arith.constant 0 : i32
    return %c0_i32, %arg0, %c0_i32_0 : i32, i32, i32
  }
  func.func @transform_1(%arg0: i32) -> (i32, i32, i32) {
    %c0_i32 = arith.constant 0 : i32
    %c0_i32_0 = arith.constant 0 : i32
    %c0_i32_1 = arith.constant 0 : i32
    return %c0_i32, %arg0, %c0_i32_0 : i32, i32, i32
  }
  func.func @transform_2(%arg0: i32) -> (i32, i32) {
    %c0_i32 = arith.constant 0 : i32
    %c0_i32_0 = arith.constant 0 : i32
    return %arg0, %c0_i32 : i32, i32
  }
  func.func @transform_3(%arg0: i32) -> (i32, i32) {
    %c0_i32 = arith.constant 0 : i32
    %c0_i32_0 = arith.constant 0 : i32
    return %arg0, %c0_i32 : i32, i32
  }
  func.func @transform_4(%arg0: i32) -> (i32, i32) {
    %c0_i32 = arith.constant 0 : i32
    %c0_i32_0 = arith.constant 0 : i32
    return %arg0, %c0_i32 : i32, i32
  }
  func.func @transform_5(%arg0: i32) -> (i32, i32) {
    %c0_i32 = arith.constant 0 : i32
    %c0_i32_0 = arith.constant 0 : i32
    %c0_i32_1 = arith.constant 0 : i32
    return %c0_i32, %c0_i32_0 : i32, i32
  }
  func.func @transform_6(%arg0: i32) -> (i32, i32) {
    %c0_i32 = arith.constant 0 : i32
    %c0_i32_0 = arith.constant 0 : i32
    %c0_i32_1 = arith.constant 0 : i32
    return %c0_i32, %c0_i32_0 : i32, i32
  }
  func.func @transform_7(%arg0: i32) -> (i32, i32) {
    %c0_i32 = arith.constant 0 : i32
    %c0_i32_0 = arith.constant 0 : i32
    %c0_i32_1 = arith.constant 0 : i32
    return %c0_i32, %c0_i32_0 : i32, i32
  }
  func.func @transform_8(%arg0: i32) -> (i32, i32) {
    %c0_i32 = arith.constant 0 : i32
    %c0_i32_0 = arith.constant 0 : i32
    %c0_i32_1 = arith.constant 0 : i32
    return %c0_i32, %c0_i32_0 : i32, i32
  }
  func.func @transform_9(%arg0: i32) -> (i32, i32) {
    %c0_i32 = arith.constant 0 : i32
    %c0_i32_0 = arith.constant 0 : i32
    return %arg0, %c0_i32 : i32, i32
  }
  func.func @transform_10(%arg0: i32) -> (i32, i32) {
    %c0_i32 = arith.constant 0 : i32
    %c0_i32_0 = arith.constant 0 : i32
    return %arg0, %c0_i32 : i32, i32
  }
}

module attributes {stable_mosaic.version = 14 : i64} {
  func.func @body(%arg0: i32, %arg1: memref<2x2000x128xf32, #tpu.memory_space<vmem>>, %arg2: memref<2x2000x128xf32, #tpu.memory_space<vmem>>, %arg3: memref<2000x128xf32, #tpu.memory_space<vmem>>, %arg4: memref<2000x128xf32, #tpu.memory_space<vmem>>, %arg5: memref<2000x1xf32, #tpu.memory_space<vmem>>, %arg6: memref<128x128xf32, #tpu.memory_space<vmem>>, %arg7: memref<1x128xf32, #tpu.memory_space<vmem>>, %arg8: memref<128x16xf32, #tpu.memory_space<vmem>>, %arg9: memref<1x128xf32, #tpu.memory_space<vmem>>, %arg10: memref<128x1xf32, #tpu.memory_space<vmem>>, %arg11: memref<2000x32xf32, #tpu.memory_space<vmem>>) attributes {dimension_semantics = [#tpu.dimension_semantics<arbitrary>], iteration_bounds = array<i64: 5>, scalar_prefetch = 0 : i64, scratch_operands = 0 : i64, tpu.core_type = #tpu.core_type<tc>, window_params = [{transform_indices = @transform_0, window_bounds = array<i64: 2, 2000, 128>}, {transform_indices = @transform_1, window_bounds = array<i64: 2, 2000, 128>}, {transform_indices = @transform_2, window_bounds = array<i64: 2000, 128>}, {transform_indices = @transform_3, window_bounds = array<i64: 2000, 128>}, {transform_indices = @transform_4, window_bounds = array<i64: 2000, 1>}, {pipeline_mode = #tpu.pipeline_mode<synchronous>, transform_indices = @transform_5, window_bounds = array<i64: 128, 128>}, {pipeline_mode = #tpu.pipeline_mode<synchronous>, transform_indices = @transform_6, window_bounds = array<i64: 1, 128>}, {pipeline_mode = #tpu.pipeline_mode<synchronous>, transform_indices = @transform_7, window_bounds = array<i64: 128, 16>}, {pipeline_mode = #tpu.pipeline_mode<synchronous>, transform_indices = @transform_8, window_bounds = array<i64: 1, 128>}, {pipeline_mode = #tpu.pipeline_mode<synchronous>, transform_indices = @transform_9, window_bounds = array<i64: 128, 1>}, {transform_indices = @transform_10, window_bounds = array<i64: 2000, 32>}]} {
    %get3A = arith.constant 0 : index
    %get3A_0 = arith.constant 0 : index
    %get3A_1 = vector.load %arg5[%get3A, %get3A_0] : memref<2000x1xf32, #tpu.memory_space<vmem>>, vector<2000x1xf32>
    %get3A_2 = arith.constant 0 : index
    %get3A_3 = arith.constant 0 : index
    %get3A_4 = arith.constant 0 : index
    %get3A_5 = vector.load %arg1[%get3A_2, %get3A_3, %get3A_4] : memref<2x2000x128xf32, #tpu.memory_space<vmem>>, vector<1x2000x128xf32>
    %get3A_6 = vector.shape_cast %get3A_5 : vector<1x2000x128xf32> to vector<2000x128xf32>
    %get3A_7 = arith.constant 1 : index
    %get3A_8 = arith.constant 0 : index
    %get3A_9 = arith.constant 0 : index
    %get3A_10 = vector.load %arg1[%get3A_7, %get3A_8, %get3A_9] : memref<2x2000x128xf32, #tpu.memory_space<vmem>>, vector<1x2000x128xf32>
    %get3A_11 = vector.shape_cast %get3A_10 : vector<1x2000x128xf32> to vector<2000x128xf32>
    %add3A = arith.addf %get3A_6, %get3A_11 : vector<2000x128xf32>
    %get3A_12 = arith.constant 0 : index
    %get3A_13 = arith.constant 0 : index
    %get3A_14 = vector.load %arg3[%get3A_12, %get3A_13] : memref<2000x128xf32, #tpu.memory_space<vmem>>, vector<2000x128xf32>
    %add3A_15 = arith.addf %add3A, %get3A_14 : vector<2000x128xf32>
    %mul3A = vector.broadcast %get3A_1 : vector<2000x1xf32> to vector<2000x128xf32>
    %mul3A_16 = arith.mulf %mul3A, %add3A_15 : vector<2000x128xf32>
    %get3A_17 = arith.constant 0 : index
    %get3A_18 = arith.constant 0 : index
    %get3A_19 = vector.load %arg6[%get3A_17, %get3A_18] : memref<128x128xf32, #tpu.memory_space<vmem>>, vector<128x128xf32>
    %dot_general3A = arith.constant dense<0.000000e+00> : vector<2000x128xf32>
    %dot_general3A_20 = tpu.matmul %mul3A_16, %get3A_19, %dot_general3A {dimension_numbers = #tpu.dot_dimension_numbers<[1], [0], [0], [1], [0, 0, 1, 1], [], []>, transpose_lhs_hint = false} : vector<2000x128xf32>, vector<128x128xf32>, vector<2000x128xf32> -> vector<2000x128xf32>
    %get3A_21 = arith.constant 0 : index
    %get3A_22 = arith.constant 0 : index
    %get3A_23 = vector.load %arg7[%get3A_21, %get3A_22] : memref<1x128xf32, #tpu.memory_space<vmem>>, vector<1x128xf32>
    %add3A_24 = vector.broadcast %get3A_23 : vector<1x128xf32> to vector<2000x128xf32>
    %add3A_25 = arith.addf %dot_general3A_20, %add3A_24 : vector<2000x128xf32>
    %max3A = arith.constant 0.000000e+00 : f32
    %max3A_26 = vector.broadcast %max3A : f32 to vector<2000x128xf32>
    %max3A_27 = arith.maximumf %add3A_25, %max3A_26 : vector<2000x128xf32>
    %get3A_28 = arith.constant 0 : index
    %get3A_29 = arith.constant 0 : index
    %get3A_30 = vector.load %arg8[%get3A_28, %get3A_29] : memref<128x16xf32, #tpu.memory_space<vmem>>, vector<128x16xf32>
    %dot_general3A_31 = arith.constant dense<0.000000e+00> : vector<2000x16xf32>
    %dot_general3A_32 = tpu.matmul %max3A_27, %get3A_30, %dot_general3A_31 {dimension_numbers = #tpu.dot_dimension_numbers<[1], [0], [0], [1], [0, 0, 1, 1], [], []>, transpose_lhs_hint = false} : vector<2000x128xf32>, vector<128x16xf32>, vector<2000x16xf32> -> vector<2000x16xf32>
    %get3A_33 = arith.constant 0 : index
    %get3A_34 = arith.constant 0 : index
    %get3A_35 = arith.constant 0 : index
    %get3A_36 = vector.load %arg2[%get3A_33, %get3A_34, %get3A_35] : memref<2x2000x128xf32, #tpu.memory_space<vmem>>, vector<1x2000x128xf32>
    %get3A_37 = vector.shape_cast %get3A_36 : vector<1x2000x128xf32> to vector<2000x128xf32>
    %get3A_38 = arith.constant 1 : index
    %get3A_39 = arith.constant 0 : index
    %get3A_40 = arith.constant 0 : index
    %get3A_41 = vector.load %arg2[%get3A_38, %get3A_39, %get3A_40] : memref<2x2000x128xf32, #tpu.memory_space<vmem>>, vector<1x2000x128xf32>
    %get3A_42 = vector.shape_cast %get3A_41 : vector<1x2000x128xf32> to vector<2000x128xf32>
    %add3A_43 = arith.addf %get3A_37, %get3A_42 : vector<2000x128xf32>
    %get3A_44 = arith.constant 0 : index
    %get3A_45 = arith.constant 0 : index
    %get3A_46 = vector.load %arg4[%get3A_44, %get3A_45] : memref<2000x128xf32, #tpu.memory_space<vmem>>, vector<2000x128xf32>
    %add3A_47 = arith.addf %add3A_43, %get3A_46 : vector<2000x128xf32>
    %mul3A_48 = vector.broadcast %get3A_1 : vector<2000x1xf32> to vector<2000x128xf32>
    %mul3A_49 = arith.mulf %mul3A_48, %add3A_47 : vector<2000x128xf32>
    %get3A_50 = arith.constant 0 : index
    %get3A_51 = arith.constant 0 : index
    %get3A_52 = vector.load %arg9[%get3A_50, %get3A_51] : memref<1x128xf32, #tpu.memory_space<vmem>>, vector<1x128xf32>
    %add3A_53 = vector.broadcast %get3A_52 : vector<1x128xf32> to vector<2000x128xf32>
    %add3A_54 = arith.addf %mul3A_49, %add3A_53 : vector<2000x128xf32>
    %max3A_55 = arith.constant 0.000000e+00 : f32
    %max3A_56 = vector.broadcast %max3A_55 : f32 to vector<2000x128xf32>
    %max3A_57 = arith.maximumf %add3A_54, %max3A_56 : vector<2000x128xf32>
    %get3A_58 = arith.constant 0 : index
    %get3A_59 = arith.constant 0 : index
    %get3A_60 = vector.load %arg10[%get3A_58, %get3A_59] : memref<128x1xf32, #tpu.memory_space<vmem>>, vector<128x1xf32>
    %dot_general3A_61 = arith.constant dense<0.000000e+00> : vector<2000x1xf32>
    %dot_general3A_62 = tpu.matmul %max3A_57, %get3A_60, %dot_general3A_61 {dimension_numbers = #tpu.dot_dimension_numbers<[1], [0], [0], [1], [0, 0, 1, 1], [], []>, transpose_lhs_hint = false} : vector<2000x128xf32>, vector<128x1xf32>, vector<2000x1xf32> -> vector<2000x1xf32>
    %broadcast_in_dim3A = arith.constant 0.000000e+00 : f32
    %broadcast_in_dim3A_63 = vector.broadcast %broadcast_in_dim3A : f32 to vector<2000x15xf32>
    %concatenate3A = tpu.concatenate %dot_general3A_32, %dot_general3A_62, %broadcast_in_dim3A_63 in 1 : vector<2000x16xf32>, vector<2000x1xf32>, vector<2000x15xf32> -> vector<2000x32xf32>
    %mul3A_64 = vector.broadcast %get3A_1 : vector<2000x1xf32> to vector<2000x32xf32>
    %mul3A_65 = arith.mulf %mul3A_64, %concatenate3A : vector<2000x32xf32>
    %swap3A = arith.constant 0 : index
    %swap3A_66 = arith.constant 0 : index
    %swap3A_67 = vector.load %arg11[%swap3A, %swap3A_66] : memref<2000x32xf32, #tpu.memory_space<vmem>>, vector<2000x32xf32>
    tpu.vector_store %arg11[%swap3A, %swap3A_66], %mul3A_65 {strides = array<i32>} : memref<2000x32xf32, #tpu.memory_space<vmem>>, vector<2000x32xf32>,
    return
  }
  func.func @transform_0(%arg0: i32) -> (i32, i32, i32) {
    %c0_i32 = arith.constant 0 : i32
    %c0_i32_0 = arith.constant 0 : i32
    %c0_i32_1 = arith.constant 0 : i32
    return %c0_i32, %arg0, %c0_i32_0 : i32, i32, i32
  }
  func.func @transform_1(%arg0: i32) -> (i32, i32, i32) {
    %c0_i32 = arith.constant 0 : i32
    %c0_i32_0 = arith.constant 0 : i32
    %c0_i32_1 = arith.constant 0 : i32
    return %c0_i32, %arg0, %c0_i32_0 : i32, i32, i32
  }
  func.func @transform_2(%arg0: i32) -> (i32, i32) {
    %c0_i32 = arith.constant 0 : i32
    %c0_i32_0 = arith.constant 0 : i32
    return %arg0, %c0_i32 : i32, i32
  }
  func.func @transform_3(%arg0: i32) -> (i32, i32) {
    %c0_i32 = arith.constant 0 : i32
    %c0_i32_0 = arith.constant 0 : i32
    return %arg0, %c0_i32 : i32, i32
  }
  func.func @transform_4(%arg0: i32) -> (i32, i32) {
    %c0_i32 = arith.constant 0 : i32
    %c0_i32_0 = arith.constant 0 : i32
    return %arg0, %c0_i32 : i32, i32
  }
  func.func @transform_5(%arg0: i32) -> (i32, i32) {
    %c0_i32 = arith.constant 0 : i32
    %c0_i32_0 = arith.constant 0 : i32
    %c0_i32_1 = arith.constant 0 : i32
    return %c0_i32, %c0_i32_0 : i32, i32
  }
  func.func @transform_6(%arg0: i32) -> (i32, i32) {
    %c0_i32 = arith.constant 0 : i32
    %c0_i32_0 = arith.constant 0 : i32
    %c0_i32_1 = arith.constant 0 : i32
    return %c0_i32, %c0_i32_0 : i32, i32
  }
  func.func @transform_7(%arg0: i32) -> (i32, i32) {
    %c0_i32 = arith.constant 0 : i32
    %c0_i32_0 = arith.constant 0 : i32
    %c0_i32_1 = arith.constant 0 : i32
    return %c0_i32, %c0_i32_0 : i32, i32
  }
  func.func @transform_8(%arg0: i32) -> (i32, i32) {
    %c0_i32 = arith.constant 0 : i32
    %c0_i32_0 = arith.constant 0 : i32
    %c0_i32_1 = arith.constant 0 : i32
    return %c0_i32, %c0_i32_0 : i32, i32
  }
  func.func @transform_9(%arg0: i32) -> (i32, i32) {
    %c0_i32 = arith.constant 0 : i32
    %c0_i32_0 = arith.constant 0 : i32
    %c0_i32_1 = arith.constant 0 : i32
    return %c0_i32, %c0_i32_0 : i32, i32
  }
  func.func @transform_10(%arg0: i32) -> (i32, i32) {
    %c0_i32 = arith.constant 0 : i32
    %c0_i32_0 = arith.constant 0 : i32
    return %arg0, %c0_i32 : i32, i32
  }
}

module attributes {stable_mosaic.version = 14 : i64} {
  func.func @body(%arg0: i32, %arg1: memref<2x2000x32xf32, #tpu.memory_space<vmem>>, %arg2: memref<2000x32xf32, #tpu.memory_space<vmem>>, %arg3: memref<2000x1xf32, #tpu.memory_space<vmem>>, %arg4: memref<1x16xf32, #tpu.memory_space<vmem>>, %arg5: memref<1x1xf32, #tpu.memory_space<vmem>>, %arg6: memref<2000x16xf32, #tpu.memory_space<vmem>>, %arg7: memref<2000x1xf32, #tpu.memory_space<vmem>>) attributes {dimension_semantics = [#tpu.dimension_semantics<arbitrary>], iteration_bounds = array<i64: 5>, scalar_prefetch = 0 : i64, scratch_operands = 0 : i64, tpu.core_type = #tpu.core_type<tc>, window_params = [{transform_indices = @transform_0, window_bounds = array<i64: 2, 2000, 32>}, {transform_indices = @transform_1, window_bounds = array<i64: 2000, 32>}, {transform_indices = @transform_2, window_bounds = array<i64: 2000, 1>}, {pipeline_mode = #tpu.pipeline_mode<synchronous>, transform_indices = @transform_3, window_bounds = array<i64: 1, 16>}, {pipeline_mode = #tpu.pipeline_mode<synchronous>, transform_indices = @transform_4, window_bounds = array<i64: 1, 1>}, {transform_indices = @transform_5, window_bounds = array<i64: 2000, 16>}, {transform_indices = @transform_6, window_bounds = array<i64: 2000, 1>}]} {
    %get3A = arith.constant 0 : index
    %get3A_0 = arith.constant 0 : index
    %get3A_1 = vector.load %arg3[%get3A, %get3A_0] : memref<2000x1xf32, #tpu.memory_space<vmem>>, vector<2000x1xf32>
    %get3A_2 = arith.constant 0 : index
    %get3A_3 = arith.constant 0 : index
    %get3A_4 = arith.constant 0 : index
    %get3A_5 = vector.load %arg1[%get3A_2, %get3A_3, %get3A_4] : memref<2x2000x32xf32, #tpu.memory_space<vmem>>, vector<1x2000x32xf32>
    %get3A_6 = vector.shape_cast %get3A_5 : vector<1x2000x32xf32> to vector<2000x32xf32>
    %get3A_7 = arith.constant 1 : index
    %get3A_8 = arith.constant 0 : index
    %get3A_9 = arith.constant 0 : index
    %get3A_10 = vector.load %arg1[%get3A_7, %get3A_8, %get3A_9] : memref<2x2000x32xf32, #tpu.memory_space<vmem>>, vector<1x2000x32xf32>
    %get3A_11 = vector.shape_cast %get3A_10 : vector<1x2000x32xf32> to vector<2000x32xf32>
    %add3A = arith.addf %get3A_6, %get3A_11 : vector<2000x32xf32>
    %get3A_12 = arith.constant 0 : index
    %get3A_13 = arith.constant 0 : index
    %get3A_14 = vector.load %arg2[%get3A_12, %get3A_13] : memref<2000x32xf32, #tpu.memory_space<vmem>>, vector<2000x32xf32>
    %add3A_15 = arith.addf %add3A, %get3A_14 : vector<2000x32xf32>
    %mul3A = vector.broadcast %get3A_1 : vector<2000x1xf32> to vector<2000x32xf32>
    %mul3A_16 = arith.mulf %mul3A, %add3A_15 : vector<2000x32xf32>
    %slice3A = vector.extract_strided_slice %mul3A_16 {offsets = [0, 0], sizes = [2000, 16], strides = [1, 1]} : vector<2000x32xf32> to vector<2000x16xf32>
    %get3A_17 = arith.constant 0 : index
    %get3A_18 = arith.constant 0 : index
    %get3A_19 = vector.load %arg4[%get3A_17, %get3A_18] : memref<1x16xf32, #tpu.memory_space<vmem>>, vector<1x16xf32>
    %add3A_20 = vector.broadcast %get3A_19 : vector<1x16xf32> to vector<2000x16xf32>
    %add3A_21 = arith.addf %slice3A, %add3A_20 : vector<2000x16xf32>
    %swap3A = arith.constant 0 : index
    %swap3A_22 = arith.constant 0 : index
    %swap3A_23 = vector.load %arg6[%swap3A, %swap3A_22] : memref<2000x16xf32, #tpu.memory_space<vmem>>, vector<2000x16xf32>
    tpu.vector_store %arg6[%swap3A, %swap3A_22], %add3A_21 {strides = array<i32>} : memref<2000x16xf32, #tpu.memory_space<vmem>>, vector<2000x16xf32>,
    %slice3A_24 = vector.extract_strided_slice %mul3A_16 {offsets = [0, 16], sizes = [2000, 1], strides = [1, 1]} : vector<2000x32xf32> to vector<2000x1xf32>
    %get3A_25 = arith.constant 0 : index
    %get3A_26 = arith.constant 0 : index
    %get3A_27 = vector.load %arg5[%get3A_25, %get3A_26] : memref<1x1xf32, #tpu.memory_space<vmem>>, vector<1x1xf32>
    %add3A_28 = vector.broadcast %get3A_27 : vector<1x1xf32> to vector<2000x1xf32>
    %add3A_29 = arith.addf %slice3A_24, %add3A_28 : vector<2000x1xf32>
    %swap3A_30 = arith.constant 0 : index
    %swap3A_31 = arith.constant 0 : index
    %swap3A_32 = vector.load %arg7[%swap3A_30, %swap3A_31] : memref<2000x1xf32, #tpu.memory_space<vmem>>, vector<2000x1xf32>
    tpu.vector_store %arg7[%swap3A_30, %swap3A_31], %add3A_29 {strides = array<i32>} : memref<2000x1xf32, #tpu.memory_space<vmem>>, vector<2000x1xf32>,
    return
  }
  func.func @transform_0(%arg0: i32) -> (i32, i32, i32) {
    %c0_i32 = arith.constant 0 : i32
    %c0_i32_0 = arith.constant 0 : i32
    %c0_i32_1 = arith.constant 0 : i32
    return %c0_i32, %arg0, %c0_i32_0 : i32, i32, i32
  }
  func.func @transform_1(%arg0: i32) -> (i32, i32) {
    %c0_i32 = arith.constant 0 : i32
    %c0_i32_0 = arith.constant 0 : i32
    return %arg0, %c0_i32 : i32, i32
  }
  func.func @transform_2(%arg0: i32) -> (i32, i32) {
    %c0_i32 = arith.constant 0 : i32
    %c0_i32_0 = arith.constant 0 : i32
    return %arg0, %c0_i32 : i32, i32
  }
  func.func @transform_3(%arg0: i32) -> (i32, i32) {
    %c0_i32 = arith.constant 0 : i32
    %c0_i32_0 = arith.constant 0 : i32
    %c0_i32_1 = arith.constant 0 : i32
    return %c0_i32, %c0_i32_0 : i32, i32
  }
  func.func @transform_4(%arg0: i32) -> (i32, i32) {
    %c0_i32 = arith.constant 0 : i32
    %c0_i32_0 = arith.constant 0 : i32
    %c0_i32_1 = arith.constant 0 : i32
    return %c0_i32, %c0_i32_0 : i32, i32
  }
  func.func @transform_5(%arg0: i32) -> (i32, i32) {
    %c0_i32 = arith.constant 0 : i32
    %c0_i32_0 = arith.constant 0 : i32
    return %arg0, %c0_i32 : i32, i32
  }
  func.func @transform_6(%arg0: i32) -> (i32, i32) {
    %c0_i32 = arith.constant 0 : i32
    %c0_i32_0 = arith.constant 0 : i32
    return %arg0, %c0_i32 : i32, i32
  }
}

</mosaic_0001>

<sc_bundles>
// kernel: kernel.12.cloned.1.call-start
scs
__scs_entry_jumppad:
0x0: {  	(pc) =	sbr.rel $0x88, $3  }
0x1: {  	(tag) =	ssettag $0x0;
	lr =	simm.s32 $0x1  }
0x2: {  	[smem:$0x3F93] =	sst lr;
	_ =	strace $0xD0000000  }
0x3: {  	_ = 	snop  }
0x4: {  	_ = 	snop  }
0x5: {  	_ = 	snop  }
0x6: {  	_ = 	snop  }
0x7: {  	_ = 	snop  }
__scs_overlays_trampoline_lowered:
0x8: {  	[smem:$0x3FA2] =	sst s0  }
0x9: {  	[smem:$0x3FA3] =	sst s1  }
0xa: {  	[smem:$0x3FA4] =	sst s2  }
0xb: {  	[smem:$0x3FA5] =	sst s3  }
0xc: {  	[smem:$0x3FA6] =	sst s4  }
0xd: {  	[smem:$0x3FA7] =	sst s5  }
0xe: {  	[smem:$0x3FA8] =	sst s6  }
0xf: {  	[smem:$0x3FA9] =	sst s7  }
0x10: {  	[smem:$0x3FAA] =	sst s8  }
0x11: {  	[smem:$0x3FAB] =	sst s9;
	s0 =	simm.s32 @!p0 $0x0  }
0x12: {  	s1 =	sld [smem:$0x3F91];
	s0 =	simm.s32 @p0 $0x1  }
0x13: {  	[smem:$0x3FAC] =	sst s0;
	s0 =	simm.s32 @!p1 $0x0  }
0x14: {  	s2 =	sld [smem:$0x3F90];
	s0 =	simm.s32 @p1 $0x1  }
0x15: {  	[smem:$0x3FAD] =	sst s0;
	s0 =	simm.s32 @!p2 $0x0  }
0x16: {  	s3 =	sld [smem:$0x3FDB];
	s0 =	simm.s32 @p2 $0x1  }
0x17: {  	s4 =	simm.s32 $0x1BF5;
	[smem:$0x3FAF] =	sst s0  }
0x18: {  	s0 =	sld [smem:$0x3F92];
	_ =	swait.ge [sflag:s4], $0x0  }
0x19: {  	s7 =	sld [smem:$0x3F93]  }
0x1a: {  	s8 =	sadd.s32 $0xFFFFE003, lr  }
0x1b: {  	s9 =	sadd.s32 $0xFFFFFEF7, lr;
	s5 =	simm.s32 $0xFFFFFFFF;
	p2 =	slt.u32 s8, $0xFFFFF086  }
0x1c: {  	p1 =	slt.u32 s9, $0xF7A;
	s5 =	simm.s32 @!p2 $0x0  }
0x1d: {  	s5 =	simm.s32 @p1 $0x1;
	p0 =	seq.s32 s7, s2  }
0x1e: {  	s7 =	smul.u32 @!p0 $0xF7A, s2;
	p2 =	seq.s32 @!p0 s5, $0x0  }
0x1f: {  	s9 =	smul.u32 $0xF7A, s1;
	s8 =	simm.s32 @!p0 $0x1BF5;
	p2 =	por !p2, p0  }
0x20: {  	[sflag:s8] =	ssyncset.s32 @!p0 $0xFFFFF086;
	s6 =	sadd.s32 @!p0 s3, s7;
	s7 =	simm.s32 @!p0 $0x108  }
0x21: {  	s3 =	sadd.s32 s3, s9;
	s6 =	sadd.s32 @!p0 $0x88, s6;
	s7 =	simm.s32 @p2 $0x1082  }
0x22: {  	[simem:s7], [sflag:s8] =	dma.local @!p0 [hbm:s6], $0xF7A  }
0x23: {  	s9 =	sor.u32 $0xD0000000, s2;
	s6 =	simm.s32 $0x108;
	_ =	swait.ge @!p0 [sflag:s8], $0x0  }
0x24: {  	s3 =	sadd.s32 $0x88, s3;
	s6 =	simm.s32 @!p1 $0x1082;
	[sflag:s4] =	ssyncset.s32 $0xFFFFF086  }
0x25: {  	[simem:s6], [sflag:s4] =	dma.local [hbm:s3], $0xF7A  }
0x26: {  	[smem:$0x3F93] =	sst s1;
	(tag) =	ssettag s2;
	_ =	strace s9  }
0x27: {  	s1 =	sld [smem:$0x3FA3]  }
0x28: {  	s2 =	sld [smem:$0x3FA4]  }
0x29: {  	s4 =	sld [smem:$0x3FA6]  }
0x2a: {  	p0 =	seq.s32 s5, $0x0;
	s5 =	sld [smem:$0x3FA7]  }
0x2b: {  	s6 =	sld [smem:$0x3FA8]  }
0x2c: {  	s7 =	sld [smem:$0x3FA9]  }
0x2d: {  	s3 =	simm.s32 $0x108;
	s8 =	sld [smem:$0x3FAA]  }
0x2e: {  	s3 =	simm.s32 @!p0 $0x1082;
	s9 =	sld [smem:$0x3FAB]  }
0x2f: {  	lr =	sadd.s32 s0, s3;
	s0 =	sld [smem:$0x3FA2]  }
0x30: {  	s3 =	sld [smem:$0x3FA5]  }
0x31: {  	[smem:$0x3FAE] =	sst s10  }
0x32: {  	s10 =	sld [smem:$0x3FAC];
	_ =	sdelay $0x3  }
0x33: {  	p0 =	seq.s32 s10, $0x1;
	s10 =	sld [smem:$0x3FAE];
	_ =	sdelay $0x3  }
0x34: {  	[smem:$0x3FAE] =	sst s10  }
0x35: {  	s10 =	sld [smem:$0x3FAD];
	_ =	sdelay $0x3  }
0x36: {  	p1 =	seq.s32 s10, $0x1;
	s10 =	sld [smem:$0x3FAE];
	_ =	sdelay $0x3  }
0x37: {  	[smem:$0x3FAE] =	sst s10  }
0x38: {  	s10 =	sld [smem:$0x3FAF]  }
0x39: {  	_ = 	snop;
	(pc) =	sbr.ind lr, $3  }
0x3a: {  	_ = 	snop  }
0x3b: {  	_ = 	snop  }
0x3c: {  	p2 =	seq.s32 s10, $0x1;
	s10 =	sld [smem:$0x3FAE]  }
0x3d: {  	_ =	shalt  }
0x3e: {  	_ =	shalt  }
0x3f: {  	_ =	shalt  }
0x40: {  	_ =	shalt  }
0x41: {  	_ =	shalt  }
0x42: {  	_ =	shalt  }
0x43: {  	_ =	shalt  }
0x44: {  	_ =	shalt  }
0x45: {  	_ =	shalt  }
0x46: {  	_ =	shalt  }
0x47: {  	_ =	shalt  }
0x48: {  	_ =	shalt  }
0x49: {  	_ =	shalt  }
0x4a: {  	_ =	shalt  }
0x4b: {  	_ =	shalt  }
0x4c: {  	_ =	shalt  }
0x4d: {  	_ =	shalt  }
0x4e: {  	_ =	shalt  }
0x4f: {  	_ =	shalt  }
0x50: {  	_ =	shalt  }
0x51: {  	_ =	shalt  }
0x52: {  	_ =	shalt  }
0x53: {  	_ =	shalt  }
0x54: {  	_ =	shalt  }
0x55: {  	_ =	shalt  }
0x56: {  	_ =	shalt  }
0x57: {  	_ =	shalt  }
0x58: {  	_ =	shalt  }
0x59: {  	_ =	shalt  }
0x5a: {  	_ =	shalt  }
0x5b: {  	_ =	shalt  }
0x5c: {  	_ =	shalt  }
0x5d: {  	_ =	shalt  }
0x5e: {  	_ =	shalt  }
0x5f: {  	_ =	shalt  }
0x60: {  	_ =	shalt  }
0x61: {  	_ =	shalt  }
0x62: {  	_ =	shalt  }
0x63: {  	_ =	shalt  }
0x64: {  	_ =	shalt  }
0x65: {  	_ =	shalt  }
0x66: {  	_ =	shalt  }
0x67: {  	_ =	shalt  }
0x68: {  	_ =	shalt  }
0x69: {  	_ =	shalt  }
0x6a: {  	_ =	shalt  }
0x6b: {  	_ =	shalt  }
0x6c: {  	_ =	shalt  }
0x6d: {  	_ =	shalt  }
0x6e: {  	_ =	shalt  }
0x6f: {  	_ =	shalt  }
0x70: {  	_ =	shalt  }
0x71: {  	_ =	shalt  }
0x72: {  	_ =	shalt  }
0x73: {  	_ =	shalt  }
0x74: {  	_ =	shalt  }
0x75: {  	_ =	shalt  }
0x76: {  	_ =	shalt  }
0x77: {  	_ =	shalt  }
0x78: {  	_ =	shalt  }
0x79: {  	_ =	shalt  }
0x7a: {  	_ =	shalt  }
0x7b: {  	_ =	shalt  }
0x7c: {  	_ =	shalt  }
0x7d: {  	_ =	shalt  }
0x7e: {  	_ =	shalt  }
0x7f: {  	_ =	shalt  }
0x80: {  	_ =	shalt  }
0x81: {  	_ =	shalt  }
0x82: {  	_ =	shalt  }
0x83: {  	_ =	shalt  }
0x84: {  	_ =	shalt  }
0x85: {  	_ =	shalt  }
0x86: {  	_ =	shalt  }
0x87: {  	_ =	shalt  }
.Lfunc_end0:
.L_simem_size_0:
called_computation_lowered:
.L_overlay_start_0:
0x88: {  	s2 =	sld [smem:$0x3FD9]  }
0x89: {  	s3 =	sld [smem:$0x3FFE];
	_ =	sdelay $0x1  }
0x8a: {  	s1 =	srdreg.scid  }
0x8b: {  	s0 =	sand.u32 $0x1, s1  }
0x8c: {  	s16 =	sshll.u32 s0, $0xA;
	s2 =	sadd.s32 s3, s2  }
0x8d: {  	s2 =	sadd.s32 s2, s16  }
0x8e: {  	[smem:$0x3FBA] =	sst s2  }
0x8f: {  	_ = 	snop  }
0x90: {  	(tm) =	ssettm $0x1  }
0x91: {  	s17 =	sld [smem:$0x3FFB];
	_ =	sdelay $0x3  }
0x92: {  	_ =	strace s17  }
0x93: {  	s2 =	sld [smem:$0x3FFC];
	_ =	sdelay $0x3  }
0x94: {  	_ =	strace s2  }
0x95: {  	s2 =	sld [smem:$0x3FFD];
	_ =	sdelay $0x3  }
0x96: {  	_ =	strace s2  }
0x97: {  	_ =	strace $0x8FFFFFFF  }
0x98: {  	s18 =	sld [smem:$0x3FDB];
	_ =	sdelay $0x1  }
0x99: {  	s19 =	simm.s32 $_scs_section_size  }
0x9a: {  	s4 =	simm.s32 $_size__tile_overlayer_lowered;
	s5 =	simm.s32 $_tile_overlayer_lowered  }
0x9b: {  	s22 =	simm.s32 $0x1BFF;
	s21 =	sshll.u32 s5, $0x1;
	s2 =	sadd.s32 s19, s18  }
0x9c: {  	s6 =	simm.s32 $0x0;
	s20 =	sshll.u32 s4, $0x1;
	s4 =	sadd.s32 s21, s2  }
0x9d: {  	[timem:s6], [sflag:s22] =	dma.local [hbm:s4], s20  }
0x9e: {  	_ =	swait.ge [sflag:s22], s20  }
0x9f: {  	s3 =	ssub.s32 $0x0, s20;
	[sflag:s22] =	ssyncset.done $0x0  }
0xa0: {  	[sflag:s22] =	ssyncadd.s32 s3;
	_ =	sdelay $0x1  }
0xa1: {  	s23 =	simm.s32 $0x1B8B  }
0xa2: {  	_ =	swait.ge [sflag:s23], $0x1  }
0xa3: {  	[sflag:s23] =	ssyncset.done $0x0  }
0xa4: {  	s25 =	simm.s32 $0x1B8E;
	s24 =	sld [smem:$0x3FFE];
	[sflag:s23] =	ssyncadd.s32 $0xFFFFFFFF  }
0xa5: {  	s26 =	simm.s32 $execute0_lowered;
	[smem:$0x3FD2] =	sst s25  }
0xa6: {  	s4 =	sshll.u32 s26, $0x1;
	_ =	strace $0x80000046;
	[dreg:$0x1] =	wrdreg $0xFFFFFFFF  }
0xa7: {  	s28 =	simm.s32 $_size_execute0_lowered;
	s2 =	sadd.s32 s2, s4;
	[dreg:$0x0] =	wrdreg $0x0  }
0xa8: {  	s4 =	sshll.u32 s28, $0x1;
	[dreg:$0x2] =	wrdreg s2  }
0xa9: {  	[dreg:$0x3] =	wrdreg s4  }
0xaa: {  	[dreg:$0x4] =	wrdreg $0xC0  }
0xab: {  	_ =	task [dreg:s6], $0x5FFFF  }
0xac: {  	[dreg:$0x1] =	wrdreg $0xFFFFFFFF  }
0xad: {  	[dreg:$0x0] =	wrdreg $0x60  }
0xae: {  	[dreg:$0x2] =	wrdreg s24  }
0xaf: {  	[dreg:$0x3] =	wrdreg $0x9900  }
0xb0: {  	[dreg:$0x4] =	wrdreg $0x9  }
0xb1: {  	_ =	task.clear_ibuf [dreg:s6], $0x5FFFF;
	_ =	strace $0x90000046  }
0xb2: {  	s29 =	simm.s32 $0x9;
	_ =	strace $0x80000048  }
0xb3: {  	_ =	swait.ge [sflag:s29], $0x1  }
0xb4: {  	[sflag:s29] =	ssyncadd.s32 $0xFFFFFFFF  }
0xb5: {  	_ =	strace $0x90000048  }
0xb6: {  	_ =	sfence  }
0xb7: {  	s30 =	sld [smem:$0x0];
	_ =	sdelay $0x2  }
0xb8: {  	s31 =	sshll.u32 s1, $0xD;
	s1 =	sshrl.u32 s1, $0x2  }
0xb9: {  	s3 =	sand.u32 $0x4000, s31;
	s1 =	sadd.s32 s1, s30  }
0xba: {  	s0 =	sor.u32 s3, s0;
	s1 =	sshll.u32 s1, $0x11  }
0xbb: {  	s0 =	sor.u32 s1, s0  }
0xbc: {  	s0 =	sadd.s32 $0x8F2B, s0  }
0xbd: {  	[sflag:s0] =	ssyncadd.remote.s32 $0x1  }
0xbe: {  	_ =	sfence.sel $0xFFFF  }
0xbf: {  	[dreg:$0x0] =	wrdreg $0xFFFFFFFF;
	(pc) =	sbr.abs _section_cstart, $3  }
0xc0: {  	[dreg:$0x1] =	wrdreg $0xFFFFFFFF  }
0xc1: {  	_ =	task.clear_ibuf [dreg:s6], $0x2FFFF;
	_ =	strace $0x9FFFFFFF  }
0xc2: {  	(tm) =	ssettm $0x7FFFFFFF  }
0xc3: {  	_ =	shalt  }
tec
execute0_lowered:
.L_overlay_start_1:
0x0: {  	(tag) =	ssettag $0x1  }
0x1: {  	s5 =	rddreg [dreg:$0x0]  }
0x2: {  	s1 =	rddreg [dreg:$0x1]  }
0x3: {  	s2 =	srdreg.scid;
	s0 =	rddreg [dreg:$0x2];
	s3 =	simm.s32 $0x0  }
0x4: {  	s14 =	simm.s32 $0x80;
	s15 =	simm.s32 $0x1;
	s6 =	sand.u32 $0x1, s2  }
0x5: {  	s16 =	simm.s32 $0x110;
	s2 =	stileid.u32;
	s7 =	smul.u32 $0x27800, s6  }
0x6: {  	s17 =	simm.s32 $0x2;
	s18 =	simm.s32 $0x100;
	s9 =	smul.u32 $0x2780, s2  }
0x7: {  	s19 =	simm.s32 $0x10;
	s21 =	simm.s32 $0x0;
	s10 =	smul.u32 $0x9E00, s2  }
0x8: {  	[smem:$0x7FF] =	sst s3;
	s4 =	sshll.u32 s2, $0x1;
	s12 =	smul.u32 $0x4E20, s2  }
0x9: {  	_ =	strace $0x80000047;
	s11 =	ssub.s32 $0x2, s6;
	s26 =	smul.u32 $0x2710, s6  }
0xa: {  	s8 =	sor.u32 s6, s4;
	s4 =	sadd.s32 $0x6600, s5;
	s25 =	sshrl.u32 s11, $0x1  }
0xb: {  	s7 =	sadd.s32 s9, s7;
	s8 =	smul.u32 $0x2710, s8;
	s11 =	ssub.s32 s11, s25  }
0xc: {  	s28 =	sshrl.u32 s10, $0x2;
	s30 =	sadd.s32 s26, s12;
	s20 =	sadd.s32 s9, s1  }
0xd: {  	s7 =	sshrl.u32 s7, $0x3;
	s12 =	sadd.s32 $0x80, s30;
	s9 =	smax.u32 s11, $0x1  }
0xe: {  	s10 =	sadd.s32 $0x100, s30;
	s20 =	sshrl.u32 s20, $0x3;
	s13 =	sadd.s32 s7, s5  }
0xf: {  	s29 =	sshrl.u32 s8, $0x3;
	s5 =	sadd.s32 s28, s1;
	s31 =	sshrl.u32 s12, $0x3  }
0x10: {  	s12 =	simm.s32 $0x910;
	s6 =	sadd.s32 s4, s29;
	s8 =	sadd.s32 $0x10400, s13  }
0x11: {  	v0 =	vimm.f32 $0.0e+00;
	v1 =	vimm.f32 $1.000000000e+00;
	s11 =	sadd.s32 s31, s4;
	s13 =	simm.s32 $0x3;
	s7 =	sadd.s32 $0x4E0, s6  }
.LBB2_1:
0x12: {  	[tilespmem:$0x910] =	vst v0  }
0x13: {  	[tilespmem:$0x920] =	vst v0  }
0x14: {  	[tilespmem:$0x930] =	vst v0  }
0x15: {  	[tilespmem:$0x940] =	vst v0  }
0x16: {  	[tilespmem:$0x950] =	vst v0  }
0x17: {  	[tilespmem:$0x960] =	vst v0  }
0x18: {  	[tilespmem:$0x970] =	vst v0  }
0x19: {  	[tilespmem:$0x980] =	vst v0;
	s22 =	simm.s32 $0x0  }
.LBB2_2:
0x1a: {  	p0 =	sne.s32 s22, $0x1FC0  }
.Ltmp0:
0x1b: {  	_ = 	snop;
	(pc) =	sbr.rel @p0 .LBB2_2-.Ltmp0, $3  }
0x1c: {  	_ =	sdelay $0x1  }
0x1d: {  	s23 =	sshra.s32 s22, $0x2  }
0x1e: {  	s22 =	sadd.s32 $0x40, s22;
	[tilespmem:s23+$0x110] =	vst v1  }
0x1f: {  	s22 =	sadd.s32 $0x0, s5  }
0x20: {  	[spmem:s22] =	stream.linear.scatter [tilespmem:s12], [sflag:$0x3], $0x80, $0x38;
	[tilespmem:$0x3110] =	vst v63  }
0x21: {  	s22 =	simm.s32 $0x200;
	_ =	swait.ge [sflag:s13], $0x80  }
.LBB2_4:
0x22: {  	s23 =	sshra.s32 s22, $0x2;
	[sflag:s13] =	ssyncset.done $0x0;
	p0 =	sne.s32 s22, $0x9C00  }
.Ltmp1:
0x23: {  	s23 =	sadd.s32 s23, s5;
	[sflag:s13] =	ssyncadd.s32 $0xFFFFFF80;
	(pc) =	sbr.rel @p0 .LBB2_4-.Ltmp1, $3  }
0x24: {  	[spmem:s23] =	stream.linear.scatter [tilespmem:s12], [sflag:$0x3], $0x80, $0x38;
	[tilespmem:$0x3110] =	vst v63  }
0x25: {  	s22 =	sadd.s32 $0x200, s22;
	_ =	sdelay $0x1  }
0x26: {  	_ =	swait.ge [sflag:s13], $0x80  }
0x27: {  	[sflag:s13] =	ssyncset.done $0x0  }
0x28: {  	s22 =	simm.s32 $0x0;
	[sflag:s13] =	ssyncadd.s32 $0xFFFFFF80  }
0x29: {  	[tilespmem:s22], [sflag:$0x1] =	stream.linear.gather [hbm4b:s6+s22], $0x80, $0x38;
	[tilespmem:$0x3110] =	vst v63  }
0x2a: {  	s30 =	sadd.s32 $0x0, s11;
	[bflag:$0x0] =	sbarrier.arrive $0xFFFF  }
0x2b: {  	[tilespmem:s14], [sflag:$0x2] =	stream.linear.gather [hbm4b:s30+s3], $0x80, $0x38;
	[tilespmem:$0x3110] =	vst v63  }
0x2c: {  	_ =	swait.ge [sflag:s15], $0x80  }
0x2d: {  	[sflag:s15] =	ssyncset.done $0x0  }
0x2e: {  	[sflag:s15] =	ssyncadd.s32 $0xFFFFFF80  }
0x2f: {  	[spmem:s1] =	stream.indirect.scatter.add.f32 [tilespmem:s16], [sflag:$0x3], $0x10, s3, s14, $0xb8;
	[tilespmem:$0x3110] =	vst v63  }
0x30: {  	_ =	swait.ge [sflag:s13], $0x800  }
0x31: {  	s31 =	sshrl.u32 s10, $0x3;
	[sflag:s13] =	ssyncset.done $0x0  }
0x32: {  	s22 =	sadd.s32 s4, s31;
	[sflag:s13] =	ssyncadd.s32 $0xFFFFF800  }
0x33: {  	[tilespmem:s3], [sflag:$0x1] =	stream.linear.gather [hbm4b:s22+s3], $0x80, $0x38;
	[tilespmem:$0x3110] =	vst v63  }
0x34: {  	_ =	swait.ge [sflag:s17], $0x80  }
0x35: {  	[sflag:s17] =	ssyncset.done $0x0  }
0x36: {  	[sflag:s17] =	ssyncadd.s32 $0xFFFFFF80  }
0x37: {  	[spmem:s1] =	stream.indirect.scatter.add.f32 [tilespmem:s16], [sflag:$0x3], $0x10, s14, s14, $0xb8;
	[tilespmem:$0x3110] =	vst v63  }
0x38: {  	s23 =	simm.s32 $0x20;
	_ =	swait.ge [sflag:s13], $0x800  }
0x39: {  	s24 =	simm.s32 $0x40;
	s22 =	sadd.s32 $0x100, s10;
	[sflag:s13] =	ssyncset.done $0x0  }
.LBB2_6:
0x3a: {  	s25 =	sadd.s32 s23, s11  }
0x3b: {  	[sflag:s13] =	ssyncadd.s32 $0xFFFFF800;
	s23 =	smov.u32 s24;
	s26 =	sadd.s32 $0x20, s24  }
0x3c: {  	[tilespmem:s14], [sflag:$0x2] =	stream.linear.gather [hbm4b:s25+s3], $0x80, $0x38;
	[tilespmem:$0x3110] =	vst v63  }
0x3d: {  	p0 =	sne.s32 s24, $0x4C0;
	_ =	swait.ge [sflag:s15], $0x80  }
0x3e: {  	[sflag:s15] =	ssyncset.done $0x0  }
0x3f: {  	[sflag:s15] =	ssyncadd.s32 $0xFFFFFF80  }
0x40: {  	[spmem:s1] =	stream.indirect.scatter.add.f32 [tilespmem:s16], [sflag:$0x3], $0x10, s3, s14, $0xb8;
	[tilespmem:$0x3110] =	vst v63  }
0x41: {  	_ =	swait.ge [sflag:s13], $0x800  }
0x42: {  	s24 =	sshrl.u32 s22, $0x3;
	[sflag:s13] =	ssyncset.done $0x0  }
0x43: {  	s24 =	sadd.s32 s4, s24;
	[sflag:s13] =	ssyncadd.s32 $0xFFFFF800  }
0x44: {  	[tilespmem:s3], [sflag:$0x1] =	stream.linear.gather [hbm4b:s24+s3], $0x80, $0x38;
	[tilespmem:$0x3110] =	vst v63  }
0x45: {  	_ =	swait.ge [sflag:s17], $0x80  }
.Ltmp2:
0x46: {  	[sflag:s17] =	ssyncset.done $0x0;
	(pc) =	sbr.rel @p0 .LBB2_6-.Ltmp2, $4  }
0x47: {  	[sflag:s17] =	ssyncadd.s32 $0xFFFFFF80  }
0x48: {  	[spmem:s1] =	stream.indirect.scatter.add.f32 [tilespmem:s16], [sflag:$0x3], $0x10, s14, s14, $0xb8;
	[tilespmem:$0x3110] =	vst v63  }
0x49: {  	_ =	swait.ge [sflag:s13], $0x800  }
0x4a: {  	s22 =	sadd.s32 $0x100, s22;
	s24 =	smov.u32 s26;
	[sflag:s13] =	ssyncset.done $0x0  }
0x4b: {  	s23 =	sadd.s32 s23, s11;
	[sflag:s13] =	ssyncadd.s32 $0xFFFFF800  }
0x4c: {  	[tilespmem:s14], [sflag:$0x2] =	stream.linear.gather [hbm4b:s23+s3], $0x80, $0x38;
	[tilespmem:$0x3110] =	vst v63  }
0x4d: {  	_ =	swait.ge [sflag:s15], $0x80  }
0x4e: {  	[sflag:s15] =	ssyncset.done $0x0  }
0x4f: {  	[sflag:s15] =	ssyncadd.s32 $0xFFFFFF80  }
0x50: {  	[spmem:s1] =	stream.indirect.scatter.add.f32 [tilespmem:s16], [sflag:$0x3], $0x10, s3, s14, $0xb8;
	[tilespmem:$0x3110] =	vst v63  }
0x51: {  	_ =	swait.ge [sflag:s13], $0x800  }
0x52: {  	s22 =	sshrl.u32 s22, $0x3;
	[sflag:s13] =	ssyncset.done $0x0  }
0x53: {  	s22 =	sadd.s32 s4, s22;
	[sflag:s13] =	ssyncadd.s32 $0xFFFFF800  }
0x54: {  	[tilespmem:s3], [sflag:$0x1] =	stream.linear.gather [hbm4b:s22+s3], $0x80, $0x38;
	[tilespmem:$0x3110] =	vst v63  }
0x55: {  	_ =	swait.ge [sflag:s17], $0x80  }
0x56: {  	[sflag:s17] =	ssyncset.done $0x0  }
0x57: {  	[sflag:s17] =	ssyncadd.s32 $0xFFFFFF80  }
0x58: {  	[spmem:s1] =	stream.indirect.scatter.add.f32 [tilespmem:s16], [sflag:$0x3], $0x10, s14, s14, $0xb8;
	[tilespmem:$0x3110] =	vst v63  }
0x59: {  	_ =	swait.ge [sflag:s13], $0x800  }
0x5a: {  	[sflag:s13] =	ssyncset.done $0x0  }
0x5b: {  	[sflag:s13] =	ssyncadd.s32 $0xFFFFF800  }
0x5c: {  	_ =	swait.ge [sflag:s15], $0x80  }
0x5d: {  	[sflag:s15] =	ssyncset.done $0x0  }
0x5e: {  	[sflag:s15] =	ssyncadd.s32 $0xFFFFFF80  }
0x5f: {  	[tilespmem:s18], [sflag:$0x3] =	stream.linear.gather [hbm4b:s7+s3], $0x10, $0x38;
	[tilespmem:$0x3110] =	vst v63  }
0x60: {  	_ =	swait.ge [sflag:s13], $0x10  }
0x61: {  	[sflag:s13] =	ssyncset.done $0x0  }
0x62: {  	[sflag:s13] =	ssyncadd.s32 $0xFFFFFFF0  }
0x63: {  	[spmem:s1] =	stream.indirect.scatter.add.f32 [tilespmem:s16], [sflag:$0x3], $0x10, s18, s19, $0xb8;
	[tilespmem:$0x3110] =	vst v63  }
0x64: {  	_ =	swait.ge [sflag:s13], $0x100  }
0x65: {  	s21 =	sadd.s32 $0x1, s21;
	[sflag:s13] =	ssyncset.done $0x0  }
0x66: {  	s31 =	sshll.u32 s2, $0x6;
	p0 =	sne.s32 s21, s9;
	[sflag:s13] =	ssyncadd.s32 $0xFFFFFF00  }
.Ltmp3:
0x67: {  	s22 =	sor.u32 $0x1C03, s31;
	[bflag:$0x0] =	sbarrier.arrive $0xFFFF;
	(pc) =	sbr.rel @p0 .LBB2_1-.Ltmp3, $4  }
0x68: {  	[hbm:s8], [sflag:s22] =	dma.local [spmem:s20], $0x4F0  }
0x69: {  	_ =	swait.ge [sflag:s13], $0x4F0  }
0x6a: {  	[sflag:s13] =	ssyncset.done $0x0  }
0x6b: {  	[sflag:s13] =	ssyncadd.s32 $0xFFFFFB10  }
0x6c: {  	_ =	sfence.sel $0x180000  }
0x6d: {  	[bflag:$0x0] =	sbarrier.arrive $0xFFFF  }
0x6e: {  	p0 =	sne.s32 s2, $0x0;
	_ =	strace $0x90000047  }
0x6f: {  	s0 =	sadd.s32 @!p0 $0x100000, s0;
	[bflag:$0x2] =	sbarrier.arrive $0xFFFF  }
0x70: {  	[sflag:s0] =	ssyncadd.tile.s32 @!p0 $0x1;
	_ =	shalt  }
.Lfunc_end2:
_tile_overlayer_lowered:
.L_overlay_start_2:
0x71: {  	(tag) =	ssettag $0x2  }
0x72: {  	s0 =	rddreg [dreg:$0x0];
	s2 =	stileid.u32  }
0x73: {  	s1 =	rddreg [dreg:$0x1];
	p0 =	sne.s32 s2, $0x0  }
0x74: {  	s3 =	rddreg [dreg:$0x2];
	[bflag:$0x3] =	sbarrier.arrive $0xFFFF;
	s2 =	simm.s32 @!p0 $0x1C03  }
0x75: {  	[timem:s3], [sflag:s2] =	dma.local @!p0 [hbm:s0], s1  }
0x76: {  	s0 =	simm.s32 @!p0 $0x3  }
0x77: {  	_ =	swait.ge @!p0 [sflag:s0], s1  }
0x78: {  	s1 =	ssub.s32 @!p0 $0x0, s1;
	[sflag:s0] =	ssyncset.done @!p0 $0x0  }
0x79: {  	[sflag:s0] =	ssyncadd.s32 @!p0 s1  }
0x7a: {  	[bflag:$0x3] =	sbarrier.arrive $0xFFFF  }
0x7b: {  	_ =	shalt  }

// kernel: kernel.15.cloned.1.call-start
scs
__scs_entry_jumppad:
0x0: {  	(pc) =	sbr.rel $0x88, $3  }
0x1: {  	(tag) =	ssettag $0x0;
	lr =	simm.s32 $0x1  }
0x2: {  	[smem:$0x3F93] =	sst lr;
	_ =	strace $0xD0000000  }
0x3: {  	_ = 	snop  }
0x4: {  	_ = 	snop  }
0x5: {  	_ = 	snop  }
0x6: {  	_ = 	snop  }
0x7: {  	_ = 	snop  }
__scs_overlays_trampoline_lowered:
0x8: {  	[smem:$0x3FA2] =	sst s0  }
0x9: {  	[smem:$0x3FA3] =	sst s1  }
0xa: {  	[smem:$0x3FA4] =	sst s2  }
0xb: {  	[smem:$0x3FA5] =	sst s3  }
0xc: {  	[smem:$0x3FA6] =	sst s4  }
0xd: {  	[smem:$0x3FA7] =	sst s5  }
0xe: {  	[smem:$0x3FA8] =	sst s6  }
0xf: {  	[smem:$0x3FA9] =	sst s7  }
0x10: {  	[smem:$0x3FAA] =	sst s8  }
0x11: {  	[smem:$0x3FAB] =	sst s9;
	s0 =	simm.s32 @!p0 $0x0  }
0x12: {  	s1 =	sld [smem:$0x3F91];
	s0 =	simm.s32 @p0 $0x1  }
0x13: {  	[smem:$0x3FAC] =	sst s0;
	s0 =	simm.s32 @!p1 $0x0  }
0x14: {  	s2 =	sld [smem:$0x3F90];
	s0 =	simm.s32 @p1 $0x1  }
0x15: {  	[smem:$0x3FAD] =	sst s0;
	s0 =	simm.s32 @!p2 $0x0  }
0x16: {  	s3 =	sld [smem:$0x3FDB];
	s0 =	simm.s32 @p2 $0x1  }
0x17: {  	s4 =	simm.s32 $0x1BF5;
	[smem:$0x3FAF] =	sst s0  }
0x18: {  	s0 =	sld [smem:$0x3F92];
	_ =	swait.ge [sflag:s4], $0x0  }
0x19: {  	s7 =	sld [smem:$0x3F93]  }
0x1a: {  	s8 =	sadd.s32 $0xFFFFE003, lr  }
0x1b: {  	s9 =	sadd.s32 $0xFFFFFEF7, lr;
	s5 =	simm.s32 $0xFFFFFFFF;
	p2 =	slt.u32 s8, $0xFFFFF086  }
0x1c: {  	p1 =	slt.u32 s9, $0xF7A;
	s5 =	simm.s32 @!p2 $0x0  }
0x1d: {  	s5 =	simm.s32 @p1 $0x1;
	p0 =	seq.s32 s7, s2  }
0x1e: {  	s7 =	smul.u32 @!p0 $0xF7A, s2;
	p2 =	seq.s32 @!p0 s5, $0x0  }
0x1f: {  	s9 =	smul.u32 $0xF7A, s1;
	s8 =	simm.s32 @!p0 $0x1BF5;
	p2 =	por !p2, p0  }
0x20: {  	[sflag:s8] =	ssyncset.s32 @!p0 $0xFFFFF086;
	s6 =	sadd.s32 @!p0 s3, s7;
	s7 =	simm.s32 @!p0 $0x108  }
0x21: {  	s3 =	sadd.s32 s3, s9;
	s6 =	sadd.s32 @!p0 $0x88, s6;
	s7 =	simm.s32 @p2 $0x1082  }
0x22: {  	[simem:s7], [sflag:s8] =	dma.local @!p0 [hbm:s6], $0xF7A  }
0x23: {  	s9 =	sor.u32 $0xD0000000, s2;
	s6 =	simm.s32 $0x108;
	_ =	swait.ge @!p0 [sflag:s8], $0x0  }
0x24: {  	s3 =	sadd.s32 $0x88, s3;
	s6 =	simm.s32 @!p1 $0x1082;
	[sflag:s4] =	ssyncset.s32 $0xFFFFF086  }
0x25: {  	[simem:s6], [sflag:s4] =	dma.local [hbm:s3], $0xF7A  }
0x26: {  	[smem:$0x3F93] =	sst s1;
	(tag) =	ssettag s2;
	_ =	strace s9  }
0x27: {  	s1 =	sld [smem:$0x3FA3]  }
0x28: {  	s2 =	sld [smem:$0x3FA4]  }
0x29: {  	s4 =	sld [smem:$0x3FA6]  }
0x2a: {  	p0 =	seq.s32 s5, $0x0;
	s5 =	sld [smem:$0x3FA7]  }
0x2b: {  	s6 =	sld [smem:$0x3FA8]  }
0x2c: {  	s7 =	sld [smem:$0x3FA9]  }
0x2d: {  	s3 =	simm.s32 $0x108;
	s8 =	sld [smem:$0x3FAA]  }
0x2e: {  	s3 =	simm.s32 @!p0 $0x1082;
	s9 =	sld [smem:$0x3FAB]  }
0x2f: {  	lr =	sadd.s32 s0, s3;
	s0 =	sld [smem:$0x3FA2]  }
0x30: {  	s3 =	sld [smem:$0x3FA5]  }
0x31: {  	[smem:$0x3FAE] =	sst s10  }
0x32: {  	s10 =	sld [smem:$0x3FAC];
	_ =	sdelay $0x3  }
0x33: {  	p0 =	seq.s32 s10, $0x1;
	s10 =	sld [smem:$0x3FAE];
	_ =	sdelay $0x3  }
0x34: {  	[smem:$0x3FAE] =	sst s10  }
0x35: {  	s10 =	sld [smem:$0x3FAD];
	_ =	sdelay $0x3  }
0x36: {  	p1 =	seq.s32 s10, $0x1;
	s10 =	sld [smem:$0x3FAE];
	_ =	sdelay $0x3  }
0x37: {  	[smem:$0x3FAE] =	sst s10  }
0x38: {  	s10 =	sld [smem:$0x3FAF]  }
0x39: {  	_ = 	snop;
	(pc) =	sbr.ind lr, $3  }
0x3a: {  	_ = 	snop  }
0x3b: {  	_ = 	snop  }
0x3c: {  	p2 =	seq.s32 s10, $0x1;
	s10 =	sld [smem:$0x3FAE]  }
0x3d: {  	_ =	shalt  }
0x3e: {  	_ =	shalt  }
0x3f: {  	_ =	shalt  }
0x40: {  	_ =	shalt  }
0x41: {  	_ =	shalt  }
0x42: {  	_ =	shalt  }
0x43: {  	_ =	shalt  }
0x44: {  	_ =	shalt  }
0x45: {  	_ =	shalt  }
0x46: {  	_ =	shalt  }
0x47: {  	_ =	shalt  }
0x48: {  	_ =	shalt  }
0x49: {  	_ =	shalt  }
0x4a: {  	_ =	shalt  }
0x4b: {  	_ =	shalt  }
0x4c: {  	_ =	shalt  }
0x4d: {  	_ =	shalt  }
0x4e: {  	_ =	shalt  }
0x4f: {  	_ =	shalt  }
0x50: {  	_ =	shalt  }
0x51: {  	_ =	shalt  }
0x52: {  	_ =	shalt  }
0x53: {  	_ =	shalt  }
0x54: {  	_ =	shalt  }
0x55: {  	_ =	shalt  }
0x56: {  	_ =	shalt  }
0x57: {  	_ =	shalt  }
0x58: {  	_ =	shalt  }
0x59: {  	_ =	shalt  }
0x5a: {  	_ =	shalt  }
0x5b: {  	_ =	shalt  }
0x5c: {  	_ =	shalt  }
0x5d: {  	_ =	shalt  }
0x5e: {  	_ =	shalt  }
0x5f: {  	_ =	shalt  }
0x60: {  	_ =	shalt  }
0x61: {  	_ =	shalt  }
0x62: {  	_ =	shalt  }
0x63: {  	_ =	shalt  }
0x64: {  	_ =	shalt  }
0x65: {  	_ =	shalt  }
0x66: {  	_ =	shalt  }
0x67: {  	_ =	shalt  }
0x68: {  	_ =	shalt  }
0x69: {  	_ =	shalt  }
0x6a: {  	_ =	shalt  }
0x6b: {  	_ =	shalt  }
0x6c: {  	_ =	shalt  }
0x6d: {  	_ =	shalt  }
0x6e: {  	_ =	shalt  }
0x6f: {  	_ =	shalt  }
0x70: {  	_ =	shalt  }
0x71: {  	_ =	shalt  }
0x72: {  	_ =	shalt  }
0x73: {  	_ =	shalt  }
0x74: {  	_ =	shalt  }
0x75: {  	_ =	shalt  }
0x76: {  	_ =	shalt  }
0x77: {  	_ =	shalt  }
0x78: {  	_ =	shalt  }
0x79: {  	_ =	shalt  }
0x7a: {  	_ =	shalt  }
0x7b: {  	_ =	shalt  }
0x7c: {  	_ =	shalt  }
0x7d: {  	_ =	shalt  }
0x7e: {  	_ =	shalt  }
0x7f: {  	_ =	shalt  }
0x80: {  	_ =	shalt  }
0x81: {  	_ =	shalt  }
0x82: {  	_ =	shalt  }
0x83: {  	_ =	shalt  }
0x84: {  	_ =	shalt  }
0x85: {  	_ =	shalt  }
0x86: {  	_ =	shalt  }
0x87: {  	_ =	shalt  }
.Lfunc_end0:
.L_simem_size_0:
called_computation.1_lowered:
.L_overlay_start_0:
0x88: {  	s2 =	sld [smem:$0x3FD9]  }
0x89: {  	s3 =	sld [smem:$0x3FFE];
	_ =	sdelay $0x1  }
0x8a: {  	s1 =	srdreg.scid  }
0x8b: {  	s0 =	sand.u32 $0x1, s1  }
0x8c: {  	s17 =	sshll.u32 s0, $0xA;
	s2 =	sadd.s32 s3, s2  }
0x8d: {  	s2 =	sadd.s32 s2, s17  }
0x8e: {  	[smem:$0x3FBA] =	sst s2  }
0x8f: {  	_ = 	snop  }
0x90: {  	(tm) =	ssettm $0x1  }
0x91: {  	s18 =	sld [smem:$0x3FFB];
	_ =	sdelay $0x3  }
0x92: {  	_ =	strace s18  }
0x93: {  	s2 =	sld [smem:$0x3FFC];
	_ =	sdelay $0x3  }
0x94: {  	_ =	strace s2  }
0x95: {  	s2 =	sld [smem:$0x3FFD];
	_ =	sdelay $0x3  }
0x96: {  	_ =	strace s2  }
0x97: {  	_ =	strace $0x8FFFFFFF  }
0x98: {  	s19 =	sld [smem:$0x3FDB];
	_ =	sdelay $0x1  }
0x99: {  	s20 =	simm.s32 $_scs_section_size  }
0x9a: {  	s4 =	simm.s32 $_size__tile_overlayer_lowered;
	s5 =	simm.s32 $_tile_overlayer_lowered  }
0x9b: {  	s6 =	simm.s32 $0x1BFF;
	s21 =	sshll.u32 s5, $0x1;
	s3 =	sadd.s32 s20, s19  }
0x9c: {  	s22 =	simm.s32 $0x0;
	s4 =	sshll.u32 s4, $0x1;
	s5 =	sadd.s32 s21, s3  }
0x9d: {  	[timem:s22], [sflag:s6] =	dma.local [hbm:s5], s4  }
0x9e: {  	_ =	swait.ge [sflag:s6], s4  }
0x9f: {  	s4 =	ssub.s32 $0x0, s4;
	[sflag:s6] =	ssyncset.done $0x0  }
0xa0: {  	[sflag:s6] =	ssyncadd.s32 s4;
	_ =	sdelay $0x1  }
0xa1: {  	s23 =	simm.s32 $0x1B8B  }
0xa2: {  	_ =	swait.ge [sflag:s23], $0x1  }
0xa3: {  	[sflag:s23] =	ssyncset.done $0x0  }
0xa4: {  	[sflag:s23] =	ssyncadd.s32 $0xFFFFFFFF  }
0xa5: {  	s4 =	sld [smem:$0x0]  }
0xa6: {  	s5 =	sand.u32 $0xFFFFFFFE, s1  }
0xa7: {  	p0 =	sne.s32 s1, s5  }
0xa8: {  	s5 =	sshll.u32 @p0 s5, $0xE  }
0xa9: {  	s5 =	sadd.s32 @p0 $0x11B8D, s5;
	s6 =	sshll.u32 @p0 s4, $0x11  }
0xaa: {  	s5 =	sor.u32 @p0 s6, s5  }
0xab: {  	[sflag:s5] =	ssyncadd.remote.s32 @p0 $0x1;
	_ =	sdelay $0x1  }
0xac: {  	s5 =	simm.s32 @p0 $0x1B8D  }
0xad: {  	_ =	swait.eq @p0 [sflag:s5], $0x1  }
0xae: {  	[sflag:s5] =	ssyncadd.s32 @p0 $0xFFFFFFFF  }
0xaf: {  	s6 =	sshll.u32 @!p0 s1, $0xE  }
0xb0: {  	s6 =	sor.u32 @!p0 $0x4000, s6;
	s5 =	simm.s32 @!p0 $0x1B8D  }
0xb1: {  	s4 =	sshll.u32 @!p0 s4, $0x11;
	s6 =	sadd.s32 @!p0 $0x11B8D, s6;
	_ =	swait.eq @!p0 [sflag:s5], $0x1  }
0xb2: {  	s4 =	sor.u32 @!p0 s4, s6;
	[sflag:s5] =	ssyncadd.s32 @!p0 $0xFFFFFFFF  }
0xb3: {  	s25 =	simm.s32 $0x1B8E;
	s24 =	sld [smem:$0x3FFE];
	[sflag:s4] =	ssyncadd.remote.s32 @!p0 $0x1  }
0xb4: {  	s26 =	simm.s32 $execute0_lowered;
	[smem:$0x3FD2] =	sst s25  }
0xb5: {  	s5 =	sshll.u32 s26, $0x1;
	_ =	strace $0x8000004C;
	[dreg:$0x1] =	wrdreg $0xFFFFFFFF  }
0xb6: {  	s28 =	simm.s32 $_size_execute0_lowered;
	s3 =	sadd.s32 s3, s5;
	[dreg:$0x0] =	wrdreg $0x0  }
0xb7: {  	s5 =	sshll.u32 s28, $0x1;
	[dreg:$0x2] =	wrdreg s3  }
0xb8: {  	[dreg:$0x3] =	wrdreg s5  }
0xb9: {  	[dreg:$0x4] =	wrdreg $0xC0  }
0xba: {  	_ =	task [dreg:s22], $0x5FFFF  }
0xbb: {  	[dreg:$0x1] =	wrdreg $0xFFFFFFFF  }
0xbc: {  	[dreg:$0x0] =	wrdreg $0x60  }
0xbd: {  	[dreg:$0x2] =	wrdreg s24  }
0xbe: {  	[dreg:$0x3] =	wrdreg $0x8F000  }
0xbf: {  	[dreg:$0x4] =	wrdreg $0x9  }
0xc0: {  	_ =	task.clear_ibuf [dreg:s22], $0x5FFFF;
	_ =	strace $0x9000004C  }
0xc1: {  	s29 =	simm.s32 $0x9;
	_ =	strace $0x8000004E  }
0xc2: {  	_ =	swait.ge [sflag:s29], $0x1  }
0xc3: {  	[sflag:s29] =	ssyncadd.s32 $0xFFFFFFFF  }
0xc4: {  	_ =	strace $0x9000004E  }
0xc5: {  	_ =	sfence  }
0xc6: {  	s30 =	sld [smem:$0x0];
	_ =	sdelay $0x2  }
0xc7: {  	s31 =	sshll.u32 s1, $0xD;
	s1 =	sshrl.u32 s1, $0x2  }
0xc8: {  	s4 =	sand.u32 $0x4000, s31;
	s1 =	sadd.s32 s1, s30  }
0xc9: {  	s0 =	sor.u32 s4, s0;
	s1 =	sshll.u32 s1, $0x11  }
0xca: {  	s0 =	sor.u32 s1, s0  }
0xcb: {  	s0 =	sadd.s32 $0x8F2B, s0  }
0xcc: {  	[sflag:s0] =	ssyncadd.remote.s32 $0x1  }
0xcd: {  	_ =	sfence.sel $0xFFFF  }
0xce: {  	[dreg:$0x0] =	wrdreg $0xFFFFFFFF;
	(pc) =	sbr.abs _section_cstart, $3  }
0xcf: {  	[dreg:$0x1] =	wrdreg $0xFFFFFFFF  }
0xd0: {  	_ =	task.clear_ibuf [dreg:s22], $0x2FFFF;
	_ =	strace $0x9FFFFFFF  }
0xd1: {  	(tm) =	ssettm $0x7FFFFFFF  }
tec
execute0_lowered:
.L_overlay_start_1:
0x0: {  	(tag) =	ssettag $0x1  }
0x1: {  	s0 =	rddreg [dreg:$0x0]  }
0x2: {  	s1 =	rddreg [dreg:$0x1]  }
0x3: {  	s3 =	simm.s32 $0x0;
	s2 =	srdreg.scid;
	s10 =	stileid.u32  }
0x4: {  	s17 =	simm.s32 $0x8B00;
	s18 =	simm.s32 $0x3;
	s19 =	simm.s32 $0x100  }
0x5: {  	s20 =	simm.s32 $0x80;
	s28 =	simm.s32 $0x8280;
	s29 =	simm.s32 $0x10  }
0x6: {  	s30 =	simm.s32 $0x8300;
	s31 =	simm.s32 $0x0;
	s7 =	smul.u32 $0x13C00, s10  }
0x7: {  	[smem:$0x7FF] =	sst s3;
	s2 =	sand.u32 $0x1, s2;
	s9 =	smul.u32 $0x4F000, s10  }
0x8: {  	s4 =	sadd.s32 $0x1A200, s0;
	s8 =	sshll.u32 s10, $0x1;
	s10 =	smul.u32 $0x4E20, s10  }
0x9: {  	s5 =	sadd.s32 $0x6600, s0;
	s6 =	smul.u32 $0x13C000, s2;
	_ =	strace $0x8000004D  }
0xa: {  	s8 =	sor.u32 s2, s8;
	s21 =	ssub.s32 $0x2, s2;
	s2 =	smul.u32 $0x2710, s2  }
0xb: {  	s8 =	smul.u32 $0x2710, s8;
	s11 =	sshrl.u32 s21, $0x1;
	s9 =	sshrl.u32 s9, $0x2  }
0xc: {  	s7 =	sadd.s32 s7, s6;
	s6 =	sadd.s32 $0x4B200, s0;
	s13 =	ssub.s32 s21, s11  }
0xd: {  	s2 =	sadd.s32 s2, s10;
	s21 =	simm.s32 $0x200;
	s7 =	sshrl.u32 s7, $0x3  }
0xe: {  	s8 =	sshrl.u32 s8, $0x3;
	s25 =	sadd.s32 $0x80, s2;
	s13 =	smax.u32 s13, $0x1  }
0xf: {  	s14 =	sadd.s32 $0x100, s2;
	s0 =	sadd.s32 s7, s0;
	s7 =	sadd.s32 s9, s1  }
0x10: {  	s22 =	sadd.s32 s4, s8;
	s23 =	sadd.s32 $0x4E0, s8;
	s8 =	sadd.s32 s5, s8  }
0x11: {  	s26 =	sshrl.u32 s25, $0x3;
	s25 =	simm.s32 $0x2;
	[dreg:$0x3] =	wrdreg s22  }
0x12: {  	[dreg:$0x4] =	wrdreg s8;
	s24 =	sadd.s32 s4, s23;
	s9 =	sadd.s32 s5, s23  }
0x13: {  	s12 =	sadd.s32 $0xE8600, s0;
	s15 =	sadd.s32 s26, s5;
	s16 =	sadd.s32 s26, s4  }
0x14: {  	s22 =	simm.s32 $0x180;
	s23 =	simm.s32 $0x4200;
	[dreg:$0x5] =	wrdreg s24  }
0x15: {  	v0 =	vimm.f32 $0.0e+00;
	s26 =	simm.s32 $0x8200;
	[dreg:$0x6] =	wrdreg s9;
	s24 =	simm.s32 $0x1  }
.LBB2_1:
0x16: {  	s0 =	simm.s32 $0x0;
	s2 =	simm.s32 $0x0  }
.LBB2_2:
0x17: {  	p0 =	sne.s32 s2, $0xFC0  }
.Ltmp0:
0x18: {  	_ = 	snop;
	(pc) =	sbr.rel @p0 .LBB2_2-.Ltmp0, $4  }
0x19: {  	s8 =	sand.u32 $0xE00, s2  }
0x1a: {  	s9 =	sand.u32 $0x70, s0;
	s8 =	sshrl.u32 s8, $0x2  }
0x1b: {  	s8 =	sor.u32 s9, s8  }
0x1c: {  	s0 =	sadd.s32 $0x10, s0;
	s2 =	sadd.s32 $0x40, s2;
	[tilespmem:s8+$0x8B00] =	vst v0  }
0x1d: {  	s0 =	sadd.s32 $0x0, s7  }
0x1e: {  	[spmem:s0] =	stream.linear.scatter [tilespmem:s17], [sflag:$0x3], $0x400, $0x38;
	[tilespmem:$0x1CB00] =	vst v63  }
0x1f: {  	s0 =	simm.s32 $0x1000;
	_ =	swait.ge [sflag:s18], $0x400  }
.LBB2_4:
0x20: {  	s2 =	sshra.s32 s0, $0x2;
	[sflag:s18] =	ssyncset.done $0x0;
	p0 =	sne.s32 s0, $0x4E000  }
.Ltmp1:
0x21: {  	s2 =	sadd.s32 s2, s7;
	[sflag:s18] =	ssyncadd.s32 $0xFFFFFC00;
	(pc) =	sbr.rel @p0 .LBB2_4-.Ltmp1, $3  }
0x22: {  	[spmem:s2] =	stream.linear.scatter [tilespmem:s17], [sflag:$0x3], $0x400, $0x38;
	[tilespmem:$0x1CB00] =	vst v63  }
0x23: {  	s0 =	sadd.s32 $0x1000, s0;
	_ =	sdelay $0x1  }
0x24: {  	_ =	swait.ge [sflag:s18], $0x400  }
0x25: {  	[sflag:s18] =	ssyncset.done $0x0  }
0x26: {  	s0 =	simm.s32 $0x0;
	s2 =	rddreg [dreg:$0x3];
	[sflag:s18] =	ssyncadd.s32 $0xFFFFFC00  }
0x27: {  	[tilespmem:s0], [sflag:$0x3] =	stream.linear.gather [hbm4b:s2+s0], $0x80, $0x38;
	[tilespmem:$0x1CB00] =	vst v63  }
0x28: {  	_ =	swait.ge [sflag:s18], $0x80  }
0x29: {  	[sflag:s18] =	ssyncset.done $0x0  }
0x2a: {  	s11 =	rddreg [dreg:$0x4];
	[sflag:s18] =	ssyncadd.s32 $0xFFFFFF80  }
0x2b: {  	[tilespmem:s19], [sflag:$0x3] =	stream.linear.gather [hbm4b:s11+s0], $0x80, $0x38;
	[tilespmem:$0x1CB00] =	vst v63  }
0x2c: {  	_ =	swait.ge [sflag:s18], $0x80  }
0x2d: {  	[sflag:s18] =	ssyncset.done $0x0  }
0x2e: {  	[sflag:s18] =	ssyncadd.s32 $0xFFFFFF80  }
0x2f: {  	[tilespmem:s21], [sflag:$0x1] =	stream.indirect.gather [hbm4b:s6+s20], $0x80, s0, s20, $0xb8;
	[tilespmem:$0x1CB00] =	vst v63  }
0x30: {  	s8 =	sadd.s32 $0x0, s16;
	[bflag:$0x0] =	sbarrier.arrive $0xFFFF  }
0x31: {  	[tilespmem:s20], [sflag:$0x3] =	stream.linear.gather [hbm4b:s8+s3], $0x80, $0x38;
	[tilespmem:$0x1CB00] =	vst v63  }
0x32: {  	_ =	swait.ge [sflag:s18], $0x80  }
0x33: {  	[sflag:s18] =	ssyncset.done $0x0  }
0x34: {  	s9 =	sadd.s32 $0x0, s15;
	[sflag:s18] =	ssyncadd.s32 $0xFFFFFF80  }
0x35: {  	[tilespmem:s22], [sflag:$0x3] =	stream.linear.gather [hbm4b:s9+s3], $0x80, $0x38;
	[tilespmem:$0x1CB00] =	vst v63  }
0x36: {  	_ =	swait.ge [sflag:s18], $0x80  }
0x37: {  	[sflag:s18] =	ssyncset.done $0x0  }
0x38: {  	[sflag:s18] =	ssyncadd.s32 $0xFFFFFF80  }
0x39: {  	[tilespmem:s23], [sflag:$0x2] =	stream.indirect.gather [hbm4b:s6+s20], $0x80, s20, s20, $0xb8;
	[tilespmem:$0x1CB00] =	vst v63  }
0x3a: {  	_ =	swait.ge [sflag:s24], $0x4000  }
0x3b: {  	[sflag:s24] =	ssyncset.done $0x0  }
0x3c: {  	[sflag:s24] =	ssyncadd.s32 $0xFFFFC000  }
0x3d: {  	[spmem:s1] =	stream.indirect.scatter.add.f32 [tilespmem:s21], [sflag:$0x3], $0x80, s19, s20, $0xb8;
	[tilespmem:$0x1CB00] =	vst v63  }
0x3e: {  	_ =	swait.ge [sflag:s18], $0x4000  }
0x3f: {  	s10 =	sshrl.u32 s14, $0x3;
	[sflag:s18] =	ssyncset.done $0x0  }
0x40: {  	s11 =	sadd.s32 s4, s10;
	[sflag:s18] =	ssyncadd.s32 $0xFFFFC000  }
0x41: {  	[tilespmem:s3], [sflag:$0x3] =	stream.linear.gather [hbm4b:s11+s3], $0x80, $0x38;
	[tilespmem:$0x1CB00] =	vst v63  }
0x42: {  	_ =	swait.ge [sflag:s18], $0x80  }
0x43: {  	[sflag:s18] =	ssyncset.done $0x0  }
0x44: {  	s0 =	sadd.s32 s5, s10;
	[sflag:s18] =	ssyncadd.s32 $0xFFFFFF80  }
0x45: {  	[tilespmem:s19], [sflag:$0x3] =	stream.linear.gather [hbm4b:s0+s3], $0x80, $0x38;
	[tilespmem:$0x1CB00] =	vst v63  }
0x46: {  	_ =	swait.ge [sflag:s18], $0x80  }
0x47: {  	[sflag:s18] =	ssyncset.done $0x0  }
0x48: {  	[sflag:s18] =	ssyncadd.s32 $0xFFFFFF80  }
0x49: {  	[tilespmem:s21], [sflag:$0x1] =	stream.indirect.gather [hbm4b:s6+s20], $0x80, s3, s20, $0xb8;
	[tilespmem:$0x1CB00] =	vst v63  }
0x4a: {  	_ =	swait.ge [sflag:s25], $0x4000  }
0x4b: {  	[sflag:s25] =	ssyncset.done $0x0  }
0x4c: {  	[sflag:s25] =	ssyncadd.s32 $0xFFFFC000  }
0x4d: {  	[spmem:s1] =	stream.indirect.scatter.add.f32 [tilespmem:s23], [sflag:$0x3], $0x80, s22, s20, $0xb8;
	[tilespmem:$0x1CB00] =	vst v63  }
0x4e: {  	s2 =	simm.s32 $0x20;
	_ =	swait.ge [sflag:s18], $0x4000  }
0x4f: {  	s8 =	simm.s32 $0x40;
	s0 =	sadd.s32 $0x100, s14;
	[sflag:s18] =	ssyncset.done $0x0  }
.LBB2_6:
0x50: {  	s10 =	sadd.s32 s2, s16  }
0x51: {  	[sflag:s18] =	ssyncadd.s32 $0xFFFFC000;
	s11 =	smov.u32 s8;
	s9 =	sadd.s32 $0x20, s8  }
0x52: {  	[tilespmem:s20], [sflag:$0x3] =	stream.linear.gather [hbm4b:s10+s3], $0x80, $0x38;
	[tilespmem:$0x1CB00] =	vst v63  }
0x53: {  	p0 =	sne.s32 s8, $0x4C0;
	_ =	swait.ge [sflag:s18], $0x80  }
0x54: {  	[sflag:s18] =	ssyncset.done $0x0  }
0x55: {  	s8 =	sadd.s32 s2, s15;
	s2 =	smov.u32 s11;
	[sflag:s18] =	ssyncadd.s32 $0xFFFFFF80  }
0x56: {  	[tilespmem:s22], [sflag:$0x3] =	stream.linear.gather [hbm4b:s8+s3], $0x80, $0x38;
	[tilespmem:$0x1CB00] =	vst v63  }
0x57: {  	_ =	swait.ge [sflag:s18], $0x80  }
0x58: {  	[sflag:s18] =	ssyncset.done $0x0  }
0x59: {  	[sflag:s18] =	ssyncadd.s32 $0xFFFFFF80  }
0x5a: {  	[tilespmem:s23], [sflag:$0x2] =	stream.indirect.gather [hbm4b:s6+s20], $0x80, s20, s20, $0xb8;
	[tilespmem:$0x1CB00] =	vst v63  }
0x5b: {  	_ =	swait.ge [sflag:s24], $0x4000  }
0x5c: {  	[sflag:s24] =	ssyncset.done $0x0  }
0x5d: {  	[sflag:s24] =	ssyncadd.s32 $0xFFFFC000  }
0x5e: {  	[spmem:s1] =	stream.indirect.scatter.add.f32 [tilespmem:s21], [sflag:$0x3], $0x80, s19, s20, $0xb8;
	[tilespmem:$0x1CB00] =	vst v63  }
0x5f: {  	_ =	swait.ge [sflag:s18], $0x4000  }
0x60: {  	s8 =	sshrl.u32 s0, $0x3;
	[sflag:s18] =	ssyncset.done $0x0  }
0x61: {  	s10 =	sadd.s32 s4, s8;
	[sflag:s18] =	ssyncadd.s32 $0xFFFFC000  }
0x62: {  	[tilespmem:s3], [sflag:$0x3] =	stream.linear.gather [hbm4b:s10+s3], $0x80, $0x38;
	[tilespmem:$0x1CB00] =	vst v63  }
0x63: {  	_ =	swait.ge [sflag:s18], $0x80  }
0x64: {  	[sflag:s18] =	ssyncset.done $0x0  }
0x65: {  	s8 =	sadd.s32 s5, s8;
	[sflag:s18] =	ssyncadd.s32 $0xFFFFFF80  }
0x66: {  	[tilespmem:s19], [sflag:$0x3] =	stream.linear.gather [hbm4b:s8+s3], $0x80, $0x38;
	[tilespmem:$0x1CB00] =	vst v63  }
0x67: {  	_ =	swait.ge [sflag:s18], $0x80  }
0x68: {  	[sflag:s18] =	ssyncset.done $0x0  }
0x69: {  	[sflag:s18] =	ssyncadd.s32 $0xFFFFFF80  }
0x6a: {  	[tilespmem:s21], [sflag:$0x1] =	stream.indirect.gather [hbm4b:s6+s20], $0x80, s3, s20, $0xb8;
	[tilespmem:$0x1CB00] =	vst v63  }
0x6b: {  	_ =	swait.ge [sflag:s25], $0x4000  }
.Ltmp2:
0x6c: {  	[sflag:s25] =	ssyncset.done $0x0;
	(pc) =	sbr.rel @p0 .LBB2_6-.Ltmp2, $4  }
0x6d: {  	[sflag:s25] =	ssyncadd.s32 $0xFFFFC000  }
0x6e: {  	[spmem:s1] =	stream.indirect.scatter.add.f32 [tilespmem:s23], [sflag:$0x3], $0x80, s22, s20, $0xb8;
	[tilespmem:$0x1CB00] =	vst v63  }
0x6f: {  	_ =	swait.ge [sflag:s18], $0x4000  }
0x70: {  	s0 =	sadd.s32 $0x100, s0;
	s8 =	smov.u32 s9;
	[sflag:s18] =	ssyncset.done $0x0  }
0x71: {  	s8 =	sadd.s32 s2, s16;
	[sflag:s18] =	ssyncadd.s32 $0xFFFFC000  }
0x72: {  	[tilespmem:s20], [sflag:$0x3] =	stream.linear.gather [hbm4b:s8+s3], $0x80, $0x38;
	[tilespmem:$0x1CB00] =	vst v63  }
0x73: {  	_ =	swait.ge [sflag:s18], $0x80  }
0x74: {  	[sflag:s18] =	ssyncset.done $0x0  }
0x75: {  	s10 =	sadd.s32 s2, s15;
	[sflag:s18] =	ssyncadd.s32 $0xFFFFFF80  }
0x76: {  	[tilespmem:s22], [sflag:$0x3] =	stream.linear.gather [hbm4b:s10+s3], $0x80, $0x38;
	[tilespmem:$0x1CB00] =	vst v63  }
0x77: {  	_ =	swait.ge [sflag:s18], $0x80  }
0x78: {  	[sflag:s18] =	ssyncset.done $0x0  }
0x79: {  	[sflag:s18] =	ssyncadd.s32 $0xFFFFFF80  }
0x7a: {  	[tilespmem:s23], [sflag:$0x2] =	stream.indirect.gather [hbm4b:s6+s20], $0x80, s20, s20, $0xb8;
	[tilespmem:$0x1CB00] =	vst v63  }
0x7b: {  	_ =	swait.ge [sflag:s24], $0x4000  }
0x7c: {  	[sflag:s24] =	ssyncset.done $0x0  }
0x7d: {  	[sflag:s24] =	ssyncadd.s32 $0xFFFFC000  }
0x7e: {  	[spmem:s1] =	stream.indirect.scatter.add.f32 [tilespmem:s21], [sflag:$0x3], $0x80, s19, s20, $0xb8;
	[tilespmem:$0x1CB00] =	vst v63  }
0x7f: {  	_ =	swait.ge [sflag:s18], $0x4000  }
0x80: {  	s0 =	sshrl.u32 s0, $0x3;
	[sflag:s18] =	ssyncset.done $0x0  }
0x81: {  	s11 =	sadd.s32 s4, s0;
	[sflag:s18] =	ssyncadd.s32 $0xFFFFC000  }
0x82: {  	[tilespmem:s3], [sflag:$0x3] =	stream.linear.gather [hbm4b:s11+s3], $0x80, $0x38;
	[tilespmem:$0x1CB00] =	vst v63  }
0x83: {  	_ =	swait.ge [sflag:s18], $0x80  }
0x84: {  	[sflag:s18] =	ssyncset.done $0x0  }
0x85: {  	s0 =	sadd.s32 s5, s0;
	[sflag:s18] =	ssyncadd.s32 $0xFFFFFF80  }
0x86: {  	[tilespmem:s19], [sflag:$0x3] =	stream.linear.gather [hbm4b:s0+s3], $0x80, $0x38;
	[tilespmem:$0x1CB00] =	vst v63  }
0x87: {  	_ =	swait.ge [sflag:s18], $0x80  }
0x88: {  	[sflag:s18] =	ssyncset.done $0x0  }
0x89: {  	[sflag:s18] =	ssyncadd.s32 $0xFFFFFF80  }
0x8a: {  	[tilespmem:s21], [sflag:$0x1] =	stream.indirect.gather [hbm4b:s6+s20], $0x80, s3, s20, $0xb8;
	[tilespmem:$0x1CB00] =	vst v63  }
0x8b: {  	_ =	swait.ge [sflag:s25], $0x4000  }
0x8c: {  	[sflag:s25] =	ssyncset.done $0x0  }
0x8d: {  	[sflag:s25] =	ssyncadd.s32 $0xFFFFC000  }
0x8e: {  	[spmem:s1] =	stream.indirect.scatter.add.f32 [tilespmem:s23], [sflag:$0x3], $0x80, s22, s20, $0xb8;
	[tilespmem:$0x1CB00] =	vst v63  }
0x8f: {  	_ =	swait.ge [sflag:s18], $0x4000  }
0x90: {  	[sflag:s18] =	ssyncset.done $0x0  }
0x91: {  	[sflag:s18] =	ssyncadd.s32 $0xFFFFC000  }
0x92: {  	_ =	swait.ge [sflag:s24], $0x4000  }
0x93: {  	[sflag:s24] =	ssyncset.done $0x0  }
0x94: {  	s8 =	rddreg [dreg:$0x5];
	[sflag:s24] =	ssyncadd.s32 $0xFFFFC000  }
0x95: {  	[tilespmem:s26], [sflag:$0x3] =	stream.linear.gather [hbm4b:s8+s3], $0x10, $0x38;
	[tilespmem:$0x1CB00] =	vst v63  }
0x96: {  	_ =	swait.ge [sflag:s18], $0x10  }
0x97: {  	[sflag:s18] =	ssyncset.done $0x0  }
0x98: {  	s9 =	rddreg [dreg:$0x6];
	[sflag:s18] =	ssyncadd.s32 $0xFFFFFFF0  }
0x99: {  	[tilespmem:s28], [sflag:$0x3] =	stream.linear.gather [hbm4b:s9+s3], $0x10, $0x38;
	[tilespmem:$0x1CB00] =	vst v63  }
0x9a: {  	_ =	swait.ge [sflag:s18], $0x10  }
0x9b: {  	[sflag:s18] =	ssyncset.done $0x0  }
0x9c: {  	[sflag:s18] =	ssyncadd.s32 $0xFFFFFFF0  }
0x9d: {  	[tilespmem:s30], [sflag:$0x1] =	stream.indirect.gather [hbm4b:s6+s29], $0x80, s26, s29, $0xb8;
	[tilespmem:$0x1CB00] =	vst v63  }
0x9e: {  	_ =	swait.ge [sflag:s24], $0x800  }
0x9f: {  	[sflag:s24] =	ssyncset.done $0x0  }
0xa0: {  	[sflag:s24] =	ssyncadd.s32 $0xFFFFF800  }
0xa1: {  	[spmem:s1] =	stream.indirect.scatter.add.f32 [tilespmem:s30], [sflag:$0x3], $0x80, s28, s29, $0xb8;
	[tilespmem:$0x1CB00] =	vst v63  }
0xa2: {  	s31 =	sadd.s32 $0x1, s31;
	_ =	swait.ge [sflag:s18], $0x800  }
0xa3: {  	p0 =	sne.s32 s31, s13;
	s10 =	stileid.u32;
	[sflag:s18] =	ssyncset.done $0x0  }
0xa4: {  	s11 =	sshrl.u32 s7, $0x3;
	s0 =	sshll.u32 s10, $0x6;
	[sflag:s18] =	ssyncadd.s32 $0xFFFFF800  }
.Ltmp3:
0xa5: {  	s0 =	sor.u32 $0x1C03, s0;
	[bflag:$0x0] =	sbarrier.arrive $0xFFFF;
	(pc) =	sbr.rel @p0 .LBB2_1-.Ltmp3, $4  }
0xa6: {  	[hbm:s12], [sflag:s0] =	dma.local [spmem:s11], $0x2780  }
0xa7: {  	_ =	swait.ge [sflag:s18], $0x2780  }
0xa8: {  	[sflag:s18] =	ssyncset.done $0x0  }
0xa9: {  	[sflag:s18] =	ssyncadd.s32 $0xFFFFD880  }
0xaa: {  	_ =	sfence.sel $0x180000  }
0xab: {  	[bflag:$0x0] =	sbarrier.arrive $0xFFFF  }
0xac: {  	_ =	strace $0x9000004D  }
0xad: {  	s0 =	stileid.u32;
	[bflag:$0x2] =	sbarrier.arrive $0xFFFF  }
0xae: {  	p0 =	sne.s32 s0, $0x0;
	s0 =	rddreg [dreg:$0x2]  }
0xaf: {  	s0 =	sadd.s32 @!p0 $0x100000, s0  }
0xb0: {  	[sflag:s0] =	ssyncadd.tile.s32 @!p0 $0x1;
	_ =	shalt  }
.Lfunc_end2:
_tile_overlayer_lowered:
.L_overlay_start_2:
0xb1: {  	(tag) =	ssettag $0x2  }
0xb2: {  	s0 =	rddreg [dreg:$0x0];
	s2 =	stileid.u32  }
0xb3: {  	s1 =	rddreg [dreg:$0x1];
	p0 =	sne.s32 s2, $0x0  }
0xb4: {  	s3 =	rddreg [dreg:$0x2];
	[bflag:$0x3] =	sbarrier.arrive $0xFFFF;
	s2 =	simm.s32 @!p0 $0x1C03  }
0xb5: {  	[timem:s3], [sflag:s2] =	dma.local @!p0 [hbm:s0], s1  }
0xb6: {  	s0 =	simm.s32 @!p0 $0x3  }
0xb7: {  	_ =	swait.ge @!p0 [sflag:s0], s1  }
0xb8: {  	s1 =	ssub.s32 @!p0 $0x0, s1;
	[sflag:s0] =	ssyncset.done @!p0 $0x0  }
0xb9: {  	[sflag:s0] =	ssyncadd.s32 @!p0 s1  }
0xba: {  	[bflag:$0x3] =	sbarrier.arrive $0xFFFF  }
0xbb: {  	_ =	shalt  }

// kernel: kernel.18.cloned.1.call-start
scs
__scs_entry_jumppad:
0x0: {  	(pc) =	sbr.rel $0x88, $3  }
0x1: {  	(tag) =	ssettag $0x0;
	lr =	simm.s32 $0x1  }
0x2: {  	[smem:$0x3F93] =	sst lr;
	_ =	strace $0xD0000000  }
0x3: {  	_ = 	snop  }
0x4: {  	_ = 	snop  }
0x5: {  	_ = 	snop  }
0x6: {  	_ = 	snop  }
0x7: {  	_ = 	snop  }
__scs_overlays_trampoline_lowered:
0x8: {  	[smem:$0x3FA2] =	sst s0  }
0x9: {  	[smem:$0x3FA3] =	sst s1  }
0xa: {  	[smem:$0x3FA4] =	sst s2  }
0xb: {  	[smem:$0x3FA5] =	sst s3  }
0xc: {  	[smem:$0x3FA6] =	sst s4  }
0xd: {  	[smem:$0x3FA7] =	sst s5  }
0xe: {  	[smem:$0x3FA8] =	sst s6  }
0xf: {  	[smem:$0x3FA9] =	sst s7  }
0x10: {  	[smem:$0x3FAA] =	sst s8  }
0x11: {  	[smem:$0x3FAB] =	sst s9;
	s0 =	simm.s32 @!p0 $0x0  }
0x12: {  	s1 =	sld [smem:$0x3F91];
	s0 =	simm.s32 @p0 $0x1  }
0x13: {  	[smem:$0x3FAC] =	sst s0;
	s0 =	simm.s32 @!p1 $0x0  }
0x14: {  	s2 =	sld [smem:$0x3F90];
	s0 =	simm.s32 @p1 $0x1  }
0x15: {  	[smem:$0x3FAD] =	sst s0;
	s0 =	simm.s32 @!p2 $0x0  }
0x16: {  	s3 =	sld [smem:$0x3FDB];
	s0 =	simm.s32 @p2 $0x1  }
0x17: {  	s4 =	simm.s32 $0x1BF5;
	[smem:$0x3FAF] =	sst s0  }
0x18: {  	s0 =	sld [smem:$0x3F92];
	_ =	swait.ge [sflag:s4], $0x0  }
0x19: {  	s7 =	sld [smem:$0x3F93]  }
0x1a: {  	s8 =	sadd.s32 $0xFFFFE003, lr  }
0x1b: {  	s9 =	sadd.s32 $0xFFFFFEF7, lr;
	s5 =	simm.s32 $0xFFFFFFFF;
	p2 =	slt.u32 s8, $0xFFFFF086  }
0x1c: {  	p1 =	slt.u32 s9, $0xF7A;
	s5 =	simm.s32 @!p2 $0x0  }
0x1d: {  	s5 =	simm.s32 @p1 $0x1;
	p0 =	seq.s32 s7, s2  }
0x1e: {  	s7 =	smul.u32 @!p0 $0xF7A, s2;
	p2 =	seq.s32 @!p0 s5, $0x0  }
0x1f: {  	s9 =	smul.u32 $0xF7A, s1;
	s8 =	simm.s32 @!p0 $0x1BF5;
	p2 =	por !p2, p0  }
0x20: {  	[sflag:s8] =	ssyncset.s32 @!p0 $0xFFFFF086;
	s6 =	sadd.s32 @!p0 s3, s7;
	s7 =	simm.s32 @!p0 $0x108  }
0x21: {  	s3 =	sadd.s32 s3, s9;
	s6 =	sadd.s32 @!p0 $0x88, s6;
	s7 =	simm.s32 @p2 $0x1082  }
0x22: {  	[simem:s7], [sflag:s8] =	dma.local @!p0 [hbm:s6], $0xF7A  }
0x23: {  	s9 =	sor.u32 $0xD0000000, s2;
	s6 =	simm.s32 $0x108;
	_ =	swait.ge @!p0 [sflag:s8], $0x0  }
0x24: {  	s3 =	sadd.s32 $0x88, s3;
	s6 =	simm.s32 @!p1 $0x1082;
	[sflag:s4] =	ssyncset.s32 $0xFFFFF086  }
0x25: {  	[simem:s6], [sflag:s4] =	dma.local [hbm:s3], $0xF7A  }
0x26: {  	[smem:$0x3F93] =	sst s1;
	(tag) =	ssettag s2;
	_ =	strace s9  }
0x27: {  	s1 =	sld [smem:$0x3FA3]  }
0x28: {  	s2 =	sld [smem:$0x3FA4]  }
0x29: {  	s4 =	sld [smem:$0x3FA6]  }
0x2a: {  	p0 =	seq.s32 s5, $0x0;
	s5 =	sld [smem:$0x3FA7]  }
0x2b: {  	s6 =	sld [smem:$0x3FA8]  }
0x2c: {  	s7 =	sld [smem:$0x3FA9]  }
0x2d: {  	s3 =	simm.s32 $0x108;
	s8 =	sld [smem:$0x3FAA]  }
0x2e: {  	s3 =	simm.s32 @!p0 $0x1082;
	s9 =	sld [smem:$0x3FAB]  }
0x2f: {  	lr =	sadd.s32 s0, s3;
	s0 =	sld [smem:$0x3FA2]  }
0x30: {  	s3 =	sld [smem:$0x3FA5]  }
0x31: {  	[smem:$0x3FAE] =	sst s10  }
0x32: {  	s10 =	sld [smem:$0x3FAC];
	_ =	sdelay $0x3  }
0x33: {  	p0 =	seq.s32 s10, $0x1;
	s10 =	sld [smem:$0x3FAE];
	_ =	sdelay $0x3  }
0x34: {  	[smem:$0x3FAE] =	sst s10  }
0x35: {  	s10 =	sld [smem:$0x3FAD];
	_ =	sdelay $0x3  }
0x36: {  	p1 =	seq.s32 s10, $0x1;
	s10 =	sld [smem:$0x3FAE];
	_ =	sdelay $0x3  }
0x37: {  	[smem:$0x3FAE] =	sst s10  }
0x38: {  	s10 =	sld [smem:$0x3FAF]  }
0x39: {  	_ = 	snop;
	(pc) =	sbr.ind lr, $3  }
0x3a: {  	_ = 	snop  }
0x3b: {  	_ = 	snop  }
0x3c: {  	p2 =	seq.s32 s10, $0x1;
	s10 =	sld [smem:$0x3FAE]  }
0x3d: {  	_ =	shalt  }
0x3e: {  	_ =	shalt  }
0x3f: {  	_ =	shalt  }
0x40: {  	_ =	shalt  }
0x41: {  	_ =	shalt  }
0x42: {  	_ =	shalt  }
0x43: {  	_ =	shalt  }
0x44: {  	_ =	shalt  }
0x45: {  	_ =	shalt  }
0x46: {  	_ =	shalt  }
0x47: {  	_ =	shalt  }
0x48: {  	_ =	shalt  }
0x49: {  	_ =	shalt  }
0x4a: {  	_ =	shalt  }
0x4b: {  	_ =	shalt  }
0x4c: {  	_ =	shalt  }
0x4d: {  	_ =	shalt  }
0x4e: {  	_ =	shalt  }
0x4f: {  	_ =	shalt  }
0x50: {  	_ =	shalt  }
0x51: {  	_ =	shalt  }
0x52: {  	_ =	shalt  }
0x53: {  	_ =	shalt  }
0x54: {  	_ =	shalt  }
0x55: {  	_ =	shalt  }
0x56: {  	_ =	shalt  }
0x57: {  	_ =	shalt  }
0x58: {  	_ =	shalt  }
0x59: {  	_ =	shalt  }
0x5a: {  	_ =	shalt  }
0x5b: {  	_ =	shalt  }
0x5c: {  	_ =	shalt  }
0x5d: {  	_ =	shalt  }
0x5e: {  	_ =	shalt  }
0x5f: {  	_ =	shalt  }
0x60: {  	_ =	shalt  }
0x61: {  	_ =	shalt  }
0x62: {  	_ =	shalt  }
0x63: {  	_ =	shalt  }
0x64: {  	_ =	shalt  }
0x65: {  	_ =	shalt  }
0x66: {  	_ =	shalt  }
0x67: {  	_ =	shalt  }
0x68: {  	_ =	shalt  }
0x69: {  	_ =	shalt  }
0x6a: {  	_ =	shalt  }
0x6b: {  	_ =	shalt  }
0x6c: {  	_ =	shalt  }
0x6d: {  	_ =	shalt  }
0x6e: {  	_ =	shalt  }
0x6f: {  	_ =	shalt  }
0x70: {  	_ =	shalt  }
0x71: {  	_ =	shalt  }
0x72: {  	_ =	shalt  }
0x73: {  	_ =	shalt  }
0x74: {  	_ =	shalt  }
0x75: {  	_ =	shalt  }
0x76: {  	_ =	shalt  }
0x77: {  	_ =	shalt  }
0x78: {  	_ =	shalt  }
0x79: {  	_ =	shalt  }
0x7a: {  	_ =	shalt  }
0x7b: {  	_ =	shalt  }
0x7c: {  	_ =	shalt  }
0x7d: {  	_ =	shalt  }
0x7e: {  	_ =	shalt  }
0x7f: {  	_ =	shalt  }
0x80: {  	_ =	shalt  }
0x81: {  	_ =	shalt  }
0x82: {  	_ =	shalt  }
0x83: {  	_ =	shalt  }
0x84: {  	_ =	shalt  }
0x85: {  	_ =	shalt  }
0x86: {  	_ =	shalt  }
0x87: {  	_ =	shalt  }
.Lfunc_end0:
.L_simem_size_0:
called_computation.2_lowered:
.L_overlay_start_0:
0x88: {  	s2 =	sld [smem:$0x3FD9]  }
0x89: {  	s3 =	sld [smem:$0x3FFE];
	_ =	sdelay $0x1  }
0x8a: {  	s1 =	srdreg.scid  }
0x8b: {  	s0 =	sand.u32 $0x1, s1  }
0x8c: {  	s16 =	sshll.u32 s0, $0xA;
	s2 =	sadd.s32 s3, s2  }
0x8d: {  	s2 =	sadd.s32 s2, s16  }
0x8e: {  	[smem:$0x3FBA] =	sst s2  }
0x8f: {  	_ = 	snop  }
0x90: {  	(tm) =	ssettm $0x1  }
0x91: {  	s17 =	sld [smem:$0x3FFB];
	_ =	sdelay $0x3  }
0x92: {  	_ =	strace s17  }
0x93: {  	s2 =	sld [smem:$0x3FFC];
	_ =	sdelay $0x3  }
0x94: {  	_ =	strace s2  }
0x95: {  	s2 =	sld [smem:$0x3FFD];
	_ =	sdelay $0x3  }
0x96: {  	_ =	strace s2  }
0x97: {  	_ =	strace $0x8FFFFFFF  }
0x98: {  	s18 =	sld [smem:$0x3FDB];
	_ =	sdelay $0x1  }
0x99: {  	s19 =	simm.s32 $_scs_section_size  }
0x9a: {  	s4 =	simm.s32 $_size__tile_overlayer_lowered;
	s5 =	simm.s32 $_tile_overlayer_lowered  }
0x9b: {  	s22 =	simm.s32 $0x1BFF;
	s21 =	sshll.u32 s5, $0x1;
	s2 =	sadd.s32 s19, s18  }
0x9c: {  	s6 =	simm.s32 $0x0;
	s20 =	sshll.u32 s4, $0x1;
	s4 =	sadd.s32 s21, s2  }
0x9d: {  	[timem:s6], [sflag:s22] =	dma.local [hbm:s4], s20  }
0x9e: {  	_ =	swait.ge [sflag:s22], s20  }
0x9f: {  	s3 =	ssub.s32 $0x0, s20;
	[sflag:s22] =	ssyncset.done $0x0  }
0xa0: {  	[sflag:s22] =	ssyncadd.s32 s3;
	_ =	sdelay $0x1  }
0xa1: {  	s23 =	simm.s32 $0x1B8B  }
0xa2: {  	_ =	swait.ge [sflag:s23], $0x1  }
0xa3: {  	[sflag:s23] =	ssyncset.done $0x0  }
0xa4: {  	s25 =	simm.s32 $0x1B8E;
	s24 =	sld [smem:$0x3FFE];
	[sflag:s23] =	ssyncadd.s32 $0xFFFFFFFF  }
0xa5: {  	s26 =	simm.s32 $execute0_lowered;
	[smem:$0x3FD2] =	sst s25  }
0xa6: {  	s4 =	sshll.u32 s26, $0x1;
	_ =	strace $0x80000049;
	[dreg:$0x1] =	wrdreg $0xFFFFFFFF  }
0xa7: {  	s28 =	simm.s32 $_size_execute0_lowered;
	s2 =	sadd.s32 s2, s4;
	[dreg:$0x0] =	wrdreg $0x0  }
0xa8: {  	s4 =	sshll.u32 s28, $0x1;
	[dreg:$0x2] =	wrdreg s2  }
0xa9: {  	[dreg:$0x3] =	wrdreg s4  }
0xaa: {  	[dreg:$0x4] =	wrdreg $0xC0  }
0xab: {  	_ =	task [dreg:s6], $0x5FFFF  }
0xac: {  	[dreg:$0x1] =	wrdreg $0xFFFFFFFF  }
0xad: {  	[dreg:$0x0] =	wrdreg $0x60  }
0xae: {  	[dreg:$0x2] =	wrdreg s24  }
0xaf: {  	[dreg:$0x3] =	wrdreg $0x8F000  }
0xb0: {  	[dreg:$0x4] =	wrdreg $0xA  }
0xb1: {  	_ =	task.clear_ibuf [dreg:s6], $0x5FFFF;
	_ =	strace $0x90000049  }
0xb2: {  	s29 =	simm.s32 $0xA;
	_ =	strace $0x8000004B  }
0xb3: {  	_ =	swait.ge [sflag:s29], $0x1  }
0xb4: {  	[sflag:s29] =	ssyncadd.s32 $0xFFFFFFFF  }
0xb5: {  	_ =	strace $0x9000004B  }
0xb6: {  	_ =	sfence  }
0xb7: {  	s30 =	sld [smem:$0x0];
	_ =	sdelay $0x2  }
0xb8: {  	s31 =	sshll.u32 s1, $0xD;
	s1 =	sshrl.u32 s1, $0x2  }
0xb9: {  	s3 =	sand.u32 $0x4000, s31;
	s1 =	sadd.s32 s1, s30  }
0xba: {  	s0 =	sor.u32 s3, s0;
	s1 =	sshll.u32 s1, $0x11  }
0xbb: {  	s0 =	sor.u32 s1, s0  }
0xbc: {  	s0 =	sadd.s32 $0x8F2B, s0  }
0xbd: {  	[sflag:s0] =	ssyncadd.remote.s32 $0x1  }
0xbe: {  	_ =	sfence.sel $0xFFFF  }
0xbf: {  	[dreg:$0x0] =	wrdreg $0xFFFFFFFF;
	(pc) =	sbr.abs _section_cstart, $3  }
0xc0: {  	[dreg:$0x1] =	wrdreg $0xFFFFFFFF  }
0xc1: {  	_ =	task.clear_ibuf [dreg:s6], $0x2FFFF;
	_ =	strace $0x9FFFFFFF  }
0xc2: {  	(tm) =	ssettm $0x7FFFFFFF  }
0xc3: {  	_ =	shalt  }
tec
execute0_lowered:
.L_overlay_start_1:
0x0: {  	(tag) =	ssettag $0x1  }
0x1: {  	s0 =	rddreg [dreg:$0x0]  }
0x2: {  	s1 =	rddreg [dreg:$0x1]  }
0x3: {  	s3 =	simm.s32 $0x0;
	s2 =	srdreg.scid;
	s10 =	stileid.u32  }
0x4: {  	s17 =	simm.s32 $0x8B00;
	s18 =	simm.s32 $0x3;
	s19 =	simm.s32 $0x100  }
0x5: {  	s20 =	simm.s32 $0x80;
	s28 =	simm.s32 $0x8280;
	s29 =	simm.s32 $0x10  }
0x6: {  	s30 =	simm.s32 $0x8300;
	s31 =	simm.s32 $0x0;
	s7 =	smul.u32 $0x13C00, s10  }
0x7: {  	[smem:$0x7FF] =	sst s3;
	s2 =	sand.u32 $0x1, s2;
	s9 =	smul.u32 $0x4F000, s10  }
0x8: {  	s4 =	sadd.s32 $0x1A200, s0;
	s8 =	sshll.u32 s10, $0x1;
	s10 =	smul.u32 $0x4E20, s10  }
0x9: {  	s5 =	sadd.s32 $0x6600, s0;
	s6 =	smul.u32 $0x13C000, s2;
	_ =	strace $0x8000004A  }
0xa: {  	s8 =	sor.u32 s2, s8;
	s21 =	ssub.s32 $0x2, s2;
	s2 =	smul.u32 $0x2710, s2  }
0xb: {  	s8 =	smul.u32 $0x2710, s8;
	s11 =	sshrl.u32 s21, $0x1;
	s9 =	sshrl.u32 s9, $0x2  }
0xc: {  	s7 =	sadd.s32 s7, s6;
	s6 =	sadd.s32 $0x24000, s0;
	s13 =	ssub.s32 s21, s11  }
0xd: {  	s2 =	sadd.s32 s2, s10;
	s21 =	simm.s32 $0x200;
	s7 =	sshrl.u32 s7, $0x3  }
0xe: {  	s8 =	sshrl.u32 s8, $0x3;
	s25 =	sadd.s32 $0x80, s2;
	s13 =	smax.u32 s13, $0x1  }
0xf: {  	s14 =	sadd.s32 $0x100, s2;
	s0 =	sadd.s32 s7, s0;
	s7 =	sadd.s32 s9, s1  }
0x10: {  	s22 =	sadd.s32 s4, s8;
	s23 =	sadd.s32 $0x4E0, s8;
	s8 =	sadd.s32 s5, s8  }
0x11: {  	s26 =	sshrl.u32 s25, $0x3;
	s25 =	simm.s32 $0x2;
	[dreg:$0x3] =	wrdreg s22  }
0x12: {  	[dreg:$0x4] =	wrdreg s8;
	s24 =	sadd.s32 s4, s23;
	s9 =	sadd.s32 s5, s23  }
0x13: {  	s12 =	sadd.s32 $0x99600, s0;
	s15 =	sadd.s32 s26, s5;
	s16 =	sadd.s32 s26, s4  }
0x14: {  	s22 =	simm.s32 $0x180;
	s23 =	simm.s32 $0x4200;
	[dreg:$0x5] =	wrdreg s24  }
0x15: {  	v0 =	vimm.f32 $0.0e+00;
	s26 =	simm.s32 $0x8200;
	[dreg:$0x6] =	wrdreg s9;
	s24 =	simm.s32 $0x1  }
.LBB2_1:
0x16: {  	s0 =	simm.s32 $0x0;
	s2 =	simm.s32 $0x0  }
.LBB2_2:
0x17: {  	p0 =	sne.s32 s2, $0xFC0  }
.Ltmp0:
0x18: {  	_ = 	snop;
	(pc) =	sbr.rel @p0 .LBB2_2-.Ltmp0, $4  }
0x19: {  	s8 =	sand.u32 $0xE00, s2  }
0x1a: {  	s9 =	sand.u32 $0x70, s0;
	s8 =	sshrl.u32 s8, $0x2  }
0x1b: {  	s8 =	sor.u32 s9, s8  }
0x1c: {  	s0 =	sadd.s32 $0x10, s0;
	s2 =	sadd.s32 $0x40, s2;
	[tilespmem:s8+$0x8B00] =	vst v0  }
0x1d: {  	s0 =	sadd.s32 $0x0, s7  }
0x1e: {  	[spmem:s0] =	stream.linear.scatter [tilespmem:s17], [sflag:$0x3], $0x400, $0x38;
	[tilespmem:$0x1CB00] =	vst v63  }
0x1f: {  	s0 =	simm.s32 $0x1000;
	_ =	swait.ge [sflag:s18], $0x400  }
.LBB2_4:
0x20: {  	s2 =	sshra.s32 s0, $0x2;
	[sflag:s18] =	ssyncset.done $0x0;
	p0 =	sne.s32 s0, $0x4E000  }
.Ltmp1:
0x21: {  	s2 =	sadd.s32 s2, s7;
	[sflag:s18] =	ssyncadd.s32 $0xFFFFFC00;
	(pc) =	sbr.rel @p0 .LBB2_4-.Ltmp1, $3  }
0x22: {  	[spmem:s2] =	stream.linear.scatter [tilespmem:s17], [sflag:$0x3], $0x400, $0x38;
	[tilespmem:$0x1CB00] =	vst v63  }
0x23: {  	s0 =	sadd.s32 $0x1000, s0;
	_ =	sdelay $0x1  }
0x24: {  	_ =	swait.ge [sflag:s18], $0x400  }
0x25: {  	[sflag:s18] =	ssyncset.done $0x0  }
0x26: {  	s0 =	simm.s32 $0x0;
	s2 =	rddreg [dreg:$0x3];
	[sflag:s18] =	ssyncadd.s32 $0xFFFFFC00  }
0x27: {  	[tilespmem:s0], [sflag:$0x3] =	stream.linear.gather [hbm4b:s2+s0], $0x80, $0x38;
	[tilespmem:$0x1CB00] =	vst v63  }
0x28: {  	_ =	swait.ge [sflag:s18], $0x80  }
0x29: {  	[sflag:s18] =	ssyncset.done $0x0  }
0x2a: {  	s11 =	rddreg [dreg:$0x4];
	[sflag:s18] =	ssyncadd.s32 $0xFFFFFF80  }
0x2b: {  	[tilespmem:s19], [sflag:$0x3] =	stream.linear.gather [hbm4b:s11+s0], $0x80, $0x38;
	[tilespmem:$0x1CB00] =	vst v63  }
0x2c: {  	_ =	swait.ge [sflag:s18], $0x80  }
0x2d: {  	[sflag:s18] =	ssyncset.done $0x0  }
0x2e: {  	[sflag:s18] =	ssyncadd.s32 $0xFFFFFF80  }
0x2f: {  	[tilespmem:s21], [sflag:$0x1] =	stream.indirect.gather [hbm4b:s6+s20], $0x80, s0, s20, $0xb8;
	[tilespmem:$0x1CB00] =	vst v63  }
0x30: {  	s8 =	sadd.s32 $0x0, s16;
	[bflag:$0x0] =	sbarrier.arrive $0xFFFF  }
0x31: {  	[tilespmem:s20], [sflag:$0x3] =	stream.linear.gather [hbm4b:s8+s3], $0x80, $0x38;
	[tilespmem:$0x1CB00] =	vst v63  }
0x32: {  	_ =	swait.ge [sflag:s18], $0x80  }
0x33: {  	[sflag:s18] =	ssyncset.done $0x0  }
0x34: {  	s9 =	sadd.s32 $0x0, s15;
	[sflag:s18] =	ssyncadd.s32 $0xFFFFFF80  }
0x35: {  	[tilespmem:s22], [sflag:$0x3] =	stream.linear.gather [hbm4b:s9+s3], $0x80, $0x38;
	[tilespmem:$0x1CB00] =	vst v63  }
0x36: {  	_ =	swait.ge [sflag:s18], $0x80  }
0x37: {  	[sflag:s18] =	ssyncset.done $0x0  }
0x38: {  	[sflag:s18] =	ssyncadd.s32 $0xFFFFFF80  }
0x39: {  	[tilespmem:s23], [sflag:$0x2] =	stream.indirect.gather [hbm4b:s6+s20], $0x80, s20, s20, $0xb8;
	[tilespmem:$0x1CB00] =	vst v63  }
0x3a: {  	_ =	swait.ge [sflag:s24], $0x4000  }
0x3b: {  	[sflag:s24] =	ssyncset.done $0x0  }
0x3c: {  	[sflag:s24] =	ssyncadd.s32 $0xFFFFC000  }
0x3d: {  	[spmem:s1] =	stream.indirect.scatter.add.f32 [tilespmem:s21], [sflag:$0x3], $0x80, s19, s20, $0xb8;
	[tilespmem:$0x1CB00] =	vst v63  }
0x3e: {  	_ =	swait.ge [sflag:s18], $0x4000  }
0x3f: {  	s10 =	sshrl.u32 s14, $0x3;
	[sflag:s18] =	ssyncset.done $0x0  }
0x40: {  	s11 =	sadd.s32 s4, s10;
	[sflag:s18] =	ssyncadd.s32 $0xFFFFC000  }
0x41: {  	[tilespmem:s3], [sflag:$0x3] =	stream.linear.gather [hbm4b:s11+s3], $0x80, $0x38;
	[tilespmem:$0x1CB00] =	vst v63  }
0x42: {  	_ =	swait.ge [sflag:s18], $0x80  }
0x43: {  	[sflag:s18] =	ssyncset.done $0x0  }
0x44: {  	s0 =	sadd.s32 s5, s10;
	[sflag:s18] =	ssyncadd.s32 $0xFFFFFF80  }
0x45: {  	[tilespmem:s19], [sflag:$0x3] =	stream.linear.gather [hbm4b:s0+s3], $0x80, $0x38;
	[tilespmem:$0x1CB00] =	vst v63  }
0x46: {  	_ =	swait.ge [sflag:s18], $0x80  }
0x47: {  	[sflag:s18] =	ssyncset.done $0x0  }
0x48: {  	[sflag:s18] =	ssyncadd.s32 $0xFFFFFF80  }
0x49: {  	[tilespmem:s21], [sflag:$0x1] =	stream.indirect.gather [hbm4b:s6+s20], $0x80, s3, s20, $0xb8;
	[tilespmem:$0x1CB00] =	vst v63  }
0x4a: {  	_ =	swait.ge [sflag:s25], $0x4000  }
0x4b: {  	[sflag:s25] =	ssyncset.done $0x0  }
0x4c: {  	[sflag:s25] =	ssyncadd.s32 $0xFFFFC000  }
0x4d: {  	[spmem:s1] =	stream.indirect.scatter.add.f32 [tilespmem:s23], [sflag:$0x3], $0x80, s22, s20, $0xb8;
	[tilespmem:$0x1CB00] =	vst v63  }
0x4e: {  	s2 =	simm.s32 $0x20;
	_ =	swait.ge [sflag:s18], $0x4000  }
0x4f: {  	s8 =	simm.s32 $0x40;
	s0 =	sadd.s32 $0x100, s14;
	[sflag:s18] =	ssyncset.done $0x0  }
.LBB2_6:
0x50: {  	s10 =	sadd.s32 s2, s16  }
0x51: {  	[sflag:s18] =	ssyncadd.s32 $0xFFFFC000;
	s11 =	smov.u32 s8;
	s9 =	sadd.s32 $0x20, s8  }
0x52: {  	[tilespmem:s20], [sflag:$0x3] =	stream.linear.gather [hbm4b:s10+s3], $0x80, $0x38;
	[tilespmem:$0x1CB00] =	vst v63  }
0x53: {  	p0 =	sne.s32 s8, $0x4C0;
	_ =	swait.ge [sflag:s18], $0x80  }
0x54: {  	[sflag:s18] =	ssyncset.done $0x0  }
0x55: {  	s8 =	sadd.s32 s2, s15;
	s2 =	smov.u32 s11;
	[sflag:s18] =	ssyncadd.s32 $0xFFFFFF80  }
0x56: {  	[tilespmem:s22], [sflag:$0x3] =	stream.linear.gather [hbm4b:s8+s3], $0x80, $0x38;
	[tilespmem:$0x1CB00] =	vst v63  }
0x57: {  	_ =	swait.ge [sflag:s18], $0x80  }
0x58: {  	[sflag:s18] =	ssyncset.done $0x0  }
0x59: {  	[sflag:s18] =	ssyncadd.s32 $0xFFFFFF80  }
0x5a: {  	[tilespmem:s23], [sflag:$0x2] =	stream.indirect.gather [hbm4b:s6+s20], $0x80, s20, s20, $0xb8;
	[tilespmem:$0x1CB00] =	vst v63  }
0x5b: {  	_ =	swait.ge [sflag:s24], $0x4000  }
0x5c: {  	[sflag:s24] =	ssyncset.done $0x0  }
0x5d: {  	[sflag:s24] =	ssyncadd.s32 $0xFFFFC000  }
0x5e: {  	[spmem:s1] =	stream.indirect.scatter.add.f32 [tilespmem:s21], [sflag:$0x3], $0x80, s19, s20, $0xb8;
	[tilespmem:$0x1CB00] =	vst v63  }
0x5f: {  	_ =	swait.ge [sflag:s18], $0x4000  }
0x60: {  	s8 =	sshrl.u32 s0, $0x3;
	[sflag:s18] =	ssyncset.done $0x0  }
0x61: {  	s10 =	sadd.s32 s4, s8;
	[sflag:s18] =	ssyncadd.s32 $0xFFFFC000  }
0x62: {  	[tilespmem:s3], [sflag:$0x3] =	stream.linear.gather [hbm4b:s10+s3], $0x80, $0x38;
	[tilespmem:$0x1CB00] =	vst v63  }
0x63: {  	_ =	swait.ge [sflag:s18], $0x80  }
0x64: {  	[sflag:s18] =	ssyncset.done $0x0  }
0x65: {  	s8 =	sadd.s32 s5, s8;
	[sflag:s18] =	ssyncadd.s32 $0xFFFFFF80  }
0x66: {  	[tilespmem:s19], [sflag:$0x3] =	stream.linear.gather [hbm4b:s8+s3], $0x80, $0x38;
	[tilespmem:$0x1CB00] =	vst v63  }
0x67: {  	_ =	swait.ge [sflag:s18], $0x80  }
0x68: {  	[sflag:s18] =	ssyncset.done $0x0  }
0x69: {  	[sflag:s18] =	ssyncadd.s32 $0xFFFFFF80  }
0x6a: {  	[tilespmem:s21], [sflag:$0x1] =	stream.indirect.gather [hbm4b:s6+s20], $0x80, s3, s20, $0xb8;
	[tilespmem:$0x1CB00] =	vst v63  }
0x6b: {  	_ =	swait.ge [sflag:s25], $0x4000  }
.Ltmp2:
0x6c: {  	[sflag:s25] =	ssyncset.done $0x0;
	(pc) =	sbr.rel @p0 .LBB2_6-.Ltmp2, $4  }
0x6d: {  	[sflag:s25] =	ssyncadd.s32 $0xFFFFC000  }
0x6e: {  	[spmem:s1] =	stream.indirect.scatter.add.f32 [tilespmem:s23], [sflag:$0x3], $0x80, s22, s20, $0xb8;
	[tilespmem:$0x1CB00] =	vst v63  }
0x6f: {  	_ =	swait.ge [sflag:s18], $0x4000  }
0x70: {  	s0 =	sadd.s32 $0x100, s0;
	s8 =	smov.u32 s9;
	[sflag:s18] =	ssyncset.done $0x0  }
0x71: {  	s8 =	sadd.s32 s2, s16;
	[sflag:s18] =	ssyncadd.s32 $0xFFFFC000  }
0x72: {  	[tilespmem:s20], [sflag:$0x3] =	stream.linear.gather [hbm4b:s8+s3], $0x80, $0x38;
	[tilespmem:$0x1CB00] =	vst v63  }
0x73: {  	_ =	swait.ge [sflag:s18], $0x80  }
0x74: {  	[sflag:s18] =	ssyncset.done $0x0  }
0x75: {  	s10 =	sadd.s32 s2, s15;
	[sflag:s18] =	ssyncadd.s32 $0xFFFFFF80  }
0x76: {  	[tilespmem:s22], [sflag:$0x3] =	stream.linear.gather [hbm4b:s10+s3], $0x80, $0x38;
	[tilespmem:$0x1CB00] =	vst v63  }
0x77: {  	_ =	swait.ge [sflag:s18], $0x80  }
0x78: {  	[sflag:s18] =	ssyncset.done $0x0  }
0x79: {  	[sflag:s18] =	ssyncadd.s32 $0xFFFFFF80  }
0x7a: {  	[tilespmem:s23], [sflag:$0x2] =	stream.indirect.gather [hbm4b:s6+s20], $0x80, s20, s20, $0xb8;
	[tilespmem:$0x1CB00] =	vst v63  }
0x7b: {  	_ =	swait.ge [sflag:s24], $0x4000  }
0x7c: {  	[sflag:s24] =	ssyncset.done $0x0  }
0x7d: {  	[sflag:s24] =	ssyncadd.s32 $0xFFFFC000  }
0x7e: {  	[spmem:s1] =	stream.indirect.scatter.add.f32 [tilespmem:s21], [sflag:$0x3], $0x80, s19, s20, $0xb8;
	[tilespmem:$0x1CB00] =	vst v63  }
0x7f: {  	_ =	swait.ge [sflag:s18], $0x4000  }
0x80: {  	s0 =	sshrl.u32 s0, $0x3;
	[sflag:s18] =	ssyncset.done $0x0  }
0x81: {  	s11 =	sadd.s32 s4, s0;
	[sflag:s18] =	ssyncadd.s32 $0xFFFFC000  }
0x82: {  	[tilespmem:s3], [sflag:$0x3] =	stream.linear.gather [hbm4b:s11+s3], $0x80, $0x38;
	[tilespmem:$0x1CB00] =	vst v63  }
0x83: {  	_ =	swait.ge [sflag:s18], $0x80  }
0x84: {  	[sflag:s18] =	ssyncset.done $0x0  }
0x85: {  	s0 =	sadd.s32 s5, s0;
	[sflag:s18] =	ssyncadd.s32 $0xFFFFFF80  }
0x86: {  	[tilespmem:s19], [sflag:$0x3] =	stream.linear.gather [hbm4b:s0+s3], $0x80, $0x38;
	[tilespmem:$0x1CB00] =	vst v63  }
0x87: {  	_ =	swait.ge [sflag:s18], $0x80  }
0x88: {  	[sflag:s18] =	ssyncset.done $0x0  }
0x89: {  	[sflag:s18] =	ssyncadd.s32 $0xFFFFFF80  }
0x8a: {  	[tilespmem:s21], [sflag:$0x1] =	stream.indirect.gather [hbm4b:s6+s20], $0x80, s3, s20, $0xb8;
	[tilespmem:$0x1CB00] =	vst v63  }
0x8b: {  	_ =	swait.ge [sflag:s25], $0x4000  }
0x8c: {  	[sflag:s25] =	ssyncset.done $0x0  }
0x8d: {  	[sflag:s25] =	ssyncadd.s32 $0xFFFFC000  }
0x8e: {  	[spmem:s1] =	stream.indirect.scatter.add.f32 [tilespmem:s23], [sflag:$0x3], $0x80, s22, s20, $0xb8;
	[tilespmem:$0x1CB00] =	vst v63  }
0x8f: {  	_ =	swait.ge [sflag:s18], $0x4000  }
0x90: {  	[sflag:s18] =	ssyncset.done $0x0  }
0x91: {  	[sflag:s18] =	ssyncadd.s32 $0xFFFFC000  }
0x92: {  	_ =	swait.ge [sflag:s24], $0x4000  }
0x93: {  	[sflag:s24] =	ssyncset.done $0x0  }
0x94: {  	s8 =	rddreg [dreg:$0x5];
	[sflag:s24] =	ssyncadd.s32 $0xFFFFC000  }
0x95: {  	[tilespmem:s26], [sflag:$0x3] =	stream.linear.gather [hbm4b:s8+s3], $0x10, $0x38;
	[tilespmem:$0x1CB00] =	vst v63  }
0x96: {  	_ =	swait.ge [sflag:s18], $0x10  }
0x97: {  	[sflag:s18] =	ssyncset.done $0x0  }
0x98: {  	s9 =	rddreg [dreg:$0x6];
	[sflag:s18] =	ssyncadd.s32 $0xFFFFFFF0  }
0x99: {  	[tilespmem:s28], [sflag:$0x3] =	stream.linear.gather [hbm4b:s9+s3], $0x10, $0x38;
	[tilespmem:$0x1CB00] =	vst v63  }
0x9a: {  	_ =	swait.ge [sflag:s18], $0x10  }
0x9b: {  	[sflag:s18] =	ssyncset.done $0x0  }
0x9c: {  	[sflag:s18] =	ssyncadd.s32 $0xFFFFFFF0  }
0x9d: {  	[tilespmem:s30], [sflag:$0x1] =	stream.indirect.gather [hbm4b:s6+s29], $0x80, s26, s29, $0xb8;
	[tilespmem:$0x1CB00] =	vst v63  }
0x9e: {  	_ =	swait.ge [sflag:s24], $0x800  }
0x9f: {  	[sflag:s24] =	ssyncset.done $0x0  }
0xa0: {  	[sflag:s24] =	ssyncadd.s32 $0xFFFFF800  }
0xa1: {  	[spmem:s1] =	stream.indirect.scatter.add.f32 [tilespmem:s30], [sflag:$0x3], $0x80, s28, s29, $0xb8;
	[tilespmem:$0x1CB00] =	vst v63  }
0xa2: {  	s31 =	sadd.s32 $0x1, s31;
	_ =	swait.ge [sflag:s18], $0x800  }
0xa3: {  	p0 =	sne.s32 s31, s13;
	s10 =	stileid.u32;
	[sflag:s18] =	ssyncset.done $0x0  }
0xa4: {  	s11 =	sshrl.u32 s7, $0x3;
	s0 =	sshll.u32 s10, $0x6;
	[sflag:s18] =	ssyncadd.s32 $0xFFFFF800  }
.Ltmp3:
0xa5: {  	s0 =	sor.u32 $0x1C03, s0;
	[bflag:$0x0] =	sbarrier.arrive $0xFFFF;
	(pc) =	sbr.rel @p0 .LBB2_1-.Ltmp3, $4  }
0xa6: {  	[hbm:s12], [sflag:s0] =	dma.local [spmem:s11], $0x2780  }
0xa7: {  	_ =	swait.ge [sflag:s18], $0x2780  }
0xa8: {  	[sflag:s18] =	ssyncset.done $0x0  }
0xa9: {  	[sflag:s18] =	ssyncadd.s32 $0xFFFFD880  }
0xaa: {  	_ =	sfence.sel $0x180000  }
0xab: {  	[bflag:$0x0] =	sbarrier.arrive $0xFFFF  }
0xac: {  	_ =	strace $0x9000004A  }
0xad: {  	s0 =	stileid.u32;
	[bflag:$0x2] =	sbarrier.arrive $0xFFFF  }
0xae: {  	p0 =	sne.s32 s0, $0x0;
	s0 =	rddreg [dreg:$0x2]  }
0xaf: {  	s0 =	sadd.s32 @!p0 $0x100000, s0  }
0xb0: {  	[sflag:s0] =	ssyncadd.tile.s32 @!p0 $0x1;
	_ =	shalt  }
.Lfunc_end2:
_tile_overlayer_lowered:
.L_overlay_start_2:
0xb1: {  	(tag) =	ssettag $0x2  }
0xb2: {  	s0 =	rddreg [dreg:$0x0];
	s2 =	stileid.u32  }
0xb3: {  	s1 =	rddreg [dreg:$0x1];
	p0 =	sne.s32 s2, $0x0  }
0xb4: {  	s3 =	rddreg [dreg:$0x2];
	[bflag:$0x3] =	sbarrier.arrive $0xFFFF;
	s2 =	simm.s32 @!p0 $0x1C03  }
0xb5: {  	[timem:s3], [sflag:s2] =	dma.local @!p0 [hbm:s0], s1  }
0xb6: {  	s0 =	simm.s32 @!p0 $0x3  }
0xb7: {  	_ =	swait.ge @!p0 [sflag:s0], s1  }
0xb8: {  	s1 =	ssub.s32 @!p0 $0x0, s1;
	[sflag:s0] =	ssyncset.done @!p0 $0x0  }
0xb9: {  	[sflag:s0] =	ssyncadd.s32 @!p0 s1  }
0xba: {  	[bflag:$0x3] =	sbarrier.arrive $0xFFFF  }
0xbb: {  	_ =	shalt  }

// kernel: kernel.21.cloned.1.call-start
scs
__scs_entry_jumppad:
0x0: {  	(pc) =	sbr.rel $0x88, $3  }
0x1: {  	(tag) =	ssettag $0x0;
	lr =	simm.s32 $0x1  }
0x2: {  	[smem:$0x3F93] =	sst lr;
	_ =	strace $0xD0000000  }
0x3: {  	_ = 	snop  }
0x4: {  	_ = 	snop  }
0x5: {  	_ = 	snop  }
0x6: {  	_ = 	snop  }
0x7: {  	_ = 	snop  }
__scs_overlays_trampoline_lowered:
0x8: {  	[smem:$0x3FA2] =	sst s0  }
0x9: {  	[smem:$0x3FA3] =	sst s1  }
0xa: {  	[smem:$0x3FA4] =	sst s2  }
0xb: {  	[smem:$0x3FA5] =	sst s3  }
0xc: {  	[smem:$0x3FA6] =	sst s4  }
0xd: {  	[smem:$0x3FA7] =	sst s5  }
0xe: {  	[smem:$0x3FA8] =	sst s6  }
0xf: {  	[smem:$0x3FA9] =	sst s7  }
0x10: {  	[smem:$0x3FAA] =	sst s8  }
0x11: {  	[smem:$0x3FAB] =	sst s9;
	s0 =	simm.s32 @!p0 $0x0  }
0x12: {  	s1 =	sld [smem:$0x3F91];
	s0 =	simm.s32 @p0 $0x1  }
0x13: {  	[smem:$0x3FAC] =	sst s0;
	s0 =	simm.s32 @!p1 $0x0  }
0x14: {  	s2 =	sld [smem:$0x3F90];
	s0 =	simm.s32 @p1 $0x1  }
0x15: {  	[smem:$0x3FAD] =	sst s0;
	s0 =	simm.s32 @!p2 $0x0  }
0x16: {  	s3 =	sld [smem:$0x3FDB];
	s0 =	simm.s32 @p2 $0x1  }
0x17: {  	s4 =	simm.s32 $0x1BF5;
	[smem:$0x3FAF] =	sst s0  }
0x18: {  	s0 =	sld [smem:$0x3F92];
	_ =	swait.ge [sflag:s4], $0x0  }
0x19: {  	s7 =	sld [smem:$0x3F93]  }
0x1a: {  	s8 =	sadd.s32 $0xFFFFE003, lr  }
0x1b: {  	s9 =	sadd.s32 $0xFFFFFEF7, lr;
	s5 =	simm.s32 $0xFFFFFFFF;
	p2 =	slt.u32 s8, $0xFFFFF086  }
0x1c: {  	p1 =	slt.u32 s9, $0xF7A;
	s5 =	simm.s32 @!p2 $0x0  }
0x1d: {  	s5 =	simm.s32 @p1 $0x1;
	p0 =	seq.s32 s7, s2  }
0x1e: {  	s7 =	smul.u32 @!p0 $0xF7A, s2;
	p2 =	seq.s32 @!p0 s5, $0x0  }
0x1f: {  	s9 =	smul.u32 $0xF7A, s1;
	s8 =	simm.s32 @!p0 $0x1BF5;
	p2 =	por !p2, p0  }
0x20: {  	[sflag:s8] =	ssyncset.s32 @!p0 $0xFFFFF086;
	s6 =	sadd.s32 @!p0 s3, s7;
	s7 =	simm.s32 @!p0 $0x108  }
0x21: {  	s3 =	sadd.s32 s3, s9;
	s6 =	sadd.s32 @!p0 $0x88, s6;
	s7 =	simm.s32 @p2 $0x1082  }
0x22: {  	[simem:s7], [sflag:s8] =	dma.local @!p0 [hbm:s6], $0xF7A  }
0x23: {  	s9 =	sor.u32 $0xD0000000, s2;
	s6 =	simm.s32 $0x108;
	_ =	swait.ge @!p0 [sflag:s8], $0x0  }
0x24: {  	s3 =	sadd.s32 $0x88, s3;
	s6 =	simm.s32 @!p1 $0x1082;
	[sflag:s4] =	ssyncset.s32 $0xFFFFF086  }
0x25: {  	[simem:s6], [sflag:s4] =	dma.local [hbm:s3], $0xF7A  }
0x26: {  	[smem:$0x3F93] =	sst s1;
	(tag) =	ssettag s2;
	_ =	strace s9  }
0x27: {  	s1 =	sld [smem:$0x3FA3]  }
0x28: {  	s2 =	sld [smem:$0x3FA4]  }
0x29: {  	s4 =	sld [smem:$0x3FA6]  }
0x2a: {  	p0 =	seq.s32 s5, $0x0;
	s5 =	sld [smem:$0x3FA7]  }
0x2b: {  	s6 =	sld [smem:$0x3FA8]  }
0x2c: {  	s7 =	sld [smem:$0x3FA9]  }
0x2d: {  	s3 =	simm.s32 $0x108;
	s8 =	sld [smem:$0x3FAA]  }
0x2e: {  	s3 =	simm.s32 @!p0 $0x1082;
	s9 =	sld [smem:$0x3FAB]  }
0x2f: {  	lr =	sadd.s32 s0, s3;
	s0 =	sld [smem:$0x3FA2]  }
0x30: {  	s3 =	sld [smem:$0x3FA5]  }
0x31: {  	[smem:$0x3FAE] =	sst s10  }
0x32: {  	s10 =	sld [smem:$0x3FAC];
	_ =	sdelay $0x3  }
0x33: {  	p0 =	seq.s32 s10, $0x1;
	s10 =	sld [smem:$0x3FAE];
	_ =	sdelay $0x3  }
0x34: {  	[smem:$0x3FAE] =	sst s10  }
0x35: {  	s10 =	sld [smem:$0x3FAD];
	_ =	sdelay $0x3  }
0x36: {  	p1 =	seq.s32 s10, $0x1;
	s10 =	sld [smem:$0x3FAE];
	_ =	sdelay $0x3  }
0x37: {  	[smem:$0x3FAE] =	sst s10  }
0x38: {  	s10 =	sld [smem:$0x3FAF]  }
0x39: {  	_ = 	snop;
	(pc) =	sbr.ind lr, $3  }
0x3a: {  	_ = 	snop  }
0x3b: {  	_ = 	snop  }
0x3c: {  	p2 =	seq.s32 s10, $0x1;
	s10 =	sld [smem:$0x3FAE]  }
0x3d: {  	_ =	shalt  }
0x3e: {  	_ =	shalt  }
0x3f: {  	_ =	shalt  }
0x40: {  	_ =	shalt  }
0x41: {  	_ =	shalt  }
0x42: {  	_ =	shalt  }
0x43: {  	_ =	shalt  }
0x44: {  	_ =	shalt  }
0x45: {  	_ =	shalt  }
0x46: {  	_ =	shalt  }
0x47: {  	_ =	shalt  }
0x48: {  	_ =	shalt  }
0x49: {  	_ =	shalt  }
0x4a: {  	_ =	shalt  }
0x4b: {  	_ =	shalt  }
0x4c: {  	_ =	shalt  }
0x4d: {  	_ =	shalt  }
0x4e: {  	_ =	shalt  }
0x4f: {  	_ =	shalt  }
0x50: {  	_ =	shalt  }
0x51: {  	_ =	shalt  }
0x52: {  	_ =	shalt  }
0x53: {  	_ =	shalt  }
0x54: {  	_ =	shalt  }
0x55: {  	_ =	shalt  }
0x56: {  	_ =	shalt  }
0x57: {  	_ =	shalt  }
0x58: {  	_ =	shalt  }
0x59: {  	_ =	shalt  }
0x5a: {  	_ =	shalt  }
0x5b: {  	_ =	shalt  }
0x5c: {  	_ =	shalt  }
0x5d: {  	_ =	shalt  }
0x5e: {  	_ =	shalt  }
0x5f: {  	_ =	shalt  }
0x60: {  	_ =	shalt  }
0x61: {  	_ =	shalt  }
0x62: {  	_ =	shalt  }
0x63: {  	_ =	shalt  }
0x64: {  	_ =	shalt  }
0x65: {  	_ =	shalt  }
0x66: {  	_ =	shalt  }
0x67: {  	_ =	shalt  }
0x68: {  	_ =	shalt  }
0x69: {  	_ =	shalt  }
0x6a: {  	_ =	shalt  }
0x6b: {  	_ =	shalt  }
0x6c: {  	_ =	shalt  }
0x6d: {  	_ =	shalt  }
0x6e: {  	_ =	shalt  }
0x6f: {  	_ =	shalt  }
0x70: {  	_ =	shalt  }
0x71: {  	_ =	shalt  }
0x72: {  	_ =	shalt  }
0x73: {  	_ =	shalt  }
0x74: {  	_ =	shalt  }
0x75: {  	_ =	shalt  }
0x76: {  	_ =	shalt  }
0x77: {  	_ =	shalt  }
0x78: {  	_ =	shalt  }
0x79: {  	_ =	shalt  }
0x7a: {  	_ =	shalt  }
0x7b: {  	_ =	shalt  }
0x7c: {  	_ =	shalt  }
0x7d: {  	_ =	shalt  }
0x7e: {  	_ =	shalt  }
0x7f: {  	_ =	shalt  }
0x80: {  	_ =	shalt  }
0x81: {  	_ =	shalt  }
0x82: {  	_ =	shalt  }
0x83: {  	_ =	shalt  }
0x84: {  	_ =	shalt  }
0x85: {  	_ =	shalt  }
0x86: {  	_ =	shalt  }
0x87: {  	_ =	shalt  }
.Lfunc_end0:
.L_simem_size_0:
called_computation.3_lowered:
.L_overlay_start_0:
0x88: {  	s2 =	sld [smem:$0x3FD9]  }
0x89: {  	s3 =	sld [smem:$0x3FFE];
	_ =	sdelay $0x1  }
0x8a: {  	s1 =	srdreg.scid  }
0x8b: {  	s0 =	sand.u32 $0x1, s1  }
0x8c: {  	s17 =	sshll.u32 s0, $0xA;
	s2 =	sadd.s32 s3, s2  }
0x8d: {  	s2 =	sadd.s32 s2, s17  }
0x8e: {  	[smem:$0x3FBA] =	sst s2  }
0x8f: {  	_ = 	snop  }
0x90: {  	(tm) =	ssettm $0x1  }
0x91: {  	s18 =	sld [smem:$0x3FFB];
	_ =	sdelay $0x3  }
0x92: {  	_ =	strace s18  }
0x93: {  	s2 =	sld [smem:$0x3FFC];
	_ =	sdelay $0x3  }
0x94: {  	_ =	strace s2  }
0x95: {  	s2 =	sld [smem:$0x3FFD];
	_ =	sdelay $0x3  }
0x96: {  	_ =	strace s2  }
0x97: {  	_ =	strace $0x8FFFFFFF  }
0x98: {  	s19 =	sld [smem:$0x3FDB];
	_ =	sdelay $0x1  }
0x99: {  	s20 =	simm.s32 $_scs_section_size  }
0x9a: {  	s4 =	simm.s32 $_size__tile_overlayer_lowered;
	s5 =	simm.s32 $_tile_overlayer_lowered  }
0x9b: {  	s6 =	simm.s32 $0x1BFF;
	s21 =	sshll.u32 s5, $0x1;
	s3 =	sadd.s32 s20, s19  }
0x9c: {  	s22 =	simm.s32 $0x0;
	s4 =	sshll.u32 s4, $0x1;
	s5 =	sadd.s32 s21, s3  }
0x9d: {  	[timem:s22], [sflag:s6] =	dma.local [hbm:s5], s4  }
0x9e: {  	_ =	swait.ge [sflag:s6], s4  }
0x9f: {  	s4 =	ssub.s32 $0x0, s4;
	[sflag:s6] =	ssyncset.done $0x0  }
0xa0: {  	[sflag:s6] =	ssyncadd.s32 s4;
	_ =	sdelay $0x1  }
0xa1: {  	s23 =	simm.s32 $0x1B8B  }
0xa2: {  	_ =	swait.ge [sflag:s23], $0x1  }
0xa3: {  	[sflag:s23] =	ssyncset.done $0x0  }
0xa4: {  	[sflag:s23] =	ssyncadd.s32 $0xFFFFFFFF  }
0xa5: {  	s4 =	sld [smem:$0x0]  }
0xa6: {  	s5 =	sand.u32 $0xFFFFFFFE, s1  }
0xa7: {  	p0 =	sne.s32 s1, s5  }
0xa8: {  	s5 =	sshll.u32 @p0 s5, $0xE  }
0xa9: {  	s5 =	sadd.s32 @p0 $0x11B8D, s5;
	s6 =	sshll.u32 @p0 s4, $0x11  }
0xaa: {  	s5 =	sor.u32 @p0 s6, s5  }
0xab: {  	[sflag:s5] =	ssyncadd.remote.s32 @p0 $0x1;
	_ =	sdelay $0x1  }
0xac: {  	s5 =	simm.s32 @p0 $0x1B8D  }
0xad: {  	_ =	swait.eq @p0 [sflag:s5], $0x1  }
0xae: {  	[sflag:s5] =	ssyncadd.s32 @p0 $0xFFFFFFFF  }
0xaf: {  	s6 =	sshll.u32 @!p0 s1, $0xE  }
0xb0: {  	s6 =	sor.u32 @!p0 $0x4000, s6;
	s5 =	simm.s32 @!p0 $0x1B8D  }
0xb1: {  	s4 =	sshll.u32 @!p0 s4, $0x11;
	s6 =	sadd.s32 @!p0 $0x11B8D, s6;
	_ =	swait.eq @!p0 [sflag:s5], $0x1  }
0xb2: {  	s4 =	sor.u32 @!p0 s4, s6;
	[sflag:s5] =	ssyncadd.s32 @!p0 $0xFFFFFFFF  }
0xb3: {  	s25 =	simm.s32 $0x1B8E;
	s24 =	sld [smem:$0x3FFE];
	[sflag:s4] =	ssyncadd.remote.s32 @!p0 $0x1  }
0xb4: {  	s26 =	simm.s32 $execute0_lowered;
	[smem:$0x3FD2] =	sst s25  }
0xb5: {  	s5 =	sshll.u32 s26, $0x1;
	_ =	strace $0x80000052;
	[dreg:$0x1] =	wrdreg $0xFFFFFFFF  }
0xb6: {  	s28 =	simm.s32 $_size_execute0_lowered;
	s3 =	sadd.s32 s3, s5;
	[dreg:$0x0] =	wrdreg $0x0  }
0xb7: {  	s5 =	sshll.u32 s28, $0x1;
	[dreg:$0x2] =	wrdreg s3  }
0xb8: {  	[dreg:$0x3] =	wrdreg s5  }
0xb9: {  	[dreg:$0x4] =	wrdreg $0xC0  }
0xba: {  	_ =	task [dreg:s22], $0x5FFFF  }
0xbb: {  	[dreg:$0x1] =	wrdreg $0xFFFFFFFF  }
0xbc: {  	[dreg:$0x0] =	wrdreg $0x60  }
0xbd: {  	[dreg:$0x2] =	wrdreg s24  }
0xbe: {  	[dreg:$0x3] =	wrdreg $0x8F000  }
0xbf: {  	[dreg:$0x4] =	wrdreg $0x9  }
0xc0: {  	_ =	task.clear_ibuf [dreg:s22], $0x5FFFF;
	_ =	strace $0x90000052  }
0xc1: {  	s29 =	simm.s32 $0x9;
	_ =	strace $0x80000054  }
0xc2: {  	_ =	swait.ge [sflag:s29], $0x1  }
0xc3: {  	[sflag:s29] =	ssyncadd.s32 $0xFFFFFFFF  }
0xc4: {  	_ =	strace $0x90000054  }
0xc5: {  	_ =	sfence  }
0xc6: {  	s30 =	sld [smem:$0x0];
	_ =	sdelay $0x2  }
0xc7: {  	s31 =	sshll.u32 s1, $0xD;
	s1 =	sshrl.u32 s1, $0x2  }
0xc8: {  	s4 =	sand.u32 $0x4000, s31;
	s1 =	sadd.s32 s1, s30  }
0xc9: {  	s0 =	sor.u32 s4, s0;
	s1 =	sshll.u32 s1, $0x11  }
0xca: {  	s0 =	sor.u32 s1, s0  }
0xcb: {  	s0 =	sadd.s32 $0x8F2B, s0  }
0xcc: {  	[sflag:s0] =	ssyncadd.remote.s32 $0x1  }
0xcd: {  	_ =	sfence.sel $0xFFFF  }
0xce: {  	[dreg:$0x0] =	wrdreg $0xFFFFFFFF;
	(pc) =	sbr.abs _section_cstart, $3  }
0xcf: {  	[dreg:$0x1] =	wrdreg $0xFFFFFFFF  }
0xd0: {  	_ =	task.clear_ibuf [dreg:s22], $0x2FFFF;
	_ =	strace $0x9FFFFFFF  }
0xd1: {  	(tm) =	ssettm $0x7FFFFFFF  }
tec
execute0_lowered:
.L_overlay_start_1:
0x0: {  	(tag) =	ssettag $0x1  }
0x1: {  	s0 =	rddreg [dreg:$0x0]  }
0x2: {  	s1 =	rddreg [dreg:$0x1]  }
0x3: {  	s3 =	simm.s32 $0x0;
	s2 =	srdreg.scid;
	s10 =	stileid.u32  }
0x4: {  	s17 =	simm.s32 $0x8B00;
	s18 =	simm.s32 $0x3;
	s19 =	simm.s32 $0x100  }
0x5: {  	s20 =	simm.s32 $0x80;
	s28 =	simm.s32 $0x8280;
	s29 =	simm.s32 $0x10  }
0x6: {  	s30 =	simm.s32 $0x8300;
	s31 =	simm.s32 $0x0;
	s7 =	smul.u32 $0x13C00, s10  }
0x7: {  	[smem:$0x7FF] =	sst s3;
	s2 =	sand.u32 $0x1, s2;
	s9 =	smul.u32 $0x4F000, s10  }
0x8: {  	s4 =	sadd.s32 $0x1A200, s0;
	s8 =	sshll.u32 s10, $0x1;
	s10 =	smul.u32 $0x4E20, s10  }
0x9: {  	s5 =	sadd.s32 $0x6600, s0;
	s6 =	smul.u32 $0x13C000, s2;
	_ =	strace $0x80000053  }
0xa: {  	s8 =	sor.u32 s2, s8;
	s21 =	ssub.s32 $0x2, s2;
	s2 =	smul.u32 $0x2710, s2  }
0xb: {  	s8 =	smul.u32 $0x2710, s8;
	s11 =	sshrl.u32 s21, $0x1;
	s9 =	sshrl.u32 s9, $0x2  }
0xc: {  	s7 =	sadd.s32 s7, s6;
	s6 =	sadd.s32 $0x4B200, s0;
	s13 =	ssub.s32 s21, s11  }
0xd: {  	s2 =	sadd.s32 s2, s10;
	s21 =	simm.s32 $0x200;
	s7 =	sshrl.u32 s7, $0x3  }
0xe: {  	s8 =	sshrl.u32 s8, $0x3;
	s25 =	sadd.s32 $0x80, s2;
	s13 =	smax.u32 s13, $0x1  }
0xf: {  	s14 =	sadd.s32 $0x100, s2;
	s0 =	sadd.s32 s7, s0;
	s7 =	sadd.s32 s9, s1  }
0x10: {  	s22 =	sadd.s32 s4, s8;
	s23 =	sadd.s32 $0x4E0, s8;
	s8 =	sadd.s32 s5, s8  }
0x11: {  	s26 =	sshrl.u32 s25, $0x3;
	s25 =	simm.s32 $0x2;
	[dreg:$0x3] =	wrdreg s22  }
0x12: {  	[dreg:$0x4] =	wrdreg s8;
	s24 =	sadd.s32 s4, s23;
	s9 =	sadd.s32 s5, s23  }
0x13: {  	s12 =	sadd.s32 $0xE8600, s0;
	s15 =	sadd.s32 s26, s5;
	s16 =	sadd.s32 s26, s4  }
0x14: {  	s22 =	simm.s32 $0x180;
	s23 =	simm.s32 $0x4200;
	[dreg:$0x5] =	wrdreg s24  }
0x15: {  	v0 =	vimm.f32 $0.0e+00;
	s26 =	simm.s32 $0x8200;
	[dreg:$0x6] =	wrdreg s9;
	s24 =	simm.s32 $0x1  }
.LBB2_1:
0x16: {  	s0 =	simm.s32 $0x0;
	s2 =	simm.s32 $0x0  }
.LBB2_2:
0x17: {  	p0 =	sne.s32 s2, $0xFC0  }
.Ltmp0:
0x18: {  	_ = 	snop;
	(pc) =	sbr.rel @p0 .LBB2_2-.Ltmp0, $4  }
0x19: {  	s8 =	sand.u32 $0xE00, s2  }
0x1a: {  	s9 =	sand.u32 $0x70, s0;
	s8 =	sshrl.u32 s8, $0x2  }
0x1b: {  	s8 =	sor.u32 s9, s8  }
0x1c: {  	s0 =	sadd.s32 $0x10, s0;
	s2 =	sadd.s32 $0x40, s2;
	[tilespmem:s8+$0x8B00] =	vst v0  }
0x1d: {  	s0 =	sadd.s32 $0x0, s7  }
0x1e: {  	[spmem:s0] =	stream.linear.scatter [tilespmem:s17], [sflag:$0x3], $0x400, $0x38;
	[tilespmem:$0x1CB00] =	vst v63  }
0x1f: {  	s0 =	simm.s32 $0x1000;
	_ =	swait.ge [sflag:s18], $0x400  }
.LBB2_4:
0x20: {  	s2 =	sshra.s32 s0, $0x2;
	[sflag:s18] =	ssyncset.done $0x0;
	p0 =	sne.s32 s0, $0x4E000  }
.Ltmp1:
0x21: {  	s2 =	sadd.s32 s2, s7;
	[sflag:s18] =	ssyncadd.s32 $0xFFFFFC00;
	(pc) =	sbr.rel @p0 .LBB2_4-.Ltmp1, $3  }
0x22: {  	[spmem:s2] =	stream.linear.scatter [tilespmem:s17], [sflag:$0x3], $0x400, $0x38;
	[tilespmem:$0x1CB00] =	vst v63  }
0x23: {  	s0 =	sadd.s32 $0x1000, s0;
	_ =	sdelay $0x1  }
0x24: {  	_ =	swait.ge [sflag:s18], $0x400  }
0x25: {  	[sflag:s18] =	ssyncset.done $0x0  }
0x26: {  	s0 =	simm.s32 $0x0;
	s2 =	rddreg [dreg:$0x3];
	[sflag:s18] =	ssyncadd.s32 $0xFFFFFC00  }
0x27: {  	[tilespmem:s0], [sflag:$0x3] =	stream.linear.gather [hbm4b:s2+s0], $0x80, $0x38;
	[tilespmem:$0x1CB00] =	vst v63  }
0x28: {  	_ =	swait.ge [sflag:s18], $0x80  }
0x29: {  	[sflag:s18] =	ssyncset.done $0x0  }
0x2a: {  	s11 =	rddreg [dreg:$0x4];
	[sflag:s18] =	ssyncadd.s32 $0xFFFFFF80  }
0x2b: {  	[tilespmem:s19], [sflag:$0x3] =	stream.linear.gather [hbm4b:s11+s0], $0x80, $0x38;
	[tilespmem:$0x1CB00] =	vst v63  }
0x2c: {  	_ =	swait.ge [sflag:s18], $0x80  }
0x2d: {  	[sflag:s18] =	ssyncset.done $0x0  }
0x2e: {  	[sflag:s18] =	ssyncadd.s32 $0xFFFFFF80  }
0x2f: {  	[tilespmem:s21], [sflag:$0x1] =	stream.indirect.gather [hbm4b:s6+s20], $0x80, s0, s20, $0xb8;
	[tilespmem:$0x1CB00] =	vst v63  }
0x30: {  	s8 =	sadd.s32 $0x0, s16;
	[bflag:$0x0] =	sbarrier.arrive $0xFFFF  }
0x31: {  	[tilespmem:s20], [sflag:$0x3] =	stream.linear.gather [hbm4b:s8+s3], $0x80, $0x38;
	[tilespmem:$0x1CB00] =	vst v63  }
0x32: {  	_ =	swait.ge [sflag:s18], $0x80  }
0x33: {  	[sflag:s18] =	ssyncset.done $0x0  }
0x34: {  	s9 =	sadd.s32 $0x0, s15;
	[sflag:s18] =	ssyncadd.s32 $0xFFFFFF80  }
0x35: {  	[tilespmem:s22], [sflag:$0x3] =	stream.linear.gather [hbm4b:s9+s3], $0x80, $0x38;
	[tilespmem:$0x1CB00] =	vst v63  }
0x36: {  	_ =	swait.ge [sflag:s18], $0x80  }
0x37: {  	[sflag:s18] =	ssyncset.done $0x0  }
0x38: {  	[sflag:s18] =	ssyncadd.s32 $0xFFFFFF80  }
0x39: {  	[tilespmem:s23], [sflag:$0x2] =	stream.indirect.gather [hbm4b:s6+s20], $0x80, s20, s20, $0xb8;
	[tilespmem:$0x1CB00] =	vst v63  }
0x3a: {  	_ =	swait.ge [sflag:s24], $0x4000  }
0x3b: {  	[sflag:s24] =	ssyncset.done $0x0  }
0x3c: {  	[sflag:s24] =	ssyncadd.s32 $0xFFFFC000  }
0x3d: {  	[spmem:s1] =	stream.indirect.scatter.add.f32 [tilespmem:s21], [sflag:$0x3], $0x80, s19, s20, $0xb8;
	[tilespmem:$0x1CB00] =	vst v63  }
0x3e: {  	_ =	swait.ge [sflag:s18], $0x4000  }
0x3f: {  	s10 =	sshrl.u32 s14, $0x3;
	[sflag:s18] =	ssyncset.done $0x0  }
0x40: {  	s11 =	sadd.s32 s4, s10;
	[sflag:s18] =	ssyncadd.s32 $0xFFFFC000  }
0x41: {  	[tilespmem:s3], [sflag:$0x3] =	stream.linear.gather [hbm4b:s11+s3], $0x80, $0x38;
	[tilespmem:$0x1CB00] =	vst v63  }
0x42: {  	_ =	swait.ge [sflag:s18], $0x80  }
0x43: {  	[sflag:s18] =	ssyncset.done $0x0  }
0x44: {  	s0 =	sadd.s32 s5, s10;
	[sflag:s18] =	ssyncadd.s32 $0xFFFFFF80  }
0x45: {  	[tilespmem:s19], [sflag:$0x3] =	stream.linear.gather [hbm4b:s0+s3], $0x80, $0x38;
	[tilespmem:$0x1CB00] =	vst v63  }
0x46: {  	_ =	swait.ge [sflag:s18], $0x80  }
0x47: {  	[sflag:s18] =	ssyncset.done $0x0  }
0x48: {  	[sflag:s18] =	ssyncadd.s32 $0xFFFFFF80  }
0x49: {  	[tilespmem:s21], [sflag:$0x1] =	stream.indirect.gather [hbm4b:s6+s20], $0x80, s3, s20, $0xb8;
	[tilespmem:$0x1CB00] =	vst v63  }
0x4a: {  	_ =	swait.ge [sflag:s25], $0x4000  }
0x4b: {  	[sflag:s25] =	ssyncset.done $0x0  }
0x4c: {  	[sflag:s25] =	ssyncadd.s32 $0xFFFFC000  }
0x4d: {  	[spmem:s1] =	stream.indirect.scatter.add.f32 [tilespmem:s23], [sflag:$0x3], $0x80, s22, s20, $0xb8;
	[tilespmem:$0x1CB00] =	vst v63  }
0x4e: {  	s2 =	simm.s32 $0x20;
	_ =	swait.ge [sflag:s18], $0x4000  }
0x4f: {  	s8 =	simm.s32 $0x40;
	s0 =	sadd.s32 $0x100, s14;
	[sflag:s18] =	ssyncset.done $0x0  }
.LBB2_6:
0x50: {  	s10 =	sadd.s32 s2, s16  }
0x51: {  	[sflag:s18] =	ssyncadd.s32 $0xFFFFC000;
	s11 =	smov.u32 s8;
	s9 =	sadd.s32 $0x20, s8  }
0x52: {  	[tilespmem:s20], [sflag:$0x3] =	stream.linear.gather [hbm4b:s10+s3], $0x80, $0x38;
	[tilespmem:$0x1CB00] =	vst v63  }
0x53: {  	p0 =	sne.s32 s8, $0x4C0;
	_ =	swait.ge [sflag:s18], $0x80  }
0x54: {  	[sflag:s18] =	ssyncset.done $0x0  }
0x55: {  	s8 =	sadd.s32 s2, s15;
	s2 =	smov.u32 s11;
	[sflag:s18] =	ssyncadd.s32 $0xFFFFFF80  }
0x56: {  	[tilespmem:s22], [sflag:$0x3] =	stream.linear.gather [hbm4b:s8+s3], $0x80, $0x38;
	[tilespmem:$0x1CB00] =	vst v63  }
0x57: {  	_ =	swait.ge [sflag:s18], $0x80  }
0x58: {  	[sflag:s18] =	ssyncset.done $0x0  }
0x59: {  	[sflag:s18] =	ssyncadd.s32 $0xFFFFFF80  }
0x5a: {  	[tilespmem:s23], [sflag:$0x2] =	stream.indirect.gather [hbm4b:s6+s20], $0x80, s20, s20, $0xb8;
	[tilespmem:$0x1CB00] =	vst v63  }
0x5b: {  	_ =	swait.ge [sflag:s24], $0x4000  }
0x5c: {  	[sflag:s24] =	ssyncset.done $0x0  }
0x5d: {  	[sflag:s24] =	ssyncadd.s32 $0xFFFFC000  }
0x5e: {  	[spmem:s1] =	stream.indirect.scatter.add.f32 [tilespmem:s21], [sflag:$0x3], $0x80, s19, s20, $0xb8;
	[tilespmem:$0x1CB00] =	vst v63  }
0x5f: {  	_ =	swait.ge [sflag:s18], $0x4000  }
0x60: {  	s8 =	sshrl.u32 s0, $0x3;
	[sflag:s18] =	ssyncset.done $0x0  }
0x61: {  	s10 =	sadd.s32 s4, s8;
	[sflag:s18] =	ssyncadd.s32 $0xFFFFC000  }
0x62: {  	[tilespmem:s3], [sflag:$0x3] =	stream.linear.gather [hbm4b:s10+s3], $0x80, $0x38;
	[tilespmem:$0x1CB00] =	vst v63  }
0x63: {  	_ =	swait.ge [sflag:s18], $0x80  }
0x64: {  	[sflag:s18] =	ssyncset.done $0x0  }
0x65: {  	s8 =	sadd.s32 s5, s8;
	[sflag:s18] =	ssyncadd.s32 $0xFFFFFF80  }
0x66: {  	[tilespmem:s19], [sflag:$0x3] =	stream.linear.gather [hbm4b:s8+s3], $0x80, $0x38;
	[tilespmem:$0x1CB00] =	vst v63  }
0x67: {  	_ =	swait.ge [sflag:s18], $0x80  }
0x68: {  	[sflag:s18] =	ssyncset.done $0x0  }
0x69: {  	[sflag:s18] =	ssyncadd.s32 $0xFFFFFF80  }
0x6a: {  	[tilespmem:s21], [sflag:$0x1] =	stream.indirect.gather [hbm4b:s6+s20], $0x80, s3, s20, $0xb8;
	[tilespmem:$0x1CB00] =	vst v63  }
0x6b: {  	_ =	swait.ge [sflag:s25], $0x4000  }
.Ltmp2:
0x6c: {  	[sflag:s25] =	ssyncset.done $0x0;
	(pc) =	sbr.rel @p0 .LBB2_6-.Ltmp2, $4  }
0x6d: {  	[sflag:s25] =	ssyncadd.s32 $0xFFFFC000  }
0x6e: {  	[spmem:s1] =	stream.indirect.scatter.add.f32 [tilespmem:s23], [sflag:$0x3], $0x80, s22, s20, $0xb8;
	[tilespmem:$0x1CB00] =	vst v63  }
0x6f: {  	_ =	swait.ge [sflag:s18], $0x4000  }
0x70: {  	s0 =	sadd.s32 $0x100, s0;
	s8 =	smov.u32 s9;
	[sflag:s18] =	ssyncset.done $0x0  }
0x71: {  	s8 =	sadd.s32 s2, s16;
	[sflag:s18] =	ssyncadd.s32 $0xFFFFC000  }
0x72: {  	[tilespmem:s20], [sflag:$0x3] =	stream.linear.gather [hbm4b:s8+s3], $0x80, $0x38;
	[tilespmem:$0x1CB00] =	vst v63  }
0x73: {  	_ =	swait.ge [sflag:s18], $0x80  }
0x74: {  	[sflag:s18] =	ssyncset.done $0x0  }
0x75: {  	s10 =	sadd.s32 s2, s15;
	[sflag:s18] =	ssyncadd.s32 $0xFFFFFF80  }
0x76: {  	[tilespmem:s22], [sflag:$0x3] =	stream.linear.gather [hbm4b:s10+s3], $0x80, $0x38;
	[tilespmem:$0x1CB00] =	vst v63  }
0x77: {  	_ =	swait.ge [sflag:s18], $0x80  }
0x78: {  	[sflag:s18] =	ssyncset.done $0x0  }
0x79: {  	[sflag:s18] =	ssyncadd.s32 $0xFFFFFF80  }
0x7a: {  	[tilespmem:s23], [sflag:$0x2] =	stream.indirect.gather [hbm4b:s6+s20], $0x80, s20, s20, $0xb8;
	[tilespmem:$0x1CB00] =	vst v63  }
0x7b: {  	_ =	swait.ge [sflag:s24], $0x4000  }
0x7c: {  	[sflag:s24] =	ssyncset.done $0x0  }
0x7d: {  	[sflag:s24] =	ssyncadd.s32 $0xFFFFC000  }
0x7e: {  	[spmem:s1] =	stream.indirect.scatter.add.f32 [tilespmem:s21], [sflag:$0x3], $0x80, s19, s20, $0xb8;
	[tilespmem:$0x1CB00] =	vst v63  }
0x7f: {  	_ =	swait.ge [sflag:s18], $0x4000  }
0x80: {  	s0 =	sshrl.u32 s0, $0x3;
	[sflag:s18] =	ssyncset.done $0x0  }
0x81: {  	s11 =	sadd.s32 s4, s0;
	[sflag:s18] =	ssyncadd.s32 $0xFFFFC000  }
0x82: {  	[tilespmem:s3], [sflag:$0x3] =	stream.linear.gather [hbm4b:s11+s3], $0x80, $0x38;
	[tilespmem:$0x1CB00] =	vst v63  }
0x83: {  	_ =	swait.ge [sflag:s18], $0x80  }
0x84: {  	[sflag:s18] =	ssyncset.done $0x0  }
0x85: {  	s0 =	sadd.s32 s5, s0;
	[sflag:s18] =	ssyncadd.s32 $0xFFFFFF80  }
0x86: {  	[tilespmem:s19], [sflag:$0x3] =	stream.linear.gather [hbm4b:s0+s3], $0x80, $0x38;
	[tilespmem:$0x1CB00] =	vst v63  }
0x87: {  	_ =	swait.ge [sflag:s18], $0x80  }
0x88: {  	[sflag:s18] =	ssyncset.done $0x0  }
0x89: {  	[sflag:s18] =	ssyncadd.s32 $0xFFFFFF80  }
0x8a: {  	[tilespmem:s21], [sflag:$0x1] =	stream.indirect.gather [hbm4b:s6+s20], $0x80, s3, s20, $0xb8;
	[tilespmem:$0x1CB00] =	vst v63  }
0x8b: {  	_ =	swait.ge [sflag:s25], $0x4000  }
0x8c: {  	[sflag:s25] =	ssyncset.done $0x0  }
0x8d: {  	[sflag:s25] =	ssyncadd.s32 $0xFFFFC000  }
0x8e: {  	[spmem:s1] =	stream.indirect.scatter.add.f32 [tilespmem:s23], [sflag:$0x3], $0x80, s22, s20, $0xb8;
	[tilespmem:$0x1CB00] =	vst v63  }
0x8f: {  	_ =	swait.ge [sflag:s18], $0x4000  }
0x90: {  	[sflag:s18] =	ssyncset.done $0x0  }
0x91: {  	[sflag:s18] =	ssyncadd.s32 $0xFFFFC000  }
0x92: {  	_ =	swait.ge [sflag:s24], $0x4000  }
0x93: {  	[sflag:s24] =	ssyncset.done $0x0  }
0x94: {  	s8 =	rddreg [dreg:$0x5];
	[sflag:s24] =	ssyncadd.s32 $0xFFFFC000  }
0x95: {  	[tilespmem:s26], [sflag:$0x3] =	stream.linear.gather [hbm4b:s8+s3], $0x10, $0x38;
	[tilespmem:$0x1CB00] =	vst v63  }
0x96: {  	_ =	swait.ge [sflag:s18], $0x10  }
0x97: {  	[sflag:s18] =	ssyncset.done $0x0  }
0x98: {  	s9 =	rddreg [dreg:$0x6];
	[sflag:s18] =	ssyncadd.s32 $0xFFFFFFF0  }
0x99: {  	[tilespmem:s28], [sflag:$0x3] =	stream.linear.gather [hbm4b:s9+s3], $0x10, $0x38;
	[tilespmem:$0x1CB00] =	vst v63  }
0x9a: {  	_ =	swait.ge [sflag:s18], $0x10  }
0x9b: {  	[sflag:s18] =	ssyncset.done $0x0  }
0x9c: {  	[sflag:s18] =	ssyncadd.s32 $0xFFFFFFF0  }
0x9d: {  	[tilespmem:s30], [sflag:$0x1] =	stream.indirect.gather [hbm4b:s6+s29], $0x80, s26, s29, $0xb8;
	[tilespmem:$0x1CB00] =	vst v63  }
0x9e: {  	_ =	swait.ge [sflag:s24], $0x800  }
0x9f: {  	[sflag:s24] =	ssyncset.done $0x0  }
0xa0: {  	[sflag:s24] =	ssyncadd.s32 $0xFFFFF800  }
0xa1: {  	[spmem:s1] =	stream.indirect.scatter.add.f32 [tilespmem:s30], [sflag:$0x3], $0x80, s28, s29, $0xb8;
	[tilespmem:$0x1CB00] =	vst v63  }
0xa2: {  	s31 =	sadd.s32 $0x1, s31;
	_ =	swait.ge [sflag:s18], $0x800  }
0xa3: {  	p0 =	sne.s32 s31, s13;
	s10 =	stileid.u32;
	[sflag:s18] =	ssyncset.done $0x0  }
0xa4: {  	s11 =	sshrl.u32 s7, $0x3;
	s0 =	sshll.u32 s10, $0x6;
	[sflag:s18] =	ssyncadd.s32 $0xFFFFF800  }
.Ltmp3:
0xa5: {  	s0 =	sor.u32 $0x1C03, s0;
	[bflag:$0x0] =	sbarrier.arrive $0xFFFF;
	(pc) =	sbr.rel @p0 .LBB2_1-.Ltmp3, $4  }
0xa6: {  	[hbm:s12], [sflag:s0] =	dma.local [spmem:s11], $0x2780  }
0xa7: {  	_ =	swait.ge [sflag:s18], $0x2780  }
0xa8: {  	[sflag:s18] =	ssyncset.done $0x0  }
0xa9: {  	[sflag:s18] =	ssyncadd.s32 $0xFFFFD880  }
0xaa: {  	_ =	sfence.sel $0x180000  }
0xab: {  	[bflag:$0x0] =	sbarrier.arrive $0xFFFF  }
0xac: {  	_ =	strace $0x90000053  }
0xad: {  	s0 =	stileid.u32;
	[bflag:$0x2] =	sbarrier.arrive $0xFFFF  }
0xae: {  	p0 =	sne.s32 s0, $0x0;
	s0 =	rddreg [dreg:$0x2]  }
0xaf: {  	s0 =	sadd.s32 @!p0 $0x100000, s0  }
0xb0: {  	[sflag:s0] =	ssyncadd.tile.s32 @!p0 $0x1;
	_ =	shalt  }
.Lfunc_end2:
_tile_overlayer_lowered:
.L_overlay_start_2:
0xb1: {  	(tag) =	ssettag $0x2  }
0xb2: {  	s0 =	rddreg [dreg:$0x0];
	s2 =	stileid.u32  }
0xb3: {  	s1 =	rddreg [dreg:$0x1];
	p0 =	sne.s32 s2, $0x0  }
0xb4: {  	s3 =	rddreg [dreg:$0x2];
	[bflag:$0x3] =	sbarrier.arrive $0xFFFF;
	s2 =	simm.s32 @!p0 $0x1C03  }
0xb5: {  	[timem:s3], [sflag:s2] =	dma.local @!p0 [hbm:s0], s1  }
0xb6: {  	s0 =	simm.s32 @!p0 $0x3  }
0xb7: {  	_ =	swait.ge @!p0 [sflag:s0], s1  }
0xb8: {  	s1 =	ssub.s32 @!p0 $0x0, s1;
	[sflag:s0] =	ssyncset.done @!p0 $0x0  }
0xb9: {  	[sflag:s0] =	ssyncadd.s32 @!p0 s1  }
0xba: {  	[bflag:$0x3] =	sbarrier.arrive $0xFFFF  }
0xbb: {  	_ =	shalt  }

// kernel: kernel.24.cloned.1.call-start
scs
__scs_entry_jumppad:
0x0: {  	(pc) =	sbr.rel $0x88, $3  }
0x1: {  	(tag) =	ssettag $0x0;
	lr =	simm.s32 $0x1  }
0x2: {  	[smem:$0x3F93] =	sst lr;
	_ =	strace $0xD0000000  }
0x3: {  	_ = 	snop  }
0x4: {  	_ = 	snop  }
0x5: {  	_ = 	snop  }
0x6: {  	_ = 	snop  }
0x7: {  	_ = 	snop  }
__scs_overlays_trampoline_lowered:
0x8: {  	[smem:$0x3FA2] =	sst s0  }
0x9: {  	[smem:$0x3FA3] =	sst s1  }
0xa: {  	[smem:$0x3FA4] =	sst s2  }
0xb: {  	[smem:$0x3FA5] =	sst s3  }
0xc: {  	[smem:$0x3FA6] =	sst s4  }
0xd: {  	[smem:$0x3FA7] =	sst s5  }
0xe: {  	[smem:$0x3FA8] =	sst s6  }
0xf: {  	[smem:$0x3FA9] =	sst s7  }
0x10: {  	[smem:$0x3FAA] =	sst s8  }
0x11: {  	[smem:$0x3FAB] =	sst s9;
	s0 =	simm.s32 @!p0 $0x0  }
0x12: {  	s1 =	sld [smem:$0x3F91];
	s0 =	simm.s32 @p0 $0x1  }
0x13: {  	[smem:$0x3FAC] =	sst s0;
	s0 =	simm.s32 @!p1 $0x0  }
0x14: {  	s2 =	sld [smem:$0x3F90];
	s0 =	simm.s32 @p1 $0x1  }
0x15: {  	[smem:$0x3FAD] =	sst s0;
	s0 =	simm.s32 @!p2 $0x0  }
0x16: {  	s3 =	sld [smem:$0x3FDB];
	s0 =	simm.s32 @p2 $0x1  }
0x17: {  	s4 =	simm.s32 $0x1BF5;
	[smem:$0x3FAF] =	sst s0  }
0x18: {  	s0 =	sld [smem:$0x3F92];
	_ =	swait.ge [sflag:s4], $0x0  }
0x19: {  	s7 =	sld [smem:$0x3F93]  }
0x1a: {  	s8 =	sadd.s32 $0xFFFFE003, lr  }
0x1b: {  	s9 =	sadd.s32 $0xFFFFFEF7, lr;
	s5 =	simm.s32 $0xFFFFFFFF;
	p2 =	slt.u32 s8, $0xFFFFF086  }
0x1c: {  	p1 =	slt.u32 s9, $0xF7A;
	s5 =	simm.s32 @!p2 $0x0  }
0x1d: {  	s5 =	simm.s32 @p1 $0x1;
	p0 =	seq.s32 s7, s2  }
0x1e: {  	s7 =	smul.u32 @!p0 $0xF7A, s2;
	p2 =	seq.s32 @!p0 s5, $0x0  }
0x1f: {  	s9 =	smul.u32 $0xF7A, s1;
	s8 =	simm.s32 @!p0 $0x1BF5;
	p2 =	por !p2, p0  }
0x20: {  	[sflag:s8] =	ssyncset.s32 @!p0 $0xFFFFF086;
	s6 =	sadd.s32 @!p0 s3, s7;
	s7 =	simm.s32 @!p0 $0x108  }
0x21: {  	s3 =	sadd.s32 s3, s9;
	s6 =	sadd.s32 @!p0 $0x88, s6;
	s7 =	simm.s32 @p2 $0x1082  }
0x22: {  	[simem:s7], [sflag:s8] =	dma.local @!p0 [hbm:s6], $0xF7A  }
0x23: {  	s9 =	sor.u32 $0xD0000000, s2;
	s6 =	simm.s32 $0x108;
	_ =	swait.ge @!p0 [sflag:s8], $0x0  }
0x24: {  	s3 =	sadd.s32 $0x88, s3;
	s6 =	simm.s32 @!p1 $0x1082;
	[sflag:s4] =	ssyncset.s32 $0xFFFFF086  }
0x25: {  	[simem:s6], [sflag:s4] =	dma.local [hbm:s3], $0xF7A  }
0x26: {  	[smem:$0x3F93] =	sst s1;
	(tag) =	ssettag s2;
	_ =	strace s9  }
0x27: {  	s1 =	sld [smem:$0x3FA3]  }
0x28: {  	s2 =	sld [smem:$0x3FA4]  }
0x29: {  	s4 =	sld [smem:$0x3FA6]  }
0x2a: {  	p0 =	seq.s32 s5, $0x0;
	s5 =	sld [smem:$0x3FA7]  }
0x2b: {  	s6 =	sld [smem:$0x3FA8]  }
0x2c: {  	s7 =	sld [smem:$0x3FA9]  }
0x2d: {  	s3 =	simm.s32 $0x108;
	s8 =	sld [smem:$0x3FAA]  }
0x2e: {  	s3 =	simm.s32 @!p0 $0x1082;
	s9 =	sld [smem:$0x3FAB]  }
0x2f: {  	lr =	sadd.s32 s0, s3;
	s0 =	sld [smem:$0x3FA2]  }
0x30: {  	s3 =	sld [smem:$0x3FA5]  }
0x31: {  	[smem:$0x3FAE] =	sst s10  }
0x32: {  	s10 =	sld [smem:$0x3FAC];
	_ =	sdelay $0x3  }
0x33: {  	p0 =	seq.s32 s10, $0x1;
	s10 =	sld [smem:$0x3FAE];
	_ =	sdelay $0x3  }
0x34: {  	[smem:$0x3FAE] =	sst s10  }
0x35: {  	s10 =	sld [smem:$0x3FAD];
	_ =	sdelay $0x3  }
0x36: {  	p1 =	seq.s32 s10, $0x1;
	s10 =	sld [smem:$0x3FAE];
	_ =	sdelay $0x3  }
0x37: {  	[smem:$0x3FAE] =	sst s10  }
0x38: {  	s10 =	sld [smem:$0x3FAF]  }
0x39: {  	_ = 	snop;
	(pc) =	sbr.ind lr, $3  }
0x3a: {  	_ = 	snop  }
0x3b: {  	_ = 	snop  }
0x3c: {  	p2 =	seq.s32 s10, $0x1;
	s10 =	sld [smem:$0x3FAE]  }
0x3d: {  	_ =	shalt  }
0x3e: {  	_ =	shalt  }
0x3f: {  	_ =	shalt  }
0x40: {  	_ =	shalt  }
0x41: {  	_ =	shalt  }
0x42: {  	_ =	shalt  }
0x43: {  	_ =	shalt  }
0x44: {  	_ =	shalt  }
0x45: {  	_ =	shalt  }
0x46: {  	_ =	shalt  }
0x47: {  	_ =	shalt  }
0x48: {  	_ =	shalt  }
0x49: {  	_ =	shalt  }
0x4a: {  	_ =	shalt  }
0x4b: {  	_ =	shalt  }
0x4c: {  	_ =	shalt  }
0x4d: {  	_ =	shalt  }
0x4e: {  	_ =	shalt  }
0x4f: {  	_ =	shalt  }
0x50: {  	_ =	shalt  }
0x51: {  	_ =	shalt  }
0x52: {  	_ =	shalt  }
0x53: {  	_ =	shalt  }
0x54: {  	_ =	shalt  }
0x55: {  	_ =	shalt  }
0x56: {  	_ =	shalt  }
0x57: {  	_ =	shalt  }
0x58: {  	_ =	shalt  }
0x59: {  	_ =	shalt  }
0x5a: {  	_ =	shalt  }
0x5b: {  	_ =	shalt  }
0x5c: {  	_ =	shalt  }
0x5d: {  	_ =	shalt  }
0x5e: {  	_ =	shalt  }
0x5f: {  	_ =	shalt  }
0x60: {  	_ =	shalt  }
0x61: {  	_ =	shalt  }
0x62: {  	_ =	shalt  }
0x63: {  	_ =	shalt  }
0x64: {  	_ =	shalt  }
0x65: {  	_ =	shalt  }
0x66: {  	_ =	shalt  }
0x67: {  	_ =	shalt  }
0x68: {  	_ =	shalt  }
0x69: {  	_ =	shalt  }
0x6a: {  	_ =	shalt  }
0x6b: {  	_ =	shalt  }
0x6c: {  	_ =	shalt  }
0x6d: {  	_ =	shalt  }
0x6e: {  	_ =	shalt  }
0x6f: {  	_ =	shalt  }
0x70: {  	_ =	shalt  }
0x71: {  	_ =	shalt  }
0x72: {  	_ =	shalt  }
0x73: {  	_ =	shalt  }
0x74: {  	_ =	shalt  }
0x75: {  	_ =	shalt  }
0x76: {  	_ =	shalt  }
0x77: {  	_ =	shalt  }
0x78: {  	_ =	shalt  }
0x79: {  	_ =	shalt  }
0x7a: {  	_ =	shalt  }
0x7b: {  	_ =	shalt  }
0x7c: {  	_ =	shalt  }
0x7d: {  	_ =	shalt  }
0x7e: {  	_ =	shalt  }
0x7f: {  	_ =	shalt  }
0x80: {  	_ =	shalt  }
0x81: {  	_ =	shalt  }
0x82: {  	_ =	shalt  }
0x83: {  	_ =	shalt  }
0x84: {  	_ =	shalt  }
0x85: {  	_ =	shalt  }
0x86: {  	_ =	shalt  }
0x87: {  	_ =	shalt  }
.Lfunc_end0:
.L_simem_size_0:
called_computation.4_lowered:
.L_overlay_start_0:
0x88: {  	s2 =	sld [smem:$0x3FD9]  }
0x89: {  	s3 =	sld [smem:$0x3FFE];
	_ =	sdelay $0x1  }
0x8a: {  	s1 =	srdreg.scid  }
0x8b: {  	s0 =	sand.u32 $0x1, s1  }
0x8c: {  	s16 =	sshll.u32 s0, $0xA;
	s2 =	sadd.s32 s3, s2  }
0x8d: {  	s2 =	sadd.s32 s2, s16  }
0x8e: {  	[smem:$0x3FBA] =	sst s2  }
0x8f: {  	_ = 	snop  }
0x90: {  	(tm) =	ssettm $0x1  }
0x91: {  	s17 =	sld [smem:$0x3FFB];
	_ =	sdelay $0x3  }
0x92: {  	_ =	strace s17  }
0x93: {  	s2 =	sld [smem:$0x3FFC];
	_ =	sdelay $0x3  }
0x94: {  	_ =	strace s2  }
0x95: {  	s2 =	sld [smem:$0x3FFD];
	_ =	sdelay $0x3  }
0x96: {  	_ =	strace s2  }
0x97: {  	_ =	strace $0x8FFFFFFF  }
0x98: {  	s18 =	sld [smem:$0x3FDB];
	_ =	sdelay $0x1  }
0x99: {  	s19 =	simm.s32 $_scs_section_size  }
0x9a: {  	s4 =	simm.s32 $_size__tile_overlayer_lowered;
	s5 =	simm.s32 $_tile_overlayer_lowered  }
0x9b: {  	s22 =	simm.s32 $0x1BFF;
	s21 =	sshll.u32 s5, $0x1;
	s2 =	sadd.s32 s19, s18  }
0x9c: {  	s6 =	simm.s32 $0x0;
	s20 =	sshll.u32 s4, $0x1;
	s4 =	sadd.s32 s21, s2  }
0x9d: {  	[timem:s6], [sflag:s22] =	dma.local [hbm:s4], s20  }
0x9e: {  	_ =	swait.ge [sflag:s22], s20  }
0x9f: {  	s3 =	ssub.s32 $0x0, s20;
	[sflag:s22] =	ssyncset.done $0x0  }
0xa0: {  	[sflag:s22] =	ssyncadd.s32 s3;
	_ =	sdelay $0x1  }
0xa1: {  	s23 =	simm.s32 $0x1B8B  }
0xa2: {  	_ =	swait.ge [sflag:s23], $0x1  }
0xa3: {  	[sflag:s23] =	ssyncset.done $0x0  }
0xa4: {  	s25 =	simm.s32 $0x1B8E;
	s24 =	sld [smem:$0x3FFE];
	[sflag:s23] =	ssyncadd.s32 $0xFFFFFFFF  }
0xa5: {  	s26 =	simm.s32 $execute0_lowered;
	[smem:$0x3FD2] =	sst s25  }
0xa6: {  	s4 =	sshll.u32 s26, $0x1;
	_ =	strace $0x8000004F;
	[dreg:$0x1] =	wrdreg $0xFFFFFFFF  }
0xa7: {  	s28 =	simm.s32 $_size_execute0_lowered;
	s2 =	sadd.s32 s2, s4;
	[dreg:$0x0] =	wrdreg $0x0  }
0xa8: {  	s4 =	sshll.u32 s28, $0x1;
	[dreg:$0x2] =	wrdreg s2  }
0xa9: {  	[dreg:$0x3] =	wrdreg s4  }
0xaa: {  	[dreg:$0x4] =	wrdreg $0xC0  }
0xab: {  	_ =	task [dreg:s6], $0x5FFFF  }
0xac: {  	[dreg:$0x1] =	wrdreg $0xFFFFFFFF  }
0xad: {  	[dreg:$0x0] =	wrdreg $0x60  }
0xae: {  	[dreg:$0x2] =	wrdreg s24  }
0xaf: {  	[dreg:$0x3] =	wrdreg $0x8F000  }
0xb0: {  	[dreg:$0x4] =	wrdreg $0xA  }
0xb1: {  	_ =	task.clear_ibuf [dreg:s6], $0x5FFFF;
	_ =	strace $0x9000004F  }
0xb2: {  	s29 =	simm.s32 $0xA;
	_ =	strace $0x80000051  }
0xb3: {  	_ =	swait.ge [sflag:s29], $0x1  }
0xb4: {  	[sflag:s29] =	ssyncadd.s32 $0xFFFFFFFF  }
0xb5: {  	_ =	strace $0x90000051  }
0xb6: {  	_ =	sfence  }
0xb7: {  	s30 =	sld [smem:$0x0];
	_ =	sdelay $0x2  }
0xb8: {  	s31 =	sshll.u32 s1, $0xD;
	s1 =	sshrl.u32 s1, $0x2  }
0xb9: {  	s3 =	sand.u32 $0x4000, s31;
	s1 =	sadd.s32 s1, s30  }
0xba: {  	s0 =	sor.u32 s3, s0;
	s1 =	sshll.u32 s1, $0x11  }
0xbb: {  	s0 =	sor.u32 s1, s0  }
0xbc: {  	s0 =	sadd.s32 $0x8F2B, s0  }
0xbd: {  	[sflag:s0] =	ssyncadd.remote.s32 $0x1  }
0xbe: {  	_ =	sfence.sel $0xFFFF  }
0xbf: {  	[dreg:$0x0] =	wrdreg $0xFFFFFFFF;
	(pc) =	sbr.abs _section_cstart, $3  }
0xc0: {  	[dreg:$0x1] =	wrdreg $0xFFFFFFFF  }
0xc1: {  	_ =	task.clear_ibuf [dreg:s6], $0x2FFFF;
	_ =	strace $0x9FFFFFFF  }
0xc2: {  	(tm) =	ssettm $0x7FFFFFFF  }
0xc3: {  	_ =	shalt  }
tec
execute0_lowered:
.L_overlay_start_1:
0x0: {  	(tag) =	ssettag $0x1  }
0x1: {  	s0 =	rddreg [dreg:$0x0]  }
0x2: {  	s1 =	rddreg [dreg:$0x1]  }
0x3: {  	s3 =	simm.s32 $0x0;
	s2 =	srdreg.scid;
	s10 =	stileid.u32  }
0x4: {  	s17 =	simm.s32 $0x8B00;
	s18 =	simm.s32 $0x3;
	s19 =	simm.s32 $0x100  }
0x5: {  	s20 =	simm.s32 $0x80;
	s28 =	simm.s32 $0x8280;
	s29 =	simm.s32 $0x10  }
0x6: {  	s30 =	simm.s32 $0x8300;
	s31 =	simm.s32 $0x0;
	s7 =	smul.u32 $0x13C00, s10  }
0x7: {  	[smem:$0x7FF] =	sst s3;
	s2 =	sand.u32 $0x1, s2;
	s9 =	smul.u32 $0x4F000, s10  }
0x8: {  	s4 =	sadd.s32 $0x1A200, s0;
	s8 =	sshll.u32 s10, $0x1;
	s10 =	smul.u32 $0x4E20, s10  }
0x9: {  	s5 =	sadd.s32 $0x6600, s0;
	s6 =	smul.u32 $0x13C000, s2;
	_ =	strace $0x80000050  }
0xa: {  	s8 =	sor.u32 s2, s8;
	s21 =	ssub.s32 $0x2, s2;
	s2 =	smul.u32 $0x2710, s2  }
0xb: {  	s8 =	smul.u32 $0x2710, s8;
	s11 =	sshrl.u32 s21, $0x1;
	s9 =	sshrl.u32 s9, $0x2  }
0xc: {  	s7 =	sadd.s32 s7, s6;
	s6 =	sadd.s32 $0x24000, s0;
	s13 =	ssub.s32 s21, s11  }
0xd: {  	s2 =	sadd.s32 s2, s10;
	s21 =	simm.s32 $0x200;
	s7 =	sshrl.u32 s7, $0x3  }
0xe: {  	s8 =	sshrl.u32 s8, $0x3;
	s25 =	sadd.s32 $0x80, s2;
	s13 =	smax.u32 s13, $0x1  }
0xf: {  	s14 =	sadd.s32 $0x100, s2;
	s0 =	sadd.s32 s7, s0;
	s7 =	sadd.s32 s9, s1  }
0x10: {  	s22 =	sadd.s32 s4, s8;
	s23 =	sadd.s32 $0x4E0, s8;
	s8 =	sadd.s32 s5, s8  }
0x11: {  	s26 =	sshrl.u32 s25, $0x3;
	s25 =	simm.s32 $0x2;
	[dreg:$0x3] =	wrdreg s22  }
0x12: {  	[dreg:$0x4] =	wrdreg s8;
	s24 =	sadd.s32 s4, s23;
	s9 =	sadd.s32 s5, s23  }
0x13: {  	s12 =	sadd.s32 $0x99600, s0;
	s15 =	sadd.s32 s26, s5;
	s16 =	sadd.s32 s26, s4  }
0x14: {  	s22 =	simm.s32 $0x180;
	s23 =	simm.s32 $0x4200;
	[dreg:$0x5] =	wrdreg s24  }
0x15: {  	v0 =	vimm.f32 $0.0e+00;
	s26 =	simm.s32 $0x8200;
	[dreg:$0x6] =	wrdreg s9;
	s24 =	simm.s32 $0x1  }
.LBB2_1:
0x16: {  	s0 =	simm.s32 $0x0;
	s2 =	simm.s32 $0x0  }
.LBB2_2:
0x17: {  	p0 =	sne.s32 s2, $0xFC0  }
.Ltmp0:
0x18: {  	_ = 	snop;
	(pc) =	sbr.rel @p0 .LBB2_2-.Ltmp0, $4  }
0x19: {  	s8 =	sand.u32 $0xE00, s2  }
0x1a: {  	s9 =	sand.u32 $0x70, s0;
	s8 =	sshrl.u32 s8, $0x2  }
0x1b: {  	s8 =	sor.u32 s9, s8  }
0x1c: {  	s0 =	sadd.s32 $0x10, s0;
	s2 =	sadd.s32 $0x40, s2;
	[tilespmem:s8+$0x8B00] =	vst v0  }
0x1d: {  	s0 =	sadd.s32 $0x0, s7  }
0x1e: {  	[spmem:s0] =	stream.linear.scatter [tilespmem:s17], [sflag:$0x3], $0x400, $0x38;
	[tilespmem:$0x1CB00] =	vst v63  }
0x1f: {  	s0 =	simm.s32 $0x1000;
	_ =	swait.ge [sflag:s18], $0x400  }
.LBB2_4:
0x20: {  	s2 =	sshra.s32 s0, $0x2;
	[sflag:s18] =	ssyncset.done $0x0;
	p0 =	sne.s32 s0, $0x4E000  }
.Ltmp1:
0x21: {  	s2 =	sadd.s32 s2, s7;
	[sflag:s18] =	ssyncadd.s32 $0xFFFFFC00;
	(pc) =	sbr.rel @p0 .LBB2_4-.Ltmp1, $3  }
0x22: {  	[spmem:s2] =	stream.linear.scatter [tilespmem:s17], [sflag:$0x3], $0x400, $0x38;
	[tilespmem:$0x1CB00] =	vst v63  }
0x23: {  	s0 =	sadd.s32 $0x1000, s0;
	_ =	sdelay $0x1  }
0x24: {  	_ =	swait.ge [sflag:s18], $0x400  }
0x25: {  	[sflag:s18] =	ssyncset.done $0x0  }
0x26: {  	s0 =	simm.s32 $0x0;
	s2 =	rddreg [dreg:$0x3];
	[sflag:s18] =	ssyncadd.s32 $0xFFFFFC00  }
0x27: {  	[tilespmem:s0], [sflag:$0x3] =	stream.linear.gather [hbm4b:s2+s0], $0x80, $0x38;
	[tilespmem:$0x1CB00] =	vst v63  }
0x28: {  	_ =	swait.ge [sflag:s18], $0x80  }
0x29: {  	[sflag:s18] =	ssyncset.done $0x0  }
0x2a: {  	s11 =	rddreg [dreg:$0x4];
	[sflag:s18] =	ssyncadd.s32 $0xFFFFFF80  }
0x2b: {  	[tilespmem:s19], [sflag:$0x3] =	stream.linear.gather [hbm4b:s11+s0], $0x80, $0x38;
	[tilespmem:$0x1CB00] =	vst v63  }
0x2c: {  	_ =	swait.ge [sflag:s18], $0x80  }
0x2d: {  	[sflag:s18] =	ssyncset.done $0x0  }
0x2e: {  	[sflag:s18] =	ssyncadd.s32 $0xFFFFFF80  }
0x2f: {  	[tilespmem:s21], [sflag:$0x1] =	stream.indirect.gather [hbm4b:s6+s20], $0x80, s0, s20, $0xb8;
	[tilespmem:$0x1CB00] =	vst v63  }
0x30: {  	s8 =	sadd.s32 $0x0, s16;
	[bflag:$0x0] =	sbarrier.arrive $0xFFFF  }
0x31: {  	[tilespmem:s20], [sflag:$0x3] =	stream.linear.gather [hbm4b:s8+s3], $0x80, $0x38;
	[tilespmem:$0x1CB00] =	vst v63  }
0x32: {  	_ =	swait.ge [sflag:s18], $0x80  }
0x33: {  	[sflag:s18] =	ssyncset.done $0x0  }
0x34: {  	s9 =	sadd.s32 $0x0, s15;
	[sflag:s18] =	ssyncadd.s32 $0xFFFFFF80  }
0x35: {  	[tilespmem:s22], [sflag:$0x3] =	stream.linear.gather [hbm4b:s9+s3], $0x80, $0x38;
	[tilespmem:$0x1CB00] =	vst v63  }
0x36: {  	_ =	swait.ge [sflag:s18], $0x80  }
0x37: {  	[sflag:s18] =	ssyncset.done $0x0  }
0x38: {  	[sflag:s18] =	ssyncadd.s32 $0xFFFFFF80  }
0x39: {  	[tilespmem:s23], [sflag:$0x2] =	stream.indirect.gather [hbm4b:s6+s20], $0x80, s20, s20, $0xb8;
	[tilespmem:$0x1CB00] =	vst v63  }
0x3a: {  	_ =	swait.ge [sflag:s24], $0x4000  }
0x3b: {  	[sflag:s24] =	ssyncset.done $0x0  }
0x3c: {  	[sflag:s24] =	ssyncadd.s32 $0xFFFFC000  }
0x3d: {  	[spmem:s1] =	stream.indirect.scatter.add.f32 [tilespmem:s21], [sflag:$0x3], $0x80, s19, s20, $0xb8;
	[tilespmem:$0x1CB00] =	vst v63  }
0x3e: {  	_ =	swait.ge [sflag:s18], $0x4000  }
0x3f: {  	s10 =	sshrl.u32 s14, $0x3;
	[sflag:s18] =	ssyncset.done $0x0  }
0x40: {  	s11 =	sadd.s32 s4, s10;
	[sflag:s18] =	ssyncadd.s32 $0xFFFFC000  }
0x41: {  	[tilespmem:s3], [sflag:$0x3] =	stream.linear.gather [hbm4b:s11+s3], $0x80, $0x38;
	[tilespmem:$0x1CB00] =	vst v63  }
0x42: {  	_ =	swait.ge [sflag:s18], $0x80  }
0x43: {  	[sflag:s18] =	ssyncset.done $0x0  }
0x44: {  	s0 =	sadd.s32 s5, s10;
	[sflag:s18] =	ssyncadd.s32 $0xFFFFFF80  }
0x45: {  	[tilespmem:s19], [sflag:$0x3] =	stream.linear.gather [hbm4b:s0+s3], $0x80, $0x38;
	[tilespmem:$0x1CB00] =	vst v63  }
0x46: {  	_ =	swait.ge [sflag:s18], $0x80  }
0x47: {  	[sflag:s18] =	ssyncset.done $0x0  }
0x48: {  	[sflag:s18] =	ssyncadd.s32 $0xFFFFFF80  }
0x49: {  	[tilespmem:s21], [sflag:$0x1] =	stream.indirect.gather [hbm4b:s6+s20], $0x80, s3, s20, $0xb8;
	[tilespmem:$0x1CB00] =	vst v63  }
0x4a: {  	_ =	swait.ge [sflag:s25], $0x4000  }
0x4b: {  	[sflag:s25] =	ssyncset.done $0x0  }
0x4c: {  	[sflag:s25] =	ssyncadd.s32 $0xFFFFC000  }
0x4d: {  	[spmem:s1] =	stream.indirect.scatter.add.f32 [tilespmem:s23], [sflag:$0x3], $0x80, s22, s20, $0xb8;
	[tilespmem:$0x1CB00] =	vst v63  }
0x4e: {  	s2 =	simm.s32 $0x20;
	_ =	swait.ge [sflag:s18], $0x4000  }
0x4f: {  	s8 =	simm.s32 $0x40;
	s0 =	sadd.s32 $0x100, s14;
	[sflag:s18] =	ssyncset.done $0x0  }
.LBB2_6:
0x50: {  	s10 =	sadd.s32 s2, s16  }
0x51: {  	[sflag:s18] =	ssyncadd.s32 $0xFFFFC000;
	s11 =	smov.u32 s8;
	s9 =	sadd.s32 $0x20, s8  }
0x52: {  	[tilespmem:s20], [sflag:$0x3] =	stream.linear.gather [hbm4b:s10+s3], $0x80, $0x38;
	[tilespmem:$0x1CB00] =	vst v63  }
0x53: {  	p0 =	sne.s32 s8, $0x4C0;
	_ =	swait.ge [sflag:s18], $0x80  }
0x54: {  	[sflag:s18] =	ssyncset.done $0x0  }
0x55: {  	s8 =	sadd.s32 s2, s15;
	s2 =	smov.u32 s11;
	[sflag:s18] =	ssyncadd.s32 $0xFFFFFF80  }
0x56: {  	[tilespmem:s22], [sflag:$0x3] =	stream.linear.gather [hbm4b:s8+s3], $0x80, $0x38;
	[tilespmem:$0x1CB00] =	vst v63  }
0x57: {  	_ =	swait.ge [sflag:s18], $0x80  }
0x58: {  	[sflag:s18] =	ssyncset.done $0x0  }
0x59: {  	[sflag:s18] =	ssyncadd.s32 $0xFFFFFF80  }
0x5a: {  	[tilespmem:s23], [sflag:$0x2] =	stream.indirect.gather [hbm4b:s6+s20], $0x80, s20, s20, $0xb8;
	[tilespmem:$0x1CB00] =	vst v63  }
0x5b: {  	_ =	swait.ge [sflag:s24], $0x4000  }
0x5c: {  	[sflag:s24] =	ssyncset.done $0x0  }
0x5d: {  	[sflag:s24] =	ssyncadd.s32 $0xFFFFC000  }
0x5e: {  	[spmem:s1] =	stream.indirect.scatter.add.f32 [tilespmem:s21], [sflag:$0x3], $0x80, s19, s20, $0xb8;
	[tilespmem:$0x1CB00] =	vst v63  }
0x5f: {  	_ =	swait.ge [sflag:s18], $0x4000  }
0x60: {  	s8 =	sshrl.u32 s0, $0x3;
	[sflag:s18] =	ssyncset.done $0x0  }
0x61: {  	s10 =	sadd.s32 s4, s8;
	[sflag:s18] =	ssyncadd.s32 $0xFFFFC000  }
0x62: {  	[tilespmem:s3], [sflag:$0x3] =	stream.linear.gather [hbm4b:s10+s3], $0x80, $0x38;
	[tilespmem:$0x1CB00] =	vst v63  }
0x63: {  	_ =	swait.ge [sflag:s18], $0x80  }
0x64: {  	[sflag:s18] =	ssyncset.done $0x0  }
0x65: {  	s8 =	sadd.s32 s5, s8;
	[sflag:s18] =	ssyncadd.s32 $0xFFFFFF80  }
0x66: {  	[tilespmem:s19], [sflag:$0x3] =	stream.linear.gather [hbm4b:s8+s3], $0x80, $0x38;
	[tilespmem:$0x1CB00] =	vst v63  }
0x67: {  	_ =	swait.ge [sflag:s18], $0x80  }
0x68: {  	[sflag:s18] =	ssyncset.done $0x0  }
0x69: {  	[sflag:s18] =	ssyncadd.s32 $0xFFFFFF80  }
0x6a: {  	[tilespmem:s21], [sflag:$0x1] =	stream.indirect.gather [hbm4b:s6+s20], $0x80, s3, s20, $0xb8;
	[tilespmem:$0x1CB00] =	vst v63  }
0x6b: {  	_ =	swait.ge [sflag:s25], $0x4000  }
.Ltmp2:
0x6c: {  	[sflag:s25] =	ssyncset.done $0x0;
	(pc) =	sbr.rel @p0 .LBB2_6-.Ltmp2, $4  }
0x6d: {  	[sflag:s25] =	ssyncadd.s32 $0xFFFFC000  }
0x6e: {  	[spmem:s1] =	stream.indirect.scatter.add.f32 [tilespmem:s23], [sflag:$0x3], $0x80, s22, s20, $0xb8;
	[tilespmem:$0x1CB00] =	vst v63  }
0x6f: {  	_ =	swait.ge [sflag:s18], $0x4000  }
0x70: {  	s0 =	sadd.s32 $0x100, s0;
	s8 =	smov.u32 s9;
	[sflag:s18] =	ssyncset.done $0x0  }
0x71: {  	s8 =	sadd.s32 s2, s16;
	[sflag:s18] =	ssyncadd.s32 $0xFFFFC000  }
0x72: {  	[tilespmem:s20], [sflag:$0x3] =	stream.linear.gather [hbm4b:s8+s3], $0x80, $0x38;
	[tilespmem:$0x1CB00] =	vst v63  }
0x73: {  	_ =	swait.ge [sflag:s18], $0x80  }
0x74: {  	[sflag:s18] =	ssyncset.done $0x0  }
0x75: {  	s10 =	sadd.s32 s2, s15;
	[sflag:s18] =	ssyncadd.s32 $0xFFFFFF80  }
0x76: {  	[tilespmem:s22], [sflag:$0x3] =	stream.linear.gather [hbm4b:s10+s3], $0x80, $0x38;
	[tilespmem:$0x1CB00] =	vst v63  }
0x77: {  	_ =	swait.ge [sflag:s18], $0x80  }
0x78: {  	[sflag:s18] =	ssyncset.done $0x0  }
0x79: {  	[sflag:s18] =	ssyncadd.s32 $0xFFFFFF80  }
0x7a: {  	[tilespmem:s23], [sflag:$0x2] =	stream.indirect.gather [hbm4b:s6+s20], $0x80, s20, s20, $0xb8;
	[tilespmem:$0x1CB00] =	vst v63  }
0x7b: {  	_ =	swait.ge [sflag:s24], $0x4000  }
0x7c: {  	[sflag:s24] =	ssyncset.done $0x0  }
0x7d: {  	[sflag:s24] =	ssyncadd.s32 $0xFFFFC000  }
0x7e: {  	[spmem:s1] =	stream.indirect.scatter.add.f32 [tilespmem:s21], [sflag:$0x3], $0x80, s19, s20, $0xb8;
	[tilespmem:$0x1CB00] =	vst v63  }
0x7f: {  	_ =	swait.ge [sflag:s18], $0x4000  }
0x80: {  	s0 =	sshrl.u32 s0, $0x3;
	[sflag:s18] =	ssyncset.done $0x0  }
0x81: {  	s11 =	sadd.s32 s4, s0;
	[sflag:s18] =	ssyncadd.s32 $0xFFFFC000  }
0x82: {  	[tilespmem:s3], [sflag:$0x3] =	stream.linear.gather [hbm4b:s11+s3], $0x80, $0x38;
	[tilespmem:$0x1CB00] =	vst v63  }
0x83: {  	_ =	swait.ge [sflag:s18], $0x80  }
0x84: {  	[sflag:s18] =	ssyncset.done $0x0  }
0x85: {  	s0 =	sadd.s32 s5, s0;
	[sflag:s18] =	ssyncadd.s32 $0xFFFFFF80  }
0x86: {  	[tilespmem:s19], [sflag:$0x3] =	stream.linear.gather [hbm4b:s0+s3], $0x80, $0x38;
	[tilespmem:$0x1CB00] =	vst v63  }
0x87: {  	_ =	swait.ge [sflag:s18], $0x80  }
0x88: {  	[sflag:s18] =	ssyncset.done $0x0  }
0x89: {  	[sflag:s18] =	ssyncadd.s32 $0xFFFFFF80  }
0x8a: {  	[tilespmem:s21], [sflag:$0x1] =	stream.indirect.gather [hbm4b:s6+s20], $0x80, s3, s20, $0xb8;
	[tilespmem:$0x1CB00] =	vst v63  }
0x8b: {  	_ =	swait.ge [sflag:s25], $0x4000  }
0x8c: {  	[sflag:s25] =	ssyncset.done $0x0  }
0x8d: {  	[sflag:s25] =	ssyncadd.s32 $0xFFFFC000  }
0x8e: {  	[spmem:s1] =	stream.indirect.scatter.add.f32 [tilespmem:s23], [sflag:$0x3], $0x80, s22, s20, $0xb8;
	[tilespmem:$0x1CB00] =	vst v63  }
0x8f: {  	_ =	swait.ge [sflag:s18], $0x4000  }
0x90: {  	[sflag:s18] =	ssyncset.done $0x0  }
0x91: {  	[sflag:s18] =	ssyncadd.s32 $0xFFFFC000  }
0x92: {  	_ =	swait.ge [sflag:s24], $0x4000  }
0x93: {  	[sflag:s24] =	ssyncset.done $0x0  }
0x94: {  	s8 =	rddreg [dreg:$0x5];
	[sflag:s24] =	ssyncadd.s32 $0xFFFFC000  }
0x95: {  	[tilespmem:s26], [sflag:$0x3] =	stream.linear.gather [hbm4b:s8+s3], $0x10, $0x38;
	[tilespmem:$0x1CB00] =	vst v63  }
0x96: {  	_ =	swait.ge [sflag:s18], $0x10  }
0x97: {  	[sflag:s18] =	ssyncset.done $0x0  }
0x98: {  	s9 =	rddreg [dreg:$0x6];
	[sflag:s18] =	ssyncadd.s32 $0xFFFFFFF0  }
0x99: {  	[tilespmem:s28], [sflag:$0x3] =	stream.linear.gather [hbm4b:s9+s3], $0x10, $0x38;
	[tilespmem:$0x1CB00] =	vst v63  }
0x9a: {  	_ =	swait.ge [sflag:s18], $0x10  }
0x9b: {  	[sflag:s18] =	ssyncset.done $0x0  }
0x9c: {  	[sflag:s18] =	ssyncadd.s32 $0xFFFFFFF0  }
0x9d: {  	[tilespmem:s30], [sflag:$0x1] =	stream.indirect.gather [hbm4b:s6+s29], $0x80, s26, s29, $0xb8;
	[tilespmem:$0x1CB00] =	vst v63  }
0x9e: {  	_ =	swait.ge [sflag:s24], $0x800  }
0x9f: {  	[sflag:s24] =	ssyncset.done $0x0  }
0xa0: {  	[sflag:s24] =	ssyncadd.s32 $0xFFFFF800  }
0xa1: {  	[spmem:s1] =	stream.indirect.scatter.add.f32 [tilespmem:s30], [sflag:$0x3], $0x80, s28, s29, $0xb8;
	[tilespmem:$0x1CB00] =	vst v63  }
0xa2: {  	s31 =	sadd.s32 $0x1, s31;
	_ =	swait.ge [sflag:s18], $0x800  }
0xa3: {  	p0 =	sne.s32 s31, s13;
	s10 =	stileid.u32;
	[sflag:s18] =	ssyncset.done $0x0  }
0xa4: {  	s11 =	sshrl.u32 s7, $0x3;
	s0 =	sshll.u32 s10, $0x6;
	[sflag:s18] =	ssyncadd.s32 $0xFFFFF800  }
.Ltmp3:
0xa5: {  	s0 =	sor.u32 $0x1C03, s0;
	[bflag:$0x0] =	sbarrier.arrive $0xFFFF;
	(pc) =	sbr.rel @p0 .LBB2_1-.Ltmp3, $4  }
0xa6: {  	[hbm:s12], [sflag:s0] =	dma.local [spmem:s11], $0x2780  }
0xa7: {  	_ =	swait.ge [sflag:s18], $0x2780  }
0xa8: {  	[sflag:s18] =	ssyncset.done $0x0  }
0xa9: {  	[sflag:s18] =	ssyncadd.s32 $0xFFFFD880  }
0xaa: {  	_ =	sfence.sel $0x180000  }
0xab: {  	[bflag:$0x0] =	sbarrier.arrive $0xFFFF  }
0xac: {  	_ =	strace $0x90000050  }
0xad: {  	s0 =	stileid.u32;
	[bflag:$0x2] =	sbarrier.arrive $0xFFFF  }
0xae: {  	p0 =	sne.s32 s0, $0x0;
	s0 =	rddreg [dreg:$0x2]  }
0xaf: {  	s0 =	sadd.s32 @!p0 $0x100000, s0  }
0xb0: {  	[sflag:s0] =	ssyncadd.tile.s32 @!p0 $0x1;
	_ =	shalt  }
.Lfunc_end2:
_tile_overlayer_lowered:
.L_overlay_start_2:
0xb1: {  	(tag) =	ssettag $0x2  }
0xb2: {  	s0 =	rddreg [dreg:$0x0];
	s2 =	stileid.u32  }
0xb3: {  	s1 =	rddreg [dreg:$0x1];
	p0 =	sne.s32 s2, $0x0  }
0xb4: {  	s3 =	rddreg [dreg:$0x2];
	[bflag:$0x3] =	sbarrier.arrive $0xFFFF;
	s2 =	simm.s32 @!p0 $0x1C03  }
0xb5: {  	[timem:s3], [sflag:s2] =	dma.local @!p0 [hbm:s0], s1  }
0xb6: {  	s0 =	simm.s32 @!p0 $0x3  }
0xb7: {  	_ =	swait.ge @!p0 [sflag:s0], s1  }
0xb8: {  	s1 =	ssub.s32 @!p0 $0x0, s1;
	[sflag:s0] =	ssyncset.done @!p0 $0x0  }
0xb9: {  	[sflag:s0] =	ssyncadd.s32 @!p0 s1  }
0xba: {  	[bflag:$0x3] =	sbarrier.arrive $0xFFFF  }
0xbb: {  	_ =	shalt  }

// kernel: kernel.27.cloned.1.call-start
scs
__scs_entry_jumppad:
0x0: {  	(pc) =	sbr.rel $0x88, $3  }
0x1: {  	(tag) =	ssettag $0x0;
	lr =	simm.s32 $0x1  }
0x2: {  	[smem:$0x3F93] =	sst lr;
	_ =	strace $0xD0000000  }
0x3: {  	_ = 	snop  }
0x4: {  	_ = 	snop  }
0x5: {  	_ = 	snop  }
0x6: {  	_ = 	snop  }
0x7: {  	_ = 	snop  }
__scs_overlays_trampoline_lowered:
0x8: {  	[smem:$0x3FA2] =	sst s0  }
0x9: {  	[smem:$0x3FA3] =	sst s1  }
0xa: {  	[smem:$0x3FA4] =	sst s2  }
0xb: {  	[smem:$0x3FA5] =	sst s3  }
0xc: {  	[smem:$0x3FA6] =	sst s4  }
0xd: {  	[smem:$0x3FA7] =	sst s5  }
0xe: {  	[smem:$0x3FA8] =	sst s6  }
0xf: {  	[smem:$0x3FA9] =	sst s7  }
0x10: {  	[smem:$0x3FAA] =	sst s8  }
0x11: {  	[smem:$0x3FAB] =	sst s9;
	s0 =	simm.s32 @!p0 $0x0  }
0x12: {  	s1 =	sld [smem:$0x3F91];
	s0 =	simm.s32 @p0 $0x1  }
0x13: {  	[smem:$0x3FAC] =	sst s0;
	s0 =	simm.s32 @!p1 $0x0  }
0x14: {  	s2 =	sld [smem:$0x3F90];
	s0 =	simm.s32 @p1 $0x1  }
0x15: {  	[smem:$0x3FAD] =	sst s0;
	s0 =	simm.s32 @!p2 $0x0  }
0x16: {  	s3 =	sld [smem:$0x3FDB];
	s0 =	simm.s32 @p2 $0x1  }
0x17: {  	s4 =	simm.s32 $0x1BF5;
	[smem:$0x3FAF] =	sst s0  }
0x18: {  	s0 =	sld [smem:$0x3F92];
	_ =	swait.ge [sflag:s4], $0x0  }
0x19: {  	s7 =	sld [smem:$0x3F93]  }
0x1a: {  	s8 =	sadd.s32 $0xFFFFE003, lr  }
0x1b: {  	s9 =	sadd.s32 $0xFFFFFEF7, lr;
	s5 =	simm.s32 $0xFFFFFFFF;
	p2 =	slt.u32 s8, $0xFFFFF086  }
0x1c: {  	p1 =	slt.u32 s9, $0xF7A;
	s5 =	simm.s32 @!p2 $0x0  }
0x1d: {  	s5 =	simm.s32 @p1 $0x1;
	p0 =	seq.s32 s7, s2  }
0x1e: {  	s7 =	smul.u32 @!p0 $0xF7A, s2;
	p2 =	seq.s32 @!p0 s5, $0x0  }
0x1f: {  	s9 =	smul.u32 $0xF7A, s1;
	s8 =	simm.s32 @!p0 $0x1BF5;
	p2 =	por !p2, p0  }
0x20: {  	[sflag:s8] =	ssyncset.s32 @!p0 $0xFFFFF086;
	s6 =	sadd.s32 @!p0 s3, s7;
	s7 =	simm.s32 @!p0 $0x108  }
0x21: {  	s3 =	sadd.s32 s3, s9;
	s6 =	sadd.s32 @!p0 $0x88, s6;
	s7 =	simm.s32 @p2 $0x1082  }
0x22: {  	[simem:s7], [sflag:s8] =	dma.local @!p0 [hbm:s6], $0xF7A  }
0x23: {  	s9 =	sor.u32 $0xD0000000, s2;
	s6 =	simm.s32 $0x108;
	_ =	swait.ge @!p0 [sflag:s8], $0x0  }
0x24: {  	s3 =	sadd.s32 $0x88, s3;
	s6 =	simm.s32 @!p1 $0x1082;
	[sflag:s4] =	ssyncset.s32 $0xFFFFF086  }
0x25: {  	[simem:s6], [sflag:s4] =	dma.local [hbm:s3], $0xF7A  }
0x26: {  	[smem:$0x3F93] =	sst s1;
	(tag) =	ssettag s2;
	_ =	strace s9  }
0x27: {  	s1 =	sld [smem:$0x3FA3]  }
0x28: {  	s2 =	sld [smem:$0x3FA4]  }
0x29: {  	s4 =	sld [smem:$0x3FA6]  }
0x2a: {  	p0 =	seq.s32 s5, $0x0;
	s5 =	sld [smem:$0x3FA7]  }
0x2b: {  	s6 =	sld [smem:$0x3FA8]  }
0x2c: {  	s7 =	sld [smem:$0x3FA9]  }
0x2d: {  	s3 =	simm.s32 $0x108;
	s8 =	sld [smem:$0x3FAA]  }
0x2e: {  	s3 =	simm.s32 @!p0 $0x1082;
	s9 =	sld [smem:$0x3FAB]  }
0x2f: {  	lr =	sadd.s32 s0, s3;
	s0 =	sld [smem:$0x3FA2]  }
0x30: {  	s3 =	sld [smem:$0x3FA5]  }
0x31: {  	[smem:$0x3FAE] =	sst s10  }
0x32: {  	s10 =	sld [smem:$0x3FAC];
	_ =	sdelay $0x3  }
0x33: {  	p0 =	seq.s32 s10, $0x1;
	s10 =	sld [smem:$0x3FAE];
	_ =	sdelay $0x3  }
0x34: {  	[smem:$0x3FAE] =	sst s10  }
0x35: {  	s10 =	sld [smem:$0x3FAD];
	_ =	sdelay $0x3  }
0x36: {  	p1 =	seq.s32 s10, $0x1;
	s10 =	sld [smem:$0x3FAE];
	_ =	sdelay $0x3  }
0x37: {  	[smem:$0x3FAE] =	sst s10  }
0x38: {  	s10 =	sld [smem:$0x3FAF]  }
0x39: {  	_ = 	snop;
	(pc) =	sbr.ind lr, $3  }
0x3a: {  	_ = 	snop  }
0x3b: {  	_ = 	snop  }
0x3c: {  	p2 =	seq.s32 s10, $0x1;
	s10 =	sld [smem:$0x3FAE]  }
0x3d: {  	_ =	shalt  }
0x3e: {  	_ =	shalt  }
0x3f: {  	_ =	shalt  }
0x40: {  	_ =	shalt  }
0x41: {  	_ =	shalt  }
0x42: {  	_ =	shalt  }
0x43: {  	_ =	shalt  }
0x44: {  	_ =	shalt  }
0x45: {  	_ =	shalt  }
0x46: {  	_ =	shalt  }
0x47: {  	_ =	shalt  }
0x48: {  	_ =	shalt  }
0x49: {  	_ =	shalt  }
0x4a: {  	_ =	shalt  }
0x4b: {  	_ =	shalt  }
0x4c: {  	_ =	shalt  }
0x4d: {  	_ =	shalt  }
0x4e: {  	_ =	shalt  }
0x4f: {  	_ =	shalt  }
0x50: {  	_ =	shalt  }
0x51: {  	_ =	shalt  }
0x52: {  	_ =	shalt  }
0x53: {  	_ =	shalt  }
0x54: {  	_ =	shalt  }
0x55: {  	_ =	shalt  }
0x56: {  	_ =	shalt  }
0x57: {  	_ =	shalt  }
0x58: {  	_ =	shalt  }
0x59: {  	_ =	shalt  }
0x5a: {  	_ =	shalt  }
0x5b: {  	_ =	shalt  }
0x5c: {  	_ =	shalt  }
0x5d: {  	_ =	shalt  }
0x5e: {  	_ =	shalt  }
0x5f: {  	_ =	shalt  }
0x60: {  	_ =	shalt  }
0x61: {  	_ =	shalt  }
0x62: {  	_ =	shalt  }
0x63: {  	_ =	shalt  }
0x64: {  	_ =	shalt  }
0x65: {  	_ =	shalt  }
0x66: {  	_ =	shalt  }
0x67: {  	_ =	shalt  }
0x68: {  	_ =	shalt  }
0x69: {  	_ =	shalt  }
0x6a: {  	_ =	shalt  }
0x6b: {  	_ =	shalt  }
0x6c: {  	_ =	shalt  }
0x6d: {  	_ =	shalt  }
0x6e: {  	_ =	shalt  }
0x6f: {  	_ =	shalt  }
0x70: {  	_ =	shalt  }
0x71: {  	_ =	shalt  }
0x72: {  	_ =	shalt  }
0x73: {  	_ =	shalt  }
0x74: {  	_ =	shalt  }
0x75: {  	_ =	shalt  }
0x76: {  	_ =	shalt  }
0x77: {  	_ =	shalt  }
0x78: {  	_ =	shalt  }
0x79: {  	_ =	shalt  }
0x7a: {  	_ =	shalt  }
0x7b: {  	_ =	shalt  }
0x7c: {  	_ =	shalt  }
0x7d: {  	_ =	shalt  }
0x7e: {  	_ =	shalt  }
0x7f: {  	_ =	shalt  }
0x80: {  	_ =	shalt  }
0x81: {  	_ =	shalt  }
0x82: {  	_ =	shalt  }
0x83: {  	_ =	shalt  }
0x84: {  	_ =	shalt  }
0x85: {  	_ =	shalt  }
0x86: {  	_ =	shalt  }
0x87: {  	_ =	shalt  }
.Lfunc_end0:
.L_simem_size_0:
called_computation.5_lowered:
.L_overlay_start_0:
0x88: {  	s2 =	sld [smem:$0x3FD9]  }
0x89: {  	s3 =	sld [smem:$0x3FFE];
	_ =	sdelay $0x1  }
0x8a: {  	s1 =	srdreg.scid  }
0x8b: {  	s0 =	sand.u32 $0x1, s1  }
0x8c: {  	s16 =	sshll.u32 s0, $0xA;
	s2 =	sadd.s32 s3, s2  }
0x8d: {  	s2 =	sadd.s32 s2, s16  }
0x8e: {  	[smem:$0x3FBA] =	sst s2  }
0x8f: {  	_ = 	snop  }
0x90: {  	(tm) =	ssettm $0x1  }
0x91: {  	s17 =	sld [smem:$0x3FFB];
	_ =	sdelay $0x3  }
0x92: {  	_ =	strace s17  }
0x93: {  	s2 =	sld [smem:$0x3FFC];
	_ =	sdelay $0x3  }
0x94: {  	_ =	strace s2  }
0x95: {  	s2 =	sld [smem:$0x3FFD];
	_ =	sdelay $0x3  }
0x96: {  	_ =	strace s2  }
0x97: {  	_ =	strace $0x8FFFFFFF  }
0x98: {  	s18 =	sld [smem:$0x3FDB];
	_ =	sdelay $0x1  }
0x99: {  	s19 =	simm.s32 $_scs_section_size  }
0x9a: {  	s4 =	simm.s32 $_size__tile_overlayer_lowered;
	s5 =	simm.s32 $_tile_overlayer_lowered  }
0x9b: {  	s22 =	simm.s32 $0x1BFF;
	s21 =	sshll.u32 s5, $0x1;
	s2 =	sadd.s32 s19, s18  }
0x9c: {  	s6 =	simm.s32 $0x0;
	s20 =	sshll.u32 s4, $0x1;
	s4 =	sadd.s32 s21, s2  }
0x9d: {  	[timem:s6], [sflag:s22] =	dma.local [hbm:s4], s20  }
0x9e: {  	_ =	swait.ge [sflag:s22], s20  }
0x9f: {  	s3 =	ssub.s32 $0x0, s20;
	[sflag:s22] =	ssyncset.done $0x0  }
0xa0: {  	[sflag:s22] =	ssyncadd.s32 s3;
	_ =	sdelay $0x1  }
0xa1: {  	s23 =	simm.s32 $0x1B8B  }
0xa2: {  	_ =	swait.ge [sflag:s23], $0x1  }
0xa3: {  	[sflag:s23] =	ssyncset.done $0x0  }
0xa4: {  	s25 =	simm.s32 $0x1B8E;
	s24 =	sld [smem:$0x3FFE];
	[sflag:s23] =	ssyncadd.s32 $0xFFFFFFFF  }
0xa5: {  	s26 =	simm.s32 $execute0_lowered;
	[smem:$0x3FD2] =	sst s25  }
0xa6: {  	s4 =	sshll.u32 s26, $0x1;
	_ =	strace $0x80000055;
	[dreg:$0x1] =	wrdreg $0xFFFFFFFF  }
0xa7: {  	s28 =	simm.s32 $_size_execute0_lowered;
	s2 =	sadd.s32 s2, s4;
	[dreg:$0x0] =	wrdreg $0x0  }
0xa8: {  	s4 =	sshll.u32 s28, $0x1;
	[dreg:$0x2] =	wrdreg s2  }
0xa9: {  	[dreg:$0x3] =	wrdreg s4  }
0xaa: {  	[dreg:$0x4] =	wrdreg $0xC0  }
0xab: {  	_ =	task [dreg:s6], $0x5FFFF  }
0xac: {  	[dreg:$0x1] =	wrdreg $0xFFFFFFFF  }
0xad: {  	[dreg:$0x0] =	wrdreg $0x60  }
0xae: {  	[dreg:$0x2] =	wrdreg s24  }
0xaf: {  	[dreg:$0x3] =	wrdreg $0x25200  }
0xb0: {  	[dreg:$0x4] =	wrdreg $0x9  }
0xb1: {  	_ =	task.clear_ibuf [dreg:s6], $0x5FFFF;
	_ =	strace $0x90000055  }
0xb2: {  	s29 =	simm.s32 $0x9;
	_ =	strace $0x80000057  }
0xb3: {  	_ =	swait.ge [sflag:s29], $0x1  }
0xb4: {  	[sflag:s29] =	ssyncadd.s32 $0xFFFFFFFF  }
0xb5: {  	_ =	strace $0x90000057  }
0xb6: {  	_ =	sfence  }
0xb7: {  	s30 =	sld [smem:$0x0];
	_ =	sdelay $0x2  }
0xb8: {  	s31 =	sshll.u32 s1, $0xD;
	s1 =	sshrl.u32 s1, $0x2  }
0xb9: {  	s3 =	sand.u32 $0x4000, s31;
	s1 =	sadd.s32 s1, s30  }
0xba: {  	s0 =	sor.u32 s3, s0;
	s1 =	sshll.u32 s1, $0x11  }
0xbb: {  	s0 =	sor.u32 s1, s0  }
0xbc: {  	s0 =	sadd.s32 $0x8F2B, s0  }
0xbd: {  	[sflag:s0] =	ssyncadd.remote.s32 $0x1  }
0xbe: {  	_ =	sfence.sel $0xFFFF  }
0xbf: {  	[dreg:$0x0] =	wrdreg $0xFFFFFFFF;
	(pc) =	sbr.abs _section_cstart, $3  }
0xc0: {  	[dreg:$0x1] =	wrdreg $0xFFFFFFFF  }
0xc1: {  	_ =	task.clear_ibuf [dreg:s6], $0x2FFFF;
	_ =	strace $0x9FFFFFFF  }
0xc2: {  	(tm) =	ssettm $0x7FFFFFFF  }
0xc3: {  	_ =	shalt  }
tec
execute0_lowered:
.L_overlay_start_1:
0x0: {  	(tag) =	ssettag $0x1  }
0x1: {  	s0 =	rddreg [dreg:$0x0]  }
0x2: {  	s1 =	rddreg [dreg:$0x1]  }
0x3: {  	s2 =	srdreg.scid;
	s3 =	simm.s32 $0x0;
	s13 =	stileid.u32  }
0x4: {  	s17 =	simm.s32 $0x2420;
	s18 =	simm.s32 $0x3;
	s19 =	simm.s32 $0x100  }
0x5: {  	s28 =	simm.s32 $0x2200;
	s29 =	simm.s32 $0x2210;
	s30 =	simm.s32 $0x10  }
0x6: {  	s31 =	simm.s32 $0x2220;
	s2 =	sand.u32 $0x1, s2;
	s8 =	smul.u32 $0x4F00, s13  }
0x7: {  	[smem:$0x7FF] =	sst s3;
	s4 =	sadd.s32 $0x1A200, s0;
	s11 =	smul.u32 $0x13C00, s13  }
0x8: {  	s5 =	sadd.s32 $0x6600, s0;
	s6 =	sadd.s32 $0x10400, s0;
	s20 =	smul.u32 $0x4E20, s13  }
0x9: {  	s9 =	sshll.u32 s13, $0x1;
	s7 =	smul.u32 $0x4F000, s2;
	_ =	strace $0x80000056  }
0xa: {  	s10 =	ssub.s32 $0x2, s2;
	s9 =	sor.u32 s2, s9;
	s2 =	smul.u32 $0x2710, s2  }
0xb: {  	s12 =	sshrl.u32 s10, $0x1;
	s9 =	smul.u32 $0x2710, s9;
	s21 =	sshrl.u32 s11, $0x2  }
0xc: {  	s7 =	sadd.s32 s8, s7;
	s10 =	ssub.s32 s10, s12;
	s2 =	sadd.s32 s2, s20  }
0xd: {  	s8 =	sadd.s32 s8, s1;
	s20 =	simm.s32 $0x80;
	s7 =	sshrl.u32 s7, $0x3  }
0xe: {  	s9 =	sshrl.u32 s9, $0x3;
	s26 =	sadd.s32 $0x80, s2;
	s13 =	smax.u32 s10, $0x1  }
0xf: {  	s14 =	sadd.s32 $0x100, s2;
	s0 =	sadd.s32 s7, s0;
	s22 =	sadd.s32 s4, s9  }
0x10: {  	s23 =	sadd.s32 $0x4E0, s9;
	s9 =	sadd.s32 s5, s9;
	[dreg:$0x3] =	wrdreg s22  }
0x11: {  	s7 =	sadd.s32 s21, s1;
	[dreg:$0x4] =	wrdreg s9;
	s24 =	sadd.s32 s4, s23  }
0x12: {  	s21 =	simm.s32 $0x200;
	s25 =	sadd.s32 s5, s23;
	[dreg:$0x5] =	wrdreg s24  }
0x13: {  	s0 =	sadd.s32 $0x24000, s0;
	s22 =	simm.s32 $0x180;
	[dreg:$0x6] =	wrdreg s25  }
0x14: {  	s23 =	simm.s32 $0x1200;
	[dreg:$0x7] =	wrdreg s0;
	s0 =	sshrl.u32 s26, $0x3  }
0x15: {  	s24 =	simm.s32 $0x1;
	s25 =	sshrl.u32 s8, $0x3;
	s26 =	simm.s32 $0x2  }
0x16: {  	v0 =	vimm.f32 $0.0e+00;
	s15 =	sadd.s32 s0, s5;
	s16 =	sadd.s32 s0, s4;
	s0 =	simm.s32 $0x0  }
.LBB2_1:
0x17: {  	[tilespmem:$0x2420] =	vst v0  }
0x18: {  	[tilespmem:$0x2430] =	vst v0  }
0x19: {  	[tilespmem:$0x2440] =	vst v0  }
0x1a: {  	[tilespmem:$0x2450] =	vst v0  }
0x1b: {  	[tilespmem:$0x2460] =	vst v0  }
0x1c: {  	[tilespmem:$0x2470] =	vst v0  }
0x1d: {  	[tilespmem:$0x2480] =	vst v0  }
0x1e: {  	[tilespmem:$0x2490] =	vst v0  }
0x1f: {  	[tilespmem:$0x24A0] =	vst v0  }
0x20: {  	[tilespmem:$0x24B0] =	vst v0  }
0x21: {  	[tilespmem:$0x24C0] =	vst v0  }
0x22: {  	[tilespmem:$0x24D0] =	vst v0  }
0x23: {  	[tilespmem:$0x24E0] =	vst v0  }
0x24: {  	[tilespmem:$0x24F0] =	vst v0  }
0x25: {  	[tilespmem:$0x2500] =	vst v0  }
0x26: {  	[tilespmem:$0x2510] =	vst v0;
	s2 =	sadd.s32 $0x0, s7  }
0x27: {  	[spmem:s2] =	stream.linear.scatter [tilespmem:s17], [sflag:$0x3], $0x100, $0x38;
	[tilespmem:$0x7420] =	vst v63  }
0x28: {  	s2 =	simm.s32 $0x400;
	_ =	swait.ge [sflag:s18], $0x100  }
.LBB2_2:
0x29: {  	s8 =	sshra.s32 s2, $0x2;
	[sflag:s18] =	ssyncset.done $0x0;
	p0 =	sne.s32 s2, $0x13800  }
.Ltmp0:
0x2a: {  	s8 =	sadd.s32 s8, s7;
	[sflag:s18] =	ssyncadd.s32 $0xFFFFFF00;
	(pc) =	sbr.rel @p0 .LBB2_2-.Ltmp0, $3  }
0x2b: {  	[spmem:s8] =	stream.linear.scatter [tilespmem:s17], [sflag:$0x3], $0x100, $0x38;
	[tilespmem:$0x7420] =	vst v63  }
0x2c: {  	s2 =	sadd.s32 $0x400, s2;
	_ =	sdelay $0x1  }
0x2d: {  	_ =	swait.ge [sflag:s18], $0x100  }
0x2e: {  	[sflag:s18] =	ssyncset.done $0x0  }
0x2f: {  	s2 =	simm.s32 $0x0;
	s8 =	rddreg [dreg:$0x3];
	[sflag:s18] =	ssyncadd.s32 $0xFFFFFF00  }
0x30: {  	[tilespmem:s2], [sflag:$0x3] =	stream.linear.gather [hbm4b:s8+s2], $0x80, $0x38;
	[tilespmem:$0x7420] =	vst v63  }
0x31: {  	_ =	swait.ge [sflag:s18], $0x80  }
0x32: {  	[sflag:s18] =	ssyncset.done $0x0  }
0x33: {  	s12 =	rddreg [dreg:$0x4];
	[sflag:s18] =	ssyncadd.s32 $0xFFFFFF80  }
0x34: {  	[tilespmem:s19], [sflag:$0x3] =	stream.linear.gather [hbm4b:s12+s2], $0x80, $0x38;
	[tilespmem:$0x7420] =	vst v63  }
0x35: {  	_ =	swait.ge [sflag:s18], $0x80  }
0x36: {  	[sflag:s18] =	ssyncset.done $0x0  }
0x37: {  	[sflag:s18] =	ssyncadd.s32 $0xFFFFFF80  }
0x38: {  	[tilespmem:s21], [sflag:$0x1] =	stream.indirect.gather [hbm4b:s6+s20], $0x20, s2, s20, $0xb8;
	[tilespmem:$0x7420] =	vst v63  }
0x39: {  	s9 =	sadd.s32 $0x0, s16;
	[bflag:$0x0] =	sbarrier.arrive $0xFFFF  }
0x3a: {  	[tilespmem:s20], [sflag:$0x3] =	stream.linear.gather [hbm4b:s9+s3], $0x80, $0x38;
	[tilespmem:$0x7420] =	vst v63  }
0x3b: {  	_ =	swait.ge [sflag:s18], $0x80  }
0x3c: {  	[sflag:s18] =	ssyncset.done $0x0  }
0x3d: {  	s10 =	sadd.s32 $0x0, s15;
	[sflag:s18] =	ssyncadd.s32 $0xFFFFFF80  }
0x3e: {  	[tilespmem:s22], [sflag:$0x3] =	stream.linear.gather [hbm4b:s10+s3], $0x80, $0x38;
	[tilespmem:$0x7420] =	vst v63  }
0x3f: {  	_ =	swait.ge [sflag:s18], $0x80  }
0x40: {  	[sflag:s18] =	ssyncset.done $0x0  }
0x41: {  	[sflag:s18] =	ssyncadd.s32 $0xFFFFFF80  }
0x42: {  	[tilespmem:s23], [sflag:$0x2] =	stream.indirect.gather [hbm4b:s6+s20], $0x20, s20, s20, $0xb8;
	[tilespmem:$0x7420] =	vst v63  }
0x43: {  	_ =	swait.ge [sflag:s24], $0x1000  }
0x44: {  	[sflag:s24] =	ssyncset.done $0x0  }
0x45: {  	[sflag:s24] =	ssyncadd.s32 $0xFFFFF000  }
0x46: {  	[spmem:s1] =	stream.indirect.scatter.add.f32 [tilespmem:s21], [sflag:$0x3], $0x20, s19, s20, $0xb8;
	[tilespmem:$0x7420] =	vst v63  }
0x47: {  	_ =	swait.ge [sflag:s18], $0x1000  }
0x48: {  	s11 =	sshrl.u32 s14, $0x3;
	[sflag:s18] =	ssyncset.done $0x0  }
0x49: {  	s12 =	sadd.s32 s4, s11;
	[sflag:s18] =	ssyncadd.s32 $0xFFFFF000  }
0x4a: {  	[tilespmem:s3], [sflag:$0x3] =	stream.linear.gather [hbm4b:s12+s3], $0x80, $0x38;
	[tilespmem:$0x7420] =	vst v63  }
0x4b: {  	_ =	swait.ge [sflag:s18], $0x80  }
0x4c: {  	[sflag:s18] =	ssyncset.done $0x0  }
0x4d: {  	s2 =	sadd.s32 s5, s11;
	[sflag:s18] =	ssyncadd.s32 $0xFFFFFF80  }
0x4e: {  	[tilespmem:s19], [sflag:$0x3] =	stream.linear.gather [hbm4b:s2+s3], $0x80, $0x38;
	[tilespmem:$0x7420] =	vst v63  }
0x4f: {  	_ =	swait.ge [sflag:s18], $0x80  }
0x50: {  	[sflag:s18] =	ssyncset.done $0x0  }
0x51: {  	[sflag:s18] =	ssyncadd.s32 $0xFFFFFF80  }
0x52: {  	[tilespmem:s21], [sflag:$0x1] =	stream.indirect.gather [hbm4b:s6+s20], $0x20, s3, s20, $0xb8;
	[tilespmem:$0x7420] =	vst v63  }
0x53: {  	_ =	swait.ge [sflag:s26], $0x1000  }
0x54: {  	[sflag:s26] =	ssyncset.done $0x0  }
0x55: {  	[sflag:s26] =	ssyncadd.s32 $0xFFFFF000  }
0x56: {  	[spmem:s1] =	stream.indirect.scatter.add.f32 [tilespmem:s23], [sflag:$0x3], $0x20, s22, s20, $0xb8;
	[tilespmem:$0x7420] =	vst v63  }
0x57: {  	s8 =	simm.s32 $0x20;
	_ =	swait.ge [sflag:s18], $0x1000  }
0x58: {  	s9 =	simm.s32 $0x40;
	s2 =	sadd.s32 $0x100, s14;
	[sflag:s18] =	ssyncset.done $0x0  }
.LBB2_4:
0x59: {  	s11 =	sadd.s32 s8, s16  }
0x5a: {  	[sflag:s18] =	ssyncadd.s32 $0xFFFFF000;
	s12 =	smov.u32 s9;
	s10 =	sadd.s32 $0x20, s9  }
0x5b: {  	[tilespmem:s20], [sflag:$0x3] =	stream.linear.gather [hbm4b:s11+s3], $0x80, $0x38;
	[tilespmem:$0x7420] =	vst v63  }
0x5c: {  	p0 =	sne.s32 s9, $0x4C0;
	_ =	swait.ge [sflag:s18], $0x80  }
0x5d: {  	[sflag:s18] =	ssyncset.done $0x0  }
0x5e: {  	s9 =	sadd.s32 s8, s15;
	s8 =	smov.u32 s12;
	[sflag:s18] =	ssyncadd.s32 $0xFFFFFF80  }
0x5f: {  	[tilespmem:s22], [sflag:$0x3] =	stream.linear.gather [hbm4b:s9+s3], $0x80, $0x38;
	[tilespmem:$0x7420] =	vst v63  }
0x60: {  	_ =	swait.ge [sflag:s18], $0x80  }
0x61: {  	[sflag:s18] =	ssyncset.done $0x0  }
0x62: {  	[sflag:s18] =	ssyncadd.s32 $0xFFFFFF80  }
0x63: {  	[tilespmem:s23], [sflag:$0x2] =	stream.indirect.gather [hbm4b:s6+s20], $0x20, s20, s20, $0xb8;
	[tilespmem:$0x7420] =	vst v63  }
0x64: {  	_ =	swait.ge [sflag:s24], $0x1000  }
0x65: {  	[sflag:s24] =	ssyncset.done $0x0  }
0x66: {  	[sflag:s24] =	ssyncadd.s32 $0xFFFFF000  }
0x67: {  	[spmem:s1] =	stream.indirect.scatter.add.f32 [tilespmem:s21], [sflag:$0x3], $0x20, s19, s20, $0xb8;
	[tilespmem:$0x7420] =	vst v63  }
0x68: {  	_ =	swait.ge [sflag:s18], $0x1000  }
0x69: {  	s9 =	sshrl.u32 s2, $0x3;
	[sflag:s18] =	ssyncset.done $0x0  }
0x6a: {  	s11 =	sadd.s32 s4, s9;
	[sflag:s18] =	ssyncadd.s32 $0xFFFFF000  }
0x6b: {  	[tilespmem:s3], [sflag:$0x3] =	stream.linear.gather [hbm4b:s11+s3], $0x80, $0x38;
	[tilespmem:$0x7420] =	vst v63  }
0x6c: {  	_ =	swait.ge [sflag:s18], $0x80  }
0x6d: {  	[sflag:s18] =	ssyncset.done $0x0  }
0x6e: {  	s9 =	sadd.s32 s5, s9;
	[sflag:s18] =	ssyncadd.s32 $0xFFFFFF80  }
0x6f: {  	[tilespmem:s19], [sflag:$0x3] =	stream.linear.gather [hbm4b:s9+s3], $0x80, $0x38;
	[tilespmem:$0x7420] =	vst v63  }
0x70: {  	_ =	swait.ge [sflag:s18], $0x80  }
0x71: {  	[sflag:s18] =	ssyncset.done $0x0  }
0x72: {  	[sflag:s18] =	ssyncadd.s32 $0xFFFFFF80  }
0x73: {  	[tilespmem:s21], [sflag:$0x1] =	stream.indirect.gather [hbm4b:s6+s20], $0x20, s3, s20, $0xb8;
	[tilespmem:$0x7420] =	vst v63  }
0x74: {  	_ =	swait.ge [sflag:s26], $0x1000  }
.Ltmp1:
0x75: {  	[sflag:s26] =	ssyncset.done $0x0;
	(pc) =	sbr.rel @p0 .LBB2_4-.Ltmp1, $4  }
0x76: {  	[sflag:s26] =	ssyncadd.s32 $0xFFFFF000  }
0x77: {  	[spmem:s1] =	stream.indirect.scatter.add.f32 [tilespmem:s23], [sflag:$0x3], $0x20, s22, s20, $0xb8;
	[tilespmem:$0x7420] =	vst v63  }
0x78: {  	_ =	swait.ge [sflag:s18], $0x1000  }
0x79: {  	s2 =	sadd.s32 $0x100, s2;
	s9 =	smov.u32 s10;
	[sflag:s18] =	ssyncset.done $0x0  }
0x7a: {  	s9 =	sadd.s32 s8, s16;
	[sflag:s18] =	ssyncadd.s32 $0xFFFFF000  }
0x7b: {  	[tilespmem:s20], [sflag:$0x3] =	stream.linear.gather [hbm4b:s9+s3], $0x80, $0x38;
	[tilespmem:$0x7420] =	vst v63  }
0x7c: {  	_ =	swait.ge [sflag:s18], $0x80  }
0x7d: {  	[sflag:s18] =	ssyncset.done $0x0  }
0x7e: {  	s11 =	sadd.s32 s8, s15;
	[sflag:s18] =	ssyncadd.s32 $0xFFFFFF80  }
0x7f: {  	[tilespmem:s22], [sflag:$0x3] =	stream.linear.gather [hbm4b:s11+s3], $0x80, $0x38;
	[tilespmem:$0x7420] =	vst v63  }
0x80: {  	_ =	swait.ge [sflag:s18], $0x80  }
0x81: {  	[sflag:s18] =	ssyncset.done $0x0  }
0x82: {  	[sflag:s18] =	ssyncadd.s32 $0xFFFFFF80  }
0x83: {  	[tilespmem:s23], [sflag:$0x2] =	stream.indirect.gather [hbm4b:s6+s20], $0x20, s20, s20, $0xb8;
	[tilespmem:$0x7420] =	vst v63  }
0x84: {  	_ =	swait.ge [sflag:s24], $0x1000  }
0x85: {  	[sflag:s24] =	ssyncset.done $0x0  }
0x86: {  	[sflag:s24] =	ssyncadd.s32 $0xFFFFF000  }
0x87: {  	[spmem:s1] =	stream.indirect.scatter.add.f32 [tilespmem:s21], [sflag:$0x3], $0x20, s19, s20, $0xb8;
	[tilespmem:$0x7420] =	vst v63  }
0x88: {  	_ =	swait.ge [sflag:s18], $0x1000  }
0x89: {  	s2 =	sshrl.u32 s2, $0x3;
	[sflag:s18] =	ssyncset.done $0x0  }
0x8a: {  	s12 =	sadd.s32 s4, s2;
	[sflag:s18] =	ssyncadd.s32 $0xFFFFF000  }
0x8b: {  	[tilespmem:s3], [sflag:$0x3] =	stream.linear.gather [hbm4b:s12+s3], $0x80, $0x38;
	[tilespmem:$0x7420] =	vst v63  }
0x8c: {  	_ =	swait.ge [sflag:s18], $0x80  }
0x8d: {  	[sflag:s18] =	ssyncset.done $0x0  }
0x8e: {  	s2 =	sadd.s32 s5, s2;
	[sflag:s18] =	ssyncadd.s32 $0xFFFFFF80  }
0x8f: {  	[tilespmem:s19], [sflag:$0x3] =	stream.linear.gather [hbm4b:s2+s3], $0x80, $0x38;
	[tilespmem:$0x7420] =	vst v63  }
0x90: {  	_ =	swait.ge [sflag:s18], $0x80  }
0x91: {  	[sflag:s18] =	ssyncset.done $0x0  }
0x92: {  	[sflag:s18] =	ssyncadd.s32 $0xFFFFFF80  }
0x93: {  	[tilespmem:s21], [sflag:$0x1] =	stream.indirect.gather [hbm4b:s6+s20], $0x20, s3, s20, $0xb8;
	[tilespmem:$0x7420] =	vst v63  }
0x94: {  	_ =	swait.ge [sflag:s26], $0x1000  }
0x95: {  	[sflag:s26] =	ssyncset.done $0x0  }
0x96: {  	[sflag:s26] =	ssyncadd.s32 $0xFFFFF000  }
0x97: {  	[spmem:s1] =	stream.indirect.scatter.add.f32 [tilespmem:s23], [sflag:$0x3], $0x20, s22, s20, $0xb8;
	[tilespmem:$0x7420] =	vst v63  }
0x98: {  	_ =	swait.ge [sflag:s18], $0x1000  }
0x99: {  	[sflag:s18] =	ssyncset.done $0x0  }
0x9a: {  	[sflag:s18] =	ssyncadd.s32 $0xFFFFF000  }
0x9b: {  	_ =	swait.ge [sflag:s24], $0x1000  }
0x9c: {  	[sflag:s24] =	ssyncset.done $0x0  }
0x9d: {  	s9 =	rddreg [dreg:$0x5];
	[sflag:s24] =	ssyncadd.s32 $0xFFFFF000  }
0x9e: {  	[tilespmem:s28], [sflag:$0x3] =	stream.linear.gather [hbm4b:s9+s3], $0x10, $0x38;
	[tilespmem:$0x7420] =	vst v63  }
0x9f: {  	_ =	swait.ge [sflag:s18], $0x10  }
0xa0: {  	[sflag:s18] =	ssyncset.done $0x0  }
0xa1: {  	s10 =	rddreg [dreg:$0x6];
	[sflag:s18] =	ssyncadd.s32 $0xFFFFFFF0  }
0xa2: {  	[tilespmem:s29], [sflag:$0x3] =	stream.linear.gather [hbm4b:s10+s3], $0x10, $0x38;
	[tilespmem:$0x7420] =	vst v63  }
0xa3: {  	_ =	swait.ge [sflag:s18], $0x10  }
0xa4: {  	[sflag:s18] =	ssyncset.done $0x0  }
0xa5: {  	[sflag:s18] =	ssyncadd.s32 $0xFFFFFFF0  }
0xa6: {  	[tilespmem:s31], [sflag:$0x1] =	stream.indirect.gather [hbm4b:s6+s30], $0x20, s28, s30, $0xb8;
	[tilespmem:$0x7420] =	vst v63  }
0xa7: {  	_ =	swait.ge [sflag:s24], $0x200  }
0xa8: {  	[sflag:s24] =	ssyncset.done $0x0  }
0xa9: {  	[sflag:s24] =	ssyncadd.s32 $0xFFFFFE00  }
0xaa: {  	[spmem:s1] =	stream.indirect.scatter.add.f32 [tilespmem:s31], [sflag:$0x3], $0x20, s29, s30, $0xb8;
	[tilespmem:$0x7420] =	vst v63  }
0xab: {  	_ =	swait.ge [sflag:s18], $0x200  }
0xac: {  	[sflag:s18] =	ssyncset.done $0x0  }
0xad: {  	s0 =	sadd.s32 $0x1, s0;
	s11 =	stileid.u32;
	[sflag:s18] =	ssyncadd.s32 $0xFFFFFE00  }
0xae: {  	p0 =	sne.s32 s0, s13;
	s2 =	sshll.u32 s11, $0x6;
	[bflag:$0x0] =	sbarrier.arrive $0xFFFF  }
.Ltmp2:
0xaf: {  	s2 =	sor.u32 $0x1C03, s2;
	s12 =	rddreg [dreg:$0x7];
	(pc) =	sbr.rel @p0 .LBB2_1-.Ltmp2, $4  }
0xb0: {  	[hbm:s12], [sflag:s2] =	dma.local [spmem:s25], $0x9E0  }
0xb1: {  	_ =	swait.ge [sflag:s18], $0x9E0  }
0xb2: {  	[sflag:s18] =	ssyncset.done $0x0  }
0xb3: {  	[sflag:s18] =	ssyncadd.s32 $0xFFFFF620  }
0xb4: {  	_ =	sfence.sel $0x180000  }
0xb5: {  	[bflag:$0x0] =	sbarrier.arrive $0xFFFF  }
0xb6: {  	_ =	strace $0x90000056  }
0xb7: {  	s0 =	stileid.u32;
	[bflag:$0x2] =	sbarrier.arrive $0xFFFF  }
0xb8: {  	p0 =	sne.s32 s0, $0x0;
	s0 =	rddreg [dreg:$0x2]  }
0xb9: {  	s0 =	sadd.s32 @!p0 $0x100000, s0  }
0xba: {  	[sflag:s0] =	ssyncadd.tile.s32 @!p0 $0x1;
	_ =	shalt  }
.Lfunc_end2:
_tile_overlayer_lowered:
.L_overlay_start_2:
0xbb: {  	(tag) =	ssettag $0x2  }
0xbc: {  	s0 =	rddreg [dreg:$0x0];
	s2 =	stileid.u32  }
0xbd: {  	s1 =	rddreg [dreg:$0x1];
	p0 =	sne.s32 s2, $0x0  }
0xbe: {  	s3 =	rddreg [dreg:$0x2];
	[bflag:$0x3] =	sbarrier.arrive $0xFFFF;
	s2 =	simm.s32 @!p0 $0x1C03  }
0xbf: {  	[timem:s3], [sflag:s2] =	dma.local @!p0 [hbm:s0], s1  }
0xc0: {  	s0 =	simm.s32 @!p0 $0x3  }
0xc1: {  	_ =	swait.ge @!p0 [sflag:s0], s1  }
0xc2: {  	s1 =	ssub.s32 @!p0 $0x0, s1;
	[sflag:s0] =	ssyncset.done @!p0 $0x0  }
0xc3: {  	[sflag:s0] =	ssyncadd.s32 @!p0 s1  }
0xc4: {  	[bflag:$0x3] =	sbarrier.arrive $0xFFFF  }
0xc5: {  	_ =	shalt  }

</sc_bundles>
